<compile_context>
chip_gen: v7x
topology: tpu7x:2x2x1
jax: 0.10.2.dev20260603
libtpu: 0.0.44.dev20260713+nightly
codegen_flags: <defaults>
</compile_context>

<pallas_src>
import jax
import jax.numpy as jnp
from jax import lax
from jax.experimental import pallas as pl
from jax.experimental.pallas import tpu as pltpu
from jax.experimental.pallas import tpu_sc as plsc

NUM_CORES = 2
NUM_SUBCORES = 16
LANES = 16
NW = NUM_CORES * NUM_SUBCORES

_B = 16384
_D = 64
_NI = 10000
_BPW = _B // NW
_CS = 64
_NCHK = _BPW // _CS
_NG = _BPW // LANES
_HALF = 8


def _sigmoid(x):
    return 1.0 / (1.0 + jnp.exp(-x))


def _tree_sum(vals):
    while len(vals) > 1:
        vals = [a + b for a, b in zip(vals[::2], vals[1::2])]
    return vals[0]


def _body(users_ref, pos_ref, neg_ref, ue_ref, ie_ref, gamma_ref, out_ref,
          uidx, pidx, nidx, ubuf, pbuf, nbuf, ring, accp, accn, outv,
          sem_ga, sem_gb, sem_e0, sem_e1):
    cid = lax.axis_index("c")
    sid = lax.axis_index("s")
    wid = sid * NUM_CORES + cid

    iota = lax.iota(jnp.int32, LANES)
    zeros = jnp.zeros((LANES,), jnp.float32)
    m7 = jnp.full((LANES,), 7, jnp.int32)
    m127 = jnp.full((LANES,), 127, jnp.int32)
    s3 = jnp.full((LANES,), 3, jnp.int32)
    s7 = jnp.full((LANES,), 7, jnp.int32)

    pltpu.sync_copy(users_ref.at[wid], uidx)
    pltpu.sync_copy(pos_ref.at[wid], pidx)
    pltpu.sync_copy(neg_ref.at[wid], nidx)

    def fire_emb(c, slot, sem):
        src = pl.ds(pl.multiple_of(c * _CS, 8), _CS)
        dst = pl.ds(slot * _CS, _CS)
        pltpu.async_copy(ue_ref.at[uidx.at[src]], ubuf.at[dst], sem)
        pltpu.async_copy(ie_ref.at[pidx.at[src]], pbuf.at[dst], sem)
        pltpu.async_copy(ie_ref.at[nidx.at[src]], nbuf.at[dst], sem)

    def drain_emb(slot, sem):
        dummy = ue_ref.at[pl.ds(0, _CS)]
        dst = pl.ds(slot * _CS, _CS)
        pltpu.make_async_copy(dummy, ubuf.at[dst], sem).wait()
        pltpu.make_async_copy(dummy, pbuf.at[dst], sem).wait()
        pltpu.make_async_copy(dummy, nbuf.at[dst], sem).wait()

    s4 = jnp.full((LANES,), 4, jnp.int32)
    m15 = jnp.full((LANES,), 15, jnp.int32)

    def issue_gamma(g, halfrow, sem):
        for items_ref, sub in ((pidx, 0), (nidx, LANES)):
            uvec = uidx[pl.ds(g * LANES, LANES)]
            ivec = items_ref[pl.ds(g * LANES, LANES)]
            c16v = lax.shift_left(lax.shift_right_logical(ivec, s4), s4)
            for l in range(LANES):
                r1 = pl.multiple_of(uvec[l], 8)
                c16 = pl.multiple_of(c16v[l], 128)
                sidx = sub + l
                pltpu.async_copy(
                    gamma_ref.at[pl.ds(r1, 1), pl.ds(c16, 16)],
                    ring.at[pl.ds(halfrow + (sidx % 8), 1),
                            pl.ds((sidx // 8) * 16, 16)], sem)

    def drain_gamma(halfrow, sem):
        dummy = ue_ref.at[pl.ds(0, 4)]
        pltpu.make_async_copy(
            dummy, ring.at[pl.ds(halfrow, 4)], sem).wait()

    def extract_gamma(items_ref, g, halfrow, sub):
        ivec = items_ref[pl.ds(g * LANES, LANES)]
        rvec = halfrow + lax.bitwise_and(iota, m7)
        svec = lax.shift_right_logical(iota + sub, s3)
        cvec = svec * LANES + lax.bitwise_and(ivec, m15)
        return plsc.load_gather(ring, [rvec, cvec])

    fire_emb(0, 0, sem_e0)
    fire_emb(1, 1, sem_e1)
    issue_gamma(0, 0, sem_ga)
    issue_gamma(1, _HALF, sem_gb)

    c1 = jnp.float32((1e-5 - 1.0) ** 2)
    c0 = jnp.float32(1e-5 ** 2)

    def group_step(g, carry):
        s1, s2, sq = carry
        c = g >> 2
        gm8 = lax.rem(g, jnp.int32(8))

        @pl.when(gm8 == 0)
        def _():
            drain_emb(0, sem_e0)

        @pl.when(gm8 == 4)
        def _():
            drain_emb(1, sem_e1)

        @pl.when(jnp.logical_and(gm8 == 3, c + 2 < _NCHK))
        def _():
            fire_emb(c + 2, 0, sem_e0)

        @pl.when(jnp.logical_and(gm8 == 7, c + 2 < _NCHK))
        def _():
            fire_emb(c + 2, 1, sem_e1)

        godd = lax.rem(g, jnp.int32(2))

        @pl.when(godd == 0)
        def _():
            drain_gamma(0, sem_ga)

        @pl.when(godd == 1)
        def _():
            drain_gamma(_HALF, sem_gb)

        halfrow = godd * _HALF
        gpraw = extract_gamma(pidx, g, halfrow, 0)
        gnraw = extract_gamma(nidx, g, halfrow, LANES)

        @pl.when(jnp.logical_and(godd == 0, g + 2 < _NG))
        def _():
            issue_gamma(g + 2, 0, sem_ga)

        @pl.when(jnp.logical_and(godd == 1, g + 2 < _NG))
        def _():
            issue_gamma(g + 2, _HALF, sem_gb)

        slot = lax.bitwise_and(c, jnp.int32(1))
        rowbase = slot * _CS + lax.rem(g, jnp.int32(4)) * LANES
        for l in range(LANES):
            row = rowbase + l
            ap = None
            an = None
            for j in range(_D // LANES):
                sl = pl.ds(j * LANES, LANES)
                uv = ubuf[row, sl]
                pv = pbuf[row, sl]
                nv = nbuf[row, sl]
                if ap is None:
                    ap = uv * pv
                    an = uv * nv
                else:
                    ap = ap + uv * pv
                    an = an + uv * nv
                sq = sq + uv * uv + pv * pv + nv * nv
            lcol = jnp.full((LANES,), l, jnp.int32)
            plsc.store_scatter(accp, [iota, lcol], ap)
            plsc.store_scatter(accn, [iota, lcol], an)
        sp = _tree_sum([accp[r] for r in range(LANES)])
        sn = _tree_sum([accn[r] for r in range(LANES)])

        sig_p = _sigmoid(sp)
        sig_n = _sigmoid(sn)
        g_p = _sigmoid(gpraw)
        g_n = _sigmoid(gnraw)
        ep = sig_p - 1.0
        s1 = s1 + g_p * (ep * ep) + g_n * (sig_n * sig_n)
        s2 = s2 + (1.0 - g_p) * c1 + (1.0 - g_n) * c0
        return s1, s2, sq

    s1, s2, sq = lax.fori_loop(0, _NG, group_step, (zeros, zeros, zeros))

    w1 = jnp.float32(1.0 / (2.0 * _B))
    w2 = jnp.float32(0.1 / (2.0 * _B))
    w3 = jnp.float32(0.01 * 0.5 / _B)
    outv[:] = s1 * w1 + s2 * w2 + sq * w3
    pltpu.sync_copy(outv, out_ref.at[wid])


@jax.jit
def _exmf_sc(users_r, pos_r, neg_r, ue_p, ie_p, gamma):
    kfn = pl.kernel(
        _body,
        out_type=jax.ShapeDtypeStruct((NW, LANES), jnp.float32),
        mesh=plsc.VectorSubcoreMesh(core_axis_name="c", subcore_axis_name="s"),
        compiler_params=pltpu.CompilerParams(needs_layout_passes=False),
        scratch_types=[
            pltpu.VMEM((_BPW,), jnp.int32),
            pltpu.VMEM((_BPW,), jnp.int32),
            pltpu.VMEM((_BPW,), jnp.int32),
            pltpu.VMEM((2 * _CS, 128), jnp.float32),
            pltpu.VMEM((2 * _CS, 128), jnp.float32),
            pltpu.VMEM((2 * _CS, 128), jnp.float32),
            pltpu.VMEM((2 * _HALF, 128), jnp.float32),
            pltpu.VMEM((LANES, LANES), jnp.float32),
            pltpu.VMEM((LANES, LANES), jnp.float32),
            pltpu.VMEM((LANES,), jnp.float32),
            pltpu.SemaphoreType.DMA,
            pltpu.SemaphoreType.DMA,
            pltpu.SemaphoreType.DMA,
            pltpu.SemaphoreType.DMA,
        ],
    )
    return kfn(users_r, pos_r, neg_r, ue_p, ie_p, gamma)


def kernel(users, positive_items, negative_items, user_embedding,
           item_embedding, gamma):
    users_r = users.astype(jnp.int32).reshape(NW, _BPW)
    pos_r = positive_items.astype(jnp.int32).reshape(NW, _BPW)
    neg_r = negative_items.astype(jnp.int32).reshape(NW, _BPW)
    ue_p = jnp.pad(user_embedding, ((0, 0), (0, 128 - _D)))
    ie_p = jnp.pad(item_embedding, ((0, 0), (0, 128 - _D)))
    parts = _exmf_sc(users_r, pos_r, neg_r, ue_p, ie_p, gamma)
    return jnp.sum(parts)

# --- scband reference (transcript-rebuilt; emitter-appended) ---
"""Pipeline reference for scband-exmf-31147102830635 (READ-ONLY COPY).

The authoritative reference and input builder live on the scoring server;
editing this copy changes nothing except your own understanding.
"""

import jax, jax.numpy as jnp
import numpy as np
import math

NUM_USERS = 10000
NUM_ITEMS = 10000
EMBED_DIM = 64
BATCH = 16384


def setup_inputs(seed: int = 0) -> dict:
    key = jax.random.key(seed)
    k_u, k_p, k_n, k_ue, k_ie, k_g = jax.random.split(key, 6)
    users = jax.random.randint(k_u, (BATCH,), 0, NUM_USERS, dtype=jnp.int64 if jax.config.jax_enable_x64 else jnp.int32).astype(jnp.int32)
    positive_items = jax.random.randint(k_p, (BATCH,), 0, NUM_ITEMS).astype(jnp.int32)
    negative_items = jax.random.randint(k_n, (BATCH,), 0, NUM_ITEMS).astype(jnp.int32)
    stdv = 1.0 / math.sqrt(EMBED_DIM)
    user_embedding = jax.random.uniform(k_ue, (NUM_USERS, EMBED_DIM), minval=-stdv, maxval=stdv, dtype=jnp.float32)
    item_embedding = jax.random.uniform(k_ie, (NUM_ITEMS, EMBED_DIM), minval=-stdv, maxval=stdv, dtype=jnp.float32)
    gamma = jax.random.normal(k_g, (NUM_USERS, NUM_ITEMS), dtype=jnp.float32)
    return {
        "users": users,
        "positive_items": positive_items,
        "negative_items": negative_items,
        "user_embedding": user_embedding,
        "item_embedding": item_embedding,
        "gamma": gamma,
    }


def reference(users, positive_items, negative_items, user_embedding, item_embedding, gamma):
    users = users.astype(jnp.int32)
    positive_items = positive_items.astype(jnp.int32)
    negative_items = negative_items.astype(jnp.int32)

    users_embed_origin = jnp.take(user_embedding, users, axis=0)
    positive_embed_origin = jnp.take(item_embedding, positive_items, axis=0)
    negative_embed_origin = jnp.take(item_embedding, negative_items, axis=0)

    regular_loss = 0.5 * (
        jnp.sum(users_embed_origin ** 2)
        + jnp.sum(positive_embed_origin ** 2)
        + jnp.sum(negative_embed_origin ** 2)
    ) / float(users.shape[0])

    positive_scores = jnp.sum(users_embed_origin * positive_embed_origin, axis=-1)
    positive_rating = jax.nn.sigmoid(positive_scores)
    negative_scores = jnp.sum(users_embed_origin * negative_embed_origin, axis=-1)
    negative_rating = jax.nn.sigmoid(negative_scores)

    positive_label = jnp.ones((positive_rating.shape[0],), dtype=jnp.float32)
    negative_label = jnp.zeros((negative_rating.shape[0],), dtype=jnp.float32)

    rating = jnp.stack((positive_rating, negative_rating), axis=0)
    label = jnp.stack((positive_label, negative_label), axis=0)

    positive_gamma = jax.nn.sigmoid(gamma[users, positive_items])
    negative_gamma = jax.nn.sigmoid(gamma[users, negative_items])
    g = jnp.stack((positive_gamma, negative_gamma), axis=0)

    mf_loss = (rating - label) ** 2
    wmf_loss_mean = jnp.mean(g * mf_loss)

    unknown_loss = (1e-05 - label) ** 2
    unknown_loss_mean = jnp.mean((1.0 - g) * unknown_loss)

    loss = wmf_loss_mean + 0.1 * unknown_loss_mean + 0.01 * regular_loss
    return loss

if __name__ == "__main__":
    import jax
    _d = setup_inputs()
    print(jax.jit(kernel)(*tuple(_d.values())))

</pallas_src>

<mosaic_0001>
#map = affine_map<(d0, d1) -> (0, 0)>
module attributes {stable_mosaic.version = 14 : i64} {
  func.func @_body(%arg0: i32, %arg1: i32, %arg2: memref<32x512xi32, #tpu.memory_space<hbm>>, %arg3: memref<32x512xi32, #tpu.memory_space<hbm>>, %arg4: memref<32x512xi32, #tpu.memory_space<hbm>>, %arg5: memref<10000x128xf32, #tpu.memory_space<hbm>>, %arg6: memref<10000x128xf32, #tpu.memory_space<hbm>>, %arg7: memref<10000x10000xf32, #tpu.memory_space<hbm>>, %arg8: memref<32x16xf32, #tpu.memory_space<hbm>>, %arg9: memref<512xi32, #tpu.memory_space<vmem>>, %arg10: memref<512xi32, #tpu.memory_space<vmem>>, %arg11: memref<512xi32, #tpu.memory_space<vmem>>, %arg12: memref<128x128xf32, #tpu.memory_space<vmem>>, %arg13: memref<128x128xf32, #tpu.memory_space<vmem>>, %arg14: memref<128x128xf32, #tpu.memory_space<vmem>>, %arg15: memref<16x128xf32, #tpu.memory_space<vmem>>, %arg16: memref<16x16xf32, #tpu.memory_space<vmem>>, %arg17: memref<16x16xf32, #tpu.memory_space<vmem>>, %arg18: memref<16xf32, #tpu.memory_space<vmem>>, %arg19: memref<!tpu.dma_semaphore, #tpu.memory_space<semaphore_mem>>, %arg20: memref<!tpu.dma_semaphore, #tpu.memory_space<semaphore_mem>>, %arg21: memref<!tpu.dma_semaphore, #tpu.memory_space<semaphore_mem>>, %arg22: memref<!tpu.dma_semaphore, #tpu.memory_space<semaphore_mem>>) attributes {dimension_semantics = [#tpu.dimension_semantics<core_parallel>, #tpu.dimension_semantics<subcore_parallel>], iteration_bounds = array<i64: 2, 16>, scalar_prefetch = 0 : i64, scratch_operands = 14 : i64, tpu.core_type = #tpu.core_type<sc_vector_subcore>, window_params = [{transform_indices = #map}, {transform_indices = #map}, {transform_indices = #map}, {transform_indices = #map}, {transform_indices = #map}, {transform_indices = #map}, {transform_indices = #map}]} {
    %mul3A = arith.constant 2 : i32
    %mul3A_0 = arith.muli %arg1, %mul3A : i32
    %add3A = arith.addi %mul3A_0, %arg0 : i32
    %iota3A = tpu.iota {dimensions = array<i32: 0>} : vector<16xi32>
    %broadcast_in_dim3A = arith.constant 0.000000e+00 : f32
    %broadcast_in_dim3A_1 = vector.broadcast %broadcast_in_dim3A : f32 to vector<16xf32>
    %broadcast_in_dim3A_2 = arith.constant 7 : i32
    %broadcast_in_dim3A_3 = vector.broadcast %broadcast_in_dim3A_2 : i32 to vector<16xi32>
    %broadcast_in_dim3A_4 = arith.constant 127 : i32
    %broadcast_in_dim3A_5 = vector.broadcast %broadcast_in_dim3A_4 : i32 to vector<16xi32>
    %broadcast_in_dim3A_6 = arith.constant 3 : i32
    %broadcast_in_dim3A_7 = vector.broadcast %broadcast_in_dim3A_6 : i32 to vector<16xi32>
    %broadcast_in_dim3A_8 = arith.constant 7 : i32
    %broadcast_in_dim3A_9 = vector.broadcast %broadcast_in_dim3A_8 : i32 to vector<16xi32>
    "tpu.region"() ({
      %run_scoped3A = tpu.sem_alloc : memref<!tpu.dma_semaphore, #tpu.memory_space<semaphore_mem>>
      %dma_start3A_992 = arith.constant 0 : i32
      %dma_start3A_993 = tpu.memref_slice %arg2[%add3A, %dma_start3A_992] : memref<32x512xi32, #tpu.memory_space<hbm>> -> memref<1x512xi32, #tpu.memory_space<hbm>>
      %dma_start3A_994 = tpu.memref_squeeze %dma_start3A_993 : memref<1x512xi32, #tpu.memory_space<hbm>> -> memref<512xi32, #tpu.memory_space<hbm>>
      %dma_start3A_995 = arith.constant 0 : i32
      %dma_start3A_996 = tpu.memref_slice %arg2[%add3A, %dma_start3A_995] : memref<32x512xi32, #tpu.memory_space<hbm>> -> memref<1x512xi32, #tpu.memory_space<hbm>>
      %dma_start3A_997 = tpu.memref_squeeze %dma_start3A_996 : memref<1x512xi32, #tpu.memory_space<hbm>> -> memref<512xi32, #tpu.memory_space<hbm>>
      tpu.enqueue_dma source(%dma_start3A_997 : memref<512xi32, #tpu.memory_space<hbm>>) target(%arg9 : memref<512xi32, #tpu.memory_space<vmem>>) target_semaphore(%run_scoped3A : memref<!tpu.dma_semaphore, #tpu.memory_space<semaphore_mem>>)
      %dma_wait3A = arith.constant 0 : i32
      %dma_wait3A_998 = tpu.memref_slice %arg2[%add3A, %dma_wait3A] : memref<32x512xi32, #tpu.memory_space<hbm>> -> memref<1x512xi32, #tpu.memory_space<hbm>>
      %dma_wait3A_999 = tpu.memref_squeeze %dma_wait3A_998 : memref<1x512xi32, #tpu.memory_space<hbm>> -> memref<512xi32, #tpu.memory_space<hbm>>
      %dma_wait3A_1000 = arith.constant 0 : i32
      %dma_wait3A_1001 = tpu.memref_slice %arg2[%add3A, %dma_wait3A_1000] : memref<32x512xi32, #tpu.memory_space<hbm>> -> memref<1x512xi32, #tpu.memory_space<hbm>>
      %dma_wait3A_1002 = tpu.memref_squeeze %dma_wait3A_1001 : memref<1x512xi32, #tpu.memory_space<hbm>> -> memref<512xi32, #tpu.memory_space<hbm>>
      tpu.wait_dma2 semaphore(%run_scoped3A : memref<!tpu.dma_semaphore, #tpu.memory_space<semaphore_mem>>) src(%dma_wait3A_1002 : memref<512xi32, #tpu.memory_space<hbm>>) dst(%arg9 : memref<512xi32, #tpu.memory_space<vmem>>)
      tpu.yield
    }) : () -> ()
    "tpu.region"() ({
      %run_scoped3A = tpu.sem_alloc : memref<!tpu.dma_semaphore, #tpu.memory_space<semaphore_mem>>
      %dma_start3A_992 = arith.constant 0 : i32
      %dma_start3A_993 = tpu.memref_slice %arg3[%add3A, %dma_start3A_992] : memref<32x512xi32, #tpu.memory_space<hbm>> -> memref<1x512xi32, #tpu.memory_space<hbm>>
      %dma_start3A_994 = tpu.memref_squeeze %dma_start3A_993 : memref<1x512xi32, #tpu.memory_space<hbm>> -> memref<512xi32, #tpu.memory_space<hbm>>
      %dma_start3A_995 = arith.constant 0 : i32
      %dma_start3A_996 = tpu.memref_slice %arg3[%add3A, %dma_start3A_995] : memref<32x512xi32, #tpu.memory_space<hbm>> -> memref<1x512xi32, #tpu.memory_space<hbm>>
      %dma_start3A_997 = tpu.memref_squeeze %dma_start3A_996 : memref<1x512xi32, #tpu.memory_space<hbm>> -> memref<512xi32, #tpu.memory_space<hbm>>
      tpu.enqueue_dma source(%dma_start3A_997 : memref<512xi32, #tpu.memory_space<hbm>>) target(%arg10 : memref<512xi32, #tpu.memory_space<vmem>>) target_semaphore(%run_scoped3A : memref<!tpu.dma_semaphore, #tpu.memory_space<semaphore_mem>>)
      %dma_wait3A = arith.constant 0 : i32
      %dma_wait3A_998 = tpu.memref_slice %arg3[%add3A, %dma_wait3A] : memref<32x512xi32, #tpu.memory_space<hbm>> -> memref<1x512xi32, #tpu.memory_space<hbm>>
      %dma_wait3A_999 = tpu.memref_squeeze %dma_wait3A_998 : memref<1x512xi32, #tpu.memory_space<hbm>> -> memref<512xi32, #tpu.memory_space<hbm>>
      %dma_wait3A_1000 = arith.constant 0 : i32
      %dma_wait3A_1001 = tpu.memref_slice %arg3[%add3A, %dma_wait3A_1000] : memref<32x512xi32, #tpu.memory_space<hbm>> -> memref<1x512xi32, #tpu.memory_space<hbm>>
      %dma_wait3A_1002 = tpu.memref_squeeze %dma_wait3A_1001 : memref<1x512xi32, #tpu.memory_space<hbm>> -> memref<512xi32, #tpu.memory_space<hbm>>
      tpu.wait_dma2 semaphore(%run_scoped3A : memref<!tpu.dma_semaphore, #tpu.memory_space<semaphore_mem>>) src(%dma_wait3A_1002 : memref<512xi32, #tpu.memory_space<hbm>>) dst(%arg10 : memref<512xi32, #tpu.memory_space<vmem>>)
      tpu.yield
    }) : () -> ()
    "tpu.region"() ({
      %run_scoped3A = tpu.sem_alloc : memref<!tpu.dma_semaphore, #tpu.memory_space<semaphore_mem>>
      %dma_start3A_992 = arith.constant 0 : i32
      %dma_start3A_993 = tpu.memref_slice %arg4[%add3A, %dma_start3A_992] : memref<32x512xi32, #tpu.memory_space<hbm>> -> memref<1x512xi32, #tpu.memory_space<hbm>>
      %dma_start3A_994 = tpu.memref_squeeze %dma_start3A_993 : memref<1x512xi32, #tpu.memory_space<hbm>> -> memref<512xi32, #tpu.memory_space<hbm>>
      %dma_start3A_995 = arith.constant 0 : i32
      %dma_start3A_996 = tpu.memref_slice %arg4[%add3A, %dma_start3A_995] : memref<32x512xi32, #tpu.memory_space<hbm>> -> memref<1x512xi32, #tpu.memory_space<hbm>>
      %dma_start3A_997 = tpu.memref_squeeze %dma_start3A_996 : memref<1x512xi32, #tpu.memory_space<hbm>> -> memref<512xi32, #tpu.memory_space<hbm>>
      tpu.enqueue_dma source(%dma_start3A_997 : memref<512xi32, #tpu.memory_space<hbm>>) target(%arg11 : memref<512xi32, #tpu.memory_space<vmem>>) target_semaphore(%run_scoped3A : memref<!tpu.dma_semaphore, #tpu.memory_space<semaphore_mem>>)
      %dma_wait3A = arith.constant 0 : i32
      %dma_wait3A_998 = tpu.memref_slice %arg4[%add3A, %dma_wait3A] : memref<32x512xi32, #tpu.memory_space<hbm>> -> memref<1x512xi32, #tpu.memory_space<hbm>>
      %dma_wait3A_999 = tpu.memref_squeeze %dma_wait3A_998 : memref<1x512xi32, #tpu.memory_space<hbm>> -> memref<512xi32, #tpu.memory_space<hbm>>
      %dma_wait3A_1000 = arith.constant 0 : i32
      %dma_wait3A_1001 = tpu.memref_slice %arg4[%add3A, %dma_wait3A_1000] : memref<32x512xi32, #tpu.memory_space<hbm>> -> memref<1x512xi32, #tpu.memory_space<hbm>>
      %dma_wait3A_1002 = tpu.memref_squeeze %dma_wait3A_1001 : memref<1x512xi32, #tpu.memory_space<hbm>> -> memref<512xi32, #tpu.memory_space<hbm>>
      tpu.wait_dma2 semaphore(%run_scoped3A : memref<!tpu.dma_semaphore, #tpu.memory_space<semaphore_mem>>) src(%dma_wait3A_1002 : memref<512xi32, #tpu.memory_space<hbm>>) dst(%arg11 : memref<512xi32, #tpu.memory_space<vmem>>)
      tpu.yield
    }) : () -> ()
    %broadcast_in_dim3A_10 = arith.constant 4 : i32
    %broadcast_in_dim3A_11 = vector.broadcast %broadcast_in_dim3A_10 : i32 to vector<16xi32>
    %broadcast_in_dim3A_12 = arith.constant 15 : i32
    %broadcast_in_dim3A_13 = vector.broadcast %broadcast_in_dim3A_12 : i32 to vector<16xi32>
    %multiple_of3A = arith.constant 0 : i32
    %multiple_of3A_14 = tpu.assume_multiple %multiple_of3A, 8 : i32
    %dma_start3A = arith.constant 0 : i32
    %dma_start3A_15 = arith.constant 0 : i32
    %dma_start3A_16 = tpu.memref_slice %arg12[%dma_start3A, %dma_start3A_15] : memref<128x128xf32, #tpu.memory_space<vmem>> -> memref<64x128xf32, #tpu.memory_space<vmem>>
    %dma_start3A_17 = tpu.memref_slice %arg9[%multiple_of3A_14] : memref<512xi32, #tpu.memory_space<vmem>> -> memref<64xi32, #tpu.memory_space<vmem>>
    %dma_start3A_18 = arith.constant 0 : i32
    %dma_start3A_19 = arith.constant 0 : i32
    %dma_start3A_20 = tpu.memref_slice %arg5[%dma_start3A_18, %dma_start3A_19] : memref<10000x128xf32, #tpu.memory_space<hbm>> -> memref<10000x128xf32, #tpu.memory_space<hbm>>
    tpu.enqueue_indirect_dma source(%dma_start3A_20 : memref<10000x128xf32, #tpu.memory_space<hbm>>) target(%dma_start3A_16 : memref<64x128xf32, #tpu.memory_space<vmem>>) offsets(%dma_start3A_17 : memref<64xi32, #tpu.memory_space<vmem>>) semaphore(%arg21 : memref<!tpu.dma_semaphore, #tpu.memory_space<semaphore_mem>>)
    %dma_start3A_21 = arith.constant 0 : i32
    %dma_start3A_22 = arith.constant 0 : i32
    %dma_start3A_23 = tpu.memref_slice %arg13[%dma_start3A_21, %dma_start3A_22] : memref<128x128xf32, #tpu.memory_space<vmem>> -> memref<64x128xf32, #tpu.memory_space<vmem>>
    %dma_start3A_24 = tpu.memref_slice %arg10[%multiple_of3A_14] : memref<512xi32, #tpu.memory_space<vmem>> -> memref<64xi32, #tpu.memory_space<vmem>>
    %dma_start3A_25 = arith.constant 0 : i32
    %dma_start3A_26 = arith.constant 0 : i32
    %dma_start3A_27 = tpu.memref_slice %arg6[%dma_start3A_25, %dma_start3A_26] : memref<10000x128xf32, #tpu.memory_space<hbm>> -> memref<10000x128xf32, #tpu.memory_space<hbm>>
    tpu.enqueue_indirect_dma source(%dma_start3A_27 : memref<10000x128xf32, #tpu.memory_space<hbm>>) target(%dma_start3A_23 : memref<64x128xf32, #tpu.memory_space<vmem>>) offsets(%dma_start3A_24 : memref<64xi32, #tpu.memory_space<vmem>>) semaphore(%arg21 : memref<!tpu.dma_semaphore, #tpu.memory_space<semaphore_mem>>)
    %dma_start3A_28 = arith.constant 0 : i32
    %dma_start3A_29 = arith.constant 0 : i32
    %dma_start3A_30 = tpu.memref_slice %arg14[%dma_start3A_28, %dma_start3A_29] : memref<128x128xf32, #tpu.memory_space<vmem>> -> memref<64x128xf32, #tpu.memory_space<vmem>>
    %dma_start3A_31 = tpu.memref_slice %arg11[%multiple_of3A_14] : memref<512xi32, #tpu.memory_space<vmem>> -> memref<64xi32, #tpu.memory_space<vmem>>
    %dma_start3A_32 = arith.constant 0 : i32
    %dma_start3A_33 = arith.constant 0 : i32
    %dma_start3A_34 = tpu.memref_slice %arg6[%dma_start3A_32, %dma_start3A_33] : memref<10000x128xf32, #tpu.memory_space<hbm>> -> memref<10000x128xf32, #tpu.memory_space<hbm>>
    tpu.enqueue_indirect_dma source(%dma_start3A_34 : memref<10000x128xf32, #tpu.memory_space<hbm>>) target(%dma_start3A_30 : memref<64x128xf32, #tpu.memory_space<vmem>>) offsets(%dma_start3A_31 : memref<64xi32, #tpu.memory_space<vmem>>) semaphore(%arg21 : memref<!tpu.dma_semaphore, #tpu.memory_space<semaphore_mem>>)
    %multiple_of3A_35 = arith.constant 64 : i32
    %multiple_of3A_36 = tpu.assume_multiple %multiple_of3A_35, 8 : i32
    %dma_start3A_37 = arith.constant 64 : i32
    %dma_start3A_38 = arith.constant 0 : i32
    %dma_start3A_39 = tpu.memref_slice %arg12[%dma_start3A_37, %dma_start3A_38] : memref<128x128xf32, #tpu.memory_space<vmem>> -> memref<64x128xf32, #tpu.memory_space<vmem>>
    %dma_start3A_40 = tpu.memref_slice %arg9[%multiple_of3A_36] : memref<512xi32, #tpu.memory_space<vmem>> -> memref<64xi32, #tpu.memory_space<vmem>>
    %dma_start3A_41 = arith.constant 0 : i32
    %dma_start3A_42 = arith.constant 0 : i32
    %dma_start3A_43 = tpu.memref_slice %arg5[%dma_start3A_41, %dma_start3A_42] : memref<10000x128xf32, #tpu.memory_space<hbm>> -> memref<10000x128xf32, #tpu.memory_space<hbm>>
    tpu.enqueue_indirect_dma source(%dma_start3A_43 : memref<10000x128xf32, #tpu.memory_space<hbm>>) target(%dma_start3A_39 : memref<64x128xf32, #tpu.memory_space<vmem>>) offsets(%dma_start3A_40 : memref<64xi32, #tpu.memory_space<vmem>>) semaphore(%arg22 : memref<!tpu.dma_semaphore, #tpu.memory_space<semaphore_mem>>)
    %dma_start3A_44 = arith.constant 64 : i32
    %dma_start3A_45 = arith.constant 0 : i32
    %dma_start3A_46 = tpu.memref_slice %arg13[%dma_start3A_44, %dma_start3A_45] : memref<128x128xf32, #tpu.memory_space<vmem>> -> memref<64x128xf32, #tpu.memory_space<vmem>>
    %dma_start3A_47 = tpu.memref_slice %arg10[%multiple_of3A_36] : memref<512xi32, #tpu.memory_space<vmem>> -> memref<64xi32, #tpu.memory_space<vmem>>
    %dma_start3A_48 = arith.constant 0 : i32
    %dma_start3A_49 = arith.constant 0 : i32
    %dma_start3A_50 = tpu.memref_slice %arg6[%dma_start3A_48, %dma_start3A_49] : memref<10000x128xf32, #tpu.memory_space<hbm>> -> memref<10000x128xf32, #tpu.memory_space<hbm>>
    tpu.enqueue_indirect_dma source(%dma_start3A_50 : memref<10000x128xf32, #tpu.memory_space<hbm>>) target(%dma_start3A_46 : memref<64x128xf32, #tpu.memory_space<vmem>>) offsets(%dma_start3A_47 : memref<64xi32, #tpu.memory_space<vmem>>) semaphore(%arg22 : memref<!tpu.dma_semaphore, #tpu.memory_space<semaphore_mem>>)
    %dma_start3A_51 = arith.constant 64 : i32
    %dma_start3A_52 = arith.constant 0 : i32
    %dma_start3A_53 = tpu.memref_slice %arg14[%dma_start3A_51, %dma_start3A_52] : memref<128x128xf32, #tpu.memory_space<vmem>> -> memref<64x128xf32, #tpu.memory_space<vmem>>
    %dma_start3A_54 = tpu.memref_slice %arg11[%multiple_of3A_36] : memref<512xi32, #tpu.memory_space<vmem>> -> memref<64xi32, #tpu.memory_space<vmem>>
    %dma_start3A_55 = arith.constant 0 : i32
    %dma_start3A_56 = arith.constant 0 : i32
    %dma_start3A_57 = tpu.memref_slice %arg6[%dma_start3A_55, %dma_start3A_56] : memref<10000x128xf32, #tpu.memory_space<hbm>> -> memref<10000x128xf32, #tpu.memory_space<hbm>>
    tpu.enqueue_indirect_dma source(%dma_start3A_57 : memref<10000x128xf32, #tpu.memory_space<hbm>>) target(%dma_start3A_53 : memref<64x128xf32, #tpu.memory_space<vmem>>) offsets(%dma_start3A_54 : memref<64xi32, #tpu.memory_space<vmem>>) semaphore(%arg22 : memref<!tpu.dma_semaphore, #tpu.memory_space<semaphore_mem>>)
    %get3A = arith.constant 0 : index
    %get3A_58 = tpu.vector_load %arg9[%get3A] {strides = array<i32>} : memref<512xi32, #tpu.memory_space<vmem>>, vector<16xi32>,
    %get3A_59 = arith.constant 0 : index
    %get3A_60 = tpu.vector_load %arg10[%get3A_59] {strides = array<i32>} : memref<512xi32, #tpu.memory_space<vmem>>, vector<16xi32>,
    %shift_right_logical3A = arith.shrui %get3A_60, %broadcast_in_dim3A_11 : vector<16xi32>
    %shift_left3A = arith.shli %shift_right_logical3A, %broadcast_in_dim3A_11 : vector<16xi32>
    %slice3A = vector.extract_strided_slice %get3A_58 {offsets = [0], sizes = [1], strides = [1]} : vector<16xi32> to vector<1xi32>
    %squeeze3A = vector.extract %slice3A[0] : i32 from vector<1xi32>
    %multiple_of3A_61 = tpu.assume_multiple %squeeze3A, 8 : i32
    %slice3A_62 = vector.extract_strided_slice %shift_left3A {offsets = [0], sizes = [1], strides = [1]} : vector<16xi32> to vector<1xi32>
    %squeeze3A_63 = vector.extract %slice3A_62[0] : i32 from vector<1xi32>
    %multiple_of3A_64 = tpu.assume_multiple %squeeze3A_63, 128 : i32
    %dma_start3A_65 = arith.constant 0 : i32
    %dma_start3A_66 = arith.constant 0 : i32
    %dma_start3A_67 = tpu.memref_slice %arg15[%dma_start3A_65, %dma_start3A_66] : memref<16x128xf32, #tpu.memory_space<vmem>> -> memref<1x16xf32, #tpu.memory_space<vmem>>
    %dma_start3A_68 = tpu.memref_slice %arg7[%multiple_of3A_61, %multiple_of3A_64] : memref<10000x10000xf32, #tpu.memory_space<hbm>> -> memref<1x16xf32, #tpu.memory_space<hbm>>
    %dma_start3A_69 = arith.constant 0 : i32
    %dma_start3A_70 = arith.constant 0 : i32
    %dma_start3A_71 = tpu.memref_slice %arg15[%dma_start3A_69, %dma_start3A_70] : memref<16x128xf32, #tpu.memory_space<vmem>> -> memref<1x16xf32, #tpu.memory_space<vmem>>
    %dma_start3A_72 = tpu.memref_slice %arg7[%multiple_of3A_61, %multiple_of3A_64] : memref<10000x10000xf32, #tpu.memory_space<hbm>> -> memref<1x16xf32, #tpu.memory_space<hbm>>
    tpu.enqueue_dma source(%dma_start3A_72 : memref<1x16xf32, #tpu.memory_space<hbm>>) target(%dma_start3A_71 : memref<1x16xf32, #tpu.memory_space<vmem>>) target_semaphore(%arg19 : memref<!tpu.dma_semaphore, #tpu.memory_space<semaphore_mem>>)
    %slice3A_73 = vector.extract_strided_slice %get3A_58 {offsets = [1], sizes = [1], strides = [1]} : vector<16xi32> to vector<1xi32>
    %squeeze3A_74 = vector.extract %slice3A_73[0] : i32 from vector<1xi32>
    %multiple_of3A_75 = tpu.assume_multiple %squeeze3A_74, 8 : i32
    %slice3A_76 = vector.extract_strided_slice %shift_left3A {offsets = [1], sizes = [1], strides = [1]} : vector<16xi32> to vector<1xi32>
    %squeeze3A_77 = vector.extract %slice3A_76[0] : i32 from vector<1xi32>
    %multiple_of3A_78 = tpu.assume_multiple %squeeze3A_77, 128 : i32
    %dma_start3A_79 = arith.constant 1 : i32
    %dma_start3A_80 = arith.constant 0 : i32
    %dma_start3A_81 = tpu.memref_slice %arg15[%dma_start3A_79, %dma_start3A_80] : memref<16x128xf32, #tpu.memory_space<vmem>> -> memref<1x16xf32, #tpu.memory_space<vmem>>
    %dma_start3A_82 = tpu.memref_slice %arg7[%multiple_of3A_75, %multiple_of3A_78] : memref<10000x10000xf32, #tpu.memory_space<hbm>> -> memref<1x16xf32, #tpu.memory_space<hbm>>
    %dma_start3A_83 = arith.constant 1 : i32
    %dma_start3A_84 = arith.constant 0 : i32
    %dma_start3A_85 = tpu.memref_slice %arg15[%dma_start3A_83, %dma_start3A_84] : memref<16x128xf32, #tpu.memory_space<vmem>> -> memref<1x16xf32, #tpu.memory_space<vmem>>
    %dma_start3A_86 = tpu.memref_slice %arg7[%multiple_of3A_75, %multiple_of3A_78] : memref<10000x10000xf32, #tpu.memory_space<hbm>> -> memref<1x16xf32, #tpu.memory_space<hbm>>
    tpu.enqueue_dma source(%dma_start3A_86 : memref<1x16xf32, #tpu.memory_space<hbm>>) target(%dma_start3A_85 : memref<1x16xf32, #tpu.memory_space<vmem>>) target_semaphore(%arg19 : memref<!tpu.dma_semaphore, #tpu.memory_space<semaphore_mem>>)
    %slice3A_87 = vector.extract_strided_slice %get3A_58 {offsets = [2], sizes = [1], strides = [1]} : vector<16xi32> to vector<1xi32>
    %squeeze3A_88 = vector.extract %slice3A_87[0] : i32 from vector<1xi32>
    %multiple_of3A_89 = tpu.assume_multiple %squeeze3A_88, 8 : i32
    %slice3A_90 = vector.extract_strided_slice %shift_left3A {offsets = [2], sizes = [1], strides = [1]} : vector<16xi32> to vector<1xi32>
    %squeeze3A_91 = vector.extract %slice3A_90[0] : i32 from vector<1xi32>
    %multiple_of3A_92 = tpu.assume_multiple %squeeze3A_91, 128 : i32
    %dma_start3A_93 = arith.constant 2 : i32
    %dma_start3A_94 = arith.constant 0 : i32
    %dma_start3A_95 = tpu.memref_slice %arg15[%dma_start3A_93, %dma_start3A_94] : memref<16x128xf32, #tpu.memory_space<vmem>> -> memref<1x16xf32, #tpu.memory_space<vmem>>
    %dma_start3A_96 = tpu.memref_slice %arg7[%multiple_of3A_89, %multiple_of3A_92] : memref<10000x10000xf32, #tpu.memory_space<hbm>> -> memref<1x16xf32, #tpu.memory_space<hbm>>
    %dma_start3A_97 = arith.constant 2 : i32
    %dma_start3A_98 = arith.constant 0 : i32
    %dma_start3A_99 = tpu.memref_slice %arg15[%dma_start3A_97, %dma_start3A_98] : memref<16x128xf32, #tpu.memory_space<vmem>> -> memref<1x16xf32, #tpu.memory_space<vmem>>
    %dma_start3A_100 = tpu.memref_slice %arg7[%multiple_of3A_89, %multiple_of3A_92] : memref<10000x10000xf32, #tpu.memory_space<hbm>> -> memref<1x16xf32, #tpu.memory_space<hbm>>
    tpu.enqueue_dma source(%dma_start3A_100 : memref<1x16xf32, #tpu.memory_space<hbm>>) target(%dma_start3A_99 : memref<1x16xf32, #tpu.memory_space<vmem>>) target_semaphore(%arg19 : memref<!tpu.dma_semaphore, #tpu.memory_space<semaphore_mem>>)
    %slice3A_101 = vector.extract_strided_slice %get3A_58 {offsets = [3], sizes = [1], strides = [1]} : vector<16xi32> to vector<1xi32>
    %squeeze3A_102 = vector.extract %slice3A_101[0] : i32 from vector<1xi32>
    %multiple_of3A_103 = tpu.assume_multiple %squeeze3A_102, 8 : i32
    %slice3A_104 = vector.extract_strided_slice %shift_left3A {offsets = [3], sizes = [1], strides = [1]} : vector<16xi32> to vector<1xi32>
    %squeeze3A_105 = vector.extract %slice3A_104[0] : i32 from vector<1xi32>
    %multiple_of3A_106 = tpu.assume_multiple %squeeze3A_105, 128 : i32
    %dma_start3A_107 = arith.constant 3 : i32
    %dma_start3A_108 = arith.constant 0 : i32
    %dma_start3A_109 = tpu.memref_slice %arg15[%dma_start3A_107, %dma_start3A_108] : memref<16x128xf32, #tpu.memory_space<vmem>> -> memref<1x16xf32, #tpu.memory_space<vmem>>
    %dma_start3A_110 = tpu.memref_slice %arg7[%multiple_of3A_103, %multiple_of3A_106] : memref<10000x10000xf32, #tpu.memory_space<hbm>> -> memref<1x16xf32, #tpu.memory_space<hbm>>
    %dma_start3A_111 = arith.constant 3 : i32
    %dma_start3A_112 = arith.constant 0 : i32
    %dma_start3A_113 = tpu.memref_slice %arg15[%dma_start3A_111, %dma_start3A_112] : memref<16x128xf32, #tpu.memory_space<vmem>> -> memref<1x16xf32, #tpu.memory_space<vmem>>
    %dma_start3A_114 = tpu.memref_slice %arg7[%multiple_of3A_103, %multiple_of3A_106] : memref<10000x10000xf32, #tpu.memory_space<hbm>> -> memref<1x16xf32, #tpu.memory_space<hbm>>
    tpu.enqueue_dma source(%dma_start3A_114 : memref<1x16xf32, #tpu.memory_space<hbm>>) target(%dma_start3A_113 : memref<1x16xf32, #tpu.memory_space<vmem>>) target_semaphore(%arg19 : memref<!tpu.dma_semaphore, #tpu.memory_space<semaphore_mem>>)
    %slice3A_115 = vector.extract_strided_slice %get3A_58 {offsets = [4], sizes = [1], strides = [1]} : vector<16xi32> to vector<1xi32>
    %squeeze3A_116 = vector.extract %slice3A_115[0] : i32 from vector<1xi32>
    %multiple_of3A_117 = tpu.assume_multiple %squeeze3A_116, 8 : i32
    %slice3A_118 = vector.extract_strided_slice %shift_left3A {offsets = [4], sizes = [1], strides = [1]} : vector<16xi32> to vector<1xi32>
    %squeeze3A_119 = vector.extract %slice3A_118[0] : i32 from vector<1xi32>
    %multiple_of3A_120 = tpu.assume_multiple %squeeze3A_119, 128 : i32
    %dma_start3A_121 = arith.constant 4 : i32
    %dma_start3A_122 = arith.constant 0 : i32
    %dma_start3A_123 = tpu.memref_slice %arg15[%dma_start3A_121, %dma_start3A_122] : memref<16x128xf32, #tpu.memory_space<vmem>> -> memref<1x16xf32, #tpu.memory_space<vmem>>
    %dma_start3A_124 = tpu.memref_slice %arg7[%multiple_of3A_117, %multiple_of3A_120] : memref<10000x10000xf32, #tpu.memory_space<hbm>> -> memref<1x16xf32, #tpu.memory_space<hbm>>
    %dma_start3A_125 = arith.constant 4 : i32
    %dma_start3A_126 = arith.constant 0 : i32
    %dma_start3A_127 = tpu.memref_slice %arg15[%dma_start3A_125, %dma_start3A_126] : memref<16x128xf32, #tpu.memory_space<vmem>> -> memref<1x16xf32, #tpu.memory_space<vmem>>
    %dma_start3A_128 = tpu.memref_slice %arg7[%multiple_of3A_117, %multiple_of3A_120] : memref<10000x10000xf32, #tpu.memory_space<hbm>> -> memref<1x16xf32, #tpu.memory_space<hbm>>
    tpu.enqueue_dma source(%dma_start3A_128 : memref<1x16xf32, #tpu.memory_space<hbm>>) target(%dma_start3A_127 : memref<1x16xf32, #tpu.memory_space<vmem>>) target_semaphore(%arg19 : memref<!tpu.dma_semaphore, #tpu.memory_space<semaphore_mem>>)
    %slice3A_129 = vector.extract_strided_slice %get3A_58 {offsets = [5], sizes = [1], strides = [1]} : vector<16xi32> to vector<1xi32>
    %squeeze3A_130 = vector.extract %slice3A_129[0] : i32 from vector<1xi32>
    %multiple_of3A_131 = tpu.assume_multiple %squeeze3A_130, 8 : i32
    %slice3A_132 = vector.extract_strided_slice %shift_left3A {offsets = [5], sizes = [1], strides = [1]} : vector<16xi32> to vector<1xi32>
    %squeeze3A_133 = vector.extract %slice3A_132[0] : i32 from vector<1xi32>
    %multiple_of3A_134 = tpu.assume_multiple %squeeze3A_133, 128 : i32
    %dma_start3A_135 = arith.constant 5 : i32
    %dma_start3A_136 = arith.constant 0 : i32
    %dma_start3A_137 = tpu.memref_slice %arg15[%dma_start3A_135, %dma_start3A_136] : memref<16x128xf32, #tpu.memory_space<vmem>> -> memref<1x16xf32, #tpu.memory_space<vmem>>
    %dma_start3A_138 = tpu.memref_slice %arg7[%multiple_of3A_131, %multiple_of3A_134] : memref<10000x10000xf32, #tpu.memory_space<hbm>> -> memref<1x16xf32, #tpu.memory_space<hbm>>
    %dma_start3A_139 = arith.constant 5 : i32
    %dma_start3A_140 = arith.constant 0 : i32
    %dma_start3A_141 = tpu.memref_slice %arg15[%dma_start3A_139, %dma_start3A_140] : memref<16x128xf32, #tpu.memory_space<vmem>> -> memref<1x16xf32, #tpu.memory_space<vmem>>
    %dma_start3A_142 = tpu.memref_slice %arg7[%multiple_of3A_131, %multiple_of3A_134] : memref<10000x10000xf32, #tpu.memory_space<hbm>> -> memref<1x16xf32, #tpu.memory_space<hbm>>
    tpu.enqueue_dma source(%dma_start3A_142 : memref<1x16xf32, #tpu.memory_space<hbm>>) target(%dma_start3A_141 : memref<1x16xf32, #tpu.memory_space<vmem>>) target_semaphore(%arg19 : memref<!tpu.dma_semaphore, #tpu.memory_space<semaphore_mem>>)
    %slice3A_143 = vector.extract_strided_slice %get3A_58 {offsets = [6], sizes = [1], strides = [1]} : vector<16xi32> to vector<1xi32>
    %squeeze3A_144 = vector.extract %slice3A_143[0] : i32 from vector<1xi32>
    %multiple_of3A_145 = tpu.assume_multiple %squeeze3A_144, 8 : i32
    %slice3A_146 = vector.extract_strided_slice %shift_left3A {offsets = [6], sizes = [1], strides = [1]} : vector<16xi32> to vector<1xi32>
    %squeeze3A_147 = vector.extract %slice3A_146[0] : i32 from vector<1xi32>
    %multiple_of3A_148 = tpu.assume_multiple %squeeze3A_147, 128 : i32
    %dma_start3A_149 = arith.constant 6 : i32
    %dma_start3A_150 = arith.constant 0 : i32
    %dma_start3A_151 = tpu.memref_slice %arg15[%dma_start3A_149, %dma_start3A_150] : memref<16x128xf32, #tpu.memory_space<vmem>> -> memref<1x16xf32, #tpu.memory_space<vmem>>
    %dma_start3A_152 = tpu.memref_slice %arg7[%multiple_of3A_145, %multiple_of3A_148] : memref<10000x10000xf32, #tpu.memory_space<hbm>> -> memref<1x16xf32, #tpu.memory_space<hbm>>
    %dma_start3A_153 = arith.constant 6 : i32
    %dma_start3A_154 = arith.constant 0 : i32
    %dma_start3A_155 = tpu.memref_slice %arg15[%dma_start3A_153, %dma_start3A_154] : memref<16x128xf32, #tpu.memory_space<vmem>> -> memref<1x16xf32, #tpu.memory_space<vmem>>
    %dma_start3A_156 = tpu.memref_slice %arg7[%multiple_of3A_145, %multiple_of3A_148] : memref<10000x10000xf32, #tpu.memory_space<hbm>> -> memref<1x16xf32, #tpu.memory_space<hbm>>
    tpu.enqueue_dma source(%dma_start3A_156 : memref<1x16xf32, #tpu.memory_space<hbm>>) target(%dma_start3A_155 : memref<1x16xf32, #tpu.memory_space<vmem>>) target_semaphore(%arg19 : memref<!tpu.dma_semaphore, #tpu.memory_space<semaphore_mem>>)
    %slice3A_157 = vector.extract_strided_slice %get3A_58 {offsets = [7], sizes = [1], strides = [1]} : vector<16xi32> to vector<1xi32>
    %squeeze3A_158 = vector.extract %slice3A_157[0] : i32 from vector<1xi32>
    %multiple_of3A_159 = tpu.assume_multiple %squeeze3A_158, 8 : i32
    %slice3A_160 = vector.extract_strided_slice %shift_left3A {offsets = [7], sizes = [1], strides = [1]} : vector<16xi32> to vector<1xi32>
    %squeeze3A_161 = vector.extract %slice3A_160[0] : i32 from vector<1xi32>
    %multiple_of3A_162 = tpu.assume_multiple %squeeze3A_161, 128 : i32
    %dma_start3A_163 = arith.constant 7 : i32
    %dma_start3A_164 = arith.constant 0 : i32
    %dma_start3A_165 = tpu.memref_slice %arg15[%dma_start3A_163, %dma_start3A_164] : memref<16x128xf32, #tpu.memory_space<vmem>> -> memref<1x16xf32, #tpu.memory_space<vmem>>
    %dma_start3A_166 = tpu.memref_slice %arg7[%multiple_of3A_159, %multiple_of3A_162] : memref<10000x10000xf32, #tpu.memory_space<hbm>> -> memref<1x16xf32, #tpu.memory_space<hbm>>
    %dma_start3A_167 = arith.constant 7 : i32
    %dma_start3A_168 = arith.constant 0 : i32
    %dma_start3A_169 = tpu.memref_slice %arg15[%dma_start3A_167, %dma_start3A_168] : memref<16x128xf32, #tpu.memory_space<vmem>> -> memref<1x16xf32, #tpu.memory_space<vmem>>
    %dma_start3A_170 = tpu.memref_slice %arg7[%multiple_of3A_159, %multiple_of3A_162] : memref<10000x10000xf32, #tpu.memory_space<hbm>> -> memref<1x16xf32, #tpu.memory_space<hbm>>
    tpu.enqueue_dma source(%dma_start3A_170 : memref<1x16xf32, #tpu.memory_space<hbm>>) target(%dma_start3A_169 : memref<1x16xf32, #tpu.memory_space<vmem>>) target_semaphore(%arg19 : memref<!tpu.dma_semaphore, #tpu.memory_space<semaphore_mem>>)
    %slice3A_171 = vector.extract_strided_slice %get3A_58 {offsets = [8], sizes = [1], strides = [1]} : vector<16xi32> to vector<1xi32>
    %squeeze3A_172 = vector.extract %slice3A_171[0] : i32 from vector<1xi32>
    %multiple_of3A_173 = tpu.assume_multiple %squeeze3A_172, 8 : i32
    %slice3A_174 = vector.extract_strided_slice %shift_left3A {offsets = [8], sizes = [1], strides = [1]} : vector<16xi32> to vector<1xi32>
    %squeeze3A_175 = vector.extract %slice3A_174[0] : i32 from vector<1xi32>
    %multiple_of3A_176 = tpu.assume_multiple %squeeze3A_175, 128 : i32
    %dma_start3A_177 = arith.constant 0 : i32
    %dma_start3A_178 = arith.constant 16 : i32
    %dma_start3A_179 = tpu.memref_slice %arg15[%dma_start3A_177, %dma_start3A_178] : memref<16x128xf32, #tpu.memory_space<vmem>> -> memref<1x16xf32, #tpu.memory_space<vmem>>
    %dma_start3A_180 = tpu.memref_slice %arg7[%multiple_of3A_173, %multiple_of3A_176] : memref<10000x10000xf32, #tpu.memory_space<hbm>> -> memref<1x16xf32, #tpu.memory_space<hbm>>
    %dma_start3A_181 = arith.constant 0 : i32
    %dma_start3A_182 = arith.constant 16 : i32
    %dma_start3A_183 = tpu.memref_slice %arg15[%dma_start3A_181, %dma_start3A_182] : memref<16x128xf32, #tpu.memory_space<vmem>> -> memref<1x16xf32, #tpu.memory_space<vmem>>
    %dma_start3A_184 = tpu.memref_slice %arg7[%multiple_of3A_173, %multiple_of3A_176] : memref<10000x10000xf32, #tpu.memory_space<hbm>> -> memref<1x16xf32, #tpu.memory_space<hbm>>
    tpu.enqueue_dma source(%dma_start3A_184 : memref<1x16xf32, #tpu.memory_space<hbm>>) target(%dma_start3A_183 : memref<1x16xf32, #tpu.memory_space<vmem>>) target_semaphore(%arg19 : memref<!tpu.dma_semaphore, #tpu.memory_space<semaphore_mem>>)
    %slice3A_185 = vector.extract_strided_slice %get3A_58 {offsets = [9], sizes = [1], strides = [1]} : vector<16xi32> to vector<1xi32>
    %squeeze3A_186 = vector.extract %slice3A_185[0] : i32 from vector<1xi32>
    %multiple_of3A_187 = tpu.assume_multiple %squeeze3A_186, 8 : i32
    %slice3A_188 = vector.extract_strided_slice %shift_left3A {offsets = [9], sizes = [1], strides = [1]} : vector<16xi32> to vector<1xi32>
    %squeeze3A_189 = vector.extract %slice3A_188[0] : i32 from vector<1xi32>
    %multiple_of3A_190 = tpu.assume_multiple %squeeze3A_189, 128 : i32
    %dma_start3A_191 = arith.constant 1 : i32
    %dma_start3A_192 = arith.constant 16 : i32
    %dma_start3A_193 = tpu.memref_slice %arg15[%dma_start3A_191, %dma_start3A_192] : memref<16x128xf32, #tpu.memory_space<vmem>> -> memref<1x16xf32, #tpu.memory_space<vmem>>
    %dma_start3A_194 = tpu.memref_slice %arg7[%multiple_of3A_187, %multiple_of3A_190] : memref<10000x10000xf32, #tpu.memory_space<hbm>> -> memref<1x16xf32, #tpu.memory_space<hbm>>
    %dma_start3A_195 = arith.constant 1 : i32
    %dma_start3A_196 = arith.constant 16 : i32
    %dma_start3A_197 = tpu.memref_slice %arg15[%dma_start3A_195, %dma_start3A_196] : memref<16x128xf32, #tpu.memory_space<vmem>> -> memref<1x16xf32, #tpu.memory_space<vmem>>
    %dma_start3A_198 = tpu.memref_slice %arg7[%multiple_of3A_187, %multiple_of3A_190] : memref<10000x10000xf32, #tpu.memory_space<hbm>> -> memref<1x16xf32, #tpu.memory_space<hbm>>
    tpu.enqueue_dma source(%dma_start3A_198 : memref<1x16xf32, #tpu.memory_space<hbm>>) target(%dma_start3A_197 : memref<1x16xf32, #tpu.memory_space<vmem>>) target_semaphore(%arg19 : memref<!tpu.dma_semaphore, #tpu.memory_space<semaphore_mem>>)
    %slice3A_199 = vector.extract_strided_slice %get3A_58 {offsets = [10], sizes = [1], strides = [1]} : vector<16xi32> to vector<1xi32>
    %squeeze3A_200 = vector.extract %slice3A_199[0] : i32 from vector<1xi32>
    %multiple_of3A_201 = tpu.assume_multiple %squeeze3A_200, 8 : i32
    %slice3A_202 = vector.extract_strided_slice %shift_left3A {offsets = [10], sizes = [1], strides = [1]} : vector<16xi32> to vector<1xi32>
    %squeeze3A_203 = vector.extract %slice3A_202[0] : i32 from vector<1xi32>
    %multiple_of3A_204 = tpu.assume_multiple %squeeze3A_203, 128 : i32
    %dma_start3A_205 = arith.constant 2 : i32
    %dma_start3A_206 = arith.constant 16 : i32
    %dma_start3A_207 = tpu.memref_slice %arg15[%dma_start3A_205, %dma_start3A_206] : memref<16x128xf32, #tpu.memory_space<vmem>> -> memref<1x16xf32, #tpu.memory_space<vmem>>
    %dma_start3A_208 = tpu.memref_slice %arg7[%multiple_of3A_201, %multiple_of3A_204] : memref<10000x10000xf32, #tpu.memory_space<hbm>> -> memref<1x16xf32, #tpu.memory_space<hbm>>
    %dma_start3A_209 = arith.constant 2 : i32
    %dma_start3A_210 = arith.constant 16 : i32
    %dma_start3A_211 = tpu.memref_slice %arg15[%dma_start3A_209, %dma_start3A_210] : memref<16x128xf32, #tpu.memory_space<vmem>> -> memref<1x16xf32, #tpu.memory_space<vmem>>
    %dma_start3A_212 = tpu.memref_slice %arg7[%multiple_of3A_201, %multiple_of3A_204] : memref<10000x10000xf32, #tpu.memory_space<hbm>> -> memref<1x16xf32, #tpu.memory_space<hbm>>
    tpu.enqueue_dma source(%dma_start3A_212 : memref<1x16xf32, #tpu.memory_space<hbm>>) target(%dma_start3A_211 : memref<1x16xf32, #tpu.memory_space<vmem>>) target_semaphore(%arg19 : memref<!tpu.dma_semaphore, #tpu.memory_space<semaphore_mem>>)
    %slice3A_213 = vector.extract_strided_slice %get3A_58 {offsets = [11], sizes = [1], strides = [1]} : vector<16xi32> to vector<1xi32>
    %squeeze3A_214 = vector.extract %slice3A_213[0] : i32 from vector<1xi32>
    %multiple_of3A_215 = tpu.assume_multiple %squeeze3A_214, 8 : i32
    %slice3A_216 = vector.extract_strided_slice %shift_left3A {offsets = [11], sizes = [1], strides = [1]} : vector<16xi32> to vector<1xi32>
    %squeeze3A_217 = vector.extract %slice3A_216[0] : i32 from vector<1xi32>
    %multiple_of3A_218 = tpu.assume_multiple %squeeze3A_217, 128 : i32
    %dma_start3A_219 = arith.constant 3 : i32
    %dma_start3A_220 = arith.constant 16 : i32
    %dma_start3A_221 = tpu.memref_slice %arg15[%dma_start3A_219, %dma_start3A_220] : memref<16x128xf32, #tpu.memory_space<vmem>> -> memref<1x16xf32, #tpu.memory_space<vmem>>
    %dma_start3A_222 = tpu.memref_slice %arg7[%multiple_of3A_215, %multiple_of3A_218] : memref<10000x10000xf32, #tpu.memory_space<hbm>> -> memref<1x16xf32, #tpu.memory_space<hbm>>
    %dma_start3A_223 = arith.constant 3 : i32
    %dma_start3A_224 = arith.constant 16 : i32
    %dma_start3A_225 = tpu.memref_slice %arg15[%dma_start3A_223, %dma_start3A_224] : memref<16x128xf32, #tpu.memory_space<vmem>> -> memref<1x16xf32, #tpu.memory_space<vmem>>
    %dma_start3A_226 = tpu.memref_slice %arg7[%multiple_of3A_215, %multiple_of3A_218] : memref<10000x10000xf32, #tpu.memory_space<hbm>> -> memref<1x16xf32, #tpu.memory_space<hbm>>
    tpu.enqueue_dma source(%dma_start3A_226 : memref<1x16xf32, #tpu.memory_space<hbm>>) target(%dma_start3A_225 : memref<1x16xf32, #tpu.memory_space<vmem>>) target_semaphore(%arg19 : memref<!tpu.dma_semaphore, #tpu.memory_space<semaphore_mem>>)
    %slice3A_227 = vector.extract_strided_slice %get3A_58 {offsets = [12], sizes = [1], strides = [1]} : vector<16xi32> to vector<1xi32>
    %squeeze3A_228 = vector.extract %slice3A_227[0] : i32 from vector<1xi32>
    %multiple_of3A_229 = tpu.assume_multiple %squeeze3A_228, 8 : i32
    %slice3A_230 = vector.extract_strided_slice %shift_left3A {offsets = [12], sizes = [1], strides = [1]} : vector<16xi32> to vector<1xi32>
    %squeeze3A_231 = vector.extract %slice3A_230[0] : i32 from vector<1xi32>
    %multiple_of3A_232 = tpu.assume_multiple %squeeze3A_231, 128 : i32
    %dma_start3A_233 = arith.constant 4 : i32
    %dma_start3A_234 = arith.constant 16 : i32
    %dma_start3A_235 = tpu.memref_slice %arg15[%dma_start3A_233, %dma_start3A_234] : memref<16x128xf32, #tpu.memory_space<vmem>> -> memref<1x16xf32, #tpu.memory_space<vmem>>
    %dma_start3A_236 = tpu.memref_slice %arg7[%multiple_of3A_229, %multiple_of3A_232] : memref<10000x10000xf32, #tpu.memory_space<hbm>> -> memref<1x16xf32, #tpu.memory_space<hbm>>
    %dma_start3A_237 = arith.constant 4 : i32
    %dma_start3A_238 = arith.constant 16 : i32
    %dma_start3A_239 = tpu.memref_slice %arg15[%dma_start3A_237, %dma_start3A_238] : memref<16x128xf32, #tpu.memory_space<vmem>> -> memref<1x16xf32, #tpu.memory_space<vmem>>
    %dma_start3A_240 = tpu.memref_slice %arg7[%multiple_of3A_229, %multiple_of3A_232] : memref<10000x10000xf32, #tpu.memory_space<hbm>> -> memref<1x16xf32, #tpu.memory_space<hbm>>
    tpu.enqueue_dma source(%dma_start3A_240 : memref<1x16xf32, #tpu.memory_space<hbm>>) target(%dma_start3A_239 : memref<1x16xf32, #tpu.memory_space<vmem>>) target_semaphore(%arg19 : memref<!tpu.dma_semaphore, #tpu.memory_space<semaphore_mem>>)
    %slice3A_241 = vector.extract_strided_slice %get3A_58 {offsets = [13], sizes = [1], strides = [1]} : vector<16xi32> to vector<1xi32>
    %squeeze3A_242 = vector.extract %slice3A_241[0] : i32 from vector<1xi32>
    %multiple_of3A_243 = tpu.assume_multiple %squeeze3A_242, 8 : i32
    %slice3A_244 = vector.extract_strided_slice %shift_left3A {offsets = [13], sizes = [1], strides = [1]} : vector<16xi32> to vector<1xi32>
    %squeeze3A_245 = vector.extract %slice3A_244[0] : i32 from vector<1xi32>
    %multiple_of3A_246 = tpu.assume_multiple %squeeze3A_245, 128 : i32
    %dma_start3A_247 = arith.constant 5 : i32
    %dma_start3A_248 = arith.constant 16 : i32
    %dma_start3A_249 = tpu.memref_slice %arg15[%dma_start3A_247, %dma_start3A_248] : memref<16x128xf32, #tpu.memory_space<vmem>> -> memref<1x16xf32, #tpu.memory_space<vmem>>
    %dma_start3A_250 = tpu.memref_slice %arg7[%multiple_of3A_243, %multiple_of3A_246] : memref<10000x10000xf32, #tpu.memory_space<hbm>> -> memref<1x16xf32, #tpu.memory_space<hbm>>
    %dma_start3A_251 = arith.constant 5 : i32
    %dma_start3A_252 = arith.constant 16 : i32
    %dma_start3A_253 = tpu.memref_slice %arg15[%dma_start3A_251, %dma_start3A_252] : memref<16x128xf32, #tpu.memory_space<vmem>> -> memref<1x16xf32, #tpu.memory_space<vmem>>
    %dma_start3A_254 = tpu.memref_slice %arg7[%multiple_of3A_243, %multiple_of3A_246] : memref<10000x10000xf32, #tpu.memory_space<hbm>> -> memref<1x16xf32, #tpu.memory_space<hbm>>
    tpu.enqueue_dma source(%dma_start3A_254 : memref<1x16xf32, #tpu.memory_space<hbm>>) target(%dma_start3A_253 : memref<1x16xf32, #tpu.memory_space<vmem>>) target_semaphore(%arg19 : memref<!tpu.dma_semaphore, #tpu.memory_space<semaphore_mem>>)
    %slice3A_255 = vector.extract_strided_slice %get3A_58 {offsets = [14], sizes = [1], strides = [1]} : vector<16xi32> to vector<1xi32>
    %squeeze3A_256 = vector.extract %slice3A_255[0] : i32 from vector<1xi32>
    %multiple_of3A_257 = tpu.assume_multiple %squeeze3A_256, 8 : i32
    %slice3A_258 = vector.extract_strided_slice %shift_left3A {offsets = [14], sizes = [1], strides = [1]} : vector<16xi32> to vector<1xi32>
    %squeeze3A_259 = vector.extract %slice3A_258[0] : i32 from vector<1xi32>
    %multiple_of3A_260 = tpu.assume_multiple %squeeze3A_259, 128 : i32
    %dma_start3A_261 = arith.constant 6 : i32
    %dma_start3A_262 = arith.constant 16 : i32
    %dma_start3A_263 = tpu.memref_slice %arg15[%dma_start3A_261, %dma_start3A_262] : memref<16x128xf32, #tpu.memory_space<vmem>> -> memref<1x16xf32, #tpu.memory_space<vmem>>
    %dma_start3A_264 = tpu.memref_slice %arg7[%multiple_of3A_257, %multiple_of3A_260] : memref<10000x10000xf32, #tpu.memory_space<hbm>> -> memref<1x16xf32, #tpu.memory_space<hbm>>
    %dma_start3A_265 = arith.constant 6 : i32
    %dma_start3A_266 = arith.constant 16 : i32
    %dma_start3A_267 = tpu.memref_slice %arg15[%dma_start3A_265, %dma_start3A_266] : memref<16x128xf32, #tpu.memory_space<vmem>> -> memref<1x16xf32, #tpu.memory_space<vmem>>
    %dma_start3A_268 = tpu.memref_slice %arg7[%multiple_of3A_257, %multiple_of3A_260] : memref<10000x10000xf32, #tpu.memory_space<hbm>> -> memref<1x16xf32, #tpu.memory_space<hbm>>
    tpu.enqueue_dma source(%dma_start3A_268 : memref<1x16xf32, #tpu.memory_space<hbm>>) target(%dma_start3A_267 : memref<1x16xf32, #tpu.memory_space<vmem>>) target_semaphore(%arg19 : memref<!tpu.dma_semaphore, #tpu.memory_space<semaphore_mem>>)
    %slice3A_269 = vector.extract_strided_slice %get3A_58 {offsets = [15], sizes = [1], strides = [1]} : vector<16xi32> to vector<1xi32>
    %squeeze3A_270 = vector.extract %slice3A_269[0] : i32 from vector<1xi32>
    %multiple_of3A_271 = tpu.assume_multiple %squeeze3A_270, 8 : i32
    %slice3A_272 = vector.extract_strided_slice %shift_left3A {offsets = [15], sizes = [1], strides = [1]} : vector<16xi32> to vector<1xi32>
    %squeeze3A_273 = vector.extract %slice3A_272[0] : i32 from vector<1xi32>
    %multiple_of3A_274 = tpu.assume_multiple %squeeze3A_273, 128 : i32
    %dma_start3A_275 = arith.constant 7 : i32
    %dma_start3A_276 = arith.constant 16 : i32
    %dma_start3A_277 = tpu.memref_slice %arg15[%dma_start3A_275, %dma_start3A_276] : memref<16x128xf32, #tpu.memory_space<vmem>> -> memref<1x16xf32, #tpu.memory_space<vmem>>
    %dma_start3A_278 = tpu.memref_slice %arg7[%multiple_of3A_271, %multiple_of3A_274] : memref<10000x10000xf32, #tpu.memory_space<hbm>> -> memref<1x16xf32, #tpu.memory_space<hbm>>
    %dma_start3A_279 = arith.constant 7 : i32
    %dma_start3A_280 = arith.constant 16 : i32
    %dma_start3A_281 = tpu.memref_slice %arg15[%dma_start3A_279, %dma_start3A_280] : memref<16x128xf32, #tpu.memory_space<vmem>> -> memref<1x16xf32, #tpu.memory_space<vmem>>
    %dma_start3A_282 = tpu.memref_slice %arg7[%multiple_of3A_271, %multiple_of3A_274] : memref<10000x10000xf32, #tpu.memory_space<hbm>> -> memref<1x16xf32, #tpu.memory_space<hbm>>
    tpu.enqueue_dma source(%dma_start3A_282 : memref<1x16xf32, #tpu.memory_space<hbm>>) target(%dma_start3A_281 : memref<1x16xf32, #tpu.memory_space<vmem>>) target_semaphore(%arg19 : memref<!tpu.dma_semaphore, #tpu.memory_space<semaphore_mem>>)
    %get3A_283 = arith.constant 0 : index
    %get3A_284 = tpu.vector_load %arg9[%get3A_283] {strides = array<i32>} : memref<512xi32, #tpu.memory_space<vmem>>, vector<16xi32>,
    %get3A_285 = arith.constant 0 : index
    %get3A_286 = tpu.vector_load %arg11[%get3A_285] {strides = array<i32>} : memref<512xi32, #tpu.memory_space<vmem>>, vector<16xi32>,
    %shift_right_logical3A_287 = arith.shrui %get3A_286, %broadcast_in_dim3A_11 : vector<16xi32>
    %shift_left3A_288 = arith.shli %shift_right_logical3A_287, %broadcast_in_dim3A_11 : vector<16xi32>
    %slice3A_289 = vector.extract_strided_slice %get3A_284 {offsets = [0], sizes = [1], strides = [1]} : vector<16xi32> to vector<1xi32>
    %squeeze3A_290 = vector.extract %slice3A_289[0] : i32 from vector<1xi32>
    %multiple_of3A_291 = tpu.assume_multiple %squeeze3A_290, 8 : i32
    %slice3A_292 = vector.extract_strided_slice %shift_left3A_288 {offsets = [0], sizes = [1], strides = [1]} : vector<16xi32> to vector<1xi32>
    %squeeze3A_293 = vector.extract %slice3A_292[0] : i32 from vector<1xi32>
    %multiple_of3A_294 = tpu.assume_multiple %squeeze3A_293, 128 : i32
    %dma_start3A_295 = arith.constant 0 : i32
    %dma_start3A_296 = arith.constant 32 : i32
    %dma_start3A_297 = tpu.memref_slice %arg15[%dma_start3A_295, %dma_start3A_296] : memref<16x128xf32, #tpu.memory_space<vmem>> -> memref<1x16xf32, #tpu.memory_space<vmem>>
    %dma_start3A_298 = tpu.memref_slice %arg7[%multiple_of3A_291, %multiple_of3A_294] : memref<10000x10000xf32, #tpu.memory_space<hbm>> -> memref<1x16xf32, #tpu.memory_space<hbm>>
    %dma_start3A_299 = arith.constant 0 : i32
    %dma_start3A_300 = arith.constant 32 : i32
    %dma_start3A_301 = tpu.memref_slice %arg15[%dma_start3A_299, %dma_start3A_300] : memref<16x128xf32, #tpu.memory_space<vmem>> -> memref<1x16xf32, #tpu.memory_space<vmem>>
    %dma_start3A_302 = tpu.memref_slice %arg7[%multiple_of3A_291, %multiple_of3A_294] : memref<10000x10000xf32, #tpu.memory_space<hbm>> -> memref<1x16xf32, #tpu.memory_space<hbm>>
    tpu.enqueue_dma source(%dma_start3A_302 : memref<1x16xf32, #tpu.memory_space<hbm>>) target(%dma_start3A_301 : memref<1x16xf32, #tpu.memory_space<vmem>>) target_semaphore(%arg19 : memref<!tpu.dma_semaphore, #tpu.memory_space<semaphore_mem>>)
    %slice3A_303 = vector.extract_strided_slice %get3A_284 {offsets = [1], sizes = [1], strides = [1]} : vector<16xi32> to vector<1xi32>
    %squeeze3A_304 = vector.extract %slice3A_303[0] : i32 from vector<1xi32>
    %multiple_of3A_305 = tpu.assume_multiple %squeeze3A_304, 8 : i32
    %slice3A_306 = vector.extract_strided_slice %shift_left3A_288 {offsets = [1], sizes = [1], strides = [1]} : vector<16xi32> to vector<1xi32>
    %squeeze3A_307 = vector.extract %slice3A_306[0] : i32 from vector<1xi32>
    %multiple_of3A_308 = tpu.assume_multiple %squeeze3A_307, 128 : i32
    %dma_start3A_309 = arith.constant 1 : i32
    %dma_start3A_310 = arith.constant 32 : i32
    %dma_start3A_311 = tpu.memref_slice %arg15[%dma_start3A_309, %dma_start3A_310] : memref<16x128xf32, #tpu.memory_space<vmem>> -> memref<1x16xf32, #tpu.memory_space<vmem>>
    %dma_start3A_312 = tpu.memref_slice %arg7[%multiple_of3A_305, %multiple_of3A_308] : memref<10000x10000xf32, #tpu.memory_space<hbm>> -> memref<1x16xf32, #tpu.memory_space<hbm>>
    %dma_start3A_313 = arith.constant 1 : i32
    %dma_start3A_314 = arith.constant 32 : i32
    %dma_start3A_315 = tpu.memref_slice %arg15[%dma_start3A_313, %dma_start3A_314] : memref<16x128xf32, #tpu.memory_space<vmem>> -> memref<1x16xf32, #tpu.memory_space<vmem>>
    %dma_start3A_316 = tpu.memref_slice %arg7[%multiple_of3A_305, %multiple_of3A_308] : memref<10000x10000xf32, #tpu.memory_space<hbm>> -> memref<1x16xf32, #tpu.memory_space<hbm>>
    tpu.enqueue_dma source(%dma_start3A_316 : memref<1x16xf32, #tpu.memory_space<hbm>>) target(%dma_start3A_315 : memref<1x16xf32, #tpu.memory_space<vmem>>) target_semaphore(%arg19 : memref<!tpu.dma_semaphore, #tpu.memory_space<semaphore_mem>>)
    %slice3A_317 = vector.extract_strided_slice %get3A_284 {offsets = [2], sizes = [1], strides = [1]} : vector<16xi32> to vector<1xi32>
    %squeeze3A_318 = vector.extract %slice3A_317[0] : i32 from vector<1xi32>
    %multiple_of3A_319 = tpu.assume_multiple %squeeze3A_318, 8 : i32
    %slice3A_320 = vector.extract_strided_slice %shift_left3A_288 {offsets = [2], sizes = [1], strides = [1]} : vector<16xi32> to vector<1xi32>
    %squeeze3A_321 = vector.extract %slice3A_320[0] : i32 from vector<1xi32>
    %multiple_of3A_322 = tpu.assume_multiple %squeeze3A_321, 128 : i32
    %dma_start3A_323 = arith.constant 2 : i32
    %dma_start3A_324 = arith.constant 32 : i32
    %dma_start3A_325 = tpu.memref_slice %arg15[%dma_start3A_323, %dma_start3A_324] : memref<16x128xf32, #tpu.memory_space<vmem>> -> memref<1x16xf32, #tpu.memory_space<vmem>>
    %dma_start3A_326 = tpu.memref_slice %arg7[%multiple_of3A_319, %multiple_of3A_322] : memref<10000x10000xf32, #tpu.memory_space<hbm>> -> memref<1x16xf32, #tpu.memory_space<hbm>>
    %dma_start3A_327 = arith.constant 2 : i32
    %dma_start3A_328 = arith.constant 32 : i32
    %dma_start3A_329 = tpu.memref_slice %arg15[%dma_start3A_327, %dma_start3A_328] : memref<16x128xf32, #tpu.memory_space<vmem>> -> memref<1x16xf32, #tpu.memory_space<vmem>>
    %dma_start3A_330 = tpu.memref_slice %arg7[%multiple_of3A_319, %multiple_of3A_322] : memref<10000x10000xf32, #tpu.memory_space<hbm>> -> memref<1x16xf32, #tpu.memory_space<hbm>>
    tpu.enqueue_dma source(%dma_start3A_330 : memref<1x16xf32, #tpu.memory_space<hbm>>) target(%dma_start3A_329 : memref<1x16xf32, #tpu.memory_space<vmem>>) target_semaphore(%arg19 : memref<!tpu.dma_semaphore, #tpu.memory_space<semaphore_mem>>)
    %slice3A_331 = vector.extract_strided_slice %get3A_284 {offsets = [3], sizes = [1], strides = [1]} : vector<16xi32> to vector<1xi32>
    %squeeze3A_332 = vector.extract %slice3A_331[0] : i32 from vector<1xi32>
    %multiple_of3A_333 = tpu.assume_multiple %squeeze3A_332, 8 : i32
    %slice3A_334 = vector.extract_strided_slice %shift_left3A_288 {offsets = [3], sizes = [1], strides = [1]} : vector<16xi32> to vector<1xi32>
    %squeeze3A_335 = vector.extract %slice3A_334[0] : i32 from vector<1xi32>
    %multiple_of3A_336 = tpu.assume_multiple %squeeze3A_335, 128 : i32
    %dma_start3A_337 = arith.constant 3 : i32
    %dma_start3A_338 = arith.constant 32 : i32
    %dma_start3A_339 = tpu.memref_slice %arg15[%dma_start3A_337, %dma_start3A_338] : memref<16x128xf32, #tpu.memory_space<vmem>> -> memref<1x16xf32, #tpu.memory_space<vmem>>
    %dma_start3A_340 = tpu.memref_slice %arg7[%multiple_of3A_333, %multiple_of3A_336] : memref<10000x10000xf32, #tpu.memory_space<hbm>> -> memref<1x16xf32, #tpu.memory_space<hbm>>
    %dma_start3A_341 = arith.constant 3 : i32
    %dma_start3A_342 = arith.constant 32 : i32
    %dma_start3A_343 = tpu.memref_slice %arg15[%dma_start3A_341, %dma_start3A_342] : memref<16x128xf32, #tpu.memory_space<vmem>> -> memref<1x16xf32, #tpu.memory_space<vmem>>
    %dma_start3A_344 = tpu.memref_slice %arg7[%multiple_of3A_333, %multiple_of3A_336] : memref<10000x10000xf32, #tpu.memory_space<hbm>> -> memref<1x16xf32, #tpu.memory_space<hbm>>
    tpu.enqueue_dma source(%dma_start3A_344 : memref<1x16xf32, #tpu.memory_space<hbm>>) target(%dma_start3A_343 : memref<1x16xf32, #tpu.memory_space<vmem>>) target_semaphore(%arg19 : memref<!tpu.dma_semaphore, #tpu.memory_space<semaphore_mem>>)
    %slice3A_345 = vector.extract_strided_slice %get3A_284 {offsets = [4], sizes = [1], strides = [1]} : vector<16xi32> to vector<1xi32>
    %squeeze3A_346 = vector.extract %slice3A_345[0] : i32 from vector<1xi32>
    %multiple_of3A_347 = tpu.assume_multiple %squeeze3A_346, 8 : i32
    %slice3A_348 = vector.extract_strided_slice %shift_left3A_288 {offsets = [4], sizes = [1], strides = [1]} : vector<16xi32> to vector<1xi32>
    %squeeze3A_349 = vector.extract %slice3A_348[0] : i32 from vector<1xi32>
    %multiple_of3A_350 = tpu.assume_multiple %squeeze3A_349, 128 : i32
    %dma_start3A_351 = arith.constant 4 : i32
    %dma_start3A_352 = arith.constant 32 : i32
    %dma_start3A_353 = tpu.memref_slice %arg15[%dma_start3A_351, %dma_start3A_352] : memref<16x128xf32, #tpu.memory_space<vmem>> -> memref<1x16xf32, #tpu.memory_space<vmem>>
    %dma_start3A_354 = tpu.memref_slice %arg7[%multiple_of3A_347, %multiple_of3A_350] : memref<10000x10000xf32, #tpu.memory_space<hbm>> -> memref<1x16xf32, #tpu.memory_space<hbm>>
    %dma_start3A_355 = arith.constant 4 : i32
    %dma_start3A_356 = arith.constant 32 : i32
    %dma_start3A_357 = tpu.memref_slice %arg15[%dma_start3A_355, %dma_start3A_356] : memref<16x128xf32, #tpu.memory_space<vmem>> -> memref<1x16xf32, #tpu.memory_space<vmem>>
    %dma_start3A_358 = tpu.memref_slice %arg7[%multiple_of3A_347, %multiple_of3A_350] : memref<10000x10000xf32, #tpu.memory_space<hbm>> -> memref<1x16xf32, #tpu.memory_space<hbm>>
    tpu.enqueue_dma source(%dma_start3A_358 : memref<1x16xf32, #tpu.memory_space<hbm>>) target(%dma_start3A_357 : memref<1x16xf32, #tpu.memory_space<vmem>>) target_semaphore(%arg19 : memref<!tpu.dma_semaphore, #tpu.memory_space<semaphore_mem>>)
    %slice3A_359 = vector.extract_strided_slice %get3A_284 {offsets = [5], sizes = [1], strides = [1]} : vector<16xi32> to vector<1xi32>
    %squeeze3A_360 = vector.extract %slice3A_359[0] : i32 from vector<1xi32>
    %multiple_of3A_361 = tpu.assume_multiple %squeeze3A_360, 8 : i32
    %slice3A_362 = vector.extract_strided_slice %shift_left3A_288 {offsets = [5], sizes = [1], strides = [1]} : vector<16xi32> to vector<1xi32>
    %squeeze3A_363 = vector.extract %slice3A_362[0] : i32 from vector<1xi32>
    %multiple_of3A_364 = tpu.assume_multiple %squeeze3A_363, 128 : i32
    %dma_start3A_365 = arith.constant 5 : i32
    %dma_start3A_366 = arith.constant 32 : i32
    %dma_start3A_367 = tpu.memref_slice %arg15[%dma_start3A_365, %dma_start3A_366] : memref<16x128xf32, #tpu.memory_space<vmem>> -> memref<1x16xf32, #tpu.memory_space<vmem>>
    %dma_start3A_368 = tpu.memref_slice %arg7[%multiple_of3A_361, %multiple_of3A_364] : memref<10000x10000xf32, #tpu.memory_space<hbm>> -> memref<1x16xf32, #tpu.memory_space<hbm>>
    %dma_start3A_369 = arith.constant 5 : i32
    %dma_start3A_370 = arith.constant 32 : i32
    %dma_start3A_371 = tpu.memref_slice %arg15[%dma_start3A_369, %dma_start3A_370] : memref<16x128xf32, #tpu.memory_space<vmem>> -> memref<1x16xf32, #tpu.memory_space<vmem>>
    %dma_start3A_372 = tpu.memref_slice %arg7[%multiple_of3A_361, %multiple_of3A_364] : memref<10000x10000xf32, #tpu.memory_space<hbm>> -> memref<1x16xf32, #tpu.memory_space<hbm>>
    tpu.enqueue_dma source(%dma_start3A_372 : memref<1x16xf32, #tpu.memory_space<hbm>>) target(%dma_start3A_371 : memref<1x16xf32, #tpu.memory_space<vmem>>) target_semaphore(%arg19 : memref<!tpu.dma_semaphore, #tpu.memory_space<semaphore_mem>>)
    %slice3A_373 = vector.extract_strided_slice %get3A_284 {offsets = [6], sizes = [1], strides = [1]} : vector<16xi32> to vector<1xi32>
    %squeeze3A_374 = vector.extract %slice3A_373[0] : i32 from vector<1xi32>
    %multiple_of3A_375 = tpu.assume_multiple %squeeze3A_374, 8 : i32
    %slice3A_376 = vector.extract_strided_slice %shift_left3A_288 {offsets = [6], sizes = [1], strides = [1]} : vector<16xi32> to vector<1xi32>
    %squeeze3A_377 = vector.extract %slice3A_376[0] : i32 from vector<1xi32>
    %multiple_of3A_378 = tpu.assume_multiple %squeeze3A_377, 128 : i32
    %dma_start3A_379 = arith.constant 6 : i32
    %dma_start3A_380 = arith.constant 32 : i32
    %dma_start3A_381 = tpu.memref_slice %arg15[%dma_start3A_379, %dma_start3A_380] : memref<16x128xf32, #tpu.memory_space<vmem>> -> memref<1x16xf32, #tpu.memory_space<vmem>>
    %dma_start3A_382 = tpu.memref_slice %arg7[%multiple_of3A_375, %multiple_of3A_378] : memref<10000x10000xf32, #tpu.memory_space<hbm>> -> memref<1x16xf32, #tpu.memory_space<hbm>>
    %dma_start3A_383 = arith.constant 6 : i32
    %dma_start3A_384 = arith.constant 32 : i32
    %dma_start3A_385 = tpu.memref_slice %arg15[%dma_start3A_383, %dma_start3A_384] : memref<16x128xf32, #tpu.memory_space<vmem>> -> memref<1x16xf32, #tpu.memory_space<vmem>>
    %dma_start3A_386 = tpu.memref_slice %arg7[%multiple_of3A_375, %multiple_of3A_378] : memref<10000x10000xf32, #tpu.memory_space<hbm>> -> memref<1x16xf32, #tpu.memory_space<hbm>>
    tpu.enqueue_dma source(%dma_start3A_386 : memref<1x16xf32, #tpu.memory_space<hbm>>) target(%dma_start3A_385 : memref<1x16xf32, #tpu.memory_space<vmem>>) target_semaphore(%arg19 : memref<!tpu.dma_semaphore, #tpu.memory_space<semaphore_mem>>)
    %slice3A_387 = vector.extract_strided_slice %get3A_284 {offsets = [7], sizes = [1], strides = [1]} : vector<16xi32> to vector<1xi32>
    %squeeze3A_388 = vector.extract %slice3A_387[0] : i32 from vector<1xi32>
    %multiple_of3A_389 = tpu.assume_multiple %squeeze3A_388, 8 : i32
    %slice3A_390 = vector.extract_strided_slice %shift_left3A_288 {offsets = [7], sizes = [1], strides = [1]} : vector<16xi32> to vector<1xi32>
    %squeeze3A_391 = vector.extract %slice3A_390[0] : i32 from vector<1xi32>
    %multiple_of3A_392 = tpu.assume_multiple %squeeze3A_391, 128 : i32
    %dma_start3A_393 = arith.constant 7 : i32
    %dma_start3A_394 = arith.constant 32 : i32
    %dma_start3A_395 = tpu.memref_slice %arg15[%dma_start3A_393, %dma_start3A_394] : memref<16x128xf32, #tpu.memory_space<vmem>> -> memref<1x16xf32, #tpu.memory_space<vmem>>
    %dma_start3A_396 = tpu.memref_slice %arg7[%multiple_of3A_389, %multiple_of3A_392] : memref<10000x10000xf32, #tpu.memory_space<hbm>> -> memref<1x16xf32, #tpu.memory_space<hbm>>
    %dma_start3A_397 = arith.constant 7 : i32
    %dma_start3A_398 = arith.constant 32 : i32
    %dma_start3A_399 = tpu.memref_slice %arg15[%dma_start3A_397, %dma_start3A_398] : memref<16x128xf32, #tpu.memory_space<vmem>> -> memref<1x16xf32, #tpu.memory_space<vmem>>
    %dma_start3A_400 = tpu.memref_slice %arg7[%multiple_of3A_389, %multiple_of3A_392] : memref<10000x10000xf32, #tpu.memory_space<hbm>> -> memref<1x16xf32, #tpu.memory_space<hbm>>
    tpu.enqueue_dma source(%dma_start3A_400 : memref<1x16xf32, #tpu.memory_space<hbm>>) target(%dma_start3A_399 : memref<1x16xf32, #tpu.memory_space<vmem>>) target_semaphore(%arg19 : memref<!tpu.dma_semaphore, #tpu.memory_space<semaphore_mem>>)
    %slice3A_401 = vector.extract_strided_slice %get3A_284 {offsets = [8], sizes = [1], strides = [1]} : vector<16xi32> to vector<1xi32>
    %squeeze3A_402 = vector.extract %slice3A_401[0] : i32 from vector<1xi32>
    %multiple_of3A_403 = tpu.assume_multiple %squeeze3A_402, 8 : i32
    %slice3A_404 = vector.extract_strided_slice %shift_left3A_288 {offsets = [8], sizes = [1], strides = [1]} : vector<16xi32> to vector<1xi32>
    %squeeze3A_405 = vector.extract %slice3A_404[0] : i32 from vector<1xi32>
    %multiple_of3A_406 = tpu.assume_multiple %squeeze3A_405, 128 : i32
    %dma_start3A_407 = arith.constant 0 : i32
    %dma_start3A_408 = arith.constant 48 : i32
    %dma_start3A_409 = tpu.memref_slice %arg15[%dma_start3A_407, %dma_start3A_408] : memref<16x128xf32, #tpu.memory_space<vmem>> -> memref<1x16xf32, #tpu.memory_space<vmem>>
    %dma_start3A_410 = tpu.memref_slice %arg7[%multiple_of3A_403, %multiple_of3A_406] : memref<10000x10000xf32, #tpu.memory_space<hbm>> -> memref<1x16xf32, #tpu.memory_space<hbm>>
    %dma_start3A_411 = arith.constant 0 : i32
    %dma_start3A_412 = arith.constant 48 : i32
    %dma_start3A_413 = tpu.memref_slice %arg15[%dma_start3A_411, %dma_start3A_412] : memref<16x128xf32, #tpu.memory_space<vmem>> -> memref<1x16xf32, #tpu.memory_space<vmem>>
    %dma_start3A_414 = tpu.memref_slice %arg7[%multiple_of3A_403, %multiple_of3A_406] : memref<10000x10000xf32, #tpu.memory_space<hbm>> -> memref<1x16xf32, #tpu.memory_space<hbm>>
    tpu.enqueue_dma source(%dma_start3A_414 : memref<1x16xf32, #tpu.memory_space<hbm>>) target(%dma_start3A_413 : memref<1x16xf32, #tpu.memory_space<vmem>>) target_semaphore(%arg19 : memref<!tpu.dma_semaphore, #tpu.memory_space<semaphore_mem>>)
    %slice3A_415 = vector.extract_strided_slice %get3A_284 {offsets = [9], sizes = [1], strides = [1]} : vector<16xi32> to vector<1xi32>
    %squeeze3A_416 = vector.extract %slice3A_415[0] : i32 from vector<1xi32>
    %multiple_of3A_417 = tpu.assume_multiple %squeeze3A_416, 8 : i32
    %slice3A_418 = vector.extract_strided_slice %shift_left3A_288 {offsets = [9], sizes = [1], strides = [1]} : vector<16xi32> to vector<1xi32>
    %squeeze3A_419 = vector.extract %slice3A_418[0] : i32 from vector<1xi32>
    %multiple_of3A_420 = tpu.assume_multiple %squeeze3A_419, 128 : i32
    %dma_start3A_421 = arith.constant 1 : i32
    %dma_start3A_422 = arith.constant 48 : i32
    %dma_start3A_423 = tpu.memref_slice %arg15[%dma_start3A_421, %dma_start3A_422] : memref<16x128xf32, #tpu.memory_space<vmem>> -> memref<1x16xf32, #tpu.memory_space<vmem>>
    %dma_start3A_424 = tpu.memref_slice %arg7[%multiple_of3A_417, %multiple_of3A_420] : memref<10000x10000xf32, #tpu.memory_space<hbm>> -> memref<1x16xf32, #tpu.memory_space<hbm>>
    %dma_start3A_425 = arith.constant 1 : i32
    %dma_start3A_426 = arith.constant 48 : i32
    %dma_start3A_427 = tpu.memref_slice %arg15[%dma_start3A_425, %dma_start3A_426] : memref<16x128xf32, #tpu.memory_space<vmem>> -> memref<1x16xf32, #tpu.memory_space<vmem>>
    %dma_start3A_428 = tpu.memref_slice %arg7[%multiple_of3A_417, %multiple_of3A_420] : memref<10000x10000xf32, #tpu.memory_space<hbm>> -> memref<1x16xf32, #tpu.memory_space<hbm>>
    tpu.enqueue_dma source(%dma_start3A_428 : memref<1x16xf32, #tpu.memory_space<hbm>>) target(%dma_start3A_427 : memref<1x16xf32, #tpu.memory_space<vmem>>) target_semaphore(%arg19 : memref<!tpu.dma_semaphore, #tpu.memory_space<semaphore_mem>>)
    %slice3A_429 = vector.extract_strided_slice %get3A_284 {offsets = [10], sizes = [1], strides = [1]} : vector<16xi32> to vector<1xi32>
    %squeeze3A_430 = vector.extract %slice3A_429[0] : i32 from vector<1xi32>
    %multiple_of3A_431 = tpu.assume_multiple %squeeze3A_430, 8 : i32
    %slice3A_432 = vector.extract_strided_slice %shift_left3A_288 {offsets = [10], sizes = [1], strides = [1]} : vector<16xi32> to vector<1xi32>
    %squeeze3A_433 = vector.extract %slice3A_432[0] : i32 from vector<1xi32>
    %multiple_of3A_434 = tpu.assume_multiple %squeeze3A_433, 128 : i32
    %dma_start3A_435 = arith.constant 2 : i32
    %dma_start3A_436 = arith.constant 48 : i32
    %dma_start3A_437 = tpu.memref_slice %arg15[%dma_start3A_435, %dma_start3A_436] : memref<16x128xf32, #tpu.memory_space<vmem>> -> memref<1x16xf32, #tpu.memory_space<vmem>>
    %dma_start3A_438 = tpu.memref_slice %arg7[%multiple_of3A_431, %multiple_of3A_434] : memref<10000x10000xf32, #tpu.memory_space<hbm>> -> memref<1x16xf32, #tpu.memory_space<hbm>>
    %dma_start3A_439 = arith.constant 2 : i32
    %dma_start3A_440 = arith.constant 48 : i32
    %dma_start3A_441 = tpu.memref_slice %arg15[%dma_start3A_439, %dma_start3A_440] : memref<16x128xf32, #tpu.memory_space<vmem>> -> memref<1x16xf32, #tpu.memory_space<vmem>>
    %dma_start3A_442 = tpu.memref_slice %arg7[%multiple_of3A_431, %multiple_of3A_434] : memref<10000x10000xf32, #tpu.memory_space<hbm>> -> memref<1x16xf32, #tpu.memory_space<hbm>>
    tpu.enqueue_dma source(%dma_start3A_442 : memref<1x16xf32, #tpu.memory_space<hbm>>) target(%dma_start3A_441 : memref<1x16xf32, #tpu.memory_space<vmem>>) target_semaphore(%arg19 : memref<!tpu.dma_semaphore, #tpu.memory_space<semaphore_mem>>)
    %slice3A_443 = vector.extract_strided_slice %get3A_284 {offsets = [11], sizes = [1], strides = [1]} : vector<16xi32> to vector<1xi32>
    %squeeze3A_444 = vector.extract %slice3A_443[0] : i32 from vector<1xi32>
    %multiple_of3A_445 = tpu.assume_multiple %squeeze3A_444, 8 : i32
    %slice3A_446 = vector.extract_strided_slice %shift_left3A_288 {offsets = [11], sizes = [1], strides = [1]} : vector<16xi32> to vector<1xi32>
    %squeeze3A_447 = vector.extract %slice3A_446[0] : i32 from vector<1xi32>
    %multiple_of3A_448 = tpu.assume_multiple %squeeze3A_447, 128 : i32
    %dma_start3A_449 = arith.constant 3 : i32
    %dma_start3A_450 = arith.constant 48 : i32
    %dma_start3A_451 = tpu.memref_slice %arg15[%dma_start3A_449, %dma_start3A_450] : memref<16x128xf32, #tpu.memory_space<vmem>> -> memref<1x16xf32, #tpu.memory_space<vmem>>
    %dma_start3A_452 = tpu.memref_slice %arg7[%multiple_of3A_445, %multiple_of3A_448] : memref<10000x10000xf32, #tpu.memory_space<hbm>> -> memref<1x16xf32, #tpu.memory_space<hbm>>
    %dma_start3A_453 = arith.constant 3 : i32
    %dma_start3A_454 = arith.constant 48 : i32
    %dma_start3A_455 = tpu.memref_slice %arg15[%dma_start3A_453, %dma_start3A_454] : memref<16x128xf32, #tpu.memory_space<vmem>> -> memref<1x16xf32, #tpu.memory_space<vmem>>
    %dma_start3A_456 = tpu.memref_slice %arg7[%multiple_of3A_445, %multiple_of3A_448] : memref<10000x10000xf32, #tpu.memory_space<hbm>> -> memref<1x16xf32, #tpu.memory_space<hbm>>
    tpu.enqueue_dma source(%dma_start3A_456 : memref<1x16xf32, #tpu.memory_space<hbm>>) target(%dma_start3A_455 : memref<1x16xf32, #tpu.memory_space<vmem>>) target_semaphore(%arg19 : memref<!tpu.dma_semaphore, #tpu.memory_space<semaphore_mem>>)
    %slice3A_457 = vector.extract_strided_slice %get3A_284 {offsets = [12], sizes = [1], strides = [1]} : vector<16xi32> to vector<1xi32>
    %squeeze3A_458 = vector.extract %slice3A_457[0] : i32 from vector<1xi32>
    %multiple_of3A_459 = tpu.assume_multiple %squeeze3A_458, 8 : i32
    %slice3A_460 = vector.extract_strided_slice %shift_left3A_288 {offsets = [12], sizes = [1], strides = [1]} : vector<16xi32> to vector<1xi32>
    %squeeze3A_461 = vector.extract %slice3A_460[0] : i32 from vector<1xi32>
    %multiple_of3A_462 = tpu.assume_multiple %squeeze3A_461, 128 : i32
    %dma_start3A_463 = arith.constant 4 : i32
    %dma_start3A_464 = arith.constant 48 : i32
    %dma_start3A_465 = tpu.memref_slice %arg15[%dma_start3A_463, %dma_start3A_464] : memref<16x128xf32, #tpu.memory_space<vmem>> -> memref<1x16xf32, #tpu.memory_space<vmem>>
    %dma_start3A_466 = tpu.memref_slice %arg7[%multiple_of3A_459, %multiple_of3A_462] : memref<10000x10000xf32, #tpu.memory_space<hbm>> -> memref<1x16xf32, #tpu.memory_space<hbm>>
    %dma_start3A_467 = arith.constant 4 : i32
    %dma_start3A_468 = arith.constant 48 : i32
    %dma_start3A_469 = tpu.memref_slice %arg15[%dma_start3A_467, %dma_start3A_468] : memref<16x128xf32, #tpu.memory_space<vmem>> -> memref<1x16xf32, #tpu.memory_space<vmem>>
    %dma_start3A_470 = tpu.memref_slice %arg7[%multiple_of3A_459, %multiple_of3A_462] : memref<10000x10000xf32, #tpu.memory_space<hbm>> -> memref<1x16xf32, #tpu.memory_space<hbm>>
    tpu.enqueue_dma source(%dma_start3A_470 : memref<1x16xf32, #tpu.memory_space<hbm>>) target(%dma_start3A_469 : memref<1x16xf32, #tpu.memory_space<vmem>>) target_semaphore(%arg19 : memref<!tpu.dma_semaphore, #tpu.memory_space<semaphore_mem>>)
    %slice3A_471 = vector.extract_strided_slice %get3A_284 {offsets = [13], sizes = [1], strides = [1]} : vector<16xi32> to vector<1xi32>
    %squeeze3A_472 = vector.extract %slice3A_471[0] : i32 from vector<1xi32>
    %multiple_of3A_473 = tpu.assume_multiple %squeeze3A_472, 8 : i32
    %slice3A_474 = vector.extract_strided_slice %shift_left3A_288 {offsets = [13], sizes = [1], strides = [1]} : vector<16xi32> to vector<1xi32>
    %squeeze3A_475 = vector.extract %slice3A_474[0] : i32 from vector<1xi32>
    %multiple_of3A_476 = tpu.assume_multiple %squeeze3A_475, 128 : i32
    %dma_start3A_477 = arith.constant 5 : i32
    %dma_start3A_478 = arith.constant 48 : i32
    %dma_start3A_479 = tpu.memref_slice %arg15[%dma_start3A_477, %dma_start3A_478] : memref<16x128xf32, #tpu.memory_space<vmem>> -> memref<1x16xf32, #tpu.memory_space<vmem>>
    %dma_start3A_480 = tpu.memref_slice %arg7[%multiple_of3A_473, %multiple_of3A_476] : memref<10000x10000xf32, #tpu.memory_space<hbm>> -> memref<1x16xf32, #tpu.memory_space<hbm>>
    %dma_start3A_481 = arith.constant 5 : i32
    %dma_start3A_482 = arith.constant 48 : i32
    %dma_start3A_483 = tpu.memref_slice %arg15[%dma_start3A_481, %dma_start3A_482] : memref<16x128xf32, #tpu.memory_space<vmem>> -> memref<1x16xf32, #tpu.memory_space<vmem>>
    %dma_start3A_484 = tpu.memref_slice %arg7[%multiple_of3A_473, %multiple_of3A_476] : memref<10000x10000xf32, #tpu.memory_space<hbm>> -> memref<1x16xf32, #tpu.memory_space<hbm>>
    tpu.enqueue_dma source(%dma_start3A_484 : memref<1x16xf32, #tpu.memory_space<hbm>>) target(%dma_start3A_483 : memref<1x16xf32, #tpu.memory_space<vmem>>) target_semaphore(%arg19 : memref<!tpu.dma_semaphore, #tpu.memory_space<semaphore_mem>>)
    %slice3A_485 = vector.extract_strided_slice %get3A_284 {offsets = [14], sizes = [1], strides = [1]} : vector<16xi32> to vector<1xi32>
    %squeeze3A_486 = vector.extract %slice3A_485[0] : i32 from vector<1xi32>
    %multiple_of3A_487 = tpu.assume_multiple %squeeze3A_486, 8 : i32
    %slice3A_488 = vector.extract_strided_slice %shift_left3A_288 {offsets = [14], sizes = [1], strides = [1]} : vector<16xi32> to vector<1xi32>
    %squeeze3A_489 = vector.extract %slice3A_488[0] : i32 from vector<1xi32>
    %multiple_of3A_490 = tpu.assume_multiple %squeeze3A_489, 128 : i32
    %dma_start3A_491 = arith.constant 6 : i32
    %dma_start3A_492 = arith.constant 48 : i32
    %dma_start3A_493 = tpu.memref_slice %arg15[%dma_start3A_491, %dma_start3A_492] : memref<16x128xf32, #tpu.memory_space<vmem>> -> memref<1x16xf32, #tpu.memory_space<vmem>>
    %dma_start3A_494 = tpu.memref_slice %arg7[%multiple_of3A_487, %multiple_of3A_490] : memref<10000x10000xf32, #tpu.memory_space<hbm>> -> memref<1x16xf32, #tpu.memory_space<hbm>>
    %dma_start3A_495 = arith.constant 6 : i32
    %dma_start3A_496 = arith.constant 48 : i32
    %dma_start3A_497 = tpu.memref_slice %arg15[%dma_start3A_495, %dma_start3A_496] : memref<16x128xf32, #tpu.memory_space<vmem>> -> memref<1x16xf32, #tpu.memory_space<vmem>>
    %dma_start3A_498 = tpu.memref_slice %arg7[%multiple_of3A_487, %multiple_of3A_490] : memref<10000x10000xf32, #tpu.memory_space<hbm>> -> memref<1x16xf32, #tpu.memory_space<hbm>>
    tpu.enqueue_dma source(%dma_start3A_498 : memref<1x16xf32, #tpu.memory_space<hbm>>) target(%dma_start3A_497 : memref<1x16xf32, #tpu.memory_space<vmem>>) target_semaphore(%arg19 : memref<!tpu.dma_semaphore, #tpu.memory_space<semaphore_mem>>)
    %slice3A_499 = vector.extract_strided_slice %get3A_284 {offsets = [15], sizes = [1], strides = [1]} : vector<16xi32> to vector<1xi32>
    %squeeze3A_500 = vector.extract %slice3A_499[0] : i32 from vector<1xi32>
    %multiple_of3A_501 = tpu.assume_multiple %squeeze3A_500, 8 : i32
    %slice3A_502 = vector.extract_strided_slice %shift_left3A_288 {offsets = [15], sizes = [1], strides = [1]} : vector<16xi32> to vector<1xi32>
    %squeeze3A_503 = vector.extract %slice3A_502[0] : i32 from vector<1xi32>
    %multiple_of3A_504 = tpu.assume_multiple %squeeze3A_503, 128 : i32
    %dma_start3A_505 = arith.constant 7 : i32
    %dma_start3A_506 = arith.constant 48 : i32
    %dma_start3A_507 = tpu.memref_slice %arg15[%dma_start3A_505, %dma_start3A_506] : memref<16x128xf32, #tpu.memory_space<vmem>> -> memref<1x16xf32, #tpu.memory_space<vmem>>
    %dma_start3A_508 = tpu.memref_slice %arg7[%multiple_of3A_501, %multiple_of3A_504] : memref<10000x10000xf32, #tpu.memory_space<hbm>> -> memref<1x16xf32, #tpu.memory_space<hbm>>
    %dma_start3A_509 = arith.constant 7 : i32
    %dma_start3A_510 = arith.constant 48 : i32
    %dma_start3A_511 = tpu.memref_slice %arg15[%dma_start3A_509, %dma_start3A_510] : memref<16x128xf32, #tpu.memory_space<vmem>> -> memref<1x16xf32, #tpu.memory_space<vmem>>
    %dma_start3A_512 = tpu.memref_slice %arg7[%multiple_of3A_501, %multiple_of3A_504] : memref<10000x10000xf32, #tpu.memory_space<hbm>> -> memref<1x16xf32, #tpu.memory_space<hbm>>
    tpu.enqueue_dma source(%dma_start3A_512 : memref<1x16xf32, #tpu.memory_space<hbm>>) target(%dma_start3A_511 : memref<1x16xf32, #tpu.memory_space<vmem>>) target_semaphore(%arg19 : memref<!tpu.dma_semaphore, #tpu.memory_space<semaphore_mem>>)
    %get3A_513 = arith.constant 16 : index
    %get3A_514 = tpu.vector_load %arg9[%get3A_513] {strides = array<i32>} : memref<512xi32, #tpu.memory_space<vmem>>, vector<16xi32>,
    %get3A_515 = arith.constant 16 : index
    %get3A_516 = tpu.vector_load %arg10[%get3A_515] {strides = array<i32>} : memref<512xi32, #tpu.memory_space<vmem>>, vector<16xi32>,
    %shift_right_logical3A_517 = arith.shrui %get3A_516, %broadcast_in_dim3A_11 : vector<16xi32>
    %shift_left3A_518 = arith.shli %shift_right_logical3A_517, %broadcast_in_dim3A_11 : vector<16xi32>
    %slice3A_519 = vector.extract_strided_slice %get3A_514 {offsets = [0], sizes = [1], strides = [1]} : vector<16xi32> to vector<1xi32>
    %squeeze3A_520 = vector.extract %slice3A_519[0] : i32 from vector<1xi32>
    %multiple_of3A_521 = tpu.assume_multiple %squeeze3A_520, 8 : i32
    %slice3A_522 = vector.extract_strided_slice %shift_left3A_518 {offsets = [0], sizes = [1], strides = [1]} : vector<16xi32> to vector<1xi32>
    %squeeze3A_523 = vector.extract %slice3A_522[0] : i32 from vector<1xi32>
    %multiple_of3A_524 = tpu.assume_multiple %squeeze3A_523, 128 : i32
    %dma_start3A_525 = arith.constant 8 : i32
    %dma_start3A_526 = arith.constant 0 : i32
    %dma_start3A_527 = tpu.memref_slice %arg15[%dma_start3A_525, %dma_start3A_526] : memref<16x128xf32, #tpu.memory_space<vmem>> -> memref<1x16xf32, #tpu.memory_space<vmem>>
    %dma_start3A_528 = tpu.memref_slice %arg7[%multiple_of3A_521, %multiple_of3A_524] : memref<10000x10000xf32, #tpu.memory_space<hbm>> -> memref<1x16xf32, #tpu.memory_space<hbm>>
    %dma_start3A_529 = arith.constant 8 : i32
    %dma_start3A_530 = arith.constant 0 : i32
    %dma_start3A_531 = tpu.memref_slice %arg15[%dma_start3A_529, %dma_start3A_530] : memref<16x128xf32, #tpu.memory_space<vmem>> -> memref<1x16xf32, #tpu.memory_space<vmem>>
    %dma_start3A_532 = tpu.memref_slice %arg7[%multiple_of3A_521, %multiple_of3A_524] : memref<10000x10000xf32, #tpu.memory_space<hbm>> -> memref<1x16xf32, #tpu.memory_space<hbm>>
    tpu.enqueue_dma source(%dma_start3A_532 : memref<1x16xf32, #tpu.memory_space<hbm>>) target(%dma_start3A_531 : memref<1x16xf32, #tpu.memory_space<vmem>>) target_semaphore(%arg20 : memref<!tpu.dma_semaphore, #tpu.memory_space<semaphore_mem>>)
    %slice3A_533 = vector.extract_strided_slice %get3A_514 {offsets = [1], sizes = [1], strides = [1]} : vector<16xi32> to vector<1xi32>
    %squeeze3A_534 = vector.extract %slice3A_533[0] : i32 from vector<1xi32>
    %multiple_of3A_535 = tpu.assume_multiple %squeeze3A_534, 8 : i32
    %slice3A_536 = vector.extract_strided_slice %shift_left3A_518 {offsets = [1], sizes = [1], strides = [1]} : vector<16xi32> to vector<1xi32>
    %squeeze3A_537 = vector.extract %slice3A_536[0] : i32 from vector<1xi32>
    %multiple_of3A_538 = tpu.assume_multiple %squeeze3A_537, 128 : i32
    %dma_start3A_539 = arith.constant 9 : i32
    %dma_start3A_540 = arith.constant 0 : i32
    %dma_start3A_541 = tpu.memref_slice %arg15[%dma_start3A_539, %dma_start3A_540] : memref<16x128xf32, #tpu.memory_space<vmem>> -> memref<1x16xf32, #tpu.memory_space<vmem>>
    %dma_start3A_542 = tpu.memref_slice %arg7[%multiple_of3A_535, %multiple_of3A_538] : memref<10000x10000xf32, #tpu.memory_space<hbm>> -> memref<1x16xf32, #tpu.memory_space<hbm>>
    %dma_start3A_543 = arith.constant 9 : i32
    %dma_start3A_544 = arith.constant 0 : i32
    %dma_start3A_545 = tpu.memref_slice %arg15[%dma_start3A_543, %dma_start3A_544] : memref<16x128xf32, #tpu.memory_space<vmem>> -> memref<1x16xf32, #tpu.memory_space<vmem>>
    %dma_start3A_546 = tpu.memref_slice %arg7[%multiple_of3A_535, %multiple_of3A_538] : memref<10000x10000xf32, #tpu.memory_space<hbm>> -> memref<1x16xf32, #tpu.memory_space<hbm>>
    tpu.enqueue_dma source(%dma_start3A_546 : memref<1x16xf32, #tpu.memory_space<hbm>>) target(%dma_start3A_545 : memref<1x16xf32, #tpu.memory_space<vmem>>) target_semaphore(%arg20 : memref<!tpu.dma_semaphore, #tpu.memory_space<semaphore_mem>>)
    %slice3A_547 = vector.extract_strided_slice %get3A_514 {offsets = [2], sizes = [1], strides = [1]} : vector<16xi32> to vector<1xi32>
    %squeeze3A_548 = vector.extract %slice3A_547[0] : i32 from vector<1xi32>
    %multiple_of3A_549 = tpu.assume_multiple %squeeze3A_548, 8 : i32
    %slice3A_550 = vector.extract_strided_slice %shift_left3A_518 {offsets = [2], sizes = [1], strides = [1]} : vector<16xi32> to vector<1xi32>
    %squeeze3A_551 = vector.extract %slice3A_550[0] : i32 from vector<1xi32>
    %multiple_of3A_552 = tpu.assume_multiple %squeeze3A_551, 128 : i32
    %dma_start3A_553 = arith.constant 10 : i32
    %dma_start3A_554 = arith.constant 0 : i32
    %dma_start3A_555 = tpu.memref_slice %arg15[%dma_start3A_553, %dma_start3A_554] : memref<16x128xf32, #tpu.memory_space<vmem>> -> memref<1x16xf32, #tpu.memory_space<vmem>>
    %dma_start3A_556 = tpu.memref_slice %arg7[%multiple_of3A_549, %multiple_of3A_552] : memref<10000x10000xf32, #tpu.memory_space<hbm>> -> memref<1x16xf32, #tpu.memory_space<hbm>>
    %dma_start3A_557 = arith.constant 10 : i32
    %dma_start3A_558 = arith.constant 0 : i32
    %dma_start3A_559 = tpu.memref_slice %arg15[%dma_start3A_557, %dma_start3A_558] : memref<16x128xf32, #tpu.memory_space<vmem>> -> memref<1x16xf32, #tpu.memory_space<vmem>>
    %dma_start3A_560 = tpu.memref_slice %arg7[%multiple_of3A_549, %multiple_of3A_552] : memref<10000x10000xf32, #tpu.memory_space<hbm>> -> memref<1x16xf32, #tpu.memory_space<hbm>>
    tpu.enqueue_dma source(%dma_start3A_560 : memref<1x16xf32, #tpu.memory_space<hbm>>) target(%dma_start3A_559 : memref<1x16xf32, #tpu.memory_space<vmem>>) target_semaphore(%arg20 : memref<!tpu.dma_semaphore, #tpu.memory_space<semaphore_mem>>)
    %slice3A_561 = vector.extract_strided_slice %get3A_514 {offsets = [3], sizes = [1], strides = [1]} : vector<16xi32> to vector<1xi32>
    %squeeze3A_562 = vector.extract %slice3A_561[0] : i32 from vector<1xi32>
    %multiple_of3A_563 = tpu.assume_multiple %squeeze3A_562, 8 : i32
    %slice3A_564 = vector.extract_strided_slice %shift_left3A_518 {offsets = [3], sizes = [1], strides = [1]} : vector<16xi32> to vector<1xi32>
    %squeeze3A_565 = vector.extract %slice3A_564[0] : i32 from vector<1xi32>
    %multiple_of3A_566 = tpu.assume_multiple %squeeze3A_565, 128 : i32
    %dma_start3A_567 = arith.constant 11 : i32
    %dma_start3A_568 = arith.constant 0 : i32
    %dma_start3A_569 = tpu.memref_slice %arg15[%dma_start3A_567, %dma_start3A_568] : memref<16x128xf32, #tpu.memory_space<vmem>> -> memref<1x16xf32, #tpu.memory_space<vmem>>
    %dma_start3A_570 = tpu.memref_slice %arg7[%multiple_of3A_563, %multiple_of3A_566] : memref<10000x10000xf32, #tpu.memory_space<hbm>> -> memref<1x16xf32, #tpu.memory_space<hbm>>
    %dma_start3A_571 = arith.constant 11 : i32
    %dma_start3A_572 = arith.constant 0 : i32
    %dma_start3A_573 = tpu.memref_slice %arg15[%dma_start3A_571, %dma_start3A_572] : memref<16x128xf32, #tpu.memory_space<vmem>> -> memref<1x16xf32, #tpu.memory_space<vmem>>
    %dma_start3A_574 = tpu.memref_slice %arg7[%multiple_of3A_563, %multiple_of3A_566] : memref<10000x10000xf32, #tpu.memory_space<hbm>> -> memref<1x16xf32, #tpu.memory_space<hbm>>
    tpu.enqueue_dma source(%dma_start3A_574 : memref<1x16xf32, #tpu.memory_space<hbm>>) target(%dma_start3A_573 : memref<1x16xf32, #tpu.memory_space<vmem>>) target_semaphore(%arg20 : memref<!tpu.dma_semaphore, #tpu.memory_space<semaphore_mem>>)
    %slice3A_575 = vector.extract_strided_slice %get3A_514 {offsets = [4], sizes = [1], strides = [1]} : vector<16xi32> to vector<1xi32>
    %squeeze3A_576 = vector.extract %slice3A_575[0] : i32 from vector<1xi32>
    %multiple_of3A_577 = tpu.assume_multiple %squeeze3A_576, 8 : i32
    %slice3A_578 = vector.extract_strided_slice %shift_left3A_518 {offsets = [4], sizes = [1], strides = [1]} : vector<16xi32> to vector<1xi32>
    %squeeze3A_579 = vector.extract %slice3A_578[0] : i32 from vector<1xi32>
    %multiple_of3A_580 = tpu.assume_multiple %squeeze3A_579, 128 : i32
    %dma_start3A_581 = arith.constant 12 : i32
    %dma_start3A_582 = arith.constant 0 : i32
    %dma_start3A_583 = tpu.memref_slice %arg15[%dma_start3A_581, %dma_start3A_582] : memref<16x128xf32, #tpu.memory_space<vmem>> -> memref<1x16xf32, #tpu.memory_space<vmem>>
    %dma_start3A_584 = tpu.memref_slice %arg7[%multiple_of3A_577, %multiple_of3A_580] : memref<10000x10000xf32, #tpu.memory_space<hbm>> -> memref<1x16xf32, #tpu.memory_space<hbm>>
    %dma_start3A_585 = arith.constant 12 : i32
    %dma_start3A_586 = arith.constant 0 : i32
    %dma_start3A_587 = tpu.memref_slice %arg15[%dma_start3A_585, %dma_start3A_586] : memref<16x128xf32, #tpu.memory_space<vmem>> -> memref<1x16xf32, #tpu.memory_space<vmem>>
    %dma_start3A_588 = tpu.memref_slice %arg7[%multiple_of3A_577, %multiple_of3A_580] : memref<10000x10000xf32, #tpu.memory_space<hbm>> -> memref<1x16xf32, #tpu.memory_space<hbm>>
    tpu.enqueue_dma source(%dma_start3A_588 : memref<1x16xf32, #tpu.memory_space<hbm>>) target(%dma_start3A_587 : memref<1x16xf32, #tpu.memory_space<vmem>>) target_semaphore(%arg20 : memref<!tpu.dma_semaphore, #tpu.memory_space<semaphore_mem>>)
    %slice3A_589 = vector.extract_strided_slice %get3A_514 {offsets = [5], sizes = [1], strides = [1]} : vector<16xi32> to vector<1xi32>
    %squeeze3A_590 = vector.extract %slice3A_589[0] : i32 from vector<1xi32>
    %multiple_of3A_591 = tpu.assume_multiple %squeeze3A_590, 8 : i32
    %slice3A_592 = vector.extract_strided_slice %shift_left3A_518 {offsets = [5], sizes = [1], strides = [1]} : vector<16xi32> to vector<1xi32>
    %squeeze3A_593 = vector.extract %slice3A_592[0] : i32 from vector<1xi32>
    %multiple_of3A_594 = tpu.assume_multiple %squeeze3A_593, 128 : i32
    %dma_start3A_595 = arith.constant 13 : i32
    %dma_start3A_596 = arith.constant 0 : i32
    %dma_start3A_597 = tpu.memref_slice %arg15[%dma_start3A_595, %dma_start3A_596] : memref<16x128xf32, #tpu.memory_space<vmem>> -> memref<1x16xf32, #tpu.memory_space<vmem>>
    %dma_start3A_598 = tpu.memref_slice %arg7[%multiple_of3A_591, %multiple_of3A_594] : memref<10000x10000xf32, #tpu.memory_space<hbm>> -> memref<1x16xf32, #tpu.memory_space<hbm>>
    %dma_start3A_599 = arith.constant 13 : i32
    %dma_start3A_600 = arith.constant 0 : i32
    %dma_start3A_601 = tpu.memref_slice %arg15[%dma_start3A_599, %dma_start3A_600] : memref<16x128xf32, #tpu.memory_space<vmem>> -> memref<1x16xf32, #tpu.memory_space<vmem>>
    %dma_start3A_602 = tpu.memref_slice %arg7[%multiple_of3A_591, %multiple_of3A_594] : memref<10000x10000xf32, #tpu.memory_space<hbm>> -> memref<1x16xf32, #tpu.memory_space<hbm>>
    tpu.enqueue_dma source(%dma_start3A_602 : memref<1x16xf32, #tpu.memory_space<hbm>>) target(%dma_start3A_601 : memref<1x16xf32, #tpu.memory_space<vmem>>) target_semaphore(%arg20 : memref<!tpu.dma_semaphore, #tpu.memory_space<semaphore_mem>>)
    %slice3A_603 = vector.extract_strided_slice %get3A_514 {offsets = [6], sizes = [1], strides = [1]} : vector<16xi32> to vector<1xi32>
    %squeeze3A_604 = vector.extract %slice3A_603[0] : i32 from vector<1xi32>
    %multiple_of3A_605 = tpu.assume_multiple %squeeze3A_604, 8 : i32
    %slice3A_606 = vector.extract_strided_slice %shift_left3A_518 {offsets = [6], sizes = [1], strides = [1]} : vector<16xi32> to vector<1xi32>
    %squeeze3A_607 = vector.extract %slice3A_606[0] : i32 from vector<1xi32>
    %multiple_of3A_608 = tpu.assume_multiple %squeeze3A_607, 128 : i32
    %dma_start3A_609 = arith.constant 14 : i32
    %dma_start3A_610 = arith.constant 0 : i32
    %dma_start3A_611 = tpu.memref_slice %arg15[%dma_start3A_609, %dma_start3A_610] : memref<16x128xf32, #tpu.memory_space<vmem>> -> memref<1x16xf32, #tpu.memory_space<vmem>>
    %dma_start3A_612 = tpu.memref_slice %arg7[%multiple_of3A_605, %multiple_of3A_608] : memref<10000x10000xf32, #tpu.memory_space<hbm>> -> memref<1x16xf32, #tpu.memory_space<hbm>>
    %dma_start3A_613 = arith.constant 14 : i32
    %dma_start3A_614 = arith.constant 0 : i32
    %dma_start3A_615 = tpu.memref_slice %arg15[%dma_start3A_613, %dma_start3A_614] : memref<16x128xf32, #tpu.memory_space<vmem>> -> memref<1x16xf32, #tpu.memory_space<vmem>>
    %dma_start3A_616 = tpu.memref_slice %arg7[%multiple_of3A_605, %multiple_of3A_608] : memref<10000x10000xf32, #tpu.memory_space<hbm>> -> memref<1x16xf32, #tpu.memory_space<hbm>>
    tpu.enqueue_dma source(%dma_start3A_616 : memref<1x16xf32, #tpu.memory_space<hbm>>) target(%dma_start3A_615 : memref<1x16xf32, #tpu.memory_space<vmem>>) target_semaphore(%arg20 : memref<!tpu.dma_semaphore, #tpu.memory_space<semaphore_mem>>)
    %slice3A_617 = vector.extract_strided_slice %get3A_514 {offsets = [7], sizes = [1], strides = [1]} : vector<16xi32> to vector<1xi32>
    %squeeze3A_618 = vector.extract %slice3A_617[0] : i32 from vector<1xi32>
    %multiple_of3A_619 = tpu.assume_multiple %squeeze3A_618, 8 : i32
    %slice3A_620 = vector.extract_strided_slice %shift_left3A_518 {offsets = [7], sizes = [1], strides = [1]} : vector<16xi32> to vector<1xi32>
    %squeeze3A_621 = vector.extract %slice3A_620[0] : i32 from vector<1xi32>
    %multiple_of3A_622 = tpu.assume_multiple %squeeze3A_621, 128 : i32
    %dma_start3A_623 = arith.constant 15 : i32
    %dma_start3A_624 = arith.constant 0 : i32
    %dma_start3A_625 = tpu.memref_slice %arg15[%dma_start3A_623, %dma_start3A_624] : memref<16x128xf32, #tpu.memory_space<vmem>> -> memref<1x16xf32, #tpu.memory_space<vmem>>
    %dma_start3A_626 = tpu.memref_slice %arg7[%multiple_of3A_619, %multiple_of3A_622] : memref<10000x10000xf32, #tpu.memory_space<hbm>> -> memref<1x16xf32, #tpu.memory_space<hbm>>
    %dma_start3A_627 = arith.constant 15 : i32
    %dma_start3A_628 = arith.constant 0 : i32
    %dma_start3A_629 = tpu.memref_slice %arg15[%dma_start3A_627, %dma_start3A_628] : memref<16x128xf32, #tpu.memory_space<vmem>> -> memref<1x16xf32, #tpu.memory_space<vmem>>
    %dma_start3A_630 = tpu.memref_slice %arg7[%multiple_of3A_619, %multiple_of3A_622] : memref<10000x10000xf32, #tpu.memory_space<hbm>> -> memref<1x16xf32, #tpu.memory_space<hbm>>
    tpu.enqueue_dma source(%dma_start3A_630 : memref<1x16xf32, #tpu.memory_space<hbm>>) target(%dma_start3A_629 : memref<1x16xf32, #tpu.memory_space<vmem>>) target_semaphore(%arg20 : memref<!tpu.dma_semaphore, #tpu.memory_space<semaphore_mem>>)
    %slice3A_631 = vector.extract_strided_slice %get3A_514 {offsets = [8], sizes = [1], strides = [1]} : vector<16xi32> to vector<1xi32>
    %squeeze3A_632 = vector.extract %slice3A_631[0] : i32 from vector<1xi32>
    %multiple_of3A_633 = tpu.assume_multiple %squeeze3A_632, 8 : i32
    %slice3A_634 = vector.extract_strided_slice %shift_left3A_518 {offsets = [8], sizes = [1], strides = [1]} : vector<16xi32> to vector<1xi32>
    %squeeze3A_635 = vector.extract %slice3A_634[0] : i32 from vector<1xi32>
    %multiple_of3A_636 = tpu.assume_multiple %squeeze3A_635, 128 : i32
    %dma_start3A_637 = arith.constant 8 : i32
    %dma_start3A_638 = arith.constant 16 : i32
    %dma_start3A_639 = tpu.memref_slice %arg15[%dma_start3A_637, %dma_start3A_638] : memref<16x128xf32, #tpu.memory_space<vmem>> -> memref<1x16xf32, #tpu.memory_space<vmem>>
    %dma_start3A_640 = tpu.memref_slice %arg7[%multiple_of3A_633, %multiple_of3A_636] : memref<10000x10000xf32, #tpu.memory_space<hbm>> -> memref<1x16xf32, #tpu.memory_space<hbm>>
    %dma_start3A_641 = arith.constant 8 : i32
    %dma_start3A_642 = arith.constant 16 : i32
    %dma_start3A_643 = tpu.memref_slice %arg15[%dma_start3A_641, %dma_start3A_642] : memref<16x128xf32, #tpu.memory_space<vmem>> -> memref<1x16xf32, #tpu.memory_space<vmem>>
    %dma_start3A_644 = tpu.memref_slice %arg7[%multiple_of3A_633, %multiple_of3A_636] : memref<10000x10000xf32, #tpu.memory_space<hbm>> -> memref<1x16xf32, #tpu.memory_space<hbm>>
    tpu.enqueue_dma source(%dma_start3A_644 : memref<1x16xf32, #tpu.memory_space<hbm>>) target(%dma_start3A_643 : memref<1x16xf32, #tpu.memory_space<vmem>>) target_semaphore(%arg20 : memref<!tpu.dma_semaphore, #tpu.memory_space<semaphore_mem>>)
    %slice3A_645 = vector.extract_strided_slice %get3A_514 {offsets = [9], sizes = [1], strides = [1]} : vector<16xi32> to vector<1xi32>
    %squeeze3A_646 = vector.extract %slice3A_645[0] : i32 from vector<1xi32>
    %multiple_of3A_647 = tpu.assume_multiple %squeeze3A_646, 8 : i32
    %slice3A_648 = vector.extract_strided_slice %shift_left3A_518 {offsets = [9], sizes = [1], strides = [1]} : vector<16xi32> to vector<1xi32>
    %squeeze3A_649 = vector.extract %slice3A_648[0] : i32 from vector<1xi32>
    %multiple_of3A_650 = tpu.assume_multiple %squeeze3A_649, 128 : i32
    %dma_start3A_651 = arith.constant 9 : i32
    %dma_start3A_652 = arith.constant 16 : i32
    %dma_start3A_653 = tpu.memref_slice %arg15[%dma_start3A_651, %dma_start3A_652] : memref<16x128xf32, #tpu.memory_space<vmem>> -> memref<1x16xf32, #tpu.memory_space<vmem>>
    %dma_start3A_654 = tpu.memref_slice %arg7[%multiple_of3A_647, %multiple_of3A_650] : memref<10000x10000xf32, #tpu.memory_space<hbm>> -> memref<1x16xf32, #tpu.memory_space<hbm>>
    %dma_start3A_655 = arith.constant 9 : i32
    %dma_start3A_656 = arith.constant 16 : i32
    %dma_start3A_657 = tpu.memref_slice %arg15[%dma_start3A_655, %dma_start3A_656] : memref<16x128xf32, #tpu.memory_space<vmem>> -> memref<1x16xf32, #tpu.memory_space<vmem>>
    %dma_start3A_658 = tpu.memref_slice %arg7[%multiple_of3A_647, %multiple_of3A_650] : memref<10000x10000xf32, #tpu.memory_space<hbm>> -> memref<1x16xf32, #tpu.memory_space<hbm>>
    tpu.enqueue_dma source(%dma_start3A_658 : memref<1x16xf32, #tpu.memory_space<hbm>>) target(%dma_start3A_657 : memref<1x16xf32, #tpu.memory_space<vmem>>) target_semaphore(%arg20 : memref<!tpu.dma_semaphore, #tpu.memory_space<semaphore_mem>>)
    %slice3A_659 = vector.extract_strided_slice %get3A_514 {offsets = [10], sizes = [1], strides = [1]} : vector<16xi32> to vector<1xi32>
    %squeeze3A_660 = vector.extract %slice3A_659[0] : i32 from vector<1xi32>
    %multiple_of3A_661 = tpu.assume_multiple %squeeze3A_660, 8 : i32
    %slice3A_662 = vector.extract_strided_slice %shift_left3A_518 {offsets = [10], sizes = [1], strides = [1]} : vector<16xi32> to vector<1xi32>
    %squeeze3A_663 = vector.extract %slice3A_662[0] : i32 from vector<1xi32>
    %multiple_of3A_664 = tpu.assume_multiple %squeeze3A_663, 128 : i32
    %dma_start3A_665 = arith.constant 10 : i32
    %dma_start3A_666 = arith.constant 16 : i32
    %dma_start3A_667 = tpu.memref_slice %arg15[%dma_start3A_665, %dma_start3A_666] : memref<16x128xf32, #tpu.memory_space<vmem>> -> memref<1x16xf32, #tpu.memory_space<vmem>>
    %dma_start3A_668 = tpu.memref_slice %arg7[%multiple_of3A_661, %multiple_of3A_664] : memref<10000x10000xf32, #tpu.memory_space<hbm>> -> memref<1x16xf32, #tpu.memory_space<hbm>>
    %dma_start3A_669 = arith.constant 10 : i32
    %dma_start3A_670 = arith.constant 16 : i32
    %dma_start3A_671 = tpu.memref_slice %arg15[%dma_start3A_669, %dma_start3A_670] : memref<16x128xf32, #tpu.memory_space<vmem>> -> memref<1x16xf32, #tpu.memory_space<vmem>>
    %dma_start3A_672 = tpu.memref_slice %arg7[%multiple_of3A_661, %multiple_of3A_664] : memref<10000x10000xf32, #tpu.memory_space<hbm>> -> memref<1x16xf32, #tpu.memory_space<hbm>>
    tpu.enqueue_dma source(%dma_start3A_672 : memref<1x16xf32, #tpu.memory_space<hbm>>) target(%dma_start3A_671 : memref<1x16xf32, #tpu.memory_space<vmem>>) target_semaphore(%arg20 : memref<!tpu.dma_semaphore, #tpu.memory_space<semaphore_mem>>)
    %slice3A_673 = vector.extract_strided_slice %get3A_514 {offsets = [11], sizes = [1], strides = [1]} : vector<16xi32> to vector<1xi32>
    %squeeze3A_674 = vector.extract %slice3A_673[0] : i32 from vector<1xi32>
    %multiple_of3A_675 = tpu.assume_multiple %squeeze3A_674, 8 : i32
    %slice3A_676 = vector.extract_strided_slice %shift_left3A_518 {offsets = [11], sizes = [1], strides = [1]} : vector<16xi32> to vector<1xi32>
    %squeeze3A_677 = vector.extract %slice3A_676[0] : i32 from vector<1xi32>
    %multiple_of3A_678 = tpu.assume_multiple %squeeze3A_677, 128 : i32
    %dma_start3A_679 = arith.constant 11 : i32
    %dma_start3A_680 = arith.constant 16 : i32
    %dma_start3A_681 = tpu.memref_slice %arg15[%dma_start3A_679, %dma_start3A_680] : memref<16x128xf32, #tpu.memory_space<vmem>> -> memref<1x16xf32, #tpu.memory_space<vmem>>
    %dma_start3A_682 = tpu.memref_slice %arg7[%multiple_of3A_675, %multiple_of3A_678] : memref<10000x10000xf32, #tpu.memory_space<hbm>> -> memref<1x16xf32, #tpu.memory_space<hbm>>
    %dma_start3A_683 = arith.constant 11 : i32
    %dma_start3A_684 = arith.constant 16 : i32
    %dma_start3A_685 = tpu.memref_slice %arg15[%dma_start3A_683, %dma_start3A_684] : memref<16x128xf32, #tpu.memory_space<vmem>> -> memref<1x16xf32, #tpu.memory_space<vmem>>
    %dma_start3A_686 = tpu.memref_slice %arg7[%multiple_of3A_675, %multiple_of3A_678] : memref<10000x10000xf32, #tpu.memory_space<hbm>> -> memref<1x16xf32, #tpu.memory_space<hbm>>
    tpu.enqueue_dma source(%dma_start3A_686 : memref<1x16xf32, #tpu.memory_space<hbm>>) target(%dma_start3A_685 : memref<1x16xf32, #tpu.memory_space<vmem>>) target_semaphore(%arg20 : memref<!tpu.dma_semaphore, #tpu.memory_space<semaphore_mem>>)
    %slice3A_687 = vector.extract_strided_slice %get3A_514 {offsets = [12], sizes = [1], strides = [1]} : vector<16xi32> to vector<1xi32>
    %squeeze3A_688 = vector.extract %slice3A_687[0] : i32 from vector<1xi32>
    %multiple_of3A_689 = tpu.assume_multiple %squeeze3A_688, 8 : i32
    %slice3A_690 = vector.extract_strided_slice %shift_left3A_518 {offsets = [12], sizes = [1], strides = [1]} : vector<16xi32> to vector<1xi32>
    %squeeze3A_691 = vector.extract %slice3A_690[0] : i32 from vector<1xi32>
    %multiple_of3A_692 = tpu.assume_multiple %squeeze3A_691, 128 : i32
    %dma_start3A_693 = arith.constant 12 : i32
    %dma_start3A_694 = arith.constant 16 : i32
    %dma_start3A_695 = tpu.memref_slice %arg15[%dma_start3A_693, %dma_start3A_694] : memref<16x128xf32, #tpu.memory_space<vmem>> -> memref<1x16xf32, #tpu.memory_space<vmem>>
    %dma_start3A_696 = tpu.memref_slice %arg7[%multiple_of3A_689, %multiple_of3A_692] : memref<10000x10000xf32, #tpu.memory_space<hbm>> -> memref<1x16xf32, #tpu.memory_space<hbm>>
    %dma_start3A_697 = arith.constant 12 : i32
    %dma_start3A_698 = arith.constant 16 : i32
    %dma_start3A_699 = tpu.memref_slice %arg15[%dma_start3A_697, %dma_start3A_698] : memref<16x128xf32, #tpu.memory_space<vmem>> -> memref<1x16xf32, #tpu.memory_space<vmem>>
    %dma_start3A_700 = tpu.memref_slice %arg7[%multiple_of3A_689, %multiple_of3A_692] : memref<10000x10000xf32, #tpu.memory_space<hbm>> -> memref<1x16xf32, #tpu.memory_space<hbm>>
    tpu.enqueue_dma source(%dma_start3A_700 : memref<1x16xf32, #tpu.memory_space<hbm>>) target(%dma_start3A_699 : memref<1x16xf32, #tpu.memory_space<vmem>>) target_semaphore(%arg20 : memref<!tpu.dma_semaphore, #tpu.memory_space<semaphore_mem>>)
    %slice3A_701 = vector.extract_strided_slice %get3A_514 {offsets = [13], sizes = [1], strides = [1]} : vector<16xi32> to vector<1xi32>
    %squeeze3A_702 = vector.extract %slice3A_701[0] : i32 from vector<1xi32>
    %multiple_of3A_703 = tpu.assume_multiple %squeeze3A_702, 8 : i32
    %slice3A_704 = vector.extract_strided_slice %shift_left3A_518 {offsets = [13], sizes = [1], strides = [1]} : vector<16xi32> to vector<1xi32>
    %squeeze3A_705 = vector.extract %slice3A_704[0] : i32 from vector<1xi32>
    %multiple_of3A_706 = tpu.assume_multiple %squeeze3A_705, 128 : i32
    %dma_start3A_707 = arith.constant 13 : i32
    %dma_start3A_708 = arith.constant 16 : i32
    %dma_start3A_709 = tpu.memref_slice %arg15[%dma_start3A_707, %dma_start3A_708] : memref<16x128xf32, #tpu.memory_space<vmem>> -> memref<1x16xf32, #tpu.memory_space<vmem>>
    %dma_start3A_710 = tpu.memref_slice %arg7[%multiple_of3A_703, %multiple_of3A_706] : memref<10000x10000xf32, #tpu.memory_space<hbm>> -> memref<1x16xf32, #tpu.memory_space<hbm>>
    %dma_start3A_711 = arith.constant 13 : i32
    %dma_start3A_712 = arith.constant 16 : i32
    %dma_start3A_713 = tpu.memref_slice %arg15[%dma_start3A_711, %dma_start3A_712] : memref<16x128xf32, #tpu.memory_space<vmem>> -> memref<1x16xf32, #tpu.memory_space<vmem>>
    %dma_start3A_714 = tpu.memref_slice %arg7[%multiple_of3A_703, %multiple_of3A_706] : memref<10000x10000xf32, #tpu.memory_space<hbm>> -> memref<1x16xf32, #tpu.memory_space<hbm>>
    tpu.enqueue_dma source(%dma_start3A_714 : memref<1x16xf32, #tpu.memory_space<hbm>>) target(%dma_start3A_713 : memref<1x16xf32, #tpu.memory_space<vmem>>) target_semaphore(%arg20 : memref<!tpu.dma_semaphore, #tpu.memory_space<semaphore_mem>>)
    %slice3A_715 = vector.extract_strided_slice %get3A_514 {offsets = [14], sizes = [1], strides = [1]} : vector<16xi32> to vector<1xi32>
    %squeeze3A_716 = vector.extract %slice3A_715[0] : i32 from vector<1xi32>
    %multiple_of3A_717 = tpu.assume_multiple %squeeze3A_716, 8 : i32
    %slice3A_718 = vector.extract_strided_slice %shift_left3A_518 {offsets = [14], sizes = [1], strides = [1]} : vector<16xi32> to vector<1xi32>
    %squeeze3A_719 = vector.extract %slice3A_718[0] : i32 from vector<1xi32>
    %multiple_of3A_720 = tpu.assume_multiple %squeeze3A_719, 128 : i32
    %dma_start3A_721 = arith.constant 14 : i32
    %dma_start3A_722 = arith.constant 16 : i32
    %dma_start3A_723 = tpu.memref_slice %arg15[%dma_start3A_721, %dma_start3A_722] : memref<16x128xf32, #tpu.memory_space<vmem>> -> memref<1x16xf32, #tpu.memory_space<vmem>>
    %dma_start3A_724 = tpu.memref_slice %arg7[%multiple_of3A_717, %multiple_of3A_720] : memref<10000x10000xf32, #tpu.memory_space<hbm>> -> memref<1x16xf32, #tpu.memory_space<hbm>>
    %dma_start3A_725 = arith.constant 14 : i32
    %dma_start3A_726 = arith.constant 16 : i32
    %dma_start3A_727 = tpu.memref_slice %arg15[%dma_start3A_725, %dma_start3A_726] : memref<16x128xf32, #tpu.memory_space<vmem>> -> memref<1x16xf32, #tpu.memory_space<vmem>>
    %dma_start3A_728 = tpu.memref_slice %arg7[%multiple_of3A_717, %multiple_of3A_720] : memref<10000x10000xf32, #tpu.memory_space<hbm>> -> memref<1x16xf32, #tpu.memory_space<hbm>>
    tpu.enqueue_dma source(%dma_start3A_728 : memref<1x16xf32, #tpu.memory_space<hbm>>) target(%dma_start3A_727 : memref<1x16xf32, #tpu.memory_space<vmem>>) target_semaphore(%arg20 : memref<!tpu.dma_semaphore, #tpu.memory_space<semaphore_mem>>)
    %slice3A_729 = vector.extract_strided_slice %get3A_514 {offsets = [15], sizes = [1], strides = [1]} : vector<16xi32> to vector<1xi32>
    %squeeze3A_730 = vector.extract %slice3A_729[0] : i32 from vector<1xi32>
    %multiple_of3A_731 = tpu.assume_multiple %squeeze3A_730, 8 : i32
    %slice3A_732 = vector.extract_strided_slice %shift_left3A_518 {offsets = [15], sizes = [1], strides = [1]} : vector<16xi32> to vector<1xi32>
    %squeeze3A_733 = vector.extract %slice3A_732[0] : i32 from vector<1xi32>
    %multiple_of3A_734 = tpu.assume_multiple %squeeze3A_733, 128 : i32
    %dma_start3A_735 = arith.constant 15 : i32
    %dma_start3A_736 = arith.constant 16 : i32
    %dma_start3A_737 = tpu.memref_slice %arg15[%dma_start3A_735, %dma_start3A_736] : memref<16x128xf32, #tpu.memory_space<vmem>> -> memref<1x16xf32, #tpu.memory_space<vmem>>
    %dma_start3A_738 = tpu.memref_slice %arg7[%multiple_of3A_731, %multiple_of3A_734] : memref<10000x10000xf32, #tpu.memory_space<hbm>> -> memref<1x16xf32, #tpu.memory_space<hbm>>
    %dma_start3A_739 = arith.constant 15 : i32
    %dma_start3A_740 = arith.constant 16 : i32
    %dma_start3A_741 = tpu.memref_slice %arg15[%dma_start3A_739, %dma_start3A_740] : memref<16x128xf32, #tpu.memory_space<vmem>> -> memref<1x16xf32, #tpu.memory_space<vmem>>
    %dma_start3A_742 = tpu.memref_slice %arg7[%multiple_of3A_731, %multiple_of3A_734] : memref<10000x10000xf32, #tpu.memory_space<hbm>> -> memref<1x16xf32, #tpu.memory_space<hbm>>
    tpu.enqueue_dma source(%dma_start3A_742 : memref<1x16xf32, #tpu.memory_space<hbm>>) target(%dma_start3A_741 : memref<1x16xf32, #tpu.memory_space<vmem>>) target_semaphore(%arg20 : memref<!tpu.dma_semaphore, #tpu.memory_space<semaphore_mem>>)
    %get3A_743 = arith.constant 16 : index
    %get3A_744 = tpu.vector_load %arg9[%get3A_743] {strides = array<i32>} : memref<512xi32, #tpu.memory_space<vmem>>, vector<16xi32>,
    %get3A_745 = arith.constant 16 : index
    %get3A_746 = tpu.vector_load %arg11[%get3A_745] {strides = array<i32>} : memref<512xi32, #tpu.memory_space<vmem>>, vector<16xi32>,
    %shift_right_logical3A_747 = arith.shrui %get3A_746, %broadcast_in_dim3A_11 : vector<16xi32>
    %shift_left3A_748 = arith.shli %shift_right_logical3A_747, %broadcast_in_dim3A_11 : vector<16xi32>
    %slice3A_749 = vector.extract_strided_slice %get3A_744 {offsets = [0], sizes = [1], strides = [1]} : vector<16xi32> to vector<1xi32>
    %squeeze3A_750 = vector.extract %slice3A_749[0] : i32 from vector<1xi32>
    %multiple_of3A_751 = tpu.assume_multiple %squeeze3A_750, 8 : i32
    %slice3A_752 = vector.extract_strided_slice %shift_left3A_748 {offsets = [0], sizes = [1], strides = [1]} : vector<16xi32> to vector<1xi32>
    %squeeze3A_753 = vector.extract %slice3A_752[0] : i32 from vector<1xi32>
    %multiple_of3A_754 = tpu.assume_multiple %squeeze3A_753, 128 : i32
    %dma_start3A_755 = arith.constant 8 : i32
    %dma_start3A_756 = arith.constant 32 : i32
    %dma_start3A_757 = tpu.memref_slice %arg15[%dma_start3A_755, %dma_start3A_756] : memref<16x128xf32, #tpu.memory_space<vmem>> -> memref<1x16xf32, #tpu.memory_space<vmem>>
    %dma_start3A_758 = tpu.memref_slice %arg7[%multiple_of3A_751, %multiple_of3A_754] : memref<10000x10000xf32, #tpu.memory_space<hbm>> -> memref<1x16xf32, #tpu.memory_space<hbm>>
    %dma_start3A_759 = arith.constant 8 : i32
    %dma_start3A_760 = arith.constant 32 : i32
    %dma_start3A_761 = tpu.memref_slice %arg15[%dma_start3A_759, %dma_start3A_760] : memref<16x128xf32, #tpu.memory_space<vmem>> -> memref<1x16xf32, #tpu.memory_space<vmem>>
    %dma_start3A_762 = tpu.memref_slice %arg7[%multiple_of3A_751, %multiple_of3A_754] : memref<10000x10000xf32, #tpu.memory_space<hbm>> -> memref<1x16xf32, #tpu.memory_space<hbm>>
    tpu.enqueue_dma source(%dma_start3A_762 : memref<1x16xf32, #tpu.memory_space<hbm>>) target(%dma_start3A_761 : memref<1x16xf32, #tpu.memory_space<vmem>>) target_semaphore(%arg20 : memref<!tpu.dma_semaphore, #tpu.memory_space<semaphore_mem>>)
    %slice3A_763 = vector.extract_strided_slice %get3A_744 {offsets = [1], sizes = [1], strides = [1]} : vector<16xi32> to vector<1xi32>
    %squeeze3A_764 = vector.extract %slice3A_763[0] : i32 from vector<1xi32>
    %multiple_of3A_765 = tpu.assume_multiple %squeeze3A_764, 8 : i32
    %slice3A_766 = vector.extract_strided_slice %shift_left3A_748 {offsets = [1], sizes = [1], strides = [1]} : vector<16xi32> to vector<1xi32>
    %squeeze3A_767 = vector.extract %slice3A_766[0] : i32 from vector<1xi32>
    %multiple_of3A_768 = tpu.assume_multiple %squeeze3A_767, 128 : i32
    %dma_start3A_769 = arith.constant 9 : i32
    %dma_start3A_770 = arith.constant 32 : i32
    %dma_start3A_771 = tpu.memref_slice %arg15[%dma_start3A_769, %dma_start3A_770] : memref<16x128xf32, #tpu.memory_space<vmem>> -> memref<1x16xf32, #tpu.memory_space<vmem>>
    %dma_start3A_772 = tpu.memref_slice %arg7[%multiple_of3A_765, %multiple_of3A_768] : memref<10000x10000xf32, #tpu.memory_space<hbm>> -> memref<1x16xf32, #tpu.memory_space<hbm>>
    %dma_start3A_773 = arith.constant 9 : i32
    %dma_start3A_774 = arith.constant 32 : i32
    %dma_start3A_775 = tpu.memref_slice %arg15[%dma_start3A_773, %dma_start3A_774] : memref<16x128xf32, #tpu.memory_space<vmem>> -> memref<1x16xf32, #tpu.memory_space<vmem>>
    %dma_start3A_776 = tpu.memref_slice %arg7[%multiple_of3A_765, %multiple_of3A_768] : memref<10000x10000xf32, #tpu.memory_space<hbm>> -> memref<1x16xf32, #tpu.memory_space<hbm>>
    tpu.enqueue_dma source(%dma_start3A_776 : memref<1x16xf32, #tpu.memory_space<hbm>>) target(%dma_start3A_775 : memref<1x16xf32, #tpu.memory_space<vmem>>) target_semaphore(%arg20 : memref<!tpu.dma_semaphore, #tpu.memory_space<semaphore_mem>>)
    %slice3A_777 = vector.extract_strided_slice %get3A_744 {offsets = [2], sizes = [1], strides = [1]} : vector<16xi32> to vector<1xi32>
    %squeeze3A_778 = vector.extract %slice3A_777[0] : i32 from vector<1xi32>
    %multiple_of3A_779 = tpu.assume_multiple %squeeze3A_778, 8 : i32
    %slice3A_780 = vector.extract_strided_slice %shift_left3A_748 {offsets = [2], sizes = [1], strides = [1]} : vector<16xi32> to vector<1xi32>
    %squeeze3A_781 = vector.extract %slice3A_780[0] : i32 from vector<1xi32>
    %multiple_of3A_782 = tpu.assume_multiple %squeeze3A_781, 128 : i32
    %dma_start3A_783 = arith.constant 10 : i32
    %dma_start3A_784 = arith.constant 32 : i32
    %dma_start3A_785 = tpu.memref_slice %arg15[%dma_start3A_783, %dma_start3A_784] : memref<16x128xf32, #tpu.memory_space<vmem>> -> memref<1x16xf32, #tpu.memory_space<vmem>>
    %dma_start3A_786 = tpu.memref_slice %arg7[%multiple_of3A_779, %multiple_of3A_782] : memref<10000x10000xf32, #tpu.memory_space<hbm>> -> memref<1x16xf32, #tpu.memory_space<hbm>>
    %dma_start3A_787 = arith.constant 10 : i32
    %dma_start3A_788 = arith.constant 32 : i32
    %dma_start3A_789 = tpu.memref_slice %arg15[%dma_start3A_787, %dma_start3A_788] : memref<16x128xf32, #tpu.memory_space<vmem>> -> memref<1x16xf32, #tpu.memory_space<vmem>>
    %dma_start3A_790 = tpu.memref_slice %arg7[%multiple_of3A_779, %multiple_of3A_782] : memref<10000x10000xf32, #tpu.memory_space<hbm>> -> memref<1x16xf32, #tpu.memory_space<hbm>>
    tpu.enqueue_dma source(%dma_start3A_790 : memref<1x16xf32, #tpu.memory_space<hbm>>) target(%dma_start3A_789 : memref<1x16xf32, #tpu.memory_space<vmem>>) target_semaphore(%arg20 : memref<!tpu.dma_semaphore, #tpu.memory_space<semaphore_mem>>)
    %slice3A_791 = vector.extract_strided_slice %get3A_744 {offsets = [3], sizes = [1], strides = [1]} : vector<16xi32> to vector<1xi32>
    %squeeze3A_792 = vector.extract %slice3A_791[0] : i32 from vector<1xi32>
    %multiple_of3A_793 = tpu.assume_multiple %squeeze3A_792, 8 : i32
    %slice3A_794 = vector.extract_strided_slice %shift_left3A_748 {offsets = [3], sizes = [1], strides = [1]} : vector<16xi32> to vector<1xi32>
    %squeeze3A_795 = vector.extract %slice3A_794[0] : i32 from vector<1xi32>
    %multiple_of3A_796 = tpu.assume_multiple %squeeze3A_795, 128 : i32
    %dma_start3A_797 = arith.constant 11 : i32
    %dma_start3A_798 = arith.constant 32 : i32
    %dma_start3A_799 = tpu.memref_slice %arg15[%dma_start3A_797, %dma_start3A_798] : memref<16x128xf32, #tpu.memory_space<vmem>> -> memref<1x16xf32, #tpu.memory_space<vmem>>
    %dma_start3A_800 = tpu.memref_slice %arg7[%multiple_of3A_793, %multiple_of3A_796] : memref<10000x10000xf32, #tpu.memory_space<hbm>> -> memref<1x16xf32, #tpu.memory_space<hbm>>
    %dma_start3A_801 = arith.constant 11 : i32
    %dma_start3A_802 = arith.constant 32 : i32
    %dma_start3A_803 = tpu.memref_slice %arg15[%dma_start3A_801, %dma_start3A_802] : memref<16x128xf32, #tpu.memory_space<vmem>> -> memref<1x16xf32, #tpu.memory_space<vmem>>
    %dma_start3A_804 = tpu.memref_slice %arg7[%multiple_of3A_793, %multiple_of3A_796] : memref<10000x10000xf32, #tpu.memory_space<hbm>> -> memref<1x16xf32, #tpu.memory_space<hbm>>
    tpu.enqueue_dma source(%dma_start3A_804 : memref<1x16xf32, #tpu.memory_space<hbm>>) target(%dma_start3A_803 : memref<1x16xf32, #tpu.memory_space<vmem>>) target_semaphore(%arg20 : memref<!tpu.dma_semaphore, #tpu.memory_space<semaphore_mem>>)
    %slice3A_805 = vector.extract_strided_slice %get3A_744 {offsets = [4], sizes = [1], strides = [1]} : vector<16xi32> to vector<1xi32>
    %squeeze3A_806 = vector.extract %slice3A_805[0] : i32 from vector<1xi32>
    %multiple_of3A_807 = tpu.assume_multiple %squeeze3A_806, 8 : i32
    %slice3A_808 = vector.extract_strided_slice %shift_left3A_748 {offsets = [4], sizes = [1], strides = [1]} : vector<16xi32> to vector<1xi32>
    %squeeze3A_809 = vector.extract %slice3A_808[0] : i32 from vector<1xi32>
    %multiple_of3A_810 = tpu.assume_multiple %squeeze3A_809, 128 : i32
    %dma_start3A_811 = arith.constant 12 : i32
    %dma_start3A_812 = arith.constant 32 : i32
    %dma_start3A_813 = tpu.memref_slice %arg15[%dma_start3A_811, %dma_start3A_812] : memref<16x128xf32, #tpu.memory_space<vmem>> -> memref<1x16xf32, #tpu.memory_space<vmem>>
    %dma_start3A_814 = tpu.memref_slice %arg7[%multiple_of3A_807, %multiple_of3A_810] : memref<10000x10000xf32, #tpu.memory_space<hbm>> -> memref<1x16xf32, #tpu.memory_space<hbm>>
    %dma_start3A_815 = arith.constant 12 : i32
    %dma_start3A_816 = arith.constant 32 : i32
    %dma_start3A_817 = tpu.memref_slice %arg15[%dma_start3A_815, %dma_start3A_816] : memref<16x128xf32, #tpu.memory_space<vmem>> -> memref<1x16xf32, #tpu.memory_space<vmem>>
    %dma_start3A_818 = tpu.memref_slice %arg7[%multiple_of3A_807, %multiple_of3A_810] : memref<10000x10000xf32, #tpu.memory_space<hbm>> -> memref<1x16xf32, #tpu.memory_space<hbm>>
    tpu.enqueue_dma source(%dma_start3A_818 : memref<1x16xf32, #tpu.memory_space<hbm>>) target(%dma_start3A_817 : memref<1x16xf32, #tpu.memory_space<vmem>>) target_semaphore(%arg20 : memref<!tpu.dma_semaphore, #tpu.memory_space<semaphore_mem>>)
    %slice3A_819 = vector.extract_strided_slice %get3A_744 {offsets = [5], sizes = [1], strides = [1]} : vector<16xi32> to vector<1xi32>
    %squeeze3A_820 = vector.extract %slice3A_819[0] : i32 from vector<1xi32>
    %multiple_of3A_821 = tpu.assume_multiple %squeeze3A_820, 8 : i32
    %slice3A_822 = vector.extract_strided_slice %shift_left3A_748 {offsets = [5], sizes = [1], strides = [1]} : vector<16xi32> to vector<1xi32>
    %squeeze3A_823 = vector.extract %slice3A_822[0] : i32 from vector<1xi32>
    %multiple_of3A_824 = tpu.assume_multiple %squeeze3A_823, 128 : i32
    %dma_start3A_825 = arith.constant 13 : i32
    %dma_start3A_826 = arith.constant 32 : i32
    %dma_start3A_827 = tpu.memref_slice %arg15[%dma_start3A_825, %dma_start3A_826] : memref<16x128xf32, #tpu.memory_space<vmem>> -> memref<1x16xf32, #tpu.memory_space<vmem>>
    %dma_start3A_828 = tpu.memref_slice %arg7[%multiple_of3A_821, %multiple_of3A_824] : memref<10000x10000xf32, #tpu.memory_space<hbm>> -> memref<1x16xf32, #tpu.memory_space<hbm>>
    %dma_start3A_829 = arith.constant 13 : i32
    %dma_start3A_830 = arith.constant 32 : i32
    %dma_start3A_831 = tpu.memref_slice %arg15[%dma_start3A_829, %dma_start3A_830] : memref<16x128xf32, #tpu.memory_space<vmem>> -> memref<1x16xf32, #tpu.memory_space<vmem>>
    %dma_start3A_832 = tpu.memref_slice %arg7[%multiple_of3A_821, %multiple_of3A_824] : memref<10000x10000xf32, #tpu.memory_space<hbm>> -> memref<1x16xf32, #tpu.memory_space<hbm>>
    tpu.enqueue_dma source(%dma_start3A_832 : memref<1x16xf32, #tpu.memory_space<hbm>>) target(%dma_start3A_831 : memref<1x16xf32, #tpu.memory_space<vmem>>) target_semaphore(%arg20 : memref<!tpu.dma_semaphore, #tpu.memory_space<semaphore_mem>>)
    %slice3A_833 = vector.extract_strided_slice %get3A_744 {offsets = [6], sizes = [1], strides = [1]} : vector<16xi32> to vector<1xi32>
    %squeeze3A_834 = vector.extract %slice3A_833[0] : i32 from vector<1xi32>
    %multiple_of3A_835 = tpu.assume_multiple %squeeze3A_834, 8 : i32
    %slice3A_836 = vector.extract_strided_slice %shift_left3A_748 {offsets = [6], sizes = [1], strides = [1]} : vector<16xi32> to vector<1xi32>
    %squeeze3A_837 = vector.extract %slice3A_836[0] : i32 from vector<1xi32>
    %multiple_of3A_838 = tpu.assume_multiple %squeeze3A_837, 128 : i32
    %dma_start3A_839 = arith.constant 14 : i32
    %dma_start3A_840 = arith.constant 32 : i32
    %dma_start3A_841 = tpu.memref_slice %arg15[%dma_start3A_839, %dma_start3A_840] : memref<16x128xf32, #tpu.memory_space<vmem>> -> memref<1x16xf32, #tpu.memory_space<vmem>>
    %dma_start3A_842 = tpu.memref_slice %arg7[%multiple_of3A_835, %multiple_of3A_838] : memref<10000x10000xf32, #tpu.memory_space<hbm>> -> memref<1x16xf32, #tpu.memory_space<hbm>>
    %dma_start3A_843 = arith.constant 14 : i32
    %dma_start3A_844 = arith.constant 32 : i32
    %dma_start3A_845 = tpu.memref_slice %arg15[%dma_start3A_843, %dma_start3A_844] : memref<16x128xf32, #tpu.memory_space<vmem>> -> memref<1x16xf32, #tpu.memory_space<vmem>>
    %dma_start3A_846 = tpu.memref_slice %arg7[%multiple_of3A_835, %multiple_of3A_838] : memref<10000x10000xf32, #tpu.memory_space<hbm>> -> memref<1x16xf32, #tpu.memory_space<hbm>>
    tpu.enqueue_dma source(%dma_start3A_846 : memref<1x16xf32, #tpu.memory_space<hbm>>) target(%dma_start3A_845 : memref<1x16xf32, #tpu.memory_space<vmem>>) target_semaphore(%arg20 : memref<!tpu.dma_semaphore, #tpu.memory_space<semaphore_mem>>)
    %slice3A_847 = vector.extract_strided_slice %get3A_744 {offsets = [7], sizes = [1], strides = [1]} : vector<16xi32> to vector<1xi32>
    %squeeze3A_848 = vector.extract %slice3A_847[0] : i32 from vector<1xi32>
    %multiple_of3A_849 = tpu.assume_multiple %squeeze3A_848, 8 : i32
    %slice3A_850 = vector.extract_strided_slice %shift_left3A_748 {offsets = [7], sizes = [1], strides = [1]} : vector<16xi32> to vector<1xi32>
    %squeeze3A_851 = vector.extract %slice3A_850[0] : i32 from vector<1xi32>
    %multiple_of3A_852 = tpu.assume_multiple %squeeze3A_851, 128 : i32
    %dma_start3A_853 = arith.constant 15 : i32
    %dma_start3A_854 = arith.constant 32 : i32
    %dma_start3A_855 = tpu.memref_slice %arg15[%dma_start3A_853, %dma_start3A_854] : memref<16x128xf32, #tpu.memory_space<vmem>> -> memref<1x16xf32, #tpu.memory_space<vmem>>
    %dma_start3A_856 = tpu.memref_slice %arg7[%multiple_of3A_849, %multiple_of3A_852] : memref<10000x10000xf32, #tpu.memory_space<hbm>> -> memref<1x16xf32, #tpu.memory_space<hbm>>
    %dma_start3A_857 = arith.constant 15 : i32
    %dma_start3A_858 = arith.constant 32 : i32
    %dma_start3A_859 = tpu.memref_slice %arg15[%dma_start3A_857, %dma_start3A_858] : memref<16x128xf32, #tpu.memory_space<vmem>> -> memref<1x16xf32, #tpu.memory_space<vmem>>
    %dma_start3A_860 = tpu.memref_slice %arg7[%multiple_of3A_849, %multiple_of3A_852] : memref<10000x10000xf32, #tpu.memory_space<hbm>> -> memref<1x16xf32, #tpu.memory_space<hbm>>
    tpu.enqueue_dma source(%dma_start3A_860 : memref<1x16xf32, #tpu.memory_space<hbm>>) target(%dma_start3A_859 : memref<1x16xf32, #tpu.memory_space<vmem>>) target_semaphore(%arg20 : memref<!tpu.dma_semaphore, #tpu.memory_space<semaphore_mem>>)
    %slice3A_861 = vector.extract_strided_slice %get3A_744 {offsets = [8], sizes = [1], strides = [1]} : vector<16xi32> to vector<1xi32>
    %squeeze3A_862 = vector.extract %slice3A_861[0] : i32 from vector<1xi32>
    %multiple_of3A_863 = tpu.assume_multiple %squeeze3A_862, 8 : i32
    %slice3A_864 = vector.extract_strided_slice %shift_left3A_748 {offsets = [8], sizes = [1], strides = [1]} : vector<16xi32> to vector<1xi32>
    %squeeze3A_865 = vector.extract %slice3A_864[0] : i32 from vector<1xi32>
    %multiple_of3A_866 = tpu.assume_multiple %squeeze3A_865, 128 : i32
    %dma_start3A_867 = arith.constant 8 : i32
    %dma_start3A_868 = arith.constant 48 : i32
    %dma_start3A_869 = tpu.memref_slice %arg15[%dma_start3A_867, %dma_start3A_868] : memref<16x128xf32, #tpu.memory_space<vmem>> -> memref<1x16xf32, #tpu.memory_space<vmem>>
    %dma_start3A_870 = tpu.memref_slice %arg7[%multiple_of3A_863, %multiple_of3A_866] : memref<10000x10000xf32, #tpu.memory_space<hbm>> -> memref<1x16xf32, #tpu.memory_space<hbm>>
    %dma_start3A_871 = arith.constant 8 : i32
    %dma_start3A_872 = arith.constant 48 : i32
    %dma_start3A_873 = tpu.memref_slice %arg15[%dma_start3A_871, %dma_start3A_872] : memref<16x128xf32, #tpu.memory_space<vmem>> -> memref<1x16xf32, #tpu.memory_space<vmem>>
    %dma_start3A_874 = tpu.memref_slice %arg7[%multiple_of3A_863, %multiple_of3A_866] : memref<10000x10000xf32, #tpu.memory_space<hbm>> -> memref<1x16xf32, #tpu.memory_space<hbm>>
    tpu.enqueue_dma source(%dma_start3A_874 : memref<1x16xf32, #tpu.memory_space<hbm>>) target(%dma_start3A_873 : memref<1x16xf32, #tpu.memory_space<vmem>>) target_semaphore(%arg20 : memref<!tpu.dma_semaphore, #tpu.memory_space<semaphore_mem>>)
    %slice3A_875 = vector.extract_strided_slice %get3A_744 {offsets = [9], sizes = [1], strides = [1]} : vector<16xi32> to vector<1xi32>
    %squeeze3A_876 = vector.extract %slice3A_875[0] : i32 from vector<1xi32>
    %multiple_of3A_877 = tpu.assume_multiple %squeeze3A_876, 8 : i32
    %slice3A_878 = vector.extract_strided_slice %shift_left3A_748 {offsets = [9], sizes = [1], strides = [1]} : vector<16xi32> to vector<1xi32>
    %squeeze3A_879 = vector.extract %slice3A_878[0] : i32 from vector<1xi32>
    %multiple_of3A_880 = tpu.assume_multiple %squeeze3A_879, 128 : i32
    %dma_start3A_881 = arith.constant 9 : i32
    %dma_start3A_882 = arith.constant 48 : i32
    %dma_start3A_883 = tpu.memref_slice %arg15[%dma_start3A_881, %dma_start3A_882] : memref<16x128xf32, #tpu.memory_space<vmem>> -> memref<1x16xf32, #tpu.memory_space<vmem>>
    %dma_start3A_884 = tpu.memref_slice %arg7[%multiple_of3A_877, %multiple_of3A_880] : memref<10000x10000xf32, #tpu.memory_space<hbm>> -> memref<1x16xf32, #tpu.memory_space<hbm>>
    %dma_start3A_885 = arith.constant 9 : i32
    %dma_start3A_886 = arith.constant 48 : i32
    %dma_start3A_887 = tpu.memref_slice %arg15[%dma_start3A_885, %dma_start3A_886] : memref<16x128xf32, #tpu.memory_space<vmem>> -> memref<1x16xf32, #tpu.memory_space<vmem>>
    %dma_start3A_888 = tpu.memref_slice %arg7[%multiple_of3A_877, %multiple_of3A_880] : memref<10000x10000xf32, #tpu.memory_space<hbm>> -> memref<1x16xf32, #tpu.memory_space<hbm>>
    tpu.enqueue_dma source(%dma_start3A_888 : memref<1x16xf32, #tpu.memory_space<hbm>>) target(%dma_start3A_887 : memref<1x16xf32, #tpu.memory_space<vmem>>) target_semaphore(%arg20 : memref<!tpu.dma_semaphore, #tpu.memory_space<semaphore_mem>>)
    %slice3A_889 = vector.extract_strided_slice %get3A_744 {offsets = [10], sizes = [1], strides = [1]} : vector<16xi32> to vector<1xi32>
    %squeeze3A_890 = vector.extract %slice3A_889[0] : i32 from vector<1xi32>
    %multiple_of3A_891 = tpu.assume_multiple %squeeze3A_890, 8 : i32
    %slice3A_892 = vector.extract_strided_slice %shift_left3A_748 {offsets = [10], sizes = [1], strides = [1]} : vector<16xi32> to vector<1xi32>
    %squeeze3A_893 = vector.extract %slice3A_892[0] : i32 from vector<1xi32>
    %multiple_of3A_894 = tpu.assume_multiple %squeeze3A_893, 128 : i32
    %dma_start3A_895 = arith.constant 10 : i32
    %dma_start3A_896 = arith.constant 48 : i32
    %dma_start3A_897 = tpu.memref_slice %arg15[%dma_start3A_895, %dma_start3A_896] : memref<16x128xf32, #tpu.memory_space<vmem>> -> memref<1x16xf32, #tpu.memory_space<vmem>>
    %dma_start3A_898 = tpu.memref_slice %arg7[%multiple_of3A_891, %multiple_of3A_894] : memref<10000x10000xf32, #tpu.memory_space<hbm>> -> memref<1x16xf32, #tpu.memory_space<hbm>>
    %dma_start3A_899 = arith.constant 10 : i32
    %dma_start3A_900 = arith.constant 48 : i32
    %dma_start3A_901 = tpu.memref_slice %arg15[%dma_start3A_899, %dma_start3A_900] : memref<16x128xf32, #tpu.memory_space<vmem>> -> memref<1x16xf32, #tpu.memory_space<vmem>>
    %dma_start3A_902 = tpu.memref_slice %arg7[%multiple_of3A_891, %multiple_of3A_894] : memref<10000x10000xf32, #tpu.memory_space<hbm>> -> memref<1x16xf32, #tpu.memory_space<hbm>>
    tpu.enqueue_dma source(%dma_start3A_902 : memref<1x16xf32, #tpu.memory_space<hbm>>) target(%dma_start3A_901 : memref<1x16xf32, #tpu.memory_space<vmem>>) target_semaphore(%arg20 : memref<!tpu.dma_semaphore, #tpu.memory_space<semaphore_mem>>)
    %slice3A_903 = vector.extract_strided_slice %get3A_744 {offsets = [11], sizes = [1], strides = [1]} : vector<16xi32> to vector<1xi32>
    %squeeze3A_904 = vector.extract %slice3A_903[0] : i32 from vector<1xi32>
    %multiple_of3A_905 = tpu.assume_multiple %squeeze3A_904, 8 : i32
    %slice3A_906 = vector.extract_strided_slice %shift_left3A_748 {offsets = [11], sizes = [1], strides = [1]} : vector<16xi32> to vector<1xi32>
    %squeeze3A_907 = vector.extract %slice3A_906[0] : i32 from vector<1xi32>
    %multiple_of3A_908 = tpu.assume_multiple %squeeze3A_907, 128 : i32
    %dma_start3A_909 = arith.constant 11 : i32
    %dma_start3A_910 = arith.constant 48 : i32
    %dma_start3A_911 = tpu.memref_slice %arg15[%dma_start3A_909, %dma_start3A_910] : memref<16x128xf32, #tpu.memory_space<vmem>> -> memref<1x16xf32, #tpu.memory_space<vmem>>
    %dma_start3A_912 = tpu.memref_slice %arg7[%multiple_of3A_905, %multiple_of3A_908] : memref<10000x10000xf32, #tpu.memory_space<hbm>> -> memref<1x16xf32, #tpu.memory_space<hbm>>
    %dma_start3A_913 = arith.constant 11 : i32
    %dma_start3A_914 = arith.constant 48 : i32
    %dma_start3A_915 = tpu.memref_slice %arg15[%dma_start3A_913, %dma_start3A_914] : memref<16x128xf32, #tpu.memory_space<vmem>> -> memref<1x16xf32, #tpu.memory_space<vmem>>
    %dma_start3A_916 = tpu.memref_slice %arg7[%multiple_of3A_905, %multiple_of3A_908] : memref<10000x10000xf32, #tpu.memory_space<hbm>> -> memref<1x16xf32, #tpu.memory_space<hbm>>
    tpu.enqueue_dma source(%dma_start3A_916 : memref<1x16xf32, #tpu.memory_space<hbm>>) target(%dma_start3A_915 : memref<1x16xf32, #tpu.memory_space<vmem>>) target_semaphore(%arg20 : memref<!tpu.dma_semaphore, #tpu.memory_space<semaphore_mem>>)
    %slice3A_917 = vector.extract_strided_slice %get3A_744 {offsets = [12], sizes = [1], strides = [1]} : vector<16xi32> to vector<1xi32>
    %squeeze3A_918 = vector.extract %slice3A_917[0] : i32 from vector<1xi32>
    %multiple_of3A_919 = tpu.assume_multiple %squeeze3A_918, 8 : i32
    %slice3A_920 = vector.extract_strided_slice %shift_left3A_748 {offsets = [12], sizes = [1], strides = [1]} : vector<16xi32> to vector<1xi32>
    %squeeze3A_921 = vector.extract %slice3A_920[0] : i32 from vector<1xi32>
    %multiple_of3A_922 = tpu.assume_multiple %squeeze3A_921, 128 : i32
    %dma_start3A_923 = arith.constant 12 : i32
    %dma_start3A_924 = arith.constant 48 : i32
    %dma_start3A_925 = tpu.memref_slice %arg15[%dma_start3A_923, %dma_start3A_924] : memref<16x128xf32, #tpu.memory_space<vmem>> -> memref<1x16xf32, #tpu.memory_space<vmem>>
    %dma_start3A_926 = tpu.memref_slice %arg7[%multiple_of3A_919, %multiple_of3A_922] : memref<10000x10000xf32, #tpu.memory_space<hbm>> -> memref<1x16xf32, #tpu.memory_space<hbm>>
    %dma_start3A_927 = arith.constant 12 : i32
    %dma_start3A_928 = arith.constant 48 : i32
    %dma_start3A_929 = tpu.memref_slice %arg15[%dma_start3A_927, %dma_start3A_928] : memref<16x128xf32, #tpu.memory_space<vmem>> -> memref<1x16xf32, #tpu.memory_space<vmem>>
    %dma_start3A_930 = tpu.memref_slice %arg7[%multiple_of3A_919, %multiple_of3A_922] : memref<10000x10000xf32, #tpu.memory_space<hbm>> -> memref<1x16xf32, #tpu.memory_space<hbm>>
    tpu.enqueue_dma source(%dma_start3A_930 : memref<1x16xf32, #tpu.memory_space<hbm>>) target(%dma_start3A_929 : memref<1x16xf32, #tpu.memory_space<vmem>>) target_semaphore(%arg20 : memref<!tpu.dma_semaphore, #tpu.memory_space<semaphore_mem>>)
    %slice3A_931 = vector.extract_strided_slice %get3A_744 {offsets = [13], sizes = [1], strides = [1]} : vector<16xi32> to vector<1xi32>
    %squeeze3A_932 = vector.extract %slice3A_931[0] : i32 from vector<1xi32>
    %multiple_of3A_933 = tpu.assume_multiple %squeeze3A_932, 8 : i32
    %slice3A_934 = vector.extract_strided_slice %shift_left3A_748 {offsets = [13], sizes = [1], strides = [1]} : vector<16xi32> to vector<1xi32>
    %squeeze3A_935 = vector.extract %slice3A_934[0] : i32 from vector<1xi32>
    %multiple_of3A_936 = tpu.assume_multiple %squeeze3A_935, 128 : i32
    %dma_start3A_937 = arith.constant 13 : i32
    %dma_start3A_938 = arith.constant 48 : i32
    %dma_start3A_939 = tpu.memref_slice %arg15[%dma_start3A_937, %dma_start3A_938] : memref<16x128xf32, #tpu.memory_space<vmem>> -> memref<1x16xf32, #tpu.memory_space<vmem>>
    %dma_start3A_940 = tpu.memref_slice %arg7[%multiple_of3A_933, %multiple_of3A_936] : memref<10000x10000xf32, #tpu.memory_space<hbm>> -> memref<1x16xf32, #tpu.memory_space<hbm>>
    %dma_start3A_941 = arith.constant 13 : i32
    %dma_start3A_942 = arith.constant 48 : i32
    %dma_start3A_943 = tpu.memref_slice %arg15[%dma_start3A_941, %dma_start3A_942] : memref<16x128xf32, #tpu.memory_space<vmem>> -> memref<1x16xf32, #tpu.memory_space<vmem>>
    %dma_start3A_944 = tpu.memref_slice %arg7[%multiple_of3A_933, %multiple_of3A_936] : memref<10000x10000xf32, #tpu.memory_space<hbm>> -> memref<1x16xf32, #tpu.memory_space<hbm>>
    tpu.enqueue_dma source(%dma_start3A_944 : memref<1x16xf32, #tpu.memory_space<hbm>>) target(%dma_start3A_943 : memref<1x16xf32, #tpu.memory_space<vmem>>) target_semaphore(%arg20 : memref<!tpu.dma_semaphore, #tpu.memory_space<semaphore_mem>>)
    %slice3A_945 = vector.extract_strided_slice %get3A_744 {offsets = [14], sizes = [1], strides = [1]} : vector<16xi32> to vector<1xi32>
    %squeeze3A_946 = vector.extract %slice3A_945[0] : i32 from vector<1xi32>
    %multiple_of3A_947 = tpu.assume_multiple %squeeze3A_946, 8 : i32
    %slice3A_948 = vector.extract_strided_slice %shift_left3A_748 {offsets = [14], sizes = [1], strides = [1]} : vector<16xi32> to vector<1xi32>
    %squeeze3A_949 = vector.extract %slice3A_948[0] : i32 from vector<1xi32>
    %multiple_of3A_950 = tpu.assume_multiple %squeeze3A_949, 128 : i32
    %dma_start3A_951 = arith.constant 14 : i32
    %dma_start3A_952 = arith.constant 48 : i32
    %dma_start3A_953 = tpu.memref_slice %arg15[%dma_start3A_951, %dma_start3A_952] : memref<16x128xf32, #tpu.memory_space<vmem>> -> memref<1x16xf32, #tpu.memory_space<vmem>>
    %dma_start3A_954 = tpu.memref_slice %arg7[%multiple_of3A_947, %multiple_of3A_950] : memref<10000x10000xf32, #tpu.memory_space<hbm>> -> memref<1x16xf32, #tpu.memory_space<hbm>>
    %dma_start3A_955 = arith.constant 14 : i32
    %dma_start3A_956 = arith.constant 48 : i32
    %dma_start3A_957 = tpu.memref_slice %arg15[%dma_start3A_955, %dma_start3A_956] : memref<16x128xf32, #tpu.memory_space<vmem>> -> memref<1x16xf32, #tpu.memory_space<vmem>>
    %dma_start3A_958 = tpu.memref_slice %arg7[%multiple_of3A_947, %multiple_of3A_950] : memref<10000x10000xf32, #tpu.memory_space<hbm>> -> memref<1x16xf32, #tpu.memory_space<hbm>>
    tpu.enqueue_dma source(%dma_start3A_958 : memref<1x16xf32, #tpu.memory_space<hbm>>) target(%dma_start3A_957 : memref<1x16xf32, #tpu.memory_space<vmem>>) target_semaphore(%arg20 : memref<!tpu.dma_semaphore, #tpu.memory_space<semaphore_mem>>)
    %slice3A_959 = vector.extract_strided_slice %get3A_744 {offsets = [15], sizes = [1], strides = [1]} : vector<16xi32> to vector<1xi32>
    %squeeze3A_960 = vector.extract %slice3A_959[0] : i32 from vector<1xi32>
    %multiple_of3A_961 = tpu.assume_multiple %squeeze3A_960, 8 : i32
    %slice3A_962 = vector.extract_strided_slice %shift_left3A_748 {offsets = [15], sizes = [1], strides = [1]} : vector<16xi32> to vector<1xi32>
    %squeeze3A_963 = vector.extract %slice3A_962[0] : i32 from vector<1xi32>
    %multiple_of3A_964 = tpu.assume_multiple %squeeze3A_963, 128 : i32
    %dma_start3A_965 = arith.constant 15 : i32
    %dma_start3A_966 = arith.constant 48 : i32
    %dma_start3A_967 = tpu.memref_slice %arg15[%dma_start3A_965, %dma_start3A_966] : memref<16x128xf32, #tpu.memory_space<vmem>> -> memref<1x16xf32, #tpu.memory_space<vmem>>
    %dma_start3A_968 = tpu.memref_slice %arg7[%multiple_of3A_961, %multiple_of3A_964] : memref<10000x10000xf32, #tpu.memory_space<hbm>> -> memref<1x16xf32, #tpu.memory_space<hbm>>
    %dma_start3A_969 = arith.constant 15 : i32
    %dma_start3A_970 = arith.constant 48 : i32
    %dma_start3A_971 = tpu.memref_slice %arg15[%dma_start3A_969, %dma_start3A_970] : memref<16x128xf32, #tpu.memory_space<vmem>> -> memref<1x16xf32, #tpu.memory_space<vmem>>
    %dma_start3A_972 = tpu.memref_slice %arg7[%multiple_of3A_961, %multiple_of3A_964] : memref<10000x10000xf32, #tpu.memory_space<hbm>> -> memref<1x16xf32, #tpu.memory_space<hbm>>
    tpu.enqueue_dma source(%dma_start3A_972 : memref<1x16xf32, #tpu.memory_space<hbm>>) target(%dma_start3A_971 : memref<1x16xf32, #tpu.memory_space<vmem>>) target_semaphore(%arg20 : memref<!tpu.dma_semaphore, #tpu.memory_space<semaphore_mem>>)
    %scan3A = arith.constant 0.999979972 : f32
    %scan3A_973 = arith.constant 1.000000e-10 : f32
    %scan3A_974 = arith.constant 0 : i32
    %scan3A_975 = arith.constant 32 : i32
    %scan3A_976 = arith.addi %scan3A_974, %scan3A_975 : i32
    %scan3A_977 = arith.constant 1 : i32
    %scan3A_978:3 = scf.for %scan3A_992 = %scan3A_974 to %scan3A_976 step %scan3A_977 iter_args(%scan3A_993 = %broadcast_in_dim3A_1, %scan3A_994 = %broadcast_in_dim3A_1, %scan3A_995 = %broadcast_in_dim3A_1) -> (vector<16xf32>, vector<16xf32>, vector<16xf32>)  : i32 {
      %shift_right_arithmetic3A = arith.constant 2 : i32
      %shift_right_arithmetic3A_996 = arith.shrsi %scan3A_992, %shift_right_arithmetic3A : i32
      %rem3A = arith.constant 8 : i32
      %rem3A_997 = arith.remsi %scan3A_992, %rem3A : i32
      %eq3A = arith.constant 0 : i32
      %eq3A_998 = arith.cmpi eq, %rem3A_997, %eq3A : i32
      %convert_element_type3A = arith.extui %eq3A_998 : i1 to i32
      %cond3A = arith.constant 0 : i32
      %cond3A_999 = arith.cmpi ne, %convert_element_type3A, %cond3A : i32
      scf.if %cond3A_999 {
        %dma_wait3A = arith.constant 0 : i32
        %dma_wait3A_2562 = arith.constant 0 : i32
        %dma_wait3A_2563 = tpu.memref_slice %arg12[%dma_wait3A, %dma_wait3A_2562] : memref<128x128xf32, #tpu.memory_space<vmem>> -> memref<64x128xf32, #tpu.memory_space<vmem>>
        %dma_wait3A_2564 = arith.constant 0 : i32
        %dma_wait3A_2565 = arith.constant 0 : i32
        %dma_wait3A_2566 = tpu.memref_slice %arg5[%dma_wait3A_2564, %dma_wait3A_2565] : memref<10000x128xf32, #tpu.memory_space<hbm>> -> memref<64x128xf32, #tpu.memory_space<hbm>>
        %dma_wait3A_2567 = arith.constant 0 : i32
        %dma_wait3A_2568 = arith.constant 0 : i32
        %dma_wait3A_2569 = tpu.memref_slice %arg12[%dma_wait3A_2567, %dma_wait3A_2568] : memref<128x128xf32, #tpu.memory_space<vmem>> -> memref<64x128xf32, #tpu.memory_space<vmem>>
        %dma_wait3A_2570 = arith.constant 0 : i32
        %dma_wait3A_2571 = arith.constant 0 : i32
        %dma_wait3A_2572 = tpu.memref_slice %arg5[%dma_wait3A_2570, %dma_wait3A_2571] : memref<10000x128xf32, #tpu.memory_space<hbm>> -> memref<64x128xf32, #tpu.memory_space<hbm>>
        tpu.wait_dma2 semaphore(%arg21 : memref<!tpu.dma_semaphore, #tpu.memory_space<semaphore_mem>>) src(%dma_wait3A_2572 : memref<64x128xf32, #tpu.memory_space<hbm>>) dst(%dma_wait3A_2569 : memref<64x128xf32, #tpu.memory_space<vmem>>)
        %dma_wait3A_2573 = arith.constant 0 : i32
        %dma_wait3A_2574 = arith.constant 0 : i32
        %dma_wait3A_2575 = tpu.memref_slice %arg13[%dma_wait3A_2573, %dma_wait3A_2574] : memref<128x128xf32, #tpu.memory_space<vmem>> -> memref<64x128xf32, #tpu.memory_space<vmem>>
        %dma_wait3A_2576 = arith.constant 0 : i32
        %dma_wait3A_2577 = arith.constant 0 : i32
        %dma_wait3A_2578 = tpu.memref_slice %arg5[%dma_wait3A_2576, %dma_wait3A_2577] : memref<10000x128xf32, #tpu.memory_space<hbm>> -> memref<64x128xf32, #tpu.memory_space<hbm>>
        %dma_wait3A_2579 = arith.constant 0 : i32
        %dma_wait3A_2580 = arith.constant 0 : i32
        %dma_wait3A_2581 = tpu.memref_slice %arg13[%dma_wait3A_2579, %dma_wait3A_2580] : memref<128x128xf32, #tpu.memory_space<vmem>> -> memref<64x128xf32, #tpu.memory_space<vmem>>
        %dma_wait3A_2582 = arith.constant 0 : i32
        %dma_wait3A_2583 = arith.constant 0 : i32
        %dma_wait3A_2584 = tpu.memref_slice %arg5[%dma_wait3A_2582, %dma_wait3A_2583] : memref<10000x128xf32, #tpu.memory_space<hbm>> -> memref<64x128xf32, #tpu.memory_space<hbm>>
        tpu.wait_dma2 semaphore(%arg21 : memref<!tpu.dma_semaphore, #tpu.memory_space<semaphore_mem>>) src(%dma_wait3A_2584 : memref<64x128xf32, #tpu.memory_space<hbm>>) dst(%dma_wait3A_2581 : memref<64x128xf32, #tpu.memory_space<vmem>>)
        %dma_wait3A_2585 = arith.constant 0 : i32
        %dma_wait3A_2586 = arith.constant 0 : i32
        %dma_wait3A_2587 = tpu.memref_slice %arg14[%dma_wait3A_2585, %dma_wait3A_2586] : memref<128x128xf32, #tpu.memory_space<vmem>> -> memref<64x128xf32, #tpu.memory_space<vmem>>
        %dma_wait3A_2588 = arith.constant 0 : i32
        %dma_wait3A_2589 = arith.constant 0 : i32
        %dma_wait3A_2590 = tpu.memref_slice %arg5[%dma_wait3A_2588, %dma_wait3A_2589] : memref<10000x128xf32, #tpu.memory_space<hbm>> -> memref<64x128xf32, #tpu.memory_space<hbm>>
        %dma_wait3A_2591 = arith.constant 0 : i32
        %dma_wait3A_2592 = arith.constant 0 : i32
        %dma_wait3A_2593 = tpu.memref_slice %arg14[%dma_wait3A_2591, %dma_wait3A_2592] : memref<128x128xf32, #tpu.memory_space<vmem>> -> memref<64x128xf32, #tpu.memory_space<vmem>>
        %dma_wait3A_2594 = arith.constant 0 : i32
        %dma_wait3A_2595 = arith.constant 0 : i32
        %dma_wait3A_2596 = tpu.memref_slice %arg5[%dma_wait3A_2594, %dma_wait3A_2595] : memref<10000x128xf32, #tpu.memory_space<hbm>> -> memref<64x128xf32, #tpu.memory_space<hbm>>
        tpu.wait_dma2 semaphore(%arg21 : memref<!tpu.dma_semaphore, #tpu.memory_space<semaphore_mem>>) src(%dma_wait3A_2596 : memref<64x128xf32, #tpu.memory_space<hbm>>) dst(%dma_wait3A_2593 : memref<64x128xf32, #tpu.memory_space<vmem>>)
      } else {
      }
      %eq3A_1000 = arith.constant 4 : i32
      %eq3A_1001 = arith.cmpi eq, %rem3A_997, %eq3A_1000 : i32
      %convert_element_type3A_1002 = arith.extui %eq3A_1001 : i1 to i32
      %cond3A_1003 = arith.constant 0 : i32
      %cond3A_1004 = arith.cmpi ne, %convert_element_type3A_1002, %cond3A_1003 : i32
      scf.if %cond3A_1004 {
        %dma_wait3A = arith.constant 64 : i32
        %dma_wait3A_2562 = arith.constant 0 : i32
        %dma_wait3A_2563 = tpu.memref_slice %arg12[%dma_wait3A, %dma_wait3A_2562] : memref<128x128xf32, #tpu.memory_space<vmem>> -> memref<64x128xf32, #tpu.memory_space<vmem>>
        %dma_wait3A_2564 = arith.constant 0 : i32
        %dma_wait3A_2565 = arith.constant 0 : i32
        %dma_wait3A_2566 = tpu.memref_slice %arg5[%dma_wait3A_2564, %dma_wait3A_2565] : memref<10000x128xf32, #tpu.memory_space<hbm>> -> memref<64x128xf32, #tpu.memory_space<hbm>>
        %dma_wait3A_2567 = arith.constant 64 : i32
        %dma_wait3A_2568 = arith.constant 0 : i32
        %dma_wait3A_2569 = tpu.memref_slice %arg12[%dma_wait3A_2567, %dma_wait3A_2568] : memref<128x128xf32, #tpu.memory_space<vmem>> -> memref<64x128xf32, #tpu.memory_space<vmem>>
        %dma_wait3A_2570 = arith.constant 0 : i32
        %dma_wait3A_2571 = arith.constant 0 : i32
        %dma_wait3A_2572 = tpu.memref_slice %arg5[%dma_wait3A_2570, %dma_wait3A_2571] : memref<10000x128xf32, #tpu.memory_space<hbm>> -> memref<64x128xf32, #tpu.memory_space<hbm>>
        tpu.wait_dma2 semaphore(%arg22 : memref<!tpu.dma_semaphore, #tpu.memory_space<semaphore_mem>>) src(%dma_wait3A_2572 : memref<64x128xf32, #tpu.memory_space<hbm>>) dst(%dma_wait3A_2569 : memref<64x128xf32, #tpu.memory_space<vmem>>)
        %dma_wait3A_2573 = arith.constant 64 : i32
        %dma_wait3A_2574 = arith.constant 0 : i32
        %dma_wait3A_2575 = tpu.memref_slice %arg13[%dma_wait3A_2573, %dma_wait3A_2574] : memref<128x128xf32, #tpu.memory_space<vmem>> -> memref<64x128xf32, #tpu.memory_space<vmem>>
        %dma_wait3A_2576 = arith.constant 0 : i32
        %dma_wait3A_2577 = arith.constant 0 : i32
        %dma_wait3A_2578 = tpu.memref_slice %arg5[%dma_wait3A_2576, %dma_wait3A_2577] : memref<10000x128xf32, #tpu.memory_space<hbm>> -> memref<64x128xf32, #tpu.memory_space<hbm>>
        %dma_wait3A_2579 = arith.constant 64 : i32
        %dma_wait3A_2580 = arith.constant 0 : i32
        %dma_wait3A_2581 = tpu.memref_slice %arg13[%dma_wait3A_2579, %dma_wait3A_2580] : memref<128x128xf32, #tpu.memory_space<vmem>> -> memref<64x128xf32, #tpu.memory_space<vmem>>
        %dma_wait3A_2582 = arith.constant 0 : i32
        %dma_wait3A_2583 = arith.constant 0 : i32
        %dma_wait3A_2584 = tpu.memref_slice %arg5[%dma_wait3A_2582, %dma_wait3A_2583] : memref<10000x128xf32, #tpu.memory_space<hbm>> -> memref<64x128xf32, #tpu.memory_space<hbm>>
        tpu.wait_dma2 semaphore(%arg22 : memref<!tpu.dma_semaphore, #tpu.memory_space<semaphore_mem>>) src(%dma_wait3A_2584 : memref<64x128xf32, #tpu.memory_space<hbm>>) dst(%dma_wait3A_2581 : memref<64x128xf32, #tpu.memory_space<vmem>>)
        %dma_wait3A_2585 = arith.constant 64 : i32
        %dma_wait3A_2586 = arith.constant 0 : i32
        %dma_wait3A_2587 = tpu.memref_slice %arg14[%dma_wait3A_2585, %dma_wait3A_2586] : memref<128x128xf32, #tpu.memory_space<vmem>> -> memref<64x128xf32, #tpu.memory_space<vmem>>
        %dma_wait3A_2588 = arith.constant 0 : i32
        %dma_wait3A_2589 = arith.constant 0 : i32
        %dma_wait3A_2590 = tpu.memref_slice %arg5[%dma_wait3A_2588, %dma_wait3A_2589] : memref<10000x128xf32, #tpu.memory_space<hbm>> -> memref<64x128xf32, #tpu.memory_space<hbm>>
        %dma_wait3A_2591 = arith.constant 64 : i32
        %dma_wait3A_2592 = arith.constant 0 : i32
        %dma_wait3A_2593 = tpu.memref_slice %arg14[%dma_wait3A_2591, %dma_wait3A_2592] : memref<128x128xf32, #tpu.memory_space<vmem>> -> memref<64x128xf32, #tpu.memory_space<vmem>>
        %dma_wait3A_2594 = arith.constant 0 : i32
        %dma_wait3A_2595 = arith.constant 0 : i32
        %dma_wait3A_2596 = tpu.memref_slice %arg5[%dma_wait3A_2594, %dma_wait3A_2595] : memref<10000x128xf32, #tpu.memory_space<hbm>> -> memref<64x128xf32, #tpu.memory_space<hbm>>
        tpu.wait_dma2 semaphore(%arg22 : memref<!tpu.dma_semaphore, #tpu.memory_space<semaphore_mem>>) src(%dma_wait3A_2596 : memref<64x128xf32, #tpu.memory_space<hbm>>) dst(%dma_wait3A_2593 : memref<64x128xf32, #tpu.memory_space<vmem>>)
      } else {
      }
      %eq3A_1005 = arith.constant 3 : i32
      %eq3A_1006 = arith.cmpi eq, %rem3A_997, %eq3A_1005 : i32
      %add3A_1007 = arith.constant 2 : i32
      %add3A_1008 = arith.addi %shift_right_arithmetic3A_996, %add3A_1007 : i32
      %lt3A = arith.constant 8 : i32
      %lt3A_1009 = arith.cmpi slt, %add3A_1008, %lt3A : i32
      %and3A = arith.andi %eq3A_1006, %lt3A_1009 : i1
      %convert_element_type3A_1010 = arith.extui %and3A : i1 to i32
      %cond3A_1011 = arith.constant 0 : i32
      %cond3A_1012 = arith.cmpi ne, %convert_element_type3A_1010, %cond3A_1011 : i32
      scf.if %cond3A_1012 {
        %add3A_2562 = arith.constant 2 : i32
        %add3A_2563 = arith.addi %shift_right_arithmetic3A_996, %add3A_2562 : i32
        %mul3A_2564 = arith.constant 64 : i32
        %mul3A_2565 = arith.muli %add3A_2563, %mul3A_2564 : i32
        %multiple_of3A_2566 = tpu.assume_multiple %mul3A_2565, 8 : i32
        %dma_start3A_2567 = arith.constant 0 : i32
        %dma_start3A_2568 = arith.constant 0 : i32
        %dma_start3A_2569 = tpu.memref_slice %arg12[%dma_start3A_2567, %dma_start3A_2568] : memref<128x128xf32, #tpu.memory_space<vmem>> -> memref<64x128xf32, #tpu.memory_space<vmem>>
        %dma_start3A_2570 = tpu.memref_slice %arg9[%multiple_of3A_2566] : memref<512xi32, #tpu.memory_space<vmem>> -> memref<64xi32, #tpu.memory_space<vmem>>
        %dma_start3A_2571 = arith.constant 0 : i32
        %dma_start3A_2572 = arith.constant 0 : i32
        %dma_start3A_2573 = tpu.memref_slice %arg5[%dma_start3A_2571, %dma_start3A_2572] : memref<10000x128xf32, #tpu.memory_space<hbm>> -> memref<10000x128xf32, #tpu.memory_space<hbm>>
        tpu.enqueue_indirect_dma source(%dma_start3A_2573 : memref<10000x128xf32, #tpu.memory_space<hbm>>) target(%dma_start3A_2569 : memref<64x128xf32, #tpu.memory_space<vmem>>) offsets(%dma_start3A_2570 : memref<64xi32, #tpu.memory_space<vmem>>) semaphore(%arg21 : memref<!tpu.dma_semaphore, #tpu.memory_space<semaphore_mem>>)
        %dma_start3A_2574 = arith.constant 0 : i32
        %dma_start3A_2575 = arith.constant 0 : i32
        %dma_start3A_2576 = tpu.memref_slice %arg13[%dma_start3A_2574, %dma_start3A_2575] : memref<128x128xf32, #tpu.memory_space<vmem>> -> memref<64x128xf32, #tpu.memory_space<vmem>>
        %dma_start3A_2577 = tpu.memref_slice %arg10[%multiple_of3A_2566] : memref<512xi32, #tpu.memory_space<vmem>> -> memref<64xi32, #tpu.memory_space<vmem>>
        %dma_start3A_2578 = arith.constant 0 : i32
        %dma_start3A_2579 = arith.constant 0 : i32
        %dma_start3A_2580 = tpu.memref_slice %arg6[%dma_start3A_2578, %dma_start3A_2579] : memref<10000x128xf32, #tpu.memory_space<hbm>> -> memref<10000x128xf32, #tpu.memory_space<hbm>>
        tpu.enqueue_indirect_dma source(%dma_start3A_2580 : memref<10000x128xf32, #tpu.memory_space<hbm>>) target(%dma_start3A_2576 : memref<64x128xf32, #tpu.memory_space<vmem>>) offsets(%dma_start3A_2577 : memref<64xi32, #tpu.memory_space<vmem>>) semaphore(%arg21 : memref<!tpu.dma_semaphore, #tpu.memory_space<semaphore_mem>>)
        %dma_start3A_2581 = arith.constant 0 : i32
        %dma_start3A_2582 = arith.constant 0 : i32
        %dma_start3A_2583 = tpu.memref_slice %arg14[%dma_start3A_2581, %dma_start3A_2582] : memref<128x128xf32, #tpu.memory_space<vmem>> -> memref<64x128xf32, #tpu.memory_space<vmem>>
        %dma_start3A_2584 = tpu.memref_slice %arg11[%multiple_of3A_2566] : memref<512xi32, #tpu.memory_space<vmem>> -> memref<64xi32, #tpu.memory_space<vmem>>
        %dma_start3A_2585 = arith.constant 0 : i32
        %dma_start3A_2586 = arith.constant 0 : i32
        %dma_start3A_2587 = tpu.memref_slice %arg6[%dma_start3A_2585, %dma_start3A_2586] : memref<10000x128xf32, #tpu.memory_space<hbm>> -> memref<10000x128xf32, #tpu.memory_space<hbm>>
        tpu.enqueue_indirect_dma source(%dma_start3A_2587 : memref<10000x128xf32, #tpu.memory_space<hbm>>) target(%dma_start3A_2583 : memref<64x128xf32, #tpu.memory_space<vmem>>) offsets(%dma_start3A_2584 : memref<64xi32, #tpu.memory_space<vmem>>) semaphore(%arg21 : memref<!tpu.dma_semaphore, #tpu.memory_space<semaphore_mem>>)
      } else {
      }
      %eq3A_1013 = arith.constant 7 : i32
      %eq3A_1014 = arith.cmpi eq, %rem3A_997, %eq3A_1013 : i32
      %add3A_1015 = arith.constant 2 : i32
      %add3A_1016 = arith.addi %shift_right_arithmetic3A_996, %add3A_1015 : i32
      %lt3A_1017 = arith.constant 8 : i32
      %lt3A_1018 = arith.cmpi slt, %add3A_1016, %lt3A_1017 : i32
      %and3A_1019 = arith.andi %eq3A_1014, %lt3A_1018 : i1
      %convert_element_type3A_1020 = arith.extui %and3A_1019 : i1 to i32
      %cond3A_1021 = arith.constant 0 : i32
      %cond3A_1022 = arith.cmpi ne, %convert_element_type3A_1020, %cond3A_1021 : i32
      scf.if %cond3A_1022 {
        %add3A_2562 = arith.constant 2 : i32
        %add3A_2563 = arith.addi %shift_right_arithmetic3A_996, %add3A_2562 : i32
        %mul3A_2564 = arith.constant 64 : i32
        %mul3A_2565 = arith.muli %add3A_2563, %mul3A_2564 : i32
        %multiple_of3A_2566 = tpu.assume_multiple %mul3A_2565, 8 : i32
        %dma_start3A_2567 = arith.constant 64 : i32
        %dma_start3A_2568 = arith.constant 0 : i32
        %dma_start3A_2569 = tpu.memref_slice %arg12[%dma_start3A_2567, %dma_start3A_2568] : memref<128x128xf32, #tpu.memory_space<vmem>> -> memref<64x128xf32, #tpu.memory_space<vmem>>
        %dma_start3A_2570 = tpu.memref_slice %arg9[%multiple_of3A_2566] : memref<512xi32, #tpu.memory_space<vmem>> -> memref<64xi32, #tpu.memory_space<vmem>>
        %dma_start3A_2571 = arith.constant 0 : i32
        %dma_start3A_2572 = arith.constant 0 : i32
        %dma_start3A_2573 = tpu.memref_slice %arg5[%dma_start3A_2571, %dma_start3A_2572] : memref<10000x128xf32, #tpu.memory_space<hbm>> -> memref<10000x128xf32, #tpu.memory_space<hbm>>
        tpu.enqueue_indirect_dma source(%dma_start3A_2573 : memref<10000x128xf32, #tpu.memory_space<hbm>>) target(%dma_start3A_2569 : memref<64x128xf32, #tpu.memory_space<vmem>>) offsets(%dma_start3A_2570 : memref<64xi32, #tpu.memory_space<vmem>>) semaphore(%arg22 : memref<!tpu.dma_semaphore, #tpu.memory_space<semaphore_mem>>)
        %dma_start3A_2574 = arith.constant 64 : i32
        %dma_start3A_2575 = arith.constant 0 : i32
        %dma_start3A_2576 = tpu.memref_slice %arg13[%dma_start3A_2574, %dma_start3A_2575] : memref<128x128xf32, #tpu.memory_space<vmem>> -> memref<64x128xf32, #tpu.memory_space<vmem>>
        %dma_start3A_2577 = tpu.memref_slice %arg10[%multiple_of3A_2566] : memref<512xi32, #tpu.memory_space<vmem>> -> memref<64xi32, #tpu.memory_space<vmem>>
        %dma_start3A_2578 = arith.constant 0 : i32
        %dma_start3A_2579 = arith.constant 0 : i32
        %dma_start3A_2580 = tpu.memref_slice %arg6[%dma_start3A_2578, %dma_start3A_2579] : memref<10000x128xf32, #tpu.memory_space<hbm>> -> memref<10000x128xf32, #tpu.memory_space<hbm>>
        tpu.enqueue_indirect_dma source(%dma_start3A_2580 : memref<10000x128xf32, #tpu.memory_space<hbm>>) target(%dma_start3A_2576 : memref<64x128xf32, #tpu.memory_space<vmem>>) offsets(%dma_start3A_2577 : memref<64xi32, #tpu.memory_space<vmem>>) semaphore(%arg22 : memref<!tpu.dma_semaphore, #tpu.memory_space<semaphore_mem>>)
        %dma_start3A_2581 = arith.constant 64 : i32
        %dma_start3A_2582 = arith.constant 0 : i32
        %dma_start3A_2583 = tpu.memref_slice %arg14[%dma_start3A_2581, %dma_start3A_2582] : memref<128x128xf32, #tpu.memory_space<vmem>> -> memref<64x128xf32, #tpu.memory_space<vmem>>
        %dma_start3A_2584 = tpu.memref_slice %arg11[%multiple_of3A_2566] : memref<512xi32, #tpu.memory_space<vmem>> -> memref<64xi32, #tpu.memory_space<vmem>>
        %dma_start3A_2585 = arith.constant 0 : i32
        %dma_start3A_2586 = arith.constant 0 : i32
        %dma_start3A_2587 = tpu.memref_slice %arg6[%dma_start3A_2585, %dma_start3A_2586] : memref<10000x128xf32, #tpu.memory_space<hbm>> -> memref<10000x128xf32, #tpu.memory_space<hbm>>
        tpu.enqueue_indirect_dma source(%dma_start3A_2587 : memref<10000x128xf32, #tpu.memory_space<hbm>>) target(%dma_start3A_2583 : memref<64x128xf32, #tpu.memory_space<vmem>>) offsets(%dma_start3A_2584 : memref<64xi32, #tpu.memory_space<vmem>>) semaphore(%arg22 : memref<!tpu.dma_semaphore, #tpu.memory_space<semaphore_mem>>)
      } else {
      }
      %rem3A_1023 = arith.constant 2 : i32
      %rem3A_1024 = arith.remsi %scan3A_992, %rem3A_1023 : i32
      %eq3A_1025 = arith.constant 0 : i32
      %eq3A_1026 = arith.cmpi eq, %rem3A_1024, %eq3A_1025 : i32
      %convert_element_type3A_1027 = arith.extui %eq3A_1026 : i1 to i32
      %cond3A_1028 = arith.constant 0 : i32
      %cond3A_1029 = arith.cmpi ne, %convert_element_type3A_1027, %cond3A_1028 : i32
      scf.if %cond3A_1029 {
        %dma_wait3A = arith.constant 0 : i32
        %dma_wait3A_2562 = arith.constant 0 : i32
        %dma_wait3A_2563 = tpu.memref_slice %arg15[%dma_wait3A, %dma_wait3A_2562] : memref<16x128xf32, #tpu.memory_space<vmem>> -> memref<4x128xf32, #tpu.memory_space<vmem>>
        %dma_wait3A_2564 = arith.constant 0 : i32
        %dma_wait3A_2565 = arith.constant 0 : i32
        %dma_wait3A_2566 = tpu.memref_slice %arg5[%dma_wait3A_2564, %dma_wait3A_2565] : memref<10000x128xf32, #tpu.memory_space<hbm>> -> memref<4x128xf32, #tpu.memory_space<hbm>>
        %dma_wait3A_2567 = arith.constant 0 : i32
        %dma_wait3A_2568 = arith.constant 0 : i32
        %dma_wait3A_2569 = tpu.memref_slice %arg15[%dma_wait3A_2567, %dma_wait3A_2568] : memref<16x128xf32, #tpu.memory_space<vmem>> -> memref<4x128xf32, #tpu.memory_space<vmem>>
        %dma_wait3A_2570 = arith.constant 0 : i32
        %dma_wait3A_2571 = arith.constant 0 : i32
        %dma_wait3A_2572 = tpu.memref_slice %arg5[%dma_wait3A_2570, %dma_wait3A_2571] : memref<10000x128xf32, #tpu.memory_space<hbm>> -> memref<4x128xf32, #tpu.memory_space<hbm>>
        tpu.wait_dma2 semaphore(%arg19 : memref<!tpu.dma_semaphore, #tpu.memory_space<semaphore_mem>>) src(%dma_wait3A_2572 : memref<4x128xf32, #tpu.memory_space<hbm>>) dst(%dma_wait3A_2569 : memref<4x128xf32, #tpu.memory_space<vmem>>)
      } else {
      }
      %eq3A_1030 = arith.constant 1 : i32
      %eq3A_1031 = arith.cmpi eq, %rem3A_1024, %eq3A_1030 : i32
      %convert_element_type3A_1032 = arith.extui %eq3A_1031 : i1 to i32
      %cond3A_1033 = arith.constant 0 : i32
      %cond3A_1034 = arith.cmpi ne, %convert_element_type3A_1032, %cond3A_1033 : i32
      scf.if %cond3A_1034 {
        %dma_wait3A = arith.constant 8 : i32
        %dma_wait3A_2562 = arith.constant 0 : i32
        %dma_wait3A_2563 = tpu.memref_slice %arg15[%dma_wait3A, %dma_wait3A_2562] : memref<16x128xf32, #tpu.memory_space<vmem>> -> memref<4x128xf32, #tpu.memory_space<vmem>>
        %dma_wait3A_2564 = arith.constant 0 : i32
        %dma_wait3A_2565 = arith.constant 0 : i32
        %dma_wait3A_2566 = tpu.memref_slice %arg5[%dma_wait3A_2564, %dma_wait3A_2565] : memref<10000x128xf32, #tpu.memory_space<hbm>> -> memref<4x128xf32, #tpu.memory_space<hbm>>
        %dma_wait3A_2567 = arith.constant 8 : i32
        %dma_wait3A_2568 = arith.constant 0 : i32
        %dma_wait3A_2569 = tpu.memref_slice %arg15[%dma_wait3A_2567, %dma_wait3A_2568] : memref<16x128xf32, #tpu.memory_space<vmem>> -> memref<4x128xf32, #tpu.memory_space<vmem>>
        %dma_wait3A_2570 = arith.constant 0 : i32
        %dma_wait3A_2571 = arith.constant 0 : i32
        %dma_wait3A_2572 = tpu.memref_slice %arg5[%dma_wait3A_2570, %dma_wait3A_2571] : memref<10000x128xf32, #tpu.memory_space<hbm>> -> memref<4x128xf32, #tpu.memory_space<hbm>>
        tpu.wait_dma2 semaphore(%arg20 : memref<!tpu.dma_semaphore, #tpu.memory_space<semaphore_mem>>) src(%dma_wait3A_2572 : memref<4x128xf32, #tpu.memory_space<hbm>>) dst(%dma_wait3A_2569 : memref<4x128xf32, #tpu.memory_space<vmem>>)
      } else {
      }
      %mul3A_1035 = arith.constant 8 : i32
      %mul3A_1036 = arith.muli %rem3A_1024, %mul3A_1035 : i32
      %mul3A_1037 = arith.constant 16 : i32
      %mul3A_1038 = arith.muli %scan3A_992, %mul3A_1037 : i32
      %get3A_1039 = arith.index_cast %mul3A_1038 : i32 to index
      %get3A_1040 = tpu.vector_load %arg10[%get3A_1039] {strides = array<i32>} : memref<512xi32, #tpu.memory_space<vmem>>, vector<16xi32>,
      %and3A_1041 = arith.andi %iota3A, %broadcast_in_dim3A_3 : vector<16xi32>
      %add3A_1042 = vector.broadcast %mul3A_1036 : i32 to vector<16xi32>
      %add3A_1043 = arith.addi %add3A_1042, %and3A_1041 : vector<16xi32>
      %add3A_1044 = arith.constant 0 : i32
      %add3A_1045 = vector.broadcast %add3A_1044 : i32 to vector<16xi32>
      %add3A_1046 = arith.addi %iota3A, %add3A_1045 : vector<16xi32>
      %shift_right_logical3A_1047 = arith.shrui %add3A_1046, %broadcast_in_dim3A_7 : vector<16xi32>
      %mul3A_1048 = arith.constant 16 : i32
      %mul3A_1049 = vector.broadcast %mul3A_1048 : i32 to vector<16xi32>
      %mul3A_1050 = arith.muli %shift_right_logical3A_1047, %mul3A_1049 : vector<16xi32>
      %and3A_1051 = arith.andi %get3A_1040, %broadcast_in_dim3A_13 : vector<16xi32>
      %add3A_1052 = arith.addi %mul3A_1050, %and3A_1051 : vector<16xi32>
      %gather3A = tpu.vector_load_idx %arg15[%add3A_1043, %add3A_1052] : memref<16x128xf32, #tpu.memory_space<vmem>>[vector<16xi32>, vector<16xi32>], vector<16xf32>,
      %mul3A_1053 = arith.constant 16 : i32
      %mul3A_1054 = arith.muli %scan3A_992, %mul3A_1053 : i32
      %get3A_1055 = arith.index_cast %mul3A_1054 : i32 to index
      %get3A_1056 = tpu.vector_load %arg11[%get3A_1055] {strides = array<i32>} : memref<512xi32, #tpu.memory_space<vmem>>, vector<16xi32>,
      %and3A_1057 = arith.andi %iota3A, %broadcast_in_dim3A_3 : vector<16xi32>
      %add3A_1058 = vector.broadcast %mul3A_1036 : i32 to vector<16xi32>
      %add3A_1059 = arith.addi %add3A_1058, %and3A_1057 : vector<16xi32>
      %add3A_1060 = arith.constant 16 : i32
      %add3A_1061 = vector.broadcast %add3A_1060 : i32 to vector<16xi32>
      %add3A_1062 = arith.addi %iota3A, %add3A_1061 : vector<16xi32>
      %shift_right_logical3A_1063 = arith.shrui %add3A_1062, %broadcast_in_dim3A_7 : vector<16xi32>
      %mul3A_1064 = arith.constant 16 : i32
      %mul3A_1065 = vector.broadcast %mul3A_1064 : i32 to vector<16xi32>
      %mul3A_1066 = arith.muli %shift_right_logical3A_1063, %mul3A_1065 : vector<16xi32>
      %and3A_1067 = arith.andi %get3A_1056, %broadcast_in_dim3A_13 : vector<16xi32>
      %add3A_1068 = arith.addi %mul3A_1066, %and3A_1067 : vector<16xi32>
      %gather3A_1069 = tpu.vector_load_idx %arg15[%add3A_1059, %add3A_1068] : memref<16x128xf32, #tpu.memory_space<vmem>>[vector<16xi32>, vector<16xi32>], vector<16xf32>,
      %eq3A_1070 = arith.constant 0 : i32
      %eq3A_1071 = arith.cmpi eq, %rem3A_1024, %eq3A_1070 : i32
      %add3A_1072 = arith.constant 2 : i32
      %add3A_1073 = arith.addi %scan3A_992, %add3A_1072 : i32
      %lt3A_1074 = arith.constant 32 : i32
      %lt3A_1075 = arith.cmpi slt, %add3A_1073, %lt3A_1074 : i32
      %and3A_1076 = arith.andi %eq3A_1071, %lt3A_1075 : i1
      %convert_element_type3A_1077 = arith.extui %and3A_1076 : i1 to i32
      %cond3A_1078 = arith.constant 0 : i32
      %cond3A_1079 = arith.cmpi ne, %convert_element_type3A_1077, %cond3A_1078 : i32
      scf.if %cond3A_1079 {
        %add3A_2562 = arith.constant 2 : i32
        %add3A_2563 = arith.addi %scan3A_992, %add3A_2562 : i32
        %mul3A_2564 = arith.constant 16 : i32
        %mul3A_2565 = arith.muli %add3A_2563, %mul3A_2564 : i32
        %get3A_2566 = arith.index_cast %mul3A_2565 : i32 to index
        %get3A_2567 = tpu.vector_load %arg9[%get3A_2566] {strides = array<i32>} : memref<512xi32, #tpu.memory_space<vmem>>, vector<16xi32>,
        %mul3A_2568 = arith.constant 16 : i32
        %mul3A_2569 = arith.muli %add3A_2563, %mul3A_2568 : i32
        %get3A_2570 = arith.index_cast %mul3A_2569 : i32 to index
        %get3A_2571 = tpu.vector_load %arg10[%get3A_2570] {strides = array<i32>} : memref<512xi32, #tpu.memory_space<vmem>>, vector<16xi32>,
        %shift_right_logical3A_2572 = arith.shrui %get3A_2571, %broadcast_in_dim3A_11 : vector<16xi32>
        %shift_left3A_2573 = arith.shli %shift_right_logical3A_2572, %broadcast_in_dim3A_11 : vector<16xi32>
        %slice3A_2574 = vector.extract_strided_slice %get3A_2567 {offsets = [0], sizes = [1], strides = [1]} : vector<16xi32> to vector<1xi32>
        %squeeze3A_2575 = vector.extract %slice3A_2574[0] : i32 from vector<1xi32>
        %multiple_of3A_2576 = tpu.assume_multiple %squeeze3A_2575, 8 : i32
        %slice3A_2577 = vector.extract_strided_slice %shift_left3A_2573 {offsets = [0], sizes = [1], strides = [1]} : vector<16xi32> to vector<1xi32>
        %squeeze3A_2578 = vector.extract %slice3A_2577[0] : i32 from vector<1xi32>
        %multiple_of3A_2579 = tpu.assume_multiple %squeeze3A_2578, 128 : i32
        %dma_start3A_2580 = arith.constant 0 : i32
        %dma_start3A_2581 = arith.constant 0 : i32
        %dma_start3A_2582 = tpu.memref_slice %arg15[%dma_start3A_2580, %dma_start3A_2581] : memref<16x128xf32, #tpu.memory_space<vmem>> -> memref<1x16xf32, #tpu.memory_space<vmem>>
        %dma_start3A_2583 = tpu.memref_slice %arg7[%multiple_of3A_2576, %multiple_of3A_2579] : memref<10000x10000xf32, #tpu.memory_space<hbm>> -> memref<1x16xf32, #tpu.memory_space<hbm>>
        %dma_start3A_2584 = arith.constant 0 : i32
        %dma_start3A_2585 = arith.constant 0 : i32
        %dma_start3A_2586 = tpu.memref_slice %arg15[%dma_start3A_2584, %dma_start3A_2585] : memref<16x128xf32, #tpu.memory_space<vmem>> -> memref<1x16xf32, #tpu.memory_space<vmem>>
        %dma_start3A_2587 = tpu.memref_slice %arg7[%multiple_of3A_2576, %multiple_of3A_2579] : memref<10000x10000xf32, #tpu.memory_space<hbm>> -> memref<1x16xf32, #tpu.memory_space<hbm>>
        tpu.enqueue_dma source(%dma_start3A_2587 : memref<1x16xf32, #tpu.memory_space<hbm>>) target(%dma_start3A_2586 : memref<1x16xf32, #tpu.memory_space<vmem>>) target_semaphore(%arg19 : memref<!tpu.dma_semaphore, #tpu.memory_space<semaphore_mem>>)
        %slice3A_2588 = vector.extract_strided_slice %get3A_2567 {offsets = [1], sizes = [1], strides = [1]} : vector<16xi32> to vector<1xi32>
        %squeeze3A_2589 = vector.extract %slice3A_2588[0] : i32 from vector<1xi32>
        %multiple_of3A_2590 = tpu.assume_multiple %squeeze3A_2589, 8 : i32
        %slice3A_2591 = vector.extract_strided_slice %shift_left3A_2573 {offsets = [1], sizes = [1], strides = [1]} : vector<16xi32> to vector<1xi32>
        %squeeze3A_2592 = vector.extract %slice3A_2591[0] : i32 from vector<1xi32>
        %multiple_of3A_2593 = tpu.assume_multiple %squeeze3A_2592, 128 : i32
        %dma_start3A_2594 = arith.constant 1 : i32
        %dma_start3A_2595 = arith.constant 0 : i32
        %dma_start3A_2596 = tpu.memref_slice %arg15[%dma_start3A_2594, %dma_start3A_2595] : memref<16x128xf32, #tpu.memory_space<vmem>> -> memref<1x16xf32, #tpu.memory_space<vmem>>
        %dma_start3A_2597 = tpu.memref_slice %arg7[%multiple_of3A_2590, %multiple_of3A_2593] : memref<10000x10000xf32, #tpu.memory_space<hbm>> -> memref<1x16xf32, #tpu.memory_space<hbm>>
        %dma_start3A_2598 = arith.constant 1 : i32
        %dma_start3A_2599 = arith.constant 0 : i32
        %dma_start3A_2600 = tpu.memref_slice %arg15[%dma_start3A_2598, %dma_start3A_2599] : memref<16x128xf32, #tpu.memory_space<vmem>> -> memref<1x16xf32, #tpu.memory_space<vmem>>
        %dma_start3A_2601 = tpu.memref_slice %arg7[%multiple_of3A_2590, %multiple_of3A_2593] : memref<10000x10000xf32, #tpu.memory_space<hbm>> -> memref<1x16xf32, #tpu.memory_space<hbm>>
        tpu.enqueue_dma source(%dma_start3A_2601 : memref<1x16xf32, #tpu.memory_space<hbm>>) target(%dma_start3A_2600 : memref<1x16xf32, #tpu.memory_space<vmem>>) target_semaphore(%arg19 : memref<!tpu.dma_semaphore, #tpu.memory_space<semaphore_mem>>)
        %slice3A_2602 = vector.extract_strided_slice %get3A_2567 {offsets = [2], sizes = [1], strides = [1]} : vector<16xi32> to vector<1xi32>
        %squeeze3A_2603 = vector.extract %slice3A_2602[0] : i32 from vector<1xi32>
        %multiple_of3A_2604 = tpu.assume_multiple %squeeze3A_2603, 8 : i32
        %slice3A_2605 = vector.extract_strided_slice %shift_left3A_2573 {offsets = [2], sizes = [1], strides = [1]} : vector<16xi32> to vector<1xi32>
        %squeeze3A_2606 = vector.extract %slice3A_2605[0] : i32 from vector<1xi32>
        %multiple_of3A_2607 = tpu.assume_multiple %squeeze3A_2606, 128 : i32
        %dma_start3A_2608 = arith.constant 2 : i32
        %dma_start3A_2609 = arith.constant 0 : i32
        %dma_start3A_2610 = tpu.memref_slice %arg15[%dma_start3A_2608, %dma_start3A_2609] : memref<16x128xf32, #tpu.memory_space<vmem>> -> memref<1x16xf32, #tpu.memory_space<vmem>>
        %dma_start3A_2611 = tpu.memref_slice %arg7[%multiple_of3A_2604, %multiple_of3A_2607] : memref<10000x10000xf32, #tpu.memory_space<hbm>> -> memref<1x16xf32, #tpu.memory_space<hbm>>
        %dma_start3A_2612 = arith.constant 2 : i32
        %dma_start3A_2613 = arith.constant 0 : i32
        %dma_start3A_2614 = tpu.memref_slice %arg15[%dma_start3A_2612, %dma_start3A_2613] : memref<16x128xf32, #tpu.memory_space<vmem>> -> memref<1x16xf32, #tpu.memory_space<vmem>>
        %dma_start3A_2615 = tpu.memref_slice %arg7[%multiple_of3A_2604, %multiple_of3A_2607] : memref<10000x10000xf32, #tpu.memory_space<hbm>> -> memref<1x16xf32, #tpu.memory_space<hbm>>
        tpu.enqueue_dma source(%dma_start3A_2615 : memref<1x16xf32, #tpu.memory_space<hbm>>) target(%dma_start3A_2614 : memref<1x16xf32, #tpu.memory_space<vmem>>) target_semaphore(%arg19 : memref<!tpu.dma_semaphore, #tpu.memory_space<semaphore_mem>>)
        %slice3A_2616 = vector.extract_strided_slice %get3A_2567 {offsets = [3], sizes = [1], strides = [1]} : vector<16xi32> to vector<1xi32>
        %squeeze3A_2617 = vector.extract %slice3A_2616[0] : i32 from vector<1xi32>
        %multiple_of3A_2618 = tpu.assume_multiple %squeeze3A_2617, 8 : i32
        %slice3A_2619 = vector.extract_strided_slice %shift_left3A_2573 {offsets = [3], sizes = [1], strides = [1]} : vector<16xi32> to vector<1xi32>
        %squeeze3A_2620 = vector.extract %slice3A_2619[0] : i32 from vector<1xi32>
        %multiple_of3A_2621 = tpu.assume_multiple %squeeze3A_2620, 128 : i32
        %dma_start3A_2622 = arith.constant 3 : i32
        %dma_start3A_2623 = arith.constant 0 : i32
        %dma_start3A_2624 = tpu.memref_slice %arg15[%dma_start3A_2622, %dma_start3A_2623] : memref<16x128xf32, #tpu.memory_space<vmem>> -> memref<1x16xf32, #tpu.memory_space<vmem>>
        %dma_start3A_2625 = tpu.memref_slice %arg7[%multiple_of3A_2618, %multiple_of3A_2621] : memref<10000x10000xf32, #tpu.memory_space<hbm>> -> memref<1x16xf32, #tpu.memory_space<hbm>>
        %dma_start3A_2626 = arith.constant 3 : i32
        %dma_start3A_2627 = arith.constant 0 : i32
        %dma_start3A_2628 = tpu.memref_slice %arg15[%dma_start3A_2626, %dma_start3A_2627] : memref<16x128xf32, #tpu.memory_space<vmem>> -> memref<1x16xf32, #tpu.memory_space<vmem>>
        %dma_start3A_2629 = tpu.memref_slice %arg7[%multiple_of3A_2618, %multiple_of3A_2621] : memref<10000x10000xf32, #tpu.memory_space<hbm>> -> memref<1x16xf32, #tpu.memory_space<hbm>>
        tpu.enqueue_dma source(%dma_start3A_2629 : memref<1x16xf32, #tpu.memory_space<hbm>>) target(%dma_start3A_2628 : memref<1x16xf32, #tpu.memory_space<vmem>>) target_semaphore(%arg19 : memref<!tpu.dma_semaphore, #tpu.memory_space<semaphore_mem>>)
        %slice3A_2630 = vector.extract_strided_slice %get3A_2567 {offsets = [4], sizes = [1], strides = [1]} : vector<16xi32> to vector<1xi32>
        %squeeze3A_2631 = vector.extract %slice3A_2630[0] : i32 from vector<1xi32>
        %multiple_of3A_2632 = tpu.assume_multiple %squeeze3A_2631, 8 : i32
        %slice3A_2633 = vector.extract_strided_slice %shift_left3A_2573 {offsets = [4], sizes = [1], strides = [1]} : vector<16xi32> to vector<1xi32>
        %squeeze3A_2634 = vector.extract %slice3A_2633[0] : i32 from vector<1xi32>
        %multiple_of3A_2635 = tpu.assume_multiple %squeeze3A_2634, 128 : i32
        %dma_start3A_2636 = arith.constant 4 : i32
        %dma_start3A_2637 = arith.constant 0 : i32
        %dma_start3A_2638 = tpu.memref_slice %arg15[%dma_start3A_2636, %dma_start3A_2637] : memref<16x128xf32, #tpu.memory_space<vmem>> -> memref<1x16xf32, #tpu.memory_space<vmem>>
        %dma_start3A_2639 = tpu.memref_slice %arg7[%multiple_of3A_2632, %multiple_of3A_2635] : memref<10000x10000xf32, #tpu.memory_space<hbm>> -> memref<1x16xf32, #tpu.memory_space<hbm>>
        %dma_start3A_2640 = arith.constant 4 : i32
        %dma_start3A_2641 = arith.constant 0 : i32
        %dma_start3A_2642 = tpu.memref_slice %arg15[%dma_start3A_2640, %dma_start3A_2641] : memref<16x128xf32, #tpu.memory_space<vmem>> -> memref<1x16xf32, #tpu.memory_space<vmem>>
        %dma_start3A_2643 = tpu.memref_slice %arg7[%multiple_of3A_2632, %multiple_of3A_2635] : memref<10000x10000xf32, #tpu.memory_space<hbm>> -> memref<1x16xf32, #tpu.memory_space<hbm>>
        tpu.enqueue_dma source(%dma_start3A_2643 : memref<1x16xf32, #tpu.memory_space<hbm>>) target(%dma_start3A_2642 : memref<1x16xf32, #tpu.memory_space<vmem>>) target_semaphore(%arg19 : memref<!tpu.dma_semaphore, #tpu.memory_space<semaphore_mem>>)
        %slice3A_2644 = vector.extract_strided_slice %get3A_2567 {offsets = [5], sizes = [1], strides = [1]} : vector<16xi32> to vector<1xi32>
        %squeeze3A_2645 = vector.extract %slice3A_2644[0] : i32 from vector<1xi32>
        %multiple_of3A_2646 = tpu.assume_multiple %squeeze3A_2645, 8 : i32
        %slice3A_2647 = vector.extract_strided_slice %shift_left3A_2573 {offsets = [5], sizes = [1], strides = [1]} : vector<16xi32> to vector<1xi32>
        %squeeze3A_2648 = vector.extract %slice3A_2647[0] : i32 from vector<1xi32>
        %multiple_of3A_2649 = tpu.assume_multiple %squeeze3A_2648, 128 : i32
        %dma_start3A_2650 = arith.constant 5 : i32
        %dma_start3A_2651 = arith.constant 0 : i32
        %dma_start3A_2652 = tpu.memref_slice %arg15[%dma_start3A_2650, %dma_start3A_2651] : memref<16x128xf32, #tpu.memory_space<vmem>> -> memref<1x16xf32, #tpu.memory_space<vmem>>
        %dma_start3A_2653 = tpu.memref_slice %arg7[%multiple_of3A_2646, %multiple_of3A_2649] : memref<10000x10000xf32, #tpu.memory_space<hbm>> -> memref<1x16xf32, #tpu.memory_space<hbm>>
        %dma_start3A_2654 = arith.constant 5 : i32
        %dma_start3A_2655 = arith.constant 0 : i32
        %dma_start3A_2656 = tpu.memref_slice %arg15[%dma_start3A_2654, %dma_start3A_2655] : memref<16x128xf32, #tpu.memory_space<vmem>> -> memref<1x16xf32, #tpu.memory_space<vmem>>
        %dma_start3A_2657 = tpu.memref_slice %arg7[%multiple_of3A_2646, %multiple_of3A_2649] : memref<10000x10000xf32, #tpu.memory_space<hbm>> -> memref<1x16xf32, #tpu.memory_space<hbm>>
        tpu.enqueue_dma source(%dma_start3A_2657 : memref<1x16xf32, #tpu.memory_space<hbm>>) target(%dma_start3A_2656 : memref<1x16xf32, #tpu.memory_space<vmem>>) target_semaphore(%arg19 : memref<!tpu.dma_semaphore, #tpu.memory_space<semaphore_mem>>)
        %slice3A_2658 = vector.extract_strided_slice %get3A_2567 {offsets = [6], sizes = [1], strides = [1]} : vector<16xi32> to vector<1xi32>
        %squeeze3A_2659 = vector.extract %slice3A_2658[0] : i32 from vector<1xi32>
        %multiple_of3A_2660 = tpu.assume_multiple %squeeze3A_2659, 8 : i32
        %slice3A_2661 = vector.extract_strided_slice %shift_left3A_2573 {offsets = [6], sizes = [1], strides = [1]} : vector<16xi32> to vector<1xi32>
        %squeeze3A_2662 = vector.extract %slice3A_2661[0] : i32 from vector<1xi32>
        %multiple_of3A_2663 = tpu.assume_multiple %squeeze3A_2662, 128 : i32
        %dma_start3A_2664 = arith.constant 6 : i32
        %dma_start3A_2665 = arith.constant 0 : i32
        %dma_start3A_2666 = tpu.memref_slice %arg15[%dma_start3A_2664, %dma_start3A_2665] : memref<16x128xf32, #tpu.memory_space<vmem>> -> memref<1x16xf32, #tpu.memory_space<vmem>>
        %dma_start3A_2667 = tpu.memref_slice %arg7[%multiple_of3A_2660, %multiple_of3A_2663] : memref<10000x10000xf32, #tpu.memory_space<hbm>> -> memref<1x16xf32, #tpu.memory_space<hbm>>
        %dma_start3A_2668 = arith.constant 6 : i32
        %dma_start3A_2669 = arith.constant 0 : i32
        %dma_start3A_2670 = tpu.memref_slice %arg15[%dma_start3A_2668, %dma_start3A_2669] : memref<16x128xf32, #tpu.memory_space<vmem>> -> memref<1x16xf32, #tpu.memory_space<vmem>>
        %dma_start3A_2671 = tpu.memref_slice %arg7[%multiple_of3A_2660, %multiple_of3A_2663] : memref<10000x10000xf32, #tpu.memory_space<hbm>> -> memref<1x16xf32, #tpu.memory_space<hbm>>
        tpu.enqueue_dma source(%dma_start3A_2671 : memref<1x16xf32, #tpu.memory_space<hbm>>) target(%dma_start3A_2670 : memref<1x16xf32, #tpu.memory_space<vmem>>) target_semaphore(%arg19 : memref<!tpu.dma_semaphore, #tpu.memory_space<semaphore_mem>>)
        %slice3A_2672 = vector.extract_strided_slice %get3A_2567 {offsets = [7], sizes = [1], strides = [1]} : vector<16xi32> to vector<1xi32>
        %squeeze3A_2673 = vector.extract %slice3A_2672[0] : i32 from vector<1xi32>
        %multiple_of3A_2674 = tpu.assume_multiple %squeeze3A_2673, 8 : i32
        %slice3A_2675 = vector.extract_strided_slice %shift_left3A_2573 {offsets = [7], sizes = [1], strides = [1]} : vector<16xi32> to vector<1xi32>
        %squeeze3A_2676 = vector.extract %slice3A_2675[0] : i32 from vector<1xi32>
        %multiple_of3A_2677 = tpu.assume_multiple %squeeze3A_2676, 128 : i32
        %dma_start3A_2678 = arith.constant 7 : i32
        %dma_start3A_2679 = arith.constant 0 : i32
        %dma_start3A_2680 = tpu.memref_slice %arg15[%dma_start3A_2678, %dma_start3A_2679] : memref<16x128xf32, #tpu.memory_space<vmem>> -> memref<1x16xf32, #tpu.memory_space<vmem>>
        %dma_start3A_2681 = tpu.memref_slice %arg7[%multiple_of3A_2674, %multiple_of3A_2677] : memref<10000x10000xf32, #tpu.memory_space<hbm>> -> memref<1x16xf32, #tpu.memory_space<hbm>>
        %dma_start3A_2682 = arith.constant 7 : i32
        %dma_start3A_2683 = arith.constant 0 : i32
        %dma_start3A_2684 = tpu.memref_slice %arg15[%dma_start3A_2682, %dma_start3A_2683] : memref<16x128xf32, #tpu.memory_space<vmem>> -> memref<1x16xf32, #tpu.memory_space<vmem>>
        %dma_start3A_2685 = tpu.memref_slice %arg7[%multiple_of3A_2674, %multiple_of3A_2677] : memref<10000x10000xf32, #tpu.memory_space<hbm>> -> memref<1x16xf32, #tpu.memory_space<hbm>>
        tpu.enqueue_dma source(%dma_start3A_2685 : memref<1x16xf32, #tpu.memory_space<hbm>>) target(%dma_start3A_2684 : memref<1x16xf32, #tpu.memory_space<vmem>>) target_semaphore(%arg19 : memref<!tpu.dma_semaphore, #tpu.memory_space<semaphore_mem>>)
        %slice3A_2686 = vector.extract_strided_slice %get3A_2567 {offsets = [8], sizes = [1], strides = [1]} : vector<16xi32> to vector<1xi32>
        %squeeze3A_2687 = vector.extract %slice3A_2686[0] : i32 from vector<1xi32>
        %multiple_of3A_2688 = tpu.assume_multiple %squeeze3A_2687, 8 : i32
        %slice3A_2689 = vector.extract_strided_slice %shift_left3A_2573 {offsets = [8], sizes = [1], strides = [1]} : vector<16xi32> to vector<1xi32>
        %squeeze3A_2690 = vector.extract %slice3A_2689[0] : i32 from vector<1xi32>
        %multiple_of3A_2691 = tpu.assume_multiple %squeeze3A_2690, 128 : i32
        %dma_start3A_2692 = arith.constant 0 : i32
        %dma_start3A_2693 = arith.constant 16 : i32
        %dma_start3A_2694 = tpu.memref_slice %arg15[%dma_start3A_2692, %dma_start3A_2693] : memref<16x128xf32, #tpu.memory_space<vmem>> -> memref<1x16xf32, #tpu.memory_space<vmem>>
        %dma_start3A_2695 = tpu.memref_slice %arg7[%multiple_of3A_2688, %multiple_of3A_2691] : memref<10000x10000xf32, #tpu.memory_space<hbm>> -> memref<1x16xf32, #tpu.memory_space<hbm>>
        %dma_start3A_2696 = arith.constant 0 : i32
        %dma_start3A_2697 = arith.constant 16 : i32
        %dma_start3A_2698 = tpu.memref_slice %arg15[%dma_start3A_2696, %dma_start3A_2697] : memref<16x128xf32, #tpu.memory_space<vmem>> -> memref<1x16xf32, #tpu.memory_space<vmem>>
        %dma_start3A_2699 = tpu.memref_slice %arg7[%multiple_of3A_2688, %multiple_of3A_2691] : memref<10000x10000xf32, #tpu.memory_space<hbm>> -> memref<1x16xf32, #tpu.memory_space<hbm>>
        tpu.enqueue_dma source(%dma_start3A_2699 : memref<1x16xf32, #tpu.memory_space<hbm>>) target(%dma_start3A_2698 : memref<1x16xf32, #tpu.memory_space<vmem>>) target_semaphore(%arg19 : memref<!tpu.dma_semaphore, #tpu.memory_space<semaphore_mem>>)
        %slice3A_2700 = vector.extract_strided_slice %get3A_2567 {offsets = [9], sizes = [1], strides = [1]} : vector<16xi32> to vector<1xi32>
        %squeeze3A_2701 = vector.extract %slice3A_2700[0] : i32 from vector<1xi32>
        %multiple_of3A_2702 = tpu.assume_multiple %squeeze3A_2701, 8 : i32
        %slice3A_2703 = vector.extract_strided_slice %shift_left3A_2573 {offsets = [9], sizes = [1], strides = [1]} : vector<16xi32> to vector<1xi32>
        %squeeze3A_2704 = vector.extract %slice3A_2703[0] : i32 from vector<1xi32>
        %multiple_of3A_2705 = tpu.assume_multiple %squeeze3A_2704, 128 : i32
        %dma_start3A_2706 = arith.constant 1 : i32
        %dma_start3A_2707 = arith.constant 16 : i32
        %dma_start3A_2708 = tpu.memref_slice %arg15[%dma_start3A_2706, %dma_start3A_2707] : memref<16x128xf32, #tpu.memory_space<vmem>> -> memref<1x16xf32, #tpu.memory_space<vmem>>
        %dma_start3A_2709 = tpu.memref_slice %arg7[%multiple_of3A_2702, %multiple_of3A_2705] : memref<10000x10000xf32, #tpu.memory_space<hbm>> -> memref<1x16xf32, #tpu.memory_space<hbm>>
        %dma_start3A_2710 = arith.constant 1 : i32
        %dma_start3A_2711 = arith.constant 16 : i32
        %dma_start3A_2712 = tpu.memref_slice %arg15[%dma_start3A_2710, %dma_start3A_2711] : memref<16x128xf32, #tpu.memory_space<vmem>> -> memref<1x16xf32, #tpu.memory_space<vmem>>
        %dma_start3A_2713 = tpu.memref_slice %arg7[%multiple_of3A_2702, %multiple_of3A_2705] : memref<10000x10000xf32, #tpu.memory_space<hbm>> -> memref<1x16xf32, #tpu.memory_space<hbm>>
        tpu.enqueue_dma source(%dma_start3A_2713 : memref<1x16xf32, #tpu.memory_space<hbm>>) target(%dma_start3A_2712 : memref<1x16xf32, #tpu.memory_space<vmem>>) target_semaphore(%arg19 : memref<!tpu.dma_semaphore, #tpu.memory_space<semaphore_mem>>)
        %slice3A_2714 = vector.extract_strided_slice %get3A_2567 {offsets = [10], sizes = [1], strides = [1]} : vector<16xi32> to vector<1xi32>
        %squeeze3A_2715 = vector.extract %slice3A_2714[0] : i32 from vector<1xi32>
        %multiple_of3A_2716 = tpu.assume_multiple %squeeze3A_2715, 8 : i32
        %slice3A_2717 = vector.extract_strided_slice %shift_left3A_2573 {offsets = [10], sizes = [1], strides = [1]} : vector<16xi32> to vector<1xi32>
        %squeeze3A_2718 = vector.extract %slice3A_2717[0] : i32 from vector<1xi32>
        %multiple_of3A_2719 = tpu.assume_multiple %squeeze3A_2718, 128 : i32
        %dma_start3A_2720 = arith.constant 2 : i32
        %dma_start3A_2721 = arith.constant 16 : i32
        %dma_start3A_2722 = tpu.memref_slice %arg15[%dma_start3A_2720, %dma_start3A_2721] : memref<16x128xf32, #tpu.memory_space<vmem>> -> memref<1x16xf32, #tpu.memory_space<vmem>>
        %dma_start3A_2723 = tpu.memref_slice %arg7[%multiple_of3A_2716, %multiple_of3A_2719] : memref<10000x10000xf32, #tpu.memory_space<hbm>> -> memref<1x16xf32, #tpu.memory_space<hbm>>
        %dma_start3A_2724 = arith.constant 2 : i32
        %dma_start3A_2725 = arith.constant 16 : i32
        %dma_start3A_2726 = tpu.memref_slice %arg15[%dma_start3A_2724, %dma_start3A_2725] : memref<16x128xf32, #tpu.memory_space<vmem>> -> memref<1x16xf32, #tpu.memory_space<vmem>>
        %dma_start3A_2727 = tpu.memref_slice %arg7[%multiple_of3A_2716, %multiple_of3A_2719] : memref<10000x10000xf32, #tpu.memory_space<hbm>> -> memref<1x16xf32, #tpu.memory_space<hbm>>
        tpu.enqueue_dma source(%dma_start3A_2727 : memref<1x16xf32, #tpu.memory_space<hbm>>) target(%dma_start3A_2726 : memref<1x16xf32, #tpu.memory_space<vmem>>) target_semaphore(%arg19 : memref<!tpu.dma_semaphore, #tpu.memory_space<semaphore_mem>>)
        %slice3A_2728 = vector.extract_strided_slice %get3A_2567 {offsets = [11], sizes = [1], strides = [1]} : vector<16xi32> to vector<1xi32>
        %squeeze3A_2729 = vector.extract %slice3A_2728[0] : i32 from vector<1xi32>
        %multiple_of3A_2730 = tpu.assume_multiple %squeeze3A_2729, 8 : i32
        %slice3A_2731 = vector.extract_strided_slice %shift_left3A_2573 {offsets = [11], sizes = [1], strides = [1]} : vector<16xi32> to vector<1xi32>
        %squeeze3A_2732 = vector.extract %slice3A_2731[0] : i32 from vector<1xi32>
        %multiple_of3A_2733 = tpu.assume_multiple %squeeze3A_2732, 128 : i32
        %dma_start3A_2734 = arith.constant 3 : i32
        %dma_start3A_2735 = arith.constant 16 : i32
        %dma_start3A_2736 = tpu.memref_slice %arg15[%dma_start3A_2734, %dma_start3A_2735] : memref<16x128xf32, #tpu.memory_space<vmem>> -> memref<1x16xf32, #tpu.memory_space<vmem>>
        %dma_start3A_2737 = tpu.memref_slice %arg7[%multiple_of3A_2730, %multiple_of3A_2733] : memref<10000x10000xf32, #tpu.memory_space<hbm>> -> memref<1x16xf32, #tpu.memory_space<hbm>>
        %dma_start3A_2738 = arith.constant 3 : i32
        %dma_start3A_2739 = arith.constant 16 : i32
        %dma_start3A_2740 = tpu.memref_slice %arg15[%dma_start3A_2738, %dma_start3A_2739] : memref<16x128xf32, #tpu.memory_space<vmem>> -> memref<1x16xf32, #tpu.memory_space<vmem>>
        %dma_start3A_2741 = tpu.memref_slice %arg7[%multiple_of3A_2730, %multiple_of3A_2733] : memref<10000x10000xf32, #tpu.memory_space<hbm>> -> memref<1x16xf32, #tpu.memory_space<hbm>>
        tpu.enqueue_dma source(%dma_start3A_2741 : memref<1x16xf32, #tpu.memory_space<hbm>>) target(%dma_start3A_2740 : memref<1x16xf32, #tpu.memory_space<vmem>>) target_semaphore(%arg19 : memref<!tpu.dma_semaphore, #tpu.memory_space<semaphore_mem>>)
        %slice3A_2742 = vector.extract_strided_slice %get3A_2567 {offsets = [12], sizes = [1], strides = [1]} : vector<16xi32> to vector<1xi32>
        %squeeze3A_2743 = vector.extract %slice3A_2742[0] : i32 from vector<1xi32>
        %multiple_of3A_2744 = tpu.assume_multiple %squeeze3A_2743, 8 : i32
        %slice3A_2745 = vector.extract_strided_slice %shift_left3A_2573 {offsets = [12], sizes = [1], strides = [1]} : vector<16xi32> to vector<1xi32>
        %squeeze3A_2746 = vector.extract %slice3A_2745[0] : i32 from vector<1xi32>
        %multiple_of3A_2747 = tpu.assume_multiple %squeeze3A_2746, 128 : i32
        %dma_start3A_2748 = arith.constant 4 : i32
        %dma_start3A_2749 = arith.constant 16 : i32
        %dma_start3A_2750 = tpu.memref_slice %arg15[%dma_start3A_2748, %dma_start3A_2749] : memref<16x128xf32, #tpu.memory_space<vmem>> -> memref<1x16xf32, #tpu.memory_space<vmem>>
        %dma_start3A_2751 = tpu.memref_slice %arg7[%multiple_of3A_2744, %multiple_of3A_2747] : memref<10000x10000xf32, #tpu.memory_space<hbm>> -> memref<1x16xf32, #tpu.memory_space<hbm>>
        %dma_start3A_2752 = arith.constant 4 : i32
        %dma_start3A_2753 = arith.constant 16 : i32
        %dma_start3A_2754 = tpu.memref_slice %arg15[%dma_start3A_2752, %dma_start3A_2753] : memref<16x128xf32, #tpu.memory_space<vmem>> -> memref<1x16xf32, #tpu.memory_space<vmem>>
        %dma_start3A_2755 = tpu.memref_slice %arg7[%multiple_of3A_2744, %multiple_of3A_2747] : memref<10000x10000xf32, #tpu.memory_space<hbm>> -> memref<1x16xf32, #tpu.memory_space<hbm>>
        tpu.enqueue_dma source(%dma_start3A_2755 : memref<1x16xf32, #tpu.memory_space<hbm>>) target(%dma_start3A_2754 : memref<1x16xf32, #tpu.memory_space<vmem>>) target_semaphore(%arg19 : memref<!tpu.dma_semaphore, #tpu.memory_space<semaphore_mem>>)
        %slice3A_2756 = vector.extract_strided_slice %get3A_2567 {offsets = [13], sizes = [1], strides = [1]} : vector<16xi32> to vector<1xi32>
        %squeeze3A_2757 = vector.extract %slice3A_2756[0] : i32 from vector<1xi32>
        %multiple_of3A_2758 = tpu.assume_multiple %squeeze3A_2757, 8 : i32
        %slice3A_2759 = vector.extract_strided_slice %shift_left3A_2573 {offsets = [13], sizes = [1], strides = [1]} : vector<16xi32> to vector<1xi32>
        %squeeze3A_2760 = vector.extract %slice3A_2759[0] : i32 from vector<1xi32>
        %multiple_of3A_2761 = tpu.assume_multiple %squeeze3A_2760, 128 : i32
        %dma_start3A_2762 = arith.constant 5 : i32
        %dma_start3A_2763 = arith.constant 16 : i32
        %dma_start3A_2764 = tpu.memref_slice %arg15[%dma_start3A_2762, %dma_start3A_2763] : memref<16x128xf32, #tpu.memory_space<vmem>> -> memref<1x16xf32, #tpu.memory_space<vmem>>
        %dma_start3A_2765 = tpu.memref_slice %arg7[%multiple_of3A_2758, %multiple_of3A_2761] : memref<10000x10000xf32, #tpu.memory_space<hbm>> -> memref<1x16xf32, #tpu.memory_space<hbm>>
        %dma_start3A_2766 = arith.constant 5 : i32
        %dma_start3A_2767 = arith.constant 16 : i32
        %dma_start3A_2768 = tpu.memref_slice %arg15[%dma_start3A_2766, %dma_start3A_2767] : memref<16x128xf32, #tpu.memory_space<vmem>> -> memref<1x16xf32, #tpu.memory_space<vmem>>
        %dma_start3A_2769 = tpu.memref_slice %arg7[%multiple_of3A_2758, %multiple_of3A_2761] : memref<10000x10000xf32, #tpu.memory_space<hbm>> -> memref<1x16xf32, #tpu.memory_space<hbm>>
        tpu.enqueue_dma source(%dma_start3A_2769 : memref<1x16xf32, #tpu.memory_space<hbm>>) target(%dma_start3A_2768 : memref<1x16xf32, #tpu.memory_space<vmem>>) target_semaphore(%arg19 : memref<!tpu.dma_semaphore, #tpu.memory_space<semaphore_mem>>)
        %slice3A_2770 = vector.extract_strided_slice %get3A_2567 {offsets = [14], sizes = [1], strides = [1]} : vector<16xi32> to vector<1xi32>
        %squeeze3A_2771 = vector.extract %slice3A_2770[0] : i32 from vector<1xi32>
        %multiple_of3A_2772 = tpu.assume_multiple %squeeze3A_2771, 8 : i32
        %slice3A_2773 = vector.extract_strided_slice %shift_left3A_2573 {offsets = [14], sizes = [1], strides = [1]} : vector<16xi32> to vector<1xi32>
        %squeeze3A_2774 = vector.extract %slice3A_2773[0] : i32 from vector<1xi32>
        %multiple_of3A_2775 = tpu.assume_multiple %squeeze3A_2774, 128 : i32
        %dma_start3A_2776 = arith.constant 6 : i32
        %dma_start3A_2777 = arith.constant 16 : i32
        %dma_start3A_2778 = tpu.memref_slice %arg15[%dma_start3A_2776, %dma_start3A_2777] : memref<16x128xf32, #tpu.memory_space<vmem>> -> memref<1x16xf32, #tpu.memory_space<vmem>>
        %dma_start3A_2779 = tpu.memref_slice %arg7[%multiple_of3A_2772, %multiple_of3A_2775] : memref<10000x10000xf32, #tpu.memory_space<hbm>> -> memref<1x16xf32, #tpu.memory_space<hbm>>
        %dma_start3A_2780 = arith.constant 6 : i32
        %dma_start3A_2781 = arith.constant 16 : i32
        %dma_start3A_2782 = tpu.memref_slice %arg15[%dma_start3A_2780, %dma_start3A_2781] : memref<16x128xf32, #tpu.memory_space<vmem>> -> memref<1x16xf32, #tpu.memory_space<vmem>>
        %dma_start3A_2783 = tpu.memref_slice %arg7[%multiple_of3A_2772, %multiple_of3A_2775] : memref<10000x10000xf32, #tpu.memory_space<hbm>> -> memref<1x16xf32, #tpu.memory_space<hbm>>
        tpu.enqueue_dma source(%dma_start3A_2783 : memref<1x16xf32, #tpu.memory_space<hbm>>) target(%dma_start3A_2782 : memref<1x16xf32, #tpu.memory_space<vmem>>) target_semaphore(%arg19 : memref<!tpu.dma_semaphore, #tpu.memory_space<semaphore_mem>>)
        %slice3A_2784 = vector.extract_strided_slice %get3A_2567 {offsets = [15], sizes = [1], strides = [1]} : vector<16xi32> to vector<1xi32>
        %squeeze3A_2785 = vector.extract %slice3A_2784[0] : i32 from vector<1xi32>
        %multiple_of3A_2786 = tpu.assume_multiple %squeeze3A_2785, 8 : i32
        %slice3A_2787 = vector.extract_strided_slice %shift_left3A_2573 {offsets = [15], sizes = [1], strides = [1]} : vector<16xi32> to vector<1xi32>
        %squeeze3A_2788 = vector.extract %slice3A_2787[0] : i32 from vector<1xi32>
        %multiple_of3A_2789 = tpu.assume_multiple %squeeze3A_2788, 128 : i32
        %dma_start3A_2790 = arith.constant 7 : i32
        %dma_start3A_2791 = arith.constant 16 : i32
        %dma_start3A_2792 = tpu.memref_slice %arg15[%dma_start3A_2790, %dma_start3A_2791] : memref<16x128xf32, #tpu.memory_space<vmem>> -> memref<1x16xf32, #tpu.memory_space<vmem>>
        %dma_start3A_2793 = tpu.memref_slice %arg7[%multiple_of3A_2786, %multiple_of3A_2789] : memref<10000x10000xf32, #tpu.memory_space<hbm>> -> memref<1x16xf32, #tpu.memory_space<hbm>>
        %dma_start3A_2794 = arith.constant 7 : i32
        %dma_start3A_2795 = arith.constant 16 : i32
        %dma_start3A_2796 = tpu.memref_slice %arg15[%dma_start3A_2794, %dma_start3A_2795] : memref<16x128xf32, #tpu.memory_space<vmem>> -> memref<1x16xf32, #tpu.memory_space<vmem>>
        %dma_start3A_2797 = tpu.memref_slice %arg7[%multiple_of3A_2786, %multiple_of3A_2789] : memref<10000x10000xf32, #tpu.memory_space<hbm>> -> memref<1x16xf32, #tpu.memory_space<hbm>>
        tpu.enqueue_dma source(%dma_start3A_2797 : memref<1x16xf32, #tpu.memory_space<hbm>>) target(%dma_start3A_2796 : memref<1x16xf32, #tpu.memory_space<vmem>>) target_semaphore(%arg19 : memref<!tpu.dma_semaphore, #tpu.memory_space<semaphore_mem>>)
        %mul3A_2798 = arith.constant 16 : i32
        %mul3A_2799 = arith.muli %add3A_2563, %mul3A_2798 : i32
        %get3A_2800 = arith.index_cast %mul3A_2799 : i32 to index
        %get3A_2801 = tpu.vector_load %arg9[%get3A_2800] {strides = array<i32>} : memref<512xi32, #tpu.memory_space<vmem>>, vector<16xi32>,
        %mul3A_2802 = arith.constant 16 : i32
        %mul3A_2803 = arith.muli %add3A_2563, %mul3A_2802 : i32
        %get3A_2804 = arith.index_cast %mul3A_2803 : i32 to index
        %get3A_2805 = tpu.vector_load %arg11[%get3A_2804] {strides = array<i32>} : memref<512xi32, #tpu.memory_space<vmem>>, vector<16xi32>,
        %shift_right_logical3A_2806 = arith.shrui %get3A_2805, %broadcast_in_dim3A_11 : vector<16xi32>
        %shift_left3A_2807 = arith.shli %shift_right_logical3A_2806, %broadcast_in_dim3A_11 : vector<16xi32>
        %slice3A_2808 = vector.extract_strided_slice %get3A_2801 {offsets = [0], sizes = [1], strides = [1]} : vector<16xi32> to vector<1xi32>
        %squeeze3A_2809 = vector.extract %slice3A_2808[0] : i32 from vector<1xi32>
        %multiple_of3A_2810 = tpu.assume_multiple %squeeze3A_2809, 8 : i32
        %slice3A_2811 = vector.extract_strided_slice %shift_left3A_2807 {offsets = [0], sizes = [1], strides = [1]} : vector<16xi32> to vector<1xi32>
        %squeeze3A_2812 = vector.extract %slice3A_2811[0] : i32 from vector<1xi32>
        %multiple_of3A_2813 = tpu.assume_multiple %squeeze3A_2812, 128 : i32
        %dma_start3A_2814 = arith.constant 0 : i32
        %dma_start3A_2815 = arith.constant 32 : i32
        %dma_start3A_2816 = tpu.memref_slice %arg15[%dma_start3A_2814, %dma_start3A_2815] : memref<16x128xf32, #tpu.memory_space<vmem>> -> memref<1x16xf32, #tpu.memory_space<vmem>>
        %dma_start3A_2817 = tpu.memref_slice %arg7[%multiple_of3A_2810, %multiple_of3A_2813] : memref<10000x10000xf32, #tpu.memory_space<hbm>> -> memref<1x16xf32, #tpu.memory_space<hbm>>
        %dma_start3A_2818 = arith.constant 0 : i32
        %dma_start3A_2819 = arith.constant 32 : i32
        %dma_start3A_2820 = tpu.memref_slice %arg15[%dma_start3A_2818, %dma_start3A_2819] : memref<16x128xf32, #tpu.memory_space<vmem>> -> memref<1x16xf32, #tpu.memory_space<vmem>>
        %dma_start3A_2821 = tpu.memref_slice %arg7[%multiple_of3A_2810, %multiple_of3A_2813] : memref<10000x10000xf32, #tpu.memory_space<hbm>> -> memref<1x16xf32, #tpu.memory_space<hbm>>
        tpu.enqueue_dma source(%dma_start3A_2821 : memref<1x16xf32, #tpu.memory_space<hbm>>) target(%dma_start3A_2820 : memref<1x16xf32, #tpu.memory_space<vmem>>) target_semaphore(%arg19 : memref<!tpu.dma_semaphore, #tpu.memory_space<semaphore_mem>>)
        %slice3A_2822 = vector.extract_strided_slice %get3A_2801 {offsets = [1], sizes = [1], strides = [1]} : vector<16xi32> to vector<1xi32>
        %squeeze3A_2823 = vector.extract %slice3A_2822[0] : i32 from vector<1xi32>
        %multiple_of3A_2824 = tpu.assume_multiple %squeeze3A_2823, 8 : i32
        %slice3A_2825 = vector.extract_strided_slice %shift_left3A_2807 {offsets = [1], sizes = [1], strides = [1]} : vector<16xi32> to vector<1xi32>
        %squeeze3A_2826 = vector.extract %slice3A_2825[0] : i32 from vector<1xi32>
        %multiple_of3A_2827 = tpu.assume_multiple %squeeze3A_2826, 128 : i32
        %dma_start3A_2828 = arith.constant 1 : i32
        %dma_start3A_2829 = arith.constant 32 : i32
        %dma_start3A_2830 = tpu.memref_slice %arg15[%dma_start3A_2828, %dma_start3A_2829] : memref<16x128xf32, #tpu.memory_space<vmem>> -> memref<1x16xf32, #tpu.memory_space<vmem>>
        %dma_start3A_2831 = tpu.memref_slice %arg7[%multiple_of3A_2824, %multiple_of3A_2827] : memref<10000x10000xf32, #tpu.memory_space<hbm>> -> memref<1x16xf32, #tpu.memory_space<hbm>>
        %dma_start3A_2832 = arith.constant 1 : i32
        %dma_start3A_2833 = arith.constant 32 : i32
        %dma_start3A_2834 = tpu.memref_slice %arg15[%dma_start3A_2832, %dma_start3A_2833] : memref<16x128xf32, #tpu.memory_space<vmem>> -> memref<1x16xf32, #tpu.memory_space<vmem>>
        %dma_start3A_2835 = tpu.memref_slice %arg7[%multiple_of3A_2824, %multiple_of3A_2827] : memref<10000x10000xf32, #tpu.memory_space<hbm>> -> memref<1x16xf32, #tpu.memory_space<hbm>>
        tpu.enqueue_dma source(%dma_start3A_2835 : memref<1x16xf32, #tpu.memory_space<hbm>>) target(%dma_start3A_2834 : memref<1x16xf32, #tpu.memory_space<vmem>>) target_semaphore(%arg19 : memref<!tpu.dma_semaphore, #tpu.memory_space<semaphore_mem>>)
        %slice3A_2836 = vector.extract_strided_slice %get3A_2801 {offsets = [2], sizes = [1], strides = [1]} : vector<16xi32> to vector<1xi32>
        %squeeze3A_2837 = vector.extract %slice3A_2836[0] : i32 from vector<1xi32>
        %multiple_of3A_2838 = tpu.assume_multiple %squeeze3A_2837, 8 : i32
        %slice3A_2839 = vector.extract_strided_slice %shift_left3A_2807 {offsets = [2], sizes = [1], strides = [1]} : vector<16xi32> to vector<1xi32>
        %squeeze3A_2840 = vector.extract %slice3A_2839[0] : i32 from vector<1xi32>
        %multiple_of3A_2841 = tpu.assume_multiple %squeeze3A_2840, 128 : i32
        %dma_start3A_2842 = arith.constant 2 : i32
        %dma_start3A_2843 = arith.constant 32 : i32
        %dma_start3A_2844 = tpu.memref_slice %arg15[%dma_start3A_2842, %dma_start3A_2843] : memref<16x128xf32, #tpu.memory_space<vmem>> -> memref<1x16xf32, #tpu.memory_space<vmem>>
        %dma_start3A_2845 = tpu.memref_slice %arg7[%multiple_of3A_2838, %multiple_of3A_2841] : memref<10000x10000xf32, #tpu.memory_space<hbm>> -> memref<1x16xf32, #tpu.memory_space<hbm>>
        %dma_start3A_2846 = arith.constant 2 : i32
        %dma_start3A_2847 = arith.constant 32 : i32
        %dma_start3A_2848 = tpu.memref_slice %arg15[%dma_start3A_2846, %dma_start3A_2847] : memref<16x128xf32, #tpu.memory_space<vmem>> -> memref<1x16xf32, #tpu.memory_space<vmem>>
        %dma_start3A_2849 = tpu.memref_slice %arg7[%multiple_of3A_2838, %multiple_of3A_2841] : memref<10000x10000xf32, #tpu.memory_space<hbm>> -> memref<1x16xf32, #tpu.memory_space<hbm>>
        tpu.enqueue_dma source(%dma_start3A_2849 : memref<1x16xf32, #tpu.memory_space<hbm>>) target(%dma_start3A_2848 : memref<1x16xf32, #tpu.memory_space<vmem>>) target_semaphore(%arg19 : memref<!tpu.dma_semaphore, #tpu.memory_space<semaphore_mem>>)
        %slice3A_2850 = vector.extract_strided_slice %get3A_2801 {offsets = [3], sizes = [1], strides = [1]} : vector<16xi32> to vector<1xi32>
        %squeeze3A_2851 = vector.extract %slice3A_2850[0] : i32 from vector<1xi32>
        %multiple_of3A_2852 = tpu.assume_multiple %squeeze3A_2851, 8 : i32
        %slice3A_2853 = vector.extract_strided_slice %shift_left3A_2807 {offsets = [3], sizes = [1], strides = [1]} : vector<16xi32> to vector<1xi32>
        %squeeze3A_2854 = vector.extract %slice3A_2853[0] : i32 from vector<1xi32>
        %multiple_of3A_2855 = tpu.assume_multiple %squeeze3A_2854, 128 : i32
        %dma_start3A_2856 = arith.constant 3 : i32
        %dma_start3A_2857 = arith.constant 32 : i32
        %dma_start3A_2858 = tpu.memref_slice %arg15[%dma_start3A_2856, %dma_start3A_2857] : memref<16x128xf32, #tpu.memory_space<vmem>> -> memref<1x16xf32, #tpu.memory_space<vmem>>
        %dma_start3A_2859 = tpu.memref_slice %arg7[%multiple_of3A_2852, %multiple_of3A_2855] : memref<10000x10000xf32, #tpu.memory_space<hbm>> -> memref<1x16xf32, #tpu.memory_space<hbm>>
        %dma_start3A_2860 = arith.constant 3 : i32
        %dma_start3A_2861 = arith.constant 32 : i32
        %dma_start3A_2862 = tpu.memref_slice %arg15[%dma_start3A_2860, %dma_start3A_2861] : memref<16x128xf32, #tpu.memory_space<vmem>> -> memref<1x16xf32, #tpu.memory_space<vmem>>
        %dma_start3A_2863 = tpu.memref_slice %arg7[%multiple_of3A_2852, %multiple_of3A_2855] : memref<10000x10000xf32, #tpu.memory_space<hbm>> -> memref<1x16xf32, #tpu.memory_space<hbm>>
        tpu.enqueue_dma source(%dma_start3A_2863 : memref<1x16xf32, #tpu.memory_space<hbm>>) target(%dma_start3A_2862 : memref<1x16xf32, #tpu.memory_space<vmem>>) target_semaphore(%arg19 : memref<!tpu.dma_semaphore, #tpu.memory_space<semaphore_mem>>)
        %slice3A_2864 = vector.extract_strided_slice %get3A_2801 {offsets = [4], sizes = [1], strides = [1]} : vector<16xi32> to vector<1xi32>
        %squeeze3A_2865 = vector.extract %slice3A_2864[0] : i32 from vector<1xi32>
        %multiple_of3A_2866 = tpu.assume_multiple %squeeze3A_2865, 8 : i32
        %slice3A_2867 = vector.extract_strided_slice %shift_left3A_2807 {offsets = [4], sizes = [1], strides = [1]} : vector<16xi32> to vector<1xi32>
        %squeeze3A_2868 = vector.extract %slice3A_2867[0] : i32 from vector<1xi32>
        %multiple_of3A_2869 = tpu.assume_multiple %squeeze3A_2868, 128 : i32
        %dma_start3A_2870 = arith.constant 4 : i32
        %dma_start3A_2871 = arith.constant 32 : i32
        %dma_start3A_2872 = tpu.memref_slice %arg15[%dma_start3A_2870, %dma_start3A_2871] : memref<16x128xf32, #tpu.memory_space<vmem>> -> memref<1x16xf32, #tpu.memory_space<vmem>>
        %dma_start3A_2873 = tpu.memref_slice %arg7[%multiple_of3A_2866, %multiple_of3A_2869] : memref<10000x10000xf32, #tpu.memory_space<hbm>> -> memref<1x16xf32, #tpu.memory_space<hbm>>
        %dma_start3A_2874 = arith.constant 4 : i32
        %dma_start3A_2875 = arith.constant 32 : i32
        %dma_start3A_2876 = tpu.memref_slice %arg15[%dma_start3A_2874, %dma_start3A_2875] : memref<16x128xf32, #tpu.memory_space<vmem>> -> memref<1x16xf32, #tpu.memory_space<vmem>>
        %dma_start3A_2877 = tpu.memref_slice %arg7[%multiple_of3A_2866, %multiple_of3A_2869] : memref<10000x10000xf32, #tpu.memory_space<hbm>> -> memref<1x16xf32, #tpu.memory_space<hbm>>
        tpu.enqueue_dma source(%dma_start3A_2877 : memref<1x16xf32, #tpu.memory_space<hbm>>) target(%dma_start3A_2876 : memref<1x16xf32, #tpu.memory_space<vmem>>) target_semaphore(%arg19 : memref<!tpu.dma_semaphore, #tpu.memory_space<semaphore_mem>>)
        %slice3A_2878 = vector.extract_strided_slice %get3A_2801 {offsets = [5], sizes = [1], strides = [1]} : vector<16xi32> to vector<1xi32>
        %squeeze3A_2879 = vector.extract %slice3A_2878[0] : i32 from vector<1xi32>
        %multiple_of3A_2880 = tpu.assume_multiple %squeeze3A_2879, 8 : i32
        %slice3A_2881 = vector.extract_strided_slice %shift_left3A_2807 {offsets = [5], sizes = [1], strides = [1]} : vector<16xi32> to vector<1xi32>
        %squeeze3A_2882 = vector.extract %slice3A_2881[0] : i32 from vector<1xi32>
        %multiple_of3A_2883 = tpu.assume_multiple %squeeze3A_2882, 128 : i32
        %dma_start3A_2884 = arith.constant 5 : i32
        %dma_start3A_2885 = arith.constant 32 : i32
        %dma_start3A_2886 = tpu.memref_slice %arg15[%dma_start3A_2884, %dma_start3A_2885] : memref<16x128xf32, #tpu.memory_space<vmem>> -> memref<1x16xf32, #tpu.memory_space<vmem>>
        %dma_start3A_2887 = tpu.memref_slice %arg7[%multiple_of3A_2880, %multiple_of3A_2883] : memref<10000x10000xf32, #tpu.memory_space<hbm>> -> memref<1x16xf32, #tpu.memory_space<hbm>>
        %dma_start3A_2888 = arith.constant 5 : i32
        %dma_start3A_2889 = arith.constant 32 : i32
        %dma_start3A_2890 = tpu.memref_slice %arg15[%dma_start3A_2888, %dma_start3A_2889] : memref<16x128xf32, #tpu.memory_space<vmem>> -> memref<1x16xf32, #tpu.memory_space<vmem>>
        %dma_start3A_2891 = tpu.memref_slice %arg7[%multiple_of3A_2880, %multiple_of3A_2883] : memref<10000x10000xf32, #tpu.memory_space<hbm>> -> memref<1x16xf32, #tpu.memory_space<hbm>>
        tpu.enqueue_dma source(%dma_start3A_2891 : memref<1x16xf32, #tpu.memory_space<hbm>>) target(%dma_start3A_2890 : memref<1x16xf32, #tpu.memory_space<vmem>>) target_semaphore(%arg19 : memref<!tpu.dma_semaphore, #tpu.memory_space<semaphore_mem>>)
        %slice3A_2892 = vector.extract_strided_slice %get3A_2801 {offsets = [6], sizes = [1], strides = [1]} : vector<16xi32> to vector<1xi32>
        %squeeze3A_2893 = vector.extract %slice3A_2892[0] : i32 from vector<1xi32>
        %multiple_of3A_2894 = tpu.assume_multiple %squeeze3A_2893, 8 : i32
        %slice3A_2895 = vector.extract_strided_slice %shift_left3A_2807 {offsets = [6], sizes = [1], strides = [1]} : vector<16xi32> to vector<1xi32>
        %squeeze3A_2896 = vector.extract %slice3A_2895[0] : i32 from vector<1xi32>
        %multiple_of3A_2897 = tpu.assume_multiple %squeeze3A_2896, 128 : i32
        %dma_start3A_2898 = arith.constant 6 : i32
        %dma_start3A_2899 = arith.constant 32 : i32
        %dma_start3A_2900 = tpu.memref_slice %arg15[%dma_start3A_2898, %dma_start3A_2899] : memref<16x128xf32, #tpu.memory_space<vmem>> -> memref<1x16xf32, #tpu.memory_space<vmem>>
        %dma_start3A_2901 = tpu.memref_slice %arg7[%multiple_of3A_2894, %multiple_of3A_2897] : memref<10000x10000xf32, #tpu.memory_space<hbm>> -> memref<1x16xf32, #tpu.memory_space<hbm>>
        %dma_start3A_2902 = arith.constant 6 : i32
        %dma_start3A_2903 = arith.constant 32 : i32
        %dma_start3A_2904 = tpu.memref_slice %arg15[%dma_start3A_2902, %dma_start3A_2903] : memref<16x128xf32, #tpu.memory_space<vmem>> -> memref<1x16xf32, #tpu.memory_space<vmem>>
        %dma_start3A_2905 = tpu.memref_slice %arg7[%multiple_of3A_2894, %multiple_of3A_2897] : memref<10000x10000xf32, #tpu.memory_space<hbm>> -> memref<1x16xf32, #tpu.memory_space<hbm>>
        tpu.enqueue_dma source(%dma_start3A_2905 : memref<1x16xf32, #tpu.memory_space<hbm>>) target(%dma_start3A_2904 : memref<1x16xf32, #tpu.memory_space<vmem>>) target_semaphore(%arg19 : memref<!tpu.dma_semaphore, #tpu.memory_space<semaphore_mem>>)
        %slice3A_2906 = vector.extract_strided_slice %get3A_2801 {offsets = [7], sizes = [1], strides = [1]} : vector<16xi32> to vector<1xi32>
        %squeeze3A_2907 = vector.extract %slice3A_2906[0] : i32 from vector<1xi32>
        %multiple_of3A_2908 = tpu.assume_multiple %squeeze3A_2907, 8 : i32
        %slice3A_2909 = vector.extract_strided_slice %shift_left3A_2807 {offsets = [7], sizes = [1], strides = [1]} : vector<16xi32> to vector<1xi32>
        %squeeze3A_2910 = vector.extract %slice3A_2909[0] : i32 from vector<1xi32>
        %multiple_of3A_2911 = tpu.assume_multiple %squeeze3A_2910, 128 : i32
        %dma_start3A_2912 = arith.constant 7 : i32
        %dma_start3A_2913 = arith.constant 32 : i32
        %dma_start3A_2914 = tpu.memref_slice %arg15[%dma_start3A_2912, %dma_start3A_2913] : memref<16x128xf32, #tpu.memory_space<vmem>> -> memref<1x16xf32, #tpu.memory_space<vmem>>
        %dma_start3A_2915 = tpu.memref_slice %arg7[%multiple_of3A_2908, %multiple_of3A_2911] : memref<10000x10000xf32, #tpu.memory_space<hbm>> -> memref<1x16xf32, #tpu.memory_space<hbm>>
        %dma_start3A_2916 = arith.constant 7 : i32
        %dma_start3A_2917 = arith.constant 32 : i32
        %dma_start3A_2918 = tpu.memref_slice %arg15[%dma_start3A_2916, %dma_start3A_2917] : memref<16x128xf32, #tpu.memory_space<vmem>> -> memref<1x16xf32, #tpu.memory_space<vmem>>
        %dma_start3A_2919 = tpu.memref_slice %arg7[%multiple_of3A_2908, %multiple_of3A_2911] : memref<10000x10000xf32, #tpu.memory_space<hbm>> -> memref<1x16xf32, #tpu.memory_space<hbm>>
        tpu.enqueue_dma source(%dma_start3A_2919 : memref<1x16xf32, #tpu.memory_space<hbm>>) target(%dma_start3A_2918 : memref<1x16xf32, #tpu.memory_space<vmem>>) target_semaphore(%arg19 : memref<!tpu.dma_semaphore, #tpu.memory_space<semaphore_mem>>)
        %slice3A_2920 = vector.extract_strided_slice %get3A_2801 {offsets = [8], sizes = [1], strides = [1]} : vector<16xi32> to vector<1xi32>
        %squeeze3A_2921 = vector.extract %slice3A_2920[0] : i32 from vector<1xi32>
        %multiple_of3A_2922 = tpu.assume_multiple %squeeze3A_2921, 8 : i32
        %slice3A_2923 = vector.extract_strided_slice %shift_left3A_2807 {offsets = [8], sizes = [1], strides = [1]} : vector<16xi32> to vector<1xi32>
        %squeeze3A_2924 = vector.extract %slice3A_2923[0] : i32 from vector<1xi32>
        %multiple_of3A_2925 = tpu.assume_multiple %squeeze3A_2924, 128 : i32
        %dma_start3A_2926 = arith.constant 0 : i32
        %dma_start3A_2927 = arith.constant 48 : i32
        %dma_start3A_2928 = tpu.memref_slice %arg15[%dma_start3A_2926, %dma_start3A_2927] : memref<16x128xf32, #tpu.memory_space<vmem>> -> memref<1x16xf32, #tpu.memory_space<vmem>>
        %dma_start3A_2929 = tpu.memref_slice %arg7[%multiple_of3A_2922, %multiple_of3A_2925] : memref<10000x10000xf32, #tpu.memory_space<hbm>> -> memref<1x16xf32, #tpu.memory_space<hbm>>
        %dma_start3A_2930 = arith.constant 0 : i32
        %dma_start3A_2931 = arith.constant 48 : i32
        %dma_start3A_2932 = tpu.memref_slice %arg15[%dma_start3A_2930, %dma_start3A_2931] : memref<16x128xf32, #tpu.memory_space<vmem>> -> memref<1x16xf32, #tpu.memory_space<vmem>>
        %dma_start3A_2933 = tpu.memref_slice %arg7[%multiple_of3A_2922, %multiple_of3A_2925] : memref<10000x10000xf32, #tpu.memory_space<hbm>> -> memref<1x16xf32, #tpu.memory_space<hbm>>
        tpu.enqueue_dma source(%dma_start3A_2933 : memref<1x16xf32, #tpu.memory_space<hbm>>) target(%dma_start3A_2932 : memref<1x16xf32, #tpu.memory_space<vmem>>) target_semaphore(%arg19 : memref<!tpu.dma_semaphore, #tpu.memory_space<semaphore_mem>>)
        %slice3A_2934 = vector.extract_strided_slice %get3A_2801 {offsets = [9], sizes = [1], strides = [1]} : vector<16xi32> to vector<1xi32>
        %squeeze3A_2935 = vector.extract %slice3A_2934[0] : i32 from vector<1xi32>
        %multiple_of3A_2936 = tpu.assume_multiple %squeeze3A_2935, 8 : i32
        %slice3A_2937 = vector.extract_strided_slice %shift_left3A_2807 {offsets = [9], sizes = [1], strides = [1]} : vector<16xi32> to vector<1xi32>
        %squeeze3A_2938 = vector.extract %slice3A_2937[0] : i32 from vector<1xi32>
        %multiple_of3A_2939 = tpu.assume_multiple %squeeze3A_2938, 128 : i32
        %dma_start3A_2940 = arith.constant 1 : i32
        %dma_start3A_2941 = arith.constant 48 : i32
        %dma_start3A_2942 = tpu.memref_slice %arg15[%dma_start3A_2940, %dma_start3A_2941] : memref<16x128xf32, #tpu.memory_space<vmem>> -> memref<1x16xf32, #tpu.memory_space<vmem>>
        %dma_start3A_2943 = tpu.memref_slice %arg7[%multiple_of3A_2936, %multiple_of3A_2939] : memref<10000x10000xf32, #tpu.memory_space<hbm>> -> memref<1x16xf32, #tpu.memory_space<hbm>>
        %dma_start3A_2944 = arith.constant 1 : i32
        %dma_start3A_2945 = arith.constant 48 : i32
        %dma_start3A_2946 = tpu.memref_slice %arg15[%dma_start3A_2944, %dma_start3A_2945] : memref<16x128xf32, #tpu.memory_space<vmem>> -> memref<1x16xf32, #tpu.memory_space<vmem>>
        %dma_start3A_2947 = tpu.memref_slice %arg7[%multiple_of3A_2936, %multiple_of3A_2939] : memref<10000x10000xf32, #tpu.memory_space<hbm>> -> memref<1x16xf32, #tpu.memory_space<hbm>>
        tpu.enqueue_dma source(%dma_start3A_2947 : memref<1x16xf32, #tpu.memory_space<hbm>>) target(%dma_start3A_2946 : memref<1x16xf32, #tpu.memory_space<vmem>>) target_semaphore(%arg19 : memref<!tpu.dma_semaphore, #tpu.memory_space<semaphore_mem>>)
        %slice3A_2948 = vector.extract_strided_slice %get3A_2801 {offsets = [10], sizes = [1], strides = [1]} : vector<16xi32> to vector<1xi32>
        %squeeze3A_2949 = vector.extract %slice3A_2948[0] : i32 from vector<1xi32>
        %multiple_of3A_2950 = tpu.assume_multiple %squeeze3A_2949, 8 : i32
        %slice3A_2951 = vector.extract_strided_slice %shift_left3A_2807 {offsets = [10], sizes = [1], strides = [1]} : vector<16xi32> to vector<1xi32>
        %squeeze3A_2952 = vector.extract %slice3A_2951[0] : i32 from vector<1xi32>
        %multiple_of3A_2953 = tpu.assume_multiple %squeeze3A_2952, 128 : i32
        %dma_start3A_2954 = arith.constant 2 : i32
        %dma_start3A_2955 = arith.constant 48 : i32
        %dma_start3A_2956 = tpu.memref_slice %arg15[%dma_start3A_2954, %dma_start3A_2955] : memref<16x128xf32, #tpu.memory_space<vmem>> -> memref<1x16xf32, #tpu.memory_space<vmem>>
        %dma_start3A_2957 = tpu.memref_slice %arg7[%multiple_of3A_2950, %multiple_of3A_2953] : memref<10000x10000xf32, #tpu.memory_space<hbm>> -> memref<1x16xf32, #tpu.memory_space<hbm>>
        %dma_start3A_2958 = arith.constant 2 : i32
        %dma_start3A_2959 = arith.constant 48 : i32
        %dma_start3A_2960 = tpu.memref_slice %arg15[%dma_start3A_2958, %dma_start3A_2959] : memref<16x128xf32, #tpu.memory_space<vmem>> -> memref<1x16xf32, #tpu.memory_space<vmem>>
        %dma_start3A_2961 = tpu.memref_slice %arg7[%multiple_of3A_2950, %multiple_of3A_2953] : memref<10000x10000xf32, #tpu.memory_space<hbm>> -> memref<1x16xf32, #tpu.memory_space<hbm>>
        tpu.enqueue_dma source(%dma_start3A_2961 : memref<1x16xf32, #tpu.memory_space<hbm>>) target(%dma_start3A_2960 : memref<1x16xf32, #tpu.memory_space<vmem>>) target_semaphore(%arg19 : memref<!tpu.dma_semaphore, #tpu.memory_space<semaphore_mem>>)
        %slice3A_2962 = vector.extract_strided_slice %get3A_2801 {offsets = [11], sizes = [1], strides = [1]} : vector<16xi32> to vector<1xi32>
        %squeeze3A_2963 = vector.extract %slice3A_2962[0] : i32 from vector<1xi32>
        %multiple_of3A_2964 = tpu.assume_multiple %squeeze3A_2963, 8 : i32
        %slice3A_2965 = vector.extract_strided_slice %shift_left3A_2807 {offsets = [11], sizes = [1], strides = [1]} : vector<16xi32> to vector<1xi32>
        %squeeze3A_2966 = vector.extract %slice3A_2965[0] : i32 from vector<1xi32>
        %multiple_of3A_2967 = tpu.assume_multiple %squeeze3A_2966, 128 : i32
        %dma_start3A_2968 = arith.constant 3 : i32
        %dma_start3A_2969 = arith.constant 48 : i32
        %dma_start3A_2970 = tpu.memref_slice %arg15[%dma_start3A_2968, %dma_start3A_2969] : memref<16x128xf32, #tpu.memory_space<vmem>> -> memref<1x16xf32, #tpu.memory_space<vmem>>
        %dma_start3A_2971 = tpu.memref_slice %arg7[%multiple_of3A_2964, %multiple_of3A_2967] : memref<10000x10000xf32, #tpu.memory_space<hbm>> -> memref<1x16xf32, #tpu.memory_space<hbm>>
        %dma_start3A_2972 = arith.constant 3 : i32
        %dma_start3A_2973 = arith.constant 48 : i32
        %dma_start3A_2974 = tpu.memref_slice %arg15[%dma_start3A_2972, %dma_start3A_2973] : memref<16x128xf32, #tpu.memory_space<vmem>> -> memref<1x16xf32, #tpu.memory_space<vmem>>
        %dma_start3A_2975 = tpu.memref_slice %arg7[%multiple_of3A_2964, %multiple_of3A_2967] : memref<10000x10000xf32, #tpu.memory_space<hbm>> -> memref<1x16xf32, #tpu.memory_space<hbm>>
        tpu.enqueue_dma source(%dma_start3A_2975 : memref<1x16xf32, #tpu.memory_space<hbm>>) target(%dma_start3A_2974 : memref<1x16xf32, #tpu.memory_space<vmem>>) target_semaphore(%arg19 : memref<!tpu.dma_semaphore, #tpu.memory_space<semaphore_mem>>)
        %slice3A_2976 = vector.extract_strided_slice %get3A_2801 {offsets = [12], sizes = [1], strides = [1]} : vector<16xi32> to vector<1xi32>
        %squeeze3A_2977 = vector.extract %slice3A_2976[0] : i32 from vector<1xi32>
        %multiple_of3A_2978 = tpu.assume_multiple %squeeze3A_2977, 8 : i32
        %slice3A_2979 = vector.extract_strided_slice %shift_left3A_2807 {offsets = [12], sizes = [1], strides = [1]} : vector<16xi32> to vector<1xi32>
        %squeeze3A_2980 = vector.extract %slice3A_2979[0] : i32 from vector<1xi32>
        %multiple_of3A_2981 = tpu.assume_multiple %squeeze3A_2980, 128 : i32
        %dma_start3A_2982 = arith.constant 4 : i32
        %dma_start3A_2983 = arith.constant 48 : i32
        %dma_start3A_2984 = tpu.memref_slice %arg15[%dma_start3A_2982, %dma_start3A_2983] : memref<16x128xf32, #tpu.memory_space<vmem>> -> memref<1x16xf32, #tpu.memory_space<vmem>>
        %dma_start3A_2985 = tpu.memref_slice %arg7[%multiple_of3A_2978, %multiple_of3A_2981] : memref<10000x10000xf32, #tpu.memory_space<hbm>> -> memref<1x16xf32, #tpu.memory_space<hbm>>
        %dma_start3A_2986 = arith.constant 4 : i32
        %dma_start3A_2987 = arith.constant 48 : i32
        %dma_start3A_2988 = tpu.memref_slice %arg15[%dma_start3A_2986, %dma_start3A_2987] : memref<16x128xf32, #tpu.memory_space<vmem>> -> memref<1x16xf32, #tpu.memory_space<vmem>>
        %dma_start3A_2989 = tpu.memref_slice %arg7[%multiple_of3A_2978, %multiple_of3A_2981] : memref<10000x10000xf32, #tpu.memory_space<hbm>> -> memref<1x16xf32, #tpu.memory_space<hbm>>
        tpu.enqueue_dma source(%dma_start3A_2989 : memref<1x16xf32, #tpu.memory_space<hbm>>) target(%dma_start3A_2988 : memref<1x16xf32, #tpu.memory_space<vmem>>) target_semaphore(%arg19 : memref<!tpu.dma_semaphore, #tpu.memory_space<semaphore_mem>>)
        %slice3A_2990 = vector.extract_strided_slice %get3A_2801 {offsets = [13], sizes = [1], strides = [1]} : vector<16xi32> to vector<1xi32>
        %squeeze3A_2991 = vector.extract %slice3A_2990[0] : i32 from vector<1xi32>
        %multiple_of3A_2992 = tpu.assume_multiple %squeeze3A_2991, 8 : i32
        %slice3A_2993 = vector.extract_strided_slice %shift_left3A_2807 {offsets = [13], sizes = [1], strides = [1]} : vector<16xi32> to vector<1xi32>
        %squeeze3A_2994 = vector.extract %slice3A_2993[0] : i32 from vector<1xi32>
        %multiple_of3A_2995 = tpu.assume_multiple %squeeze3A_2994, 128 : i32
        %dma_start3A_2996 = arith.constant 5 : i32
        %dma_start3A_2997 = arith.constant 48 : i32
        %dma_start3A_2998 = tpu.memref_slice %arg15[%dma_start3A_2996, %dma_start3A_2997] : memref<16x128xf32, #tpu.memory_space<vmem>> -> memref<1x16xf32, #tpu.memory_space<vmem>>
        %dma_start3A_2999 = tpu.memref_slice %arg7[%multiple_of3A_2992, %multiple_of3A_2995] : memref<10000x10000xf32, #tpu.memory_space<hbm>> -> memref<1x16xf32, #tpu.memory_space<hbm>>
        %dma_start3A_3000 = arith.constant 5 : i32
        %dma_start3A_3001 = arith.constant 48 : i32
        %dma_start3A_3002 = tpu.memref_slice %arg15[%dma_start3A_3000, %dma_start3A_3001] : memref<16x128xf32, #tpu.memory_space<vmem>> -> memref<1x16xf32, #tpu.memory_space<vmem>>
        %dma_start3A_3003 = tpu.memref_slice %arg7[%multiple_of3A_2992, %multiple_of3A_2995] : memref<10000x10000xf32, #tpu.memory_space<hbm>> -> memref<1x16xf32, #tpu.memory_space<hbm>>
        tpu.enqueue_dma source(%dma_start3A_3003 : memref<1x16xf32, #tpu.memory_space<hbm>>) target(%dma_start3A_3002 : memref<1x16xf32, #tpu.memory_space<vmem>>) target_semaphore(%arg19 : memref<!tpu.dma_semaphore, #tpu.memory_space<semaphore_mem>>)
        %slice3A_3004 = vector.extract_strided_slice %get3A_2801 {offsets = [14], sizes = [1], strides = [1]} : vector<16xi32> to vector<1xi32>
        %squeeze3A_3005 = vector.extract %slice3A_3004[0] : i32 from vector<1xi32>
        %multiple_of3A_3006 = tpu.assume_multiple %squeeze3A_3005, 8 : i32
        %slice3A_3007 = vector.extract_strided_slice %shift_left3A_2807 {offsets = [14], sizes = [1], strides = [1]} : vector<16xi32> to vector<1xi32>
        %squeeze3A_3008 = vector.extract %slice3A_3007[0] : i32 from vector<1xi32>
        %multiple_of3A_3009 = tpu.assume_multiple %squeeze3A_3008, 128 : i32
        %dma_start3A_3010 = arith.constant 6 : i32
        %dma_start3A_3011 = arith.constant 48 : i32
        %dma_start3A_3012 = tpu.memref_slice %arg15[%dma_start3A_3010, %dma_start3A_3011] : memref<16x128xf32, #tpu.memory_space<vmem>> -> memref<1x16xf32, #tpu.memory_space<vmem>>
        %dma_start3A_3013 = tpu.memref_slice %arg7[%multiple_of3A_3006, %multiple_of3A_3009] : memref<10000x10000xf32, #tpu.memory_space<hbm>> -> memref<1x16xf32, #tpu.memory_space<hbm>>
        %dma_start3A_3014 = arith.constant 6 : i32
        %dma_start3A_3015 = arith.constant 48 : i32
        %dma_start3A_3016 = tpu.memref_slice %arg15[%dma_start3A_3014, %dma_start3A_3015] : memref<16x128xf32, #tpu.memory_space<vmem>> -> memref<1x16xf32, #tpu.memory_space<vmem>>
        %dma_start3A_3017 = tpu.memref_slice %arg7[%multiple_of3A_3006, %multiple_of3A_3009] : memref<10000x10000xf32, #tpu.memory_space<hbm>> -> memref<1x16xf32, #tpu.memory_space<hbm>>
        tpu.enqueue_dma source(%dma_start3A_3017 : memref<1x16xf32, #tpu.memory_space<hbm>>) target(%dma_start3A_3016 : memref<1x16xf32, #tpu.memory_space<vmem>>) target_semaphore(%arg19 : memref<!tpu.dma_semaphore, #tpu.memory_space<semaphore_mem>>)
        %slice3A_3018 = vector.extract_strided_slice %get3A_2801 {offsets = [15], sizes = [1], strides = [1]} : vector<16xi32> to vector<1xi32>
        %squeeze3A_3019 = vector.extract %slice3A_3018[0] : i32 from vector<1xi32>
        %multiple_of3A_3020 = tpu.assume_multiple %squeeze3A_3019, 8 : i32
        %slice3A_3021 = vector.extract_strided_slice %shift_left3A_2807 {offsets = [15], sizes = [1], strides = [1]} : vector<16xi32> to vector<1xi32>
        %squeeze3A_3022 = vector.extract %slice3A_3021[0] : i32 from vector<1xi32>
        %multiple_of3A_3023 = tpu.assume_multiple %squeeze3A_3022, 128 : i32
        %dma_start3A_3024 = arith.constant 7 : i32
        %dma_start3A_3025 = arith.constant 48 : i32
        %dma_start3A_3026 = tpu.memref_slice %arg15[%dma_start3A_3024, %dma_start3A_3025] : memref<16x128xf32, #tpu.memory_space<vmem>> -> memref<1x16xf32, #tpu.memory_space<vmem>>
        %dma_start3A_3027 = tpu.memref_slice %arg7[%multiple_of3A_3020, %multiple_of3A_3023] : memref<10000x10000xf32, #tpu.memory_space<hbm>> -> memref<1x16xf32, #tpu.memory_space<hbm>>
        %dma_start3A_3028 = arith.constant 7 : i32
        %dma_start3A_3029 = arith.constant 48 : i32
        %dma_start3A_3030 = tpu.memref_slice %arg15[%dma_start3A_3028, %dma_start3A_3029] : memref<16x128xf32, #tpu.memory_space<vmem>> -> memref<1x16xf32, #tpu.memory_space<vmem>>
        %dma_start3A_3031 = tpu.memref_slice %arg7[%multiple_of3A_3020, %multiple_of3A_3023] : memref<10000x10000xf32, #tpu.memory_space<hbm>> -> memref<1x16xf32, #tpu.memory_space<hbm>>
        tpu.enqueue_dma source(%dma_start3A_3031 : memref<1x16xf32, #tpu.memory_space<hbm>>) target(%dma_start3A_3030 : memref<1x16xf32, #tpu.memory_space<vmem>>) target_semaphore(%arg19 : memref<!tpu.dma_semaphore, #tpu.memory_space<semaphore_mem>>)
      } else {
      }
      %eq3A_1080 = arith.constant 1 : i32
      %eq3A_1081 = arith.cmpi eq, %rem3A_1024, %eq3A_1080 : i32
      %add3A_1082 = arith.constant 2 : i32
      %add3A_1083 = arith.addi %scan3A_992, %add3A_1082 : i32
      %lt3A_1084 = arith.constant 32 : i32
      %lt3A_1085 = arith.cmpi slt, %add3A_1083, %lt3A_1084 : i32
      %and3A_1086 = arith.andi %eq3A_1081, %lt3A_1085 : i1
      %convert_element_type3A_1087 = arith.extui %and3A_1086 : i1 to i32
      %cond3A_1088 = arith.constant 0 : i32
      %cond3A_1089 = arith.cmpi ne, %convert_element_type3A_1087, %cond3A_1088 : i32
      scf.if %cond3A_1089 {
        %add3A_2562 = arith.constant 2 : i32
        %add3A_2563 = arith.addi %scan3A_992, %add3A_2562 : i32
        %mul3A_2564 = arith.constant 16 : i32
        %mul3A_2565 = arith.muli %add3A_2563, %mul3A_2564 : i32
        %get3A_2566 = arith.index_cast %mul3A_2565 : i32 to index
        %get3A_2567 = tpu.vector_load %arg9[%get3A_2566] {strides = array<i32>} : memref<512xi32, #tpu.memory_space<vmem>>, vector<16xi32>,
        %mul3A_2568 = arith.constant 16 : i32
        %mul3A_2569 = arith.muli %add3A_2563, %mul3A_2568 : i32
        %get3A_2570 = arith.index_cast %mul3A_2569 : i32 to index
        %get3A_2571 = tpu.vector_load %arg10[%get3A_2570] {strides = array<i32>} : memref<512xi32, #tpu.memory_space<vmem>>, vector<16xi32>,
        %shift_right_logical3A_2572 = arith.shrui %get3A_2571, %broadcast_in_dim3A_11 : vector<16xi32>
        %shift_left3A_2573 = arith.shli %shift_right_logical3A_2572, %broadcast_in_dim3A_11 : vector<16xi32>
        %slice3A_2574 = vector.extract_strided_slice %get3A_2567 {offsets = [0], sizes = [1], strides = [1]} : vector<16xi32> to vector<1xi32>
        %squeeze3A_2575 = vector.extract %slice3A_2574[0] : i32 from vector<1xi32>
        %multiple_of3A_2576 = tpu.assume_multiple %squeeze3A_2575, 8 : i32
        %slice3A_2577 = vector.extract_strided_slice %shift_left3A_2573 {offsets = [0], sizes = [1], strides = [1]} : vector<16xi32> to vector<1xi32>
        %squeeze3A_2578 = vector.extract %slice3A_2577[0] : i32 from vector<1xi32>
        %multiple_of3A_2579 = tpu.assume_multiple %squeeze3A_2578, 128 : i32
        %dma_start3A_2580 = arith.constant 8 : i32
        %dma_start3A_2581 = arith.constant 0 : i32
        %dma_start3A_2582 = tpu.memref_slice %arg15[%dma_start3A_2580, %dma_start3A_2581] : memref<16x128xf32, #tpu.memory_space<vmem>> -> memref<1x16xf32, #tpu.memory_space<vmem>>
        %dma_start3A_2583 = tpu.memref_slice %arg7[%multiple_of3A_2576, %multiple_of3A_2579] : memref<10000x10000xf32, #tpu.memory_space<hbm>> -> memref<1x16xf32, #tpu.memory_space<hbm>>
        %dma_start3A_2584 = arith.constant 8 : i32
        %dma_start3A_2585 = arith.constant 0 : i32
        %dma_start3A_2586 = tpu.memref_slice %arg15[%dma_start3A_2584, %dma_start3A_2585] : memref<16x128xf32, #tpu.memory_space<vmem>> -> memref<1x16xf32, #tpu.memory_space<vmem>>
        %dma_start3A_2587 = tpu.memref_slice %arg7[%multiple_of3A_2576, %multiple_of3A_2579] : memref<10000x10000xf32, #tpu.memory_space<hbm>> -> memref<1x16xf32, #tpu.memory_space<hbm>>
        tpu.enqueue_dma source(%dma_start3A_2587 : memref<1x16xf32, #tpu.memory_space<hbm>>) target(%dma_start3A_2586 : memref<1x16xf32, #tpu.memory_space<vmem>>) target_semaphore(%arg20 : memref<!tpu.dma_semaphore, #tpu.memory_space<semaphore_mem>>)
        %slice3A_2588 = vector.extract_strided_slice %get3A_2567 {offsets = [1], sizes = [1], strides = [1]} : vector<16xi32> to vector<1xi32>
        %squeeze3A_2589 = vector.extract %slice3A_2588[0] : i32 from vector<1xi32>
        %multiple_of3A_2590 = tpu.assume_multiple %squeeze3A_2589, 8 : i32
        %slice3A_2591 = vector.extract_strided_slice %shift_left3A_2573 {offsets = [1], sizes = [1], strides = [1]} : vector<16xi32> to vector<1xi32>
        %squeeze3A_2592 = vector.extract %slice3A_2591[0] : i32 from vector<1xi32>
        %multiple_of3A_2593 = tpu.assume_multiple %squeeze3A_2592, 128 : i32
        %dma_start3A_2594 = arith.constant 9 : i32
        %dma_start3A_2595 = arith.constant 0 : i32
        %dma_start3A_2596 = tpu.memref_slice %arg15[%dma_start3A_2594, %dma_start3A_2595] : memref<16x128xf32, #tpu.memory_space<vmem>> -> memref<1x16xf32, #tpu.memory_space<vmem>>
        %dma_start3A_2597 = tpu.memref_slice %arg7[%multiple_of3A_2590, %multiple_of3A_2593] : memref<10000x10000xf32, #tpu.memory_space<hbm>> -> memref<1x16xf32, #tpu.memory_space<hbm>>
        %dma_start3A_2598 = arith.constant 9 : i32
        %dma_start3A_2599 = arith.constant 0 : i32
        %dma_start3A_2600 = tpu.memref_slice %arg15[%dma_start3A_2598, %dma_start3A_2599] : memref<16x128xf32, #tpu.memory_space<vmem>> -> memref<1x16xf32, #tpu.memory_space<vmem>>
        %dma_start3A_2601 = tpu.memref_slice %arg7[%multiple_of3A_2590, %multiple_of3A_2593] : memref<10000x10000xf32, #tpu.memory_space<hbm>> -> memref<1x16xf32, #tpu.memory_space<hbm>>
        tpu.enqueue_dma source(%dma_start3A_2601 : memref<1x16xf32, #tpu.memory_space<hbm>>) target(%dma_start3A_2600 : memref<1x16xf32, #tpu.memory_space<vmem>>) target_semaphore(%arg20 : memref<!tpu.dma_semaphore, #tpu.memory_space<semaphore_mem>>)
        %slice3A_2602 = vector.extract_strided_slice %get3A_2567 {offsets = [2], sizes = [1], strides = [1]} : vector<16xi32> to vector<1xi32>
        %squeeze3A_2603 = vector.extract %slice3A_2602[0] : i32 from vector<1xi32>
        %multiple_of3A_2604 = tpu.assume_multiple %squeeze3A_2603, 8 : i32
        %slice3A_2605 = vector.extract_strided_slice %shift_left3A_2573 {offsets = [2], sizes = [1], strides = [1]} : vector<16xi32> to vector<1xi32>
        %squeeze3A_2606 = vector.extract %slice3A_2605[0] : i32 from vector<1xi32>
        %multiple_of3A_2607 = tpu.assume_multiple %squeeze3A_2606, 128 : i32
        %dma_start3A_2608 = arith.constant 10 : i32
        %dma_start3A_2609 = arith.constant 0 : i32
        %dma_start3A_2610 = tpu.memref_slice %arg15[%dma_start3A_2608, %dma_start3A_2609] : memref<16x128xf32, #tpu.memory_space<vmem>> -> memref<1x16xf32, #tpu.memory_space<vmem>>
        %dma_start3A_2611 = tpu.memref_slice %arg7[%multiple_of3A_2604, %multiple_of3A_2607] : memref<10000x10000xf32, #tpu.memory_space<hbm>> -> memref<1x16xf32, #tpu.memory_space<hbm>>
        %dma_start3A_2612 = arith.constant 10 : i32
        %dma_start3A_2613 = arith.constant 0 : i32
        %dma_start3A_2614 = tpu.memref_slice %arg15[%dma_start3A_2612, %dma_start3A_2613] : memref<16x128xf32, #tpu.memory_space<vmem>> -> memref<1x16xf32, #tpu.memory_space<vmem>>
        %dma_start3A_2615 = tpu.memref_slice %arg7[%multiple_of3A_2604, %multiple_of3A_2607] : memref<10000x10000xf32, #tpu.memory_space<hbm>> -> memref<1x16xf32, #tpu.memory_space<hbm>>
        tpu.enqueue_dma source(%dma_start3A_2615 : memref<1x16xf32, #tpu.memory_space<hbm>>) target(%dma_start3A_2614 : memref<1x16xf32, #tpu.memory_space<vmem>>) target_semaphore(%arg20 : memref<!tpu.dma_semaphore, #tpu.memory_space<semaphore_mem>>)
        %slice3A_2616 = vector.extract_strided_slice %get3A_2567 {offsets = [3], sizes = [1], strides = [1]} : vector<16xi32> to vector<1xi32>
        %squeeze3A_2617 = vector.extract %slice3A_2616[0] : i32 from vector<1xi32>
        %multiple_of3A_2618 = tpu.assume_multiple %squeeze3A_2617, 8 : i32
        %slice3A_2619 = vector.extract_strided_slice %shift_left3A_2573 {offsets = [3], sizes = [1], strides = [1]} : vector<16xi32> to vector<1xi32>
        %squeeze3A_2620 = vector.extract %slice3A_2619[0] : i32 from vector<1xi32>
        %multiple_of3A_2621 = tpu.assume_multiple %squeeze3A_2620, 128 : i32
        %dma_start3A_2622 = arith.constant 11 : i32
        %dma_start3A_2623 = arith.constant 0 : i32
        %dma_start3A_2624 = tpu.memref_slice %arg15[%dma_start3A_2622, %dma_start3A_2623] : memref<16x128xf32, #tpu.memory_space<vmem>> -> memref<1x16xf32, #tpu.memory_space<vmem>>
        %dma_start3A_2625 = tpu.memref_slice %arg7[%multiple_of3A_2618, %multiple_of3A_2621] : memref<10000x10000xf32, #tpu.memory_space<hbm>> -> memref<1x16xf32, #tpu.memory_space<hbm>>
        %dma_start3A_2626 = arith.constant 11 : i32
        %dma_start3A_2627 = arith.constant 0 : i32
        %dma_start3A_2628 = tpu.memref_slice %arg15[%dma_start3A_2626, %dma_start3A_2627] : memref<16x128xf32, #tpu.memory_space<vmem>> -> memref<1x16xf32, #tpu.memory_space<vmem>>
        %dma_start3A_2629 = tpu.memref_slice %arg7[%multiple_of3A_2618, %multiple_of3A_2621] : memref<10000x10000xf32, #tpu.memory_space<hbm>> -> memref<1x16xf32, #tpu.memory_space<hbm>>
        tpu.enqueue_dma source(%dma_start3A_2629 : memref<1x16xf32, #tpu.memory_space<hbm>>) target(%dma_start3A_2628 : memref<1x16xf32, #tpu.memory_space<vmem>>) target_semaphore(%arg20 : memref<!tpu.dma_semaphore, #tpu.memory_space<semaphore_mem>>)
        %slice3A_2630 = vector.extract_strided_slice %get3A_2567 {offsets = [4], sizes = [1], strides = [1]} : vector<16xi32> to vector<1xi32>
        %squeeze3A_2631 = vector.extract %slice3A_2630[0] : i32 from vector<1xi32>
        %multiple_of3A_2632 = tpu.assume_multiple %squeeze3A_2631, 8 : i32
        %slice3A_2633 = vector.extract_strided_slice %shift_left3A_2573 {offsets = [4], sizes = [1], strides = [1]} : vector<16xi32> to vector<1xi32>
        %squeeze3A_2634 = vector.extract %slice3A_2633[0] : i32 from vector<1xi32>
        %multiple_of3A_2635 = tpu.assume_multiple %squeeze3A_2634, 128 : i32
        %dma_start3A_2636 = arith.constant 12 : i32
        %dma_start3A_2637 = arith.constant 0 : i32
        %dma_start3A_2638 = tpu.memref_slice %arg15[%dma_start3A_2636, %dma_start3A_2637] : memref<16x128xf32, #tpu.memory_space<vmem>> -> memref<1x16xf32, #tpu.memory_space<vmem>>
        %dma_start3A_2639 = tpu.memref_slice %arg7[%multiple_of3A_2632, %multiple_of3A_2635] : memref<10000x10000xf32, #tpu.memory_space<hbm>> -> memref<1x16xf32, #tpu.memory_space<hbm>>
        %dma_start3A_2640 = arith.constant 12 : i32
        %dma_start3A_2641 = arith.constant 0 : i32
        %dma_start3A_2642 = tpu.memref_slice %arg15[%dma_start3A_2640, %dma_start3A_2641] : memref<16x128xf32, #tpu.memory_space<vmem>> -> memref<1x16xf32, #tpu.memory_space<vmem>>
        %dma_start3A_2643 = tpu.memref_slice %arg7[%multiple_of3A_2632, %multiple_of3A_2635] : memref<10000x10000xf32, #tpu.memory_space<hbm>> -> memref<1x16xf32, #tpu.memory_space<hbm>>
        tpu.enqueue_dma source(%dma_start3A_2643 : memref<1x16xf32, #tpu.memory_space<hbm>>) target(%dma_start3A_2642 : memref<1x16xf32, #tpu.memory_space<vmem>>) target_semaphore(%arg20 : memref<!tpu.dma_semaphore, #tpu.memory_space<semaphore_mem>>)
        %slice3A_2644 = vector.extract_strided_slice %get3A_2567 {offsets = [5], sizes = [1], strides = [1]} : vector<16xi32> to vector<1xi32>
        %squeeze3A_2645 = vector.extract %slice3A_2644[0] : i32 from vector<1xi32>
        %multiple_of3A_2646 = tpu.assume_multiple %squeeze3A_2645, 8 : i32
        %slice3A_2647 = vector.extract_strided_slice %shift_left3A_2573 {offsets = [5], sizes = [1], strides = [1]} : vector<16xi32> to vector<1xi32>
        %squeeze3A_2648 = vector.extract %slice3A_2647[0] : i32 from vector<1xi32>
        %multiple_of3A_2649 = tpu.assume_multiple %squeeze3A_2648, 128 : i32
        %dma_start3A_2650 = arith.constant 13 : i32
        %dma_start3A_2651 = arith.constant 0 : i32
        %dma_start3A_2652 = tpu.memref_slice %arg15[%dma_start3A_2650, %dma_start3A_2651] : memref<16x128xf32, #tpu.memory_space<vmem>> -> memref<1x16xf32, #tpu.memory_space<vmem>>
        %dma_start3A_2653 = tpu.memref_slice %arg7[%multiple_of3A_2646, %multiple_of3A_2649] : memref<10000x10000xf32, #tpu.memory_space<hbm>> -> memref<1x16xf32, #tpu.memory_space<hbm>>
        %dma_start3A_2654 = arith.constant 13 : i32
        %dma_start3A_2655 = arith.constant 0 : i32
        %dma_start3A_2656 = tpu.memref_slice %arg15[%dma_start3A_2654, %dma_start3A_2655] : memref<16x128xf32, #tpu.memory_space<vmem>> -> memref<1x16xf32, #tpu.memory_space<vmem>>
        %dma_start3A_2657 = tpu.memref_slice %arg7[%multiple_of3A_2646, %multiple_of3A_2649] : memref<10000x10000xf32, #tpu.memory_space<hbm>> -> memref<1x16xf32, #tpu.memory_space<hbm>>
        tpu.enqueue_dma source(%dma_start3A_2657 : memref<1x16xf32, #tpu.memory_space<hbm>>) target(%dma_start3A_2656 : memref<1x16xf32, #tpu.memory_space<vmem>>) target_semaphore(%arg20 : memref<!tpu.dma_semaphore, #tpu.memory_space<semaphore_mem>>)
        %slice3A_2658 = vector.extract_strided_slice %get3A_2567 {offsets = [6], sizes = [1], strides = [1]} : vector<16xi32> to vector<1xi32>
        %squeeze3A_2659 = vector.extract %slice3A_2658[0] : i32 from vector<1xi32>
        %multiple_of3A_2660 = tpu.assume_multiple %squeeze3A_2659, 8 : i32
        %slice3A_2661 = vector.extract_strided_slice %shift_left3A_2573 {offsets = [6], sizes = [1], strides = [1]} : vector<16xi32> to vector<1xi32>
        %squeeze3A_2662 = vector.extract %slice3A_2661[0] : i32 from vector<1xi32>
        %multiple_of3A_2663 = tpu.assume_multiple %squeeze3A_2662, 128 : i32
        %dma_start3A_2664 = arith.constant 14 : i32
        %dma_start3A_2665 = arith.constant 0 : i32
        %dma_start3A_2666 = tpu.memref_slice %arg15[%dma_start3A_2664, %dma_start3A_2665] : memref<16x128xf32, #tpu.memory_space<vmem>> -> memref<1x16xf32, #tpu.memory_space<vmem>>
        %dma_start3A_2667 = tpu.memref_slice %arg7[%multiple_of3A_2660, %multiple_of3A_2663] : memref<10000x10000xf32, #tpu.memory_space<hbm>> -> memref<1x16xf32, #tpu.memory_space<hbm>>
        %dma_start3A_2668 = arith.constant 14 : i32
        %dma_start3A_2669 = arith.constant 0 : i32
        %dma_start3A_2670 = tpu.memref_slice %arg15[%dma_start3A_2668, %dma_start3A_2669] : memref<16x128xf32, #tpu.memory_space<vmem>> -> memref<1x16xf32, #tpu.memory_space<vmem>>
        %dma_start3A_2671 = tpu.memref_slice %arg7[%multiple_of3A_2660, %multiple_of3A_2663] : memref<10000x10000xf32, #tpu.memory_space<hbm>> -> memref<1x16xf32, #tpu.memory_space<hbm>>
        tpu.enqueue_dma source(%dma_start3A_2671 : memref<1x16xf32, #tpu.memory_space<hbm>>) target(%dma_start3A_2670 : memref<1x16xf32, #tpu.memory_space<vmem>>) target_semaphore(%arg20 : memref<!tpu.dma_semaphore, #tpu.memory_space<semaphore_mem>>)
        %slice3A_2672 = vector.extract_strided_slice %get3A_2567 {offsets = [7], sizes = [1], strides = [1]} : vector<16xi32> to vector<1xi32>
        %squeeze3A_2673 = vector.extract %slice3A_2672[0] : i32 from vector<1xi32>
        %multiple_of3A_2674 = tpu.assume_multiple %squeeze3A_2673, 8 : i32
        %slice3A_2675 = vector.extract_strided_slice %shift_left3A_2573 {offsets = [7], sizes = [1], strides = [1]} : vector<16xi32> to vector<1xi32>
        %squeeze3A_2676 = vector.extract %slice3A_2675[0] : i32 from vector<1xi32>
        %multiple_of3A_2677 = tpu.assume_multiple %squeeze3A_2676, 128 : i32
        %dma_start3A_2678 = arith.constant 15 : i32
        %dma_start3A_2679 = arith.constant 0 : i32
        %dma_start3A_2680 = tpu.memref_slice %arg15[%dma_start3A_2678, %dma_start3A_2679] : memref<16x128xf32, #tpu.memory_space<vmem>> -> memref<1x16xf32, #tpu.memory_space<vmem>>
        %dma_start3A_2681 = tpu.memref_slice %arg7[%multiple_of3A_2674, %multiple_of3A_2677] : memref<10000x10000xf32, #tpu.memory_space<hbm>> -> memref<1x16xf32, #tpu.memory_space<hbm>>
        %dma_start3A_2682 = arith.constant 15 : i32
        %dma_start3A_2683 = arith.constant 0 : i32
        %dma_start3A_2684 = tpu.memref_slice %arg15[%dma_start3A_2682, %dma_start3A_2683] : memref<16x128xf32, #tpu.memory_space<vmem>> -> memref<1x16xf32, #tpu.memory_space<vmem>>
        %dma_start3A_2685 = tpu.memref_slice %arg7[%multiple_of3A_2674, %multiple_of3A_2677] : memref<10000x10000xf32, #tpu.memory_space<hbm>> -> memref<1x16xf32, #tpu.memory_space<hbm>>
        tpu.enqueue_dma source(%dma_start3A_2685 : memref<1x16xf32, #tpu.memory_space<hbm>>) target(%dma_start3A_2684 : memref<1x16xf32, #tpu.memory_space<vmem>>) target_semaphore(%arg20 : memref<!tpu.dma_semaphore, #tpu.memory_space<semaphore_mem>>)
        %slice3A_2686 = vector.extract_strided_slice %get3A_2567 {offsets = [8], sizes = [1], strides = [1]} : vector<16xi32> to vector<1xi32>
        %squeeze3A_2687 = vector.extract %slice3A_2686[0] : i32 from vector<1xi32>
        %multiple_of3A_2688 = tpu.assume_multiple %squeeze3A_2687, 8 : i32
        %slice3A_2689 = vector.extract_strided_slice %shift_left3A_2573 {offsets = [8], sizes = [1], strides = [1]} : vector<16xi32> to vector<1xi32>
        %squeeze3A_2690 = vector.extract %slice3A_2689[0] : i32 from vector<1xi32>
        %multiple_of3A_2691 = tpu.assume_multiple %squeeze3A_2690, 128 : i32
        %dma_start3A_2692 = arith.constant 8 : i32
        %dma_start3A_2693 = arith.constant 16 : i32
        %dma_start3A_2694 = tpu.memref_slice %arg15[%dma_start3A_2692, %dma_start3A_2693] : memref<16x128xf32, #tpu.memory_space<vmem>> -> memref<1x16xf32, #tpu.memory_space<vmem>>
        %dma_start3A_2695 = tpu.memref_slice %arg7[%multiple_of3A_2688, %multiple_of3A_2691] : memref<10000x10000xf32, #tpu.memory_space<hbm>> -> memref<1x16xf32, #tpu.memory_space<hbm>>
        %dma_start3A_2696 = arith.constant 8 : i32
        %dma_start3A_2697 = arith.constant 16 : i32
        %dma_start3A_2698 = tpu.memref_slice %arg15[%dma_start3A_2696, %dma_start3A_2697] : memref<16x128xf32, #tpu.memory_space<vmem>> -> memref<1x16xf32, #tpu.memory_space<vmem>>
        %dma_start3A_2699 = tpu.memref_slice %arg7[%multiple_of3A_2688, %multiple_of3A_2691] : memref<10000x10000xf32, #tpu.memory_space<hbm>> -> memref<1x16xf32, #tpu.memory_space<hbm>>
        tpu.enqueue_dma source(%dma_start3A_2699 : memref<1x16xf32, #tpu.memory_space<hbm>>) target(%dma_start3A_2698 : memref<1x16xf32, #tpu.memory_space<vmem>>) target_semaphore(%arg20 : memref<!tpu.dma_semaphore, #tpu.memory_space<semaphore_mem>>)
        %slice3A_2700 = vector.extract_strided_slice %get3A_2567 {offsets = [9], sizes = [1], strides = [1]} : vector<16xi32> to vector<1xi32>
        %squeeze3A_2701 = vector.extract %slice3A_2700[0] : i32 from vector<1xi32>
        %multiple_of3A_2702 = tpu.assume_multiple %squeeze3A_2701, 8 : i32
        %slice3A_2703 = vector.extract_strided_slice %shift_left3A_2573 {offsets = [9], sizes = [1], strides = [1]} : vector<16xi32> to vector<1xi32>
        %squeeze3A_2704 = vector.extract %slice3A_2703[0] : i32 from vector<1xi32>
        %multiple_of3A_2705 = tpu.assume_multiple %squeeze3A_2704, 128 : i32
        %dma_start3A_2706 = arith.constant 9 : i32
        %dma_start3A_2707 = arith.constant 16 : i32
        %dma_start3A_2708 = tpu.memref_slice %arg15[%dma_start3A_2706, %dma_start3A_2707] : memref<16x128xf32, #tpu.memory_space<vmem>> -> memref<1x16xf32, #tpu.memory_space<vmem>>
        %dma_start3A_2709 = tpu.memref_slice %arg7[%multiple_of3A_2702, %multiple_of3A_2705] : memref<10000x10000xf32, #tpu.memory_space<hbm>> -> memref<1x16xf32, #tpu.memory_space<hbm>>
        %dma_start3A_2710 = arith.constant 9 : i32
        %dma_start3A_2711 = arith.constant 16 : i32
        %dma_start3A_2712 = tpu.memref_slice %arg15[%dma_start3A_2710, %dma_start3A_2711] : memref<16x128xf32, #tpu.memory_space<vmem>> -> memref<1x16xf32, #tpu.memory_space<vmem>>
        %dma_start3A_2713 = tpu.memref_slice %arg7[%multiple_of3A_2702, %multiple_of3A_2705] : memref<10000x10000xf32, #tpu.memory_space<hbm>> -> memref<1x16xf32, #tpu.memory_space<hbm>>
        tpu.enqueue_dma source(%dma_start3A_2713 : memref<1x16xf32, #tpu.memory_space<hbm>>) target(%dma_start3A_2712 : memref<1x16xf32, #tpu.memory_space<vmem>>) target_semaphore(%arg20 : memref<!tpu.dma_semaphore, #tpu.memory_space<semaphore_mem>>)
        %slice3A_2714 = vector.extract_strided_slice %get3A_2567 {offsets = [10], sizes = [1], strides = [1]} : vector<16xi32> to vector<1xi32>
        %squeeze3A_2715 = vector.extract %slice3A_2714[0] : i32 from vector<1xi32>
        %multiple_of3A_2716 = tpu.assume_multiple %squeeze3A_2715, 8 : i32
        %slice3A_2717 = vector.extract_strided_slice %shift_left3A_2573 {offsets = [10], sizes = [1], strides = [1]} : vector<16xi32> to vector<1xi32>
        %squeeze3A_2718 = vector.extract %slice3A_2717[0] : i32 from vector<1xi32>
        %multiple_of3A_2719 = tpu.assume_multiple %squeeze3A_2718, 128 : i32
        %dma_start3A_2720 = arith.constant 10 : i32
        %dma_start3A_2721 = arith.constant 16 : i32
        %dma_start3A_2722 = tpu.memref_slice %arg15[%dma_start3A_2720, %dma_start3A_2721] : memref<16x128xf32, #tpu.memory_space<vmem>> -> memref<1x16xf32, #tpu.memory_space<vmem>>
        %dma_start3A_2723 = tpu.memref_slice %arg7[%multiple_of3A_2716, %multiple_of3A_2719] : memref<10000x10000xf32, #tpu.memory_space<hbm>> -> memref<1x16xf32, #tpu.memory_space<hbm>>
        %dma_start3A_2724 = arith.constant 10 : i32
        %dma_start3A_2725 = arith.constant 16 : i32
        %dma_start3A_2726 = tpu.memref_slice %arg15[%dma_start3A_2724, %dma_start3A_2725] : memref<16x128xf32, #tpu.memory_space<vmem>> -> memref<1x16xf32, #tpu.memory_space<vmem>>
        %dma_start3A_2727 = tpu.memref_slice %arg7[%multiple_of3A_2716, %multiple_of3A_2719] : memref<10000x10000xf32, #tpu.memory_space<hbm>> -> memref<1x16xf32, #tpu.memory_space<hbm>>
        tpu.enqueue_dma source(%dma_start3A_2727 : memref<1x16xf32, #tpu.memory_space<hbm>>) target(%dma_start3A_2726 : memref<1x16xf32, #tpu.memory_space<vmem>>) target_semaphore(%arg20 : memref<!tpu.dma_semaphore, #tpu.memory_space<semaphore_mem>>)
        %slice3A_2728 = vector.extract_strided_slice %get3A_2567 {offsets = [11], sizes = [1], strides = [1]} : vector<16xi32> to vector<1xi32>
        %squeeze3A_2729 = vector.extract %slice3A_2728[0] : i32 from vector<1xi32>
        %multiple_of3A_2730 = tpu.assume_multiple %squeeze3A_2729, 8 : i32
        %slice3A_2731 = vector.extract_strided_slice %shift_left3A_2573 {offsets = [11], sizes = [1], strides = [1]} : vector<16xi32> to vector<1xi32>
        %squeeze3A_2732 = vector.extract %slice3A_2731[0] : i32 from vector<1xi32>
        %multiple_of3A_2733 = tpu.assume_multiple %squeeze3A_2732, 128 : i32
        %dma_start3A_2734 = arith.constant 11 : i32
        %dma_start3A_2735 = arith.constant 16 : i32
        %dma_start3A_2736 = tpu.memref_slice %arg15[%dma_start3A_2734, %dma_start3A_2735] : memref<16x128xf32, #tpu.memory_space<vmem>> -> memref<1x16xf32, #tpu.memory_space<vmem>>
        %dma_start3A_2737 = tpu.memref_slice %arg7[%multiple_of3A_2730, %multiple_of3A_2733] : memref<10000x10000xf32, #tpu.memory_space<hbm>> -> memref<1x16xf32, #tpu.memory_space<hbm>>
        %dma_start3A_2738 = arith.constant 11 : i32
        %dma_start3A_2739 = arith.constant 16 : i32
        %dma_start3A_2740 = tpu.memref_slice %arg15[%dma_start3A_2738, %dma_start3A_2739] : memref<16x128xf32, #tpu.memory_space<vmem>> -> memref<1x16xf32, #tpu.memory_space<vmem>>
        %dma_start3A_2741 = tpu.memref_slice %arg7[%multiple_of3A_2730, %multiple_of3A_2733] : memref<10000x10000xf32, #tpu.memory_space<hbm>> -> memref<1x16xf32, #tpu.memory_space<hbm>>
        tpu.enqueue_dma source(%dma_start3A_2741 : memref<1x16xf32, #tpu.memory_space<hbm>>) target(%dma_start3A_2740 : memref<1x16xf32, #tpu.memory_space<vmem>>) target_semaphore(%arg20 : memref<!tpu.dma_semaphore, #tpu.memory_space<semaphore_mem>>)
        %slice3A_2742 = vector.extract_strided_slice %get3A_2567 {offsets = [12], sizes = [1], strides = [1]} : vector<16xi32> to vector<1xi32>
        %squeeze3A_2743 = vector.extract %slice3A_2742[0] : i32 from vector<1xi32>
        %multiple_of3A_2744 = tpu.assume_multiple %squeeze3A_2743, 8 : i32
        %slice3A_2745 = vector.extract_strided_slice %shift_left3A_2573 {offsets = [12], sizes = [1], strides = [1]} : vector<16xi32> to vector<1xi32>
        %squeeze3A_2746 = vector.extract %slice3A_2745[0] : i32 from vector<1xi32>
        %multiple_of3A_2747 = tpu.assume_multiple %squeeze3A_2746, 128 : i32
        %dma_start3A_2748 = arith.constant 12 : i32
        %dma_start3A_2749 = arith.constant 16 : i32
        %dma_start3A_2750 = tpu.memref_slice %arg15[%dma_start3A_2748, %dma_start3A_2749] : memref<16x128xf32, #tpu.memory_space<vmem>> -> memref<1x16xf32, #tpu.memory_space<vmem>>
        %dma_start3A_2751 = tpu.memref_slice %arg7[%multiple_of3A_2744, %multiple_of3A_2747] : memref<10000x10000xf32, #tpu.memory_space<hbm>> -> memref<1x16xf32, #tpu.memory_space<hbm>>
        %dma_start3A_2752 = arith.constant 12 : i32
        %dma_start3A_2753 = arith.constant 16 : i32
        %dma_start3A_2754 = tpu.memref_slice %arg15[%dma_start3A_2752, %dma_start3A_2753] : memref<16x128xf32, #tpu.memory_space<vmem>> -> memref<1x16xf32, #tpu.memory_space<vmem>>
        %dma_start3A_2755 = tpu.memref_slice %arg7[%multiple_of3A_2744, %multiple_of3A_2747] : memref<10000x10000xf32, #tpu.memory_space<hbm>> -> memref<1x16xf32, #tpu.memory_space<hbm>>
        tpu.enqueue_dma source(%dma_start3A_2755 : memref<1x16xf32, #tpu.memory_space<hbm>>) target(%dma_start3A_2754 : memref<1x16xf32, #tpu.memory_space<vmem>>) target_semaphore(%arg20 : memref<!tpu.dma_semaphore, #tpu.memory_space<semaphore_mem>>)
        %slice3A_2756 = vector.extract_strided_slice %get3A_2567 {offsets = [13], sizes = [1], strides = [1]} : vector<16xi32> to vector<1xi32>
        %squeeze3A_2757 = vector.extract %slice3A_2756[0] : i32 from vector<1xi32>
        %multiple_of3A_2758 = tpu.assume_multiple %squeeze3A_2757, 8 : i32
        %slice3A_2759 = vector.extract_strided_slice %shift_left3A_2573 {offsets = [13], sizes = [1], strides = [1]} : vector<16xi32> to vector<1xi32>
        %squeeze3A_2760 = vector.extract %slice3A_2759[0] : i32 from vector<1xi32>
        %multiple_of3A_2761 = tpu.assume_multiple %squeeze3A_2760, 128 : i32
        %dma_start3A_2762 = arith.constant 13 : i32
        %dma_start3A_2763 = arith.constant 16 : i32
        %dma_start3A_2764 = tpu.memref_slice %arg15[%dma_start3A_2762, %dma_start3A_2763] : memref<16x128xf32, #tpu.memory_space<vmem>> -> memref<1x16xf32, #tpu.memory_space<vmem>>
        %dma_start3A_2765 = tpu.memref_slice %arg7[%multiple_of3A_2758, %multiple_of3A_2761] : memref<10000x10000xf32, #tpu.memory_space<hbm>> -> memref<1x16xf32, #tpu.memory_space<hbm>>
        %dma_start3A_2766 = arith.constant 13 : i32
        %dma_start3A_2767 = arith.constant 16 : i32
        %dma_start3A_2768 = tpu.memref_slice %arg15[%dma_start3A_2766, %dma_start3A_2767] : memref<16x128xf32, #tpu.memory_space<vmem>> -> memref<1x16xf32, #tpu.memory_space<vmem>>
        %dma_start3A_2769 = tpu.memref_slice %arg7[%multiple_of3A_2758, %multiple_of3A_2761] : memref<10000x10000xf32, #tpu.memory_space<hbm>> -> memref<1x16xf32, #tpu.memory_space<hbm>>
        tpu.enqueue_dma source(%dma_start3A_2769 : memref<1x16xf32, #tpu.memory_space<hbm>>) target(%dma_start3A_2768 : memref<1x16xf32, #tpu.memory_space<vmem>>) target_semaphore(%arg20 : memref<!tpu.dma_semaphore, #tpu.memory_space<semaphore_mem>>)
        %slice3A_2770 = vector.extract_strided_slice %get3A_2567 {offsets = [14], sizes = [1], strides = [1]} : vector<16xi32> to vector<1xi32>
        %squeeze3A_2771 = vector.extract %slice3A_2770[0] : i32 from vector<1xi32>
        %multiple_of3A_2772 = tpu.assume_multiple %squeeze3A_2771, 8 : i32
        %slice3A_2773 = vector.extract_strided_slice %shift_left3A_2573 {offsets = [14], sizes = [1], strides = [1]} : vector<16xi32> to vector<1xi32>
        %squeeze3A_2774 = vector.extract %slice3A_2773[0] : i32 from vector<1xi32>
        %multiple_of3A_2775 = tpu.assume_multiple %squeeze3A_2774, 128 : i32
        %dma_start3A_2776 = arith.constant 14 : i32
        %dma_start3A_2777 = arith.constant 16 : i32
        %dma_start3A_2778 = tpu.memref_slice %arg15[%dma_start3A_2776, %dma_start3A_2777] : memref<16x128xf32, #tpu.memory_space<vmem>> -> memref<1x16xf32, #tpu.memory_space<vmem>>
        %dma_start3A_2779 = tpu.memref_slice %arg7[%multiple_of3A_2772, %multiple_of3A_2775] : memref<10000x10000xf32, #tpu.memory_space<hbm>> -> memref<1x16xf32, #tpu.memory_space<hbm>>
        %dma_start3A_2780 = arith.constant 14 : i32
        %dma_start3A_2781 = arith.constant 16 : i32
        %dma_start3A_2782 = tpu.memref_slice %arg15[%dma_start3A_2780, %dma_start3A_2781] : memref<16x128xf32, #tpu.memory_space<vmem>> -> memref<1x16xf32, #tpu.memory_space<vmem>>
        %dma_start3A_2783 = tpu.memref_slice %arg7[%multiple_of3A_2772, %multiple_of3A_2775] : memref<10000x10000xf32, #tpu.memory_space<hbm>> -> memref<1x16xf32, #tpu.memory_space<hbm>>
        tpu.enqueue_dma source(%dma_start3A_2783 : memref<1x16xf32, #tpu.memory_space<hbm>>) target(%dma_start3A_2782 : memref<1x16xf32, #tpu.memory_space<vmem>>) target_semaphore(%arg20 : memref<!tpu.dma_semaphore, #tpu.memory_space<semaphore_mem>>)
        %slice3A_2784 = vector.extract_strided_slice %get3A_2567 {offsets = [15], sizes = [1], strides = [1]} : vector<16xi32> to vector<1xi32>
        %squeeze3A_2785 = vector.extract %slice3A_2784[0] : i32 from vector<1xi32>
        %multiple_of3A_2786 = tpu.assume_multiple %squeeze3A_2785, 8 : i32
        %slice3A_2787 = vector.extract_strided_slice %shift_left3A_2573 {offsets = [15], sizes = [1], strides = [1]} : vector<16xi32> to vector<1xi32>
        %squeeze3A_2788 = vector.extract %slice3A_2787[0] : i32 from vector<1xi32>
        %multiple_of3A_2789 = tpu.assume_multiple %squeeze3A_2788, 128 : i32
        %dma_start3A_2790 = arith.constant 15 : i32
        %dma_start3A_2791 = arith.constant 16 : i32
        %dma_start3A_2792 = tpu.memref_slice %arg15[%dma_start3A_2790, %dma_start3A_2791] : memref<16x128xf32, #tpu.memory_space<vmem>> -> memref<1x16xf32, #tpu.memory_space<vmem>>
        %dma_start3A_2793 = tpu.memref_slice %arg7[%multiple_of3A_2786, %multiple_of3A_2789] : memref<10000x10000xf32, #tpu.memory_space<hbm>> -> memref<1x16xf32, #tpu.memory_space<hbm>>
        %dma_start3A_2794 = arith.constant 15 : i32
        %dma_start3A_2795 = arith.constant 16 : i32
        %dma_start3A_2796 = tpu.memref_slice %arg15[%dma_start3A_2794, %dma_start3A_2795] : memref<16x128xf32, #tpu.memory_space<vmem>> -> memref<1x16xf32, #tpu.memory_space<vmem>>
        %dma_start3A_2797 = tpu.memref_slice %arg7[%multiple_of3A_2786, %multiple_of3A_2789] : memref<10000x10000xf32, #tpu.memory_space<hbm>> -> memref<1x16xf32, #tpu.memory_space<hbm>>
        tpu.enqueue_dma source(%dma_start3A_2797 : memref<1x16xf32, #tpu.memory_space<hbm>>) target(%dma_start3A_2796 : memref<1x16xf32, #tpu.memory_space<vmem>>) target_semaphore(%arg20 : memref<!tpu.dma_semaphore, #tpu.memory_space<semaphore_mem>>)
        %mul3A_2798 = arith.constant 16 : i32
        %mul3A_2799 = arith.muli %add3A_2563, %mul3A_2798 : i32
        %get3A_2800 = arith.index_cast %mul3A_2799 : i32 to index
        %get3A_2801 = tpu.vector_load %arg9[%get3A_2800] {strides = array<i32>} : memref<512xi32, #tpu.memory_space<vmem>>, vector<16xi32>,
        %mul3A_2802 = arith.constant 16 : i32
        %mul3A_2803 = arith.muli %add3A_2563, %mul3A_2802 : i32
        %get3A_2804 = arith.index_cast %mul3A_2803 : i32 to index
        %get3A_2805 = tpu.vector_load %arg11[%get3A_2804] {strides = array<i32>} : memref<512xi32, #tpu.memory_space<vmem>>, vector<16xi32>,
        %shift_right_logical3A_2806 = arith.shrui %get3A_2805, %broadcast_in_dim3A_11 : vector<16xi32>
        %shift_left3A_2807 = arith.shli %shift_right_logical3A_2806, %broadcast_in_dim3A_11 : vector<16xi32>
        %slice3A_2808 = vector.extract_strided_slice %get3A_2801 {offsets = [0], sizes = [1], strides = [1]} : vector<16xi32> to vector<1xi32>
        %squeeze3A_2809 = vector.extract %slice3A_2808[0] : i32 from vector<1xi32>
        %multiple_of3A_2810 = tpu.assume_multiple %squeeze3A_2809, 8 : i32
        %slice3A_2811 = vector.extract_strided_slice %shift_left3A_2807 {offsets = [0], sizes = [1], strides = [1]} : vector<16xi32> to vector<1xi32>
        %squeeze3A_2812 = vector.extract %slice3A_2811[0] : i32 from vector<1xi32>
        %multiple_of3A_2813 = tpu.assume_multiple %squeeze3A_2812, 128 : i32
        %dma_start3A_2814 = arith.constant 8 : i32
        %dma_start3A_2815 = arith.constant 32 : i32
        %dma_start3A_2816 = tpu.memref_slice %arg15[%dma_start3A_2814, %dma_start3A_2815] : memref<16x128xf32, #tpu.memory_space<vmem>> -> memref<1x16xf32, #tpu.memory_space<vmem>>
        %dma_start3A_2817 = tpu.memref_slice %arg7[%multiple_of3A_2810, %multiple_of3A_2813] : memref<10000x10000xf32, #tpu.memory_space<hbm>> -> memref<1x16xf32, #tpu.memory_space<hbm>>
        %dma_start3A_2818 = arith.constant 8 : i32
        %dma_start3A_2819 = arith.constant 32 : i32
        %dma_start3A_2820 = tpu.memref_slice %arg15[%dma_start3A_2818, %dma_start3A_2819] : memref<16x128xf32, #tpu.memory_space<vmem>> -> memref<1x16xf32, #tpu.memory_space<vmem>>
        %dma_start3A_2821 = tpu.memref_slice %arg7[%multiple_of3A_2810, %multiple_of3A_2813] : memref<10000x10000xf32, #tpu.memory_space<hbm>> -> memref<1x16xf32, #tpu.memory_space<hbm>>
        tpu.enqueue_dma source(%dma_start3A_2821 : memref<1x16xf32, #tpu.memory_space<hbm>>) target(%dma_start3A_2820 : memref<1x16xf32, #tpu.memory_space<vmem>>) target_semaphore(%arg20 : memref<!tpu.dma_semaphore, #tpu.memory_space<semaphore_mem>>)
        %slice3A_2822 = vector.extract_strided_slice %get3A_2801 {offsets = [1], sizes = [1], strides = [1]} : vector<16xi32> to vector<1xi32>
        %squeeze3A_2823 = vector.extract %slice3A_2822[0] : i32 from vector<1xi32>
        %multiple_of3A_2824 = tpu.assume_multiple %squeeze3A_2823, 8 : i32
        %slice3A_2825 = vector.extract_strided_slice %shift_left3A_2807 {offsets = [1], sizes = [1], strides = [1]} : vector<16xi32> to vector<1xi32>
        %squeeze3A_2826 = vector.extract %slice3A_2825[0] : i32 from vector<1xi32>
        %multiple_of3A_2827 = tpu.assume_multiple %squeeze3A_2826, 128 : i32
        %dma_start3A_2828 = arith.constant 9 : i32
        %dma_start3A_2829 = arith.constant 32 : i32
        %dma_start3A_2830 = tpu.memref_slice %arg15[%dma_start3A_2828, %dma_start3A_2829] : memref<16x128xf32, #tpu.memory_space<vmem>> -> memref<1x16xf32, #tpu.memory_space<vmem>>
        %dma_start3A_2831 = tpu.memref_slice %arg7[%multiple_of3A_2824, %multiple_of3A_2827] : memref<10000x10000xf32, #tpu.memory_space<hbm>> -> memref<1x16xf32, #tpu.memory_space<hbm>>
        %dma_start3A_2832 = arith.constant 9 : i32
        %dma_start3A_2833 = arith.constant 32 : i32
        %dma_start3A_2834 = tpu.memref_slice %arg15[%dma_start3A_2832, %dma_start3A_2833] : memref<16x128xf32, #tpu.memory_space<vmem>> -> memref<1x16xf32, #tpu.memory_space<vmem>>
        %dma_start3A_2835 = tpu.memref_slice %arg7[%multiple_of3A_2824, %multiple_of3A_2827] : memref<10000x10000xf32, #tpu.memory_space<hbm>> -> memref<1x16xf32, #tpu.memory_space<hbm>>
        tpu.enqueue_dma source(%dma_start3A_2835 : memref<1x16xf32, #tpu.memory_space<hbm>>) target(%dma_start3A_2834 : memref<1x16xf32, #tpu.memory_space<vmem>>) target_semaphore(%arg20 : memref<!tpu.dma_semaphore, #tpu.memory_space<semaphore_mem>>)
        %slice3A_2836 = vector.extract_strided_slice %get3A_2801 {offsets = [2], sizes = [1], strides = [1]} : vector<16xi32> to vector<1xi32>
        %squeeze3A_2837 = vector.extract %slice3A_2836[0] : i32 from vector<1xi32>
        %multiple_of3A_2838 = tpu.assume_multiple %squeeze3A_2837, 8 : i32
        %slice3A_2839 = vector.extract_strided_slice %shift_left3A_2807 {offsets = [2], sizes = [1], strides = [1]} : vector<16xi32> to vector<1xi32>
        %squeeze3A_2840 = vector.extract %slice3A_2839[0] : i32 from vector<1xi32>
        %multiple_of3A_2841 = tpu.assume_multiple %squeeze3A_2840, 128 : i32
        %dma_start3A_2842 = arith.constant 10 : i32
        %dma_start3A_2843 = arith.constant 32 : i32
        %dma_start3A_2844 = tpu.memref_slice %arg15[%dma_start3A_2842, %dma_start3A_2843] : memref<16x128xf32, #tpu.memory_space<vmem>> -> memref<1x16xf32, #tpu.memory_space<vmem>>
        %dma_start3A_2845 = tpu.memref_slice %arg7[%multiple_of3A_2838, %multiple_of3A_2841] : memref<10000x10000xf32, #tpu.memory_space<hbm>> -> memref<1x16xf32, #tpu.memory_space<hbm>>
        %dma_start3A_2846 = arith.constant 10 : i32
        %dma_start3A_2847 = arith.constant 32 : i32
        %dma_start3A_2848 = tpu.memref_slice %arg15[%dma_start3A_2846, %dma_start3A_2847] : memref<16x128xf32, #tpu.memory_space<vmem>> -> memref<1x16xf32, #tpu.memory_space<vmem>>
        %dma_start3A_2849 = tpu.memref_slice %arg7[%multiple_of3A_2838, %multiple_of3A_2841] : memref<10000x10000xf32, #tpu.memory_space<hbm>> -> memref<1x16xf32, #tpu.memory_space<hbm>>
        tpu.enqueue_dma source(%dma_start3A_2849 : memref<1x16xf32, #tpu.memory_space<hbm>>) target(%dma_start3A_2848 : memref<1x16xf32, #tpu.memory_space<vmem>>) target_semaphore(%arg20 : memref<!tpu.dma_semaphore, #tpu.memory_space<semaphore_mem>>)
        %slice3A_2850 = vector.extract_strided_slice %get3A_2801 {offsets = [3], sizes = [1], strides = [1]} : vector<16xi32> to vector<1xi32>
        %squeeze3A_2851 = vector.extract %slice3A_2850[0] : i32 from vector<1xi32>
        %multiple_of3A_2852 = tpu.assume_multiple %squeeze3A_2851, 8 : i32
        %slice3A_2853 = vector.extract_strided_slice %shift_left3A_2807 {offsets = [3], sizes = [1], strides = [1]} : vector<16xi32> to vector<1xi32>
        %squeeze3A_2854 = vector.extract %slice3A_2853[0] : i32 from vector<1xi32>
        %multiple_of3A_2855 = tpu.assume_multiple %squeeze3A_2854, 128 : i32
        %dma_start3A_2856 = arith.constant 11 : i32
        %dma_start3A_2857 = arith.constant 32 : i32
        %dma_start3A_2858 = tpu.memref_slice %arg15[%dma_start3A_2856, %dma_start3A_2857] : memref<16x128xf32, #tpu.memory_space<vmem>> -> memref<1x16xf32, #tpu.memory_space<vmem>>
        %dma_start3A_2859 = tpu.memref_slice %arg7[%multiple_of3A_2852, %multiple_of3A_2855] : memref<10000x10000xf32, #tpu.memory_space<hbm>> -> memref<1x16xf32, #tpu.memory_space<hbm>>
        %dma_start3A_2860 = arith.constant 11 : i32
        %dma_start3A_2861 = arith.constant 32 : i32
        %dma_start3A_2862 = tpu.memref_slice %arg15[%dma_start3A_2860, %dma_start3A_2861] : memref<16x128xf32, #tpu.memory_space<vmem>> -> memref<1x16xf32, #tpu.memory_space<vmem>>
        %dma_start3A_2863 = tpu.memref_slice %arg7[%multiple_of3A_2852, %multiple_of3A_2855] : memref<10000x10000xf32, #tpu.memory_space<hbm>> -> memref<1x16xf32, #tpu.memory_space<hbm>>
        tpu.enqueue_dma source(%dma_start3A_2863 : memref<1x16xf32, #tpu.memory_space<hbm>>) target(%dma_start3A_2862 : memref<1x16xf32, #tpu.memory_space<vmem>>) target_semaphore(%arg20 : memref<!tpu.dma_semaphore, #tpu.memory_space<semaphore_mem>>)
        %slice3A_2864 = vector.extract_strided_slice %get3A_2801 {offsets = [4], sizes = [1], strides = [1]} : vector<16xi32> to vector<1xi32>
        %squeeze3A_2865 = vector.extract %slice3A_2864[0] : i32 from vector<1xi32>
        %multiple_of3A_2866 = tpu.assume_multiple %squeeze3A_2865, 8 : i32
        %slice3A_2867 = vector.extract_strided_slice %shift_left3A_2807 {offsets = [4], sizes = [1], strides = [1]} : vector<16xi32> to vector<1xi32>
        %squeeze3A_2868 = vector.extract %slice3A_2867[0] : i32 from vector<1xi32>
        %multiple_of3A_2869 = tpu.assume_multiple %squeeze3A_2868, 128 : i32
        %dma_start3A_2870 = arith.constant 12 : i32
        %dma_start3A_2871 = arith.constant 32 : i32
        %dma_start3A_2872 = tpu.memref_slice %arg15[%dma_start3A_2870, %dma_start3A_2871] : memref<16x128xf32, #tpu.memory_space<vmem>> -> memref<1x16xf32, #tpu.memory_space<vmem>>
        %dma_start3A_2873 = tpu.memref_slice %arg7[%multiple_of3A_2866, %multiple_of3A_2869] : memref<10000x10000xf32, #tpu.memory_space<hbm>> -> memref<1x16xf32, #tpu.memory_space<hbm>>
        %dma_start3A_2874 = arith.constant 12 : i32
        %dma_start3A_2875 = arith.constant 32 : i32
        %dma_start3A_2876 = tpu.memref_slice %arg15[%dma_start3A_2874, %dma_start3A_2875] : memref<16x128xf32, #tpu.memory_space<vmem>> -> memref<1x16xf32, #tpu.memory_space<vmem>>
        %dma_start3A_2877 = tpu.memref_slice %arg7[%multiple_of3A_2866, %multiple_of3A_2869] : memref<10000x10000xf32, #tpu.memory_space<hbm>> -> memref<1x16xf32, #tpu.memory_space<hbm>>
        tpu.enqueue_dma source(%dma_start3A_2877 : memref<1x16xf32, #tpu.memory_space<hbm>>) target(%dma_start3A_2876 : memref<1x16xf32, #tpu.memory_space<vmem>>) target_semaphore(%arg20 : memref<!tpu.dma_semaphore, #tpu.memory_space<semaphore_mem>>)
        %slice3A_2878 = vector.extract_strided_slice %get3A_2801 {offsets = [5], sizes = [1], strides = [1]} : vector<16xi32> to vector<1xi32>
        %squeeze3A_2879 = vector.extract %slice3A_2878[0] : i32 from vector<1xi32>
        %multiple_of3A_2880 = tpu.assume_multiple %squeeze3A_2879, 8 : i32
        %slice3A_2881 = vector.extract_strided_slice %shift_left3A_2807 {offsets = [5], sizes = [1], strides = [1]} : vector<16xi32> to vector<1xi32>
        %squeeze3A_2882 = vector.extract %slice3A_2881[0] : i32 from vector<1xi32>
        %multiple_of3A_2883 = tpu.assume_multiple %squeeze3A_2882, 128 : i32
        %dma_start3A_2884 = arith.constant 13 : i32
        %dma_start3A_2885 = arith.constant 32 : i32
        %dma_start3A_2886 = tpu.memref_slice %arg15[%dma_start3A_2884, %dma_start3A_2885] : memref<16x128xf32, #tpu.memory_space<vmem>> -> memref<1x16xf32, #tpu.memory_space<vmem>>
        %dma_start3A_2887 = tpu.memref_slice %arg7[%multiple_of3A_2880, %multiple_of3A_2883] : memref<10000x10000xf32, #tpu.memory_space<hbm>> -> memref<1x16xf32, #tpu.memory_space<hbm>>
        %dma_start3A_2888 = arith.constant 13 : i32
        %dma_start3A_2889 = arith.constant 32 : i32
        %dma_start3A_2890 = tpu.memref_slice %arg15[%dma_start3A_2888, %dma_start3A_2889] : memref<16x128xf32, #tpu.memory_space<vmem>> -> memref<1x16xf32, #tpu.memory_space<vmem>>
        %dma_start3A_2891 = tpu.memref_slice %arg7[%multiple_of3A_2880, %multiple_of3A_2883] : memref<10000x10000xf32, #tpu.memory_space<hbm>> -> memref<1x16xf32, #tpu.memory_space<hbm>>
        tpu.enqueue_dma source(%dma_start3A_2891 : memref<1x16xf32, #tpu.memory_space<hbm>>) target(%dma_start3A_2890 : memref<1x16xf32, #tpu.memory_space<vmem>>) target_semaphore(%arg20 : memref<!tpu.dma_semaphore, #tpu.memory_space<semaphore_mem>>)
        %slice3A_2892 = vector.extract_strided_slice %get3A_2801 {offsets = [6], sizes = [1], strides = [1]} : vector<16xi32> to vector<1xi32>
        %squeeze3A_2893 = vector.extract %slice3A_2892[0] : i32 from vector<1xi32>
        %multiple_of3A_2894 = tpu.assume_multiple %squeeze3A_2893, 8 : i32
        %slice3A_2895 = vector.extract_strided_slice %shift_left3A_2807 {offsets = [6], sizes = [1], strides = [1]} : vector<16xi32> to vector<1xi32>
        %squeeze3A_2896 = vector.extract %slice3A_2895[0] : i32 from vector<1xi32>
        %multiple_of3A_2897 = tpu.assume_multiple %squeeze3A_2896, 128 : i32
        %dma_start3A_2898 = arith.constant 14 : i32
        %dma_start3A_2899 = arith.constant 32 : i32
        %dma_start3A_2900 = tpu.memref_slice %arg15[%dma_start3A_2898, %dma_start3A_2899] : memref<16x128xf32, #tpu.memory_space<vmem>> -> memref<1x16xf32, #tpu.memory_space<vmem>>
        %dma_start3A_2901 = tpu.memref_slice %arg7[%multiple_of3A_2894, %multiple_of3A_2897] : memref<10000x10000xf32, #tpu.memory_space<hbm>> -> memref<1x16xf32, #tpu.memory_space<hbm>>
        %dma_start3A_2902 = arith.constant 14 : i32
        %dma_start3A_2903 = arith.constant 32 : i32
        %dma_start3A_2904 = tpu.memref_slice %arg15[%dma_start3A_2902, %dma_start3A_2903] : memref<16x128xf32, #tpu.memory_space<vmem>> -> memref<1x16xf32, #tpu.memory_space<vmem>>
        %dma_start3A_2905 = tpu.memref_slice %arg7[%multiple_of3A_2894, %multiple_of3A_2897] : memref<10000x10000xf32, #tpu.memory_space<hbm>> -> memref<1x16xf32, #tpu.memory_space<hbm>>
        tpu.enqueue_dma source(%dma_start3A_2905 : memref<1x16xf32, #tpu.memory_space<hbm>>) target(%dma_start3A_2904 : memref<1x16xf32, #tpu.memory_space<vmem>>) target_semaphore(%arg20 : memref<!tpu.dma_semaphore, #tpu.memory_space<semaphore_mem>>)
        %slice3A_2906 = vector.extract_strided_slice %get3A_2801 {offsets = [7], sizes = [1], strides = [1]} : vector<16xi32> to vector<1xi32>
        %squeeze3A_2907 = vector.extract %slice3A_2906[0] : i32 from vector<1xi32>
        %multiple_of3A_2908 = tpu.assume_multiple %squeeze3A_2907, 8 : i32
        %slice3A_2909 = vector.extract_strided_slice %shift_left3A_2807 {offsets = [7], sizes = [1], strides = [1]} : vector<16xi32> to vector<1xi32>
        %squeeze3A_2910 = vector.extract %slice3A_2909[0] : i32 from vector<1xi32>
        %multiple_of3A_2911 = tpu.assume_multiple %squeeze3A_2910, 128 : i32
        %dma_start3A_2912 = arith.constant 15 : i32
        %dma_start3A_2913 = arith.constant 32 : i32
        %dma_start3A_2914 = tpu.memref_slice %arg15[%dma_start3A_2912, %dma_start3A_2913] : memref<16x128xf32, #tpu.memory_space<vmem>> -> memref<1x16xf32, #tpu.memory_space<vmem>>
        %dma_start3A_2915 = tpu.memref_slice %arg7[%multiple_of3A_2908, %multiple_of3A_2911] : memref<10000x10000xf32, #tpu.memory_space<hbm>> -> memref<1x16xf32, #tpu.memory_space<hbm>>
        %dma_start3A_2916 = arith.constant 15 : i32
        %dma_start3A_2917 = arith.constant 32 : i32
        %dma_start3A_2918 = tpu.memref_slice %arg15[%dma_start3A_2916, %dma_start3A_2917] : memref<16x128xf32, #tpu.memory_space<vmem>> -> memref<1x16xf32, #tpu.memory_space<vmem>>
        %dma_start3A_2919 = tpu.memref_slice %arg7[%multiple_of3A_2908, %multiple_of3A_2911] : memref<10000x10000xf32, #tpu.memory_space<hbm>> -> memref<1x16xf32, #tpu.memory_space<hbm>>
        tpu.enqueue_dma source(%dma_start3A_2919 : memref<1x16xf32, #tpu.memory_space<hbm>>) target(%dma_start3A_2918 : memref<1x16xf32, #tpu.memory_space<vmem>>) target_semaphore(%arg20 : memref<!tpu.dma_semaphore, #tpu.memory_space<semaphore_mem>>)
        %slice3A_2920 = vector.extract_strided_slice %get3A_2801 {offsets = [8], sizes = [1], strides = [1]} : vector<16xi32> to vector<1xi32>
        %squeeze3A_2921 = vector.extract %slice3A_2920[0] : i32 from vector<1xi32>
        %multiple_of3A_2922 = tpu.assume_multiple %squeeze3A_2921, 8 : i32
        %slice3A_2923 = vector.extract_strided_slice %shift_left3A_2807 {offsets = [8], sizes = [1], strides = [1]} : vector<16xi32> to vector<1xi32>
        %squeeze3A_2924 = vector.extract %slice3A_2923[0] : i32 from vector<1xi32>
        %multiple_of3A_2925 = tpu.assume_multiple %squeeze3A_2924, 128 : i32
        %dma_start3A_2926 = arith.constant 8 : i32
        %dma_start3A_2927 = arith.constant 48 : i32
        %dma_start3A_2928 = tpu.memref_slice %arg15[%dma_start3A_2926, %dma_start3A_2927] : memref<16x128xf32, #tpu.memory_space<vmem>> -> memref<1x16xf32, #tpu.memory_space<vmem>>
        %dma_start3A_2929 = tpu.memref_slice %arg7[%multiple_of3A_2922, %multiple_of3A_2925] : memref<10000x10000xf32, #tpu.memory_space<hbm>> -> memref<1x16xf32, #tpu.memory_space<hbm>>
        %dma_start3A_2930 = arith.constant 8 : i32
        %dma_start3A_2931 = arith.constant 48 : i32
        %dma_start3A_2932 = tpu.memref_slice %arg15[%dma_start3A_2930, %dma_start3A_2931] : memref<16x128xf32, #tpu.memory_space<vmem>> -> memref<1x16xf32, #tpu.memory_space<vmem>>
        %dma_start3A_2933 = tpu.memref_slice %arg7[%multiple_of3A_2922, %multiple_of3A_2925] : memref<10000x10000xf32, #tpu.memory_space<hbm>> -> memref<1x16xf32, #tpu.memory_space<hbm>>
        tpu.enqueue_dma source(%dma_start3A_2933 : memref<1x16xf32, #tpu.memory_space<hbm>>) target(%dma_start3A_2932 : memref<1x16xf32, #tpu.memory_space<vmem>>) target_semaphore(%arg20 : memref<!tpu.dma_semaphore, #tpu.memory_space<semaphore_mem>>)
        %slice3A_2934 = vector.extract_strided_slice %get3A_2801 {offsets = [9], sizes = [1], strides = [1]} : vector<16xi32> to vector<1xi32>
        %squeeze3A_2935 = vector.extract %slice3A_2934[0] : i32 from vector<1xi32>
        %multiple_of3A_2936 = tpu.assume_multiple %squeeze3A_2935, 8 : i32
        %slice3A_2937 = vector.extract_strided_slice %shift_left3A_2807 {offsets = [9], sizes = [1], strides = [1]} : vector<16xi32> to vector<1xi32>
        %squeeze3A_2938 = vector.extract %slice3A_2937[0] : i32 from vector<1xi32>
        %multiple_of3A_2939 = tpu.assume_multiple %squeeze3A_2938, 128 : i32
        %dma_start3A_2940 = arith.constant 9 : i32
        %dma_start3A_2941 = arith.constant 48 : i32
        %dma_start3A_2942 = tpu.memref_slice %arg15[%dma_start3A_2940, %dma_start3A_2941] : memref<16x128xf32, #tpu.memory_space<vmem>> -> memref<1x16xf32, #tpu.memory_space<vmem>>
        %dma_start3A_2943 = tpu.memref_slice %arg7[%multiple_of3A_2936, %multiple_of3A_2939] : memref<10000x10000xf32, #tpu.memory_space<hbm>> -> memref<1x16xf32, #tpu.memory_space<hbm>>
        %dma_start3A_2944 = arith.constant 9 : i32
        %dma_start3A_2945 = arith.constant 48 : i32
        %dma_start3A_2946 = tpu.memref_slice %arg15[%dma_start3A_2944, %dma_start3A_2945] : memref<16x128xf32, #tpu.memory_space<vmem>> -> memref<1x16xf32, #tpu.memory_space<vmem>>
        %dma_start3A_2947 = tpu.memref_slice %arg7[%multiple_of3A_2936, %multiple_of3A_2939] : memref<10000x10000xf32, #tpu.memory_space<hbm>> -> memref<1x16xf32, #tpu.memory_space<hbm>>
        tpu.enqueue_dma source(%dma_start3A_2947 : memref<1x16xf32, #tpu.memory_space<hbm>>) target(%dma_start3A_2946 : memref<1x16xf32, #tpu.memory_space<vmem>>) target_semaphore(%arg20 : memref<!tpu.dma_semaphore, #tpu.memory_space<semaphore_mem>>)
        %slice3A_2948 = vector.extract_strided_slice %get3A_2801 {offsets = [10], sizes = [1], strides = [1]} : vector<16xi32> to vector<1xi32>
        %squeeze3A_2949 = vector.extract %slice3A_2948[0] : i32 from vector<1xi32>
        %multiple_of3A_2950 = tpu.assume_multiple %squeeze3A_2949, 8 : i32
        %slice3A_2951 = vector.extract_strided_slice %shift_left3A_2807 {offsets = [10], sizes = [1], strides = [1]} : vector<16xi32> to vector<1xi32>
        %squeeze3A_2952 = vector.extract %slice3A_2951[0] : i32 from vector<1xi32>
        %multiple_of3A_2953 = tpu.assume_multiple %squeeze3A_2952, 128 : i32
        %dma_start3A_2954 = arith.constant 10 : i32
        %dma_start3A_2955 = arith.constant 48 : i32
        %dma_start3A_2956 = tpu.memref_slice %arg15[%dma_start3A_2954, %dma_start3A_2955] : memref<16x128xf32, #tpu.memory_space<vmem>> -> memref<1x16xf32, #tpu.memory_space<vmem>>
        %dma_start3A_2957 = tpu.memref_slice %arg7[%multiple_of3A_2950, %multiple_of3A_2953] : memref<10000x10000xf32, #tpu.memory_space<hbm>> -> memref<1x16xf32, #tpu.memory_space<hbm>>
        %dma_start3A_2958 = arith.constant 10 : i32
        %dma_start3A_2959 = arith.constant 48 : i32
        %dma_start3A_2960 = tpu.memref_slice %arg15[%dma_start3A_2958, %dma_start3A_2959] : memref<16x128xf32, #tpu.memory_space<vmem>> -> memref<1x16xf32, #tpu.memory_space<vmem>>
        %dma_start3A_2961 = tpu.memref_slice %arg7[%multiple_of3A_2950, %multiple_of3A_2953] : memref<10000x10000xf32, #tpu.memory_space<hbm>> -> memref<1x16xf32, #tpu.memory_space<hbm>>
        tpu.enqueue_dma source(%dma_start3A_2961 : memref<1x16xf32, #tpu.memory_space<hbm>>) target(%dma_start3A_2960 : memref<1x16xf32, #tpu.memory_space<vmem>>) target_semaphore(%arg20 : memref<!tpu.dma_semaphore, #tpu.memory_space<semaphore_mem>>)
        %slice3A_2962 = vector.extract_strided_slice %get3A_2801 {offsets = [11], sizes = [1], strides = [1]} : vector<16xi32> to vector<1xi32>
        %squeeze3A_2963 = vector.extract %slice3A_2962[0] : i32 from vector<1xi32>
        %multiple_of3A_2964 = tpu.assume_multiple %squeeze3A_2963, 8 : i32
        %slice3A_2965 = vector.extract_strided_slice %shift_left3A_2807 {offsets = [11], sizes = [1], strides = [1]} : vector<16xi32> to vector<1xi32>
        %squeeze3A_2966 = vector.extract %slice3A_2965[0] : i32 from vector<1xi32>
        %multiple_of3A_2967 = tpu.assume_multiple %squeeze3A_2966, 128 : i32
        %dma_start3A_2968 = arith.constant 11 : i32
        %dma_start3A_2969 = arith.constant 48 : i32
        %dma_start3A_2970 = tpu.memref_slice %arg15[%dma_start3A_2968, %dma_start3A_2969] : memref<16x128xf32, #tpu.memory_space<vmem>> -> memref<1x16xf32, #tpu.memory_space<vmem>>
        %dma_start3A_2971 = tpu.memref_slice %arg7[%multiple_of3A_2964, %multiple_of3A_2967] : memref<10000x10000xf32, #tpu.memory_space<hbm>> -> memref<1x16xf32, #tpu.memory_space<hbm>>
        %dma_start3A_2972 = arith.constant 11 : i32
        %dma_start3A_2973 = arith.constant 48 : i32
        %dma_start3A_2974 = tpu.memref_slice %arg15[%dma_start3A_2972, %dma_start3A_2973] : memref<16x128xf32, #tpu.memory_space<vmem>> -> memref<1x16xf32, #tpu.memory_space<vmem>>
        %dma_start3A_2975 = tpu.memref_slice %arg7[%multiple_of3A_2964, %multiple_of3A_2967] : memref<10000x10000xf32, #tpu.memory_space<hbm>> -> memref<1x16xf32, #tpu.memory_space<hbm>>
        tpu.enqueue_dma source(%dma_start3A_2975 : memref<1x16xf32, #tpu.memory_space<hbm>>) target(%dma_start3A_2974 : memref<1x16xf32, #tpu.memory_space<vmem>>) target_semaphore(%arg20 : memref<!tpu.dma_semaphore, #tpu.memory_space<semaphore_mem>>)
        %slice3A_2976 = vector.extract_strided_slice %get3A_2801 {offsets = [12], sizes = [1], strides = [1]} : vector<16xi32> to vector<1xi32>
        %squeeze3A_2977 = vector.extract %slice3A_2976[0] : i32 from vector<1xi32>
        %multiple_of3A_2978 = tpu.assume_multiple %squeeze3A_2977, 8 : i32
        %slice3A_2979 = vector.extract_strided_slice %shift_left3A_2807 {offsets = [12], sizes = [1], strides = [1]} : vector<16xi32> to vector<1xi32>
        %squeeze3A_2980 = vector.extract %slice3A_2979[0] : i32 from vector<1xi32>
        %multiple_of3A_2981 = tpu.assume_multiple %squeeze3A_2980, 128 : i32
        %dma_start3A_2982 = arith.constant 12 : i32
        %dma_start3A_2983 = arith.constant 48 : i32
        %dma_start3A_2984 = tpu.memref_slice %arg15[%dma_start3A_2982, %dma_start3A_2983] : memref<16x128xf32, #tpu.memory_space<vmem>> -> memref<1x16xf32, #tpu.memory_space<vmem>>
        %dma_start3A_2985 = tpu.memref_slice %arg7[%multiple_of3A_2978, %multiple_of3A_2981] : memref<10000x10000xf32, #tpu.memory_space<hbm>> -> memref<1x16xf32, #tpu.memory_space<hbm>>
        %dma_start3A_2986 = arith.constant 12 : i32
        %dma_start3A_2987 = arith.constant 48 : i32
        %dma_start3A_2988 = tpu.memref_slice %arg15[%dma_start3A_2986, %dma_start3A_2987] : memref<16x128xf32, #tpu.memory_space<vmem>> -> memref<1x16xf32, #tpu.memory_space<vmem>>
        %dma_start3A_2989 = tpu.memref_slice %arg7[%multiple_of3A_2978, %multiple_of3A_2981] : memref<10000x10000xf32, #tpu.memory_space<hbm>> -> memref<1x16xf32, #tpu.memory_space<hbm>>
        tpu.enqueue_dma source(%dma_start3A_2989 : memref<1x16xf32, #tpu.memory_space<hbm>>) target(%dma_start3A_2988 : memref<1x16xf32, #tpu.memory_space<vmem>>) target_semaphore(%arg20 : memref<!tpu.dma_semaphore, #tpu.memory_space<semaphore_mem>>)
        %slice3A_2990 = vector.extract_strided_slice %get3A_2801 {offsets = [13], sizes = [1], strides = [1]} : vector<16xi32> to vector<1xi32>
        %squeeze3A_2991 = vector.extract %slice3A_2990[0] : i32 from vector<1xi32>
        %multiple_of3A_2992 = tpu.assume_multiple %squeeze3A_2991, 8 : i32
        %slice3A_2993 = vector.extract_strided_slice %shift_left3A_2807 {offsets = [13], sizes = [1], strides = [1]} : vector<16xi32> to vector<1xi32>
        %squeeze3A_2994 = vector.extract %slice3A_2993[0] : i32 from vector<1xi32>
        %multiple_of3A_2995 = tpu.assume_multiple %squeeze3A_2994, 128 : i32
        %dma_start3A_2996 = arith.constant 13 : i32
        %dma_start3A_2997 = arith.constant 48 : i32
        %dma_start3A_2998 = tpu.memref_slice %arg15[%dma_start3A_2996, %dma_start3A_2997] : memref<16x128xf32, #tpu.memory_space<vmem>> -> memref<1x16xf32, #tpu.memory_space<vmem>>
        %dma_start3A_2999 = tpu.memref_slice %arg7[%multiple_of3A_2992, %multiple_of3A_2995] : memref<10000x10000xf32, #tpu.memory_space<hbm>> -> memref<1x16xf32, #tpu.memory_space<hbm>>
        %dma_start3A_3000 = arith.constant 13 : i32
        %dma_start3A_3001 = arith.constant 48 : i32
        %dma_start3A_3002 = tpu.memref_slice %arg15[%dma_start3A_3000, %dma_start3A_3001] : memref<16x128xf32, #tpu.memory_space<vmem>> -> memref<1x16xf32, #tpu.memory_space<vmem>>
        %dma_start3A_3003 = tpu.memref_slice %arg7[%multiple_of3A_2992, %multiple_of3A_2995] : memref<10000x10000xf32, #tpu.memory_space<hbm>> -> memref<1x16xf32, #tpu.memory_space<hbm>>
        tpu.enqueue_dma source(%dma_start3A_3003 : memref<1x16xf32, #tpu.memory_space<hbm>>) target(%dma_start3A_3002 : memref<1x16xf32, #tpu.memory_space<vmem>>) target_semaphore(%arg20 : memref<!tpu.dma_semaphore, #tpu.memory_space<semaphore_mem>>)
        %slice3A_3004 = vector.extract_strided_slice %get3A_2801 {offsets = [14], sizes = [1], strides = [1]} : vector<16xi32> to vector<1xi32>
        %squeeze3A_3005 = vector.extract %slice3A_3004[0] : i32 from vector<1xi32>
        %multiple_of3A_3006 = tpu.assume_multiple %squeeze3A_3005, 8 : i32
        %slice3A_3007 = vector.extract_strided_slice %shift_left3A_2807 {offsets = [14], sizes = [1], strides = [1]} : vector<16xi32> to vector<1xi32>
        %squeeze3A_3008 = vector.extract %slice3A_3007[0] : i32 from vector<1xi32>
        %multiple_of3A_3009 = tpu.assume_multiple %squeeze3A_3008, 128 : i32
        %dma_start3A_3010 = arith.constant 14 : i32
        %dma_start3A_3011 = arith.constant 48 : i32
        %dma_start3A_3012 = tpu.memref_slice %arg15[%dma_start3A_3010, %dma_start3A_3011] : memref<16x128xf32, #tpu.memory_space<vmem>> -> memref<1x16xf32, #tpu.memory_space<vmem>>
        %dma_start3A_3013 = tpu.memref_slice %arg7[%multiple_of3A_3006, %multiple_of3A_3009] : memref<10000x10000xf32, #tpu.memory_space<hbm>> -> memref<1x16xf32, #tpu.memory_space<hbm>>
        %dma_start3A_3014 = arith.constant 14 : i32
        %dma_start3A_3015 = arith.constant 48 : i32
        %dma_start3A_3016 = tpu.memref_slice %arg15[%dma_start3A_3014, %dma_start3A_3015] : memref<16x128xf32, #tpu.memory_space<vmem>> -> memref<1x16xf32, #tpu.memory_space<vmem>>
        %dma_start3A_3017 = tpu.memref_slice %arg7[%multiple_of3A_3006, %multiple_of3A_3009] : memref<10000x10000xf32, #tpu.memory_space<hbm>> -> memref<1x16xf32, #tpu.memory_space<hbm>>
        tpu.enqueue_dma source(%dma_start3A_3017 : memref<1x16xf32, #tpu.memory_space<hbm>>) target(%dma_start3A_3016 : memref<1x16xf32, #tpu.memory_space<vmem>>) target_semaphore(%arg20 : memref<!tpu.dma_semaphore, #tpu.memory_space<semaphore_mem>>)
        %slice3A_3018 = vector.extract_strided_slice %get3A_2801 {offsets = [15], sizes = [1], strides = [1]} : vector<16xi32> to vector<1xi32>
        %squeeze3A_3019 = vector.extract %slice3A_3018[0] : i32 from vector<1xi32>
        %multiple_of3A_3020 = tpu.assume_multiple %squeeze3A_3019, 8 : i32
        %slice3A_3021 = vector.extract_strided_slice %shift_left3A_2807 {offsets = [15], sizes = [1], strides = [1]} : vector<16xi32> to vector<1xi32>
        %squeeze3A_3022 = vector.extract %slice3A_3021[0] : i32 from vector<1xi32>
        %multiple_of3A_3023 = tpu.assume_multiple %squeeze3A_3022, 128 : i32
        %dma_start3A_3024 = arith.constant 15 : i32
        %dma_start3A_3025 = arith.constant 48 : i32
        %dma_start3A_3026 = tpu.memref_slice %arg15[%dma_start3A_3024, %dma_start3A_3025] : memref<16x128xf32, #tpu.memory_space<vmem>> -> memref<1x16xf32, #tpu.memory_space<vmem>>
        %dma_start3A_3027 = tpu.memref_slice %arg7[%multiple_of3A_3020, %multiple_of3A_3023] : memref<10000x10000xf32, #tpu.memory_space<hbm>> -> memref<1x16xf32, #tpu.memory_space<hbm>>
        %dma_start3A_3028 = arith.constant 15 : i32
        %dma_start3A_3029 = arith.constant 48 : i32
        %dma_start3A_3030 = tpu.memref_slice %arg15[%dma_start3A_3028, %dma_start3A_3029] : memref<16x128xf32, #tpu.memory_space<vmem>> -> memref<1x16xf32, #tpu.memory_space<vmem>>
        %dma_start3A_3031 = tpu.memref_slice %arg7[%multiple_of3A_3020, %multiple_of3A_3023] : memref<10000x10000xf32, #tpu.memory_space<hbm>> -> memref<1x16xf32, #tpu.memory_space<hbm>>
        tpu.enqueue_dma source(%dma_start3A_3031 : memref<1x16xf32, #tpu.memory_space<hbm>>) target(%dma_start3A_3030 : memref<1x16xf32, #tpu.memory_space<vmem>>) target_semaphore(%arg20 : memref<!tpu.dma_semaphore, #tpu.memory_space<semaphore_mem>>)
      } else {
      }
      %and3A_1090 = arith.constant 1 : i32
      %and3A_1091 = arith.andi %shift_right_arithmetic3A_996, %and3A_1090 : i32
      %mul3A_1092 = arith.constant 64 : i32
      %mul3A_1093 = arith.muli %and3A_1091, %mul3A_1092 : i32
      %rem3A_1094 = arith.constant 4 : i32
      %rem3A_1095 = arith.remsi %scan3A_992, %rem3A_1094 : i32
      %mul3A_1096 = arith.constant 16 : i32
      %mul3A_1097 = arith.muli %rem3A_1095, %mul3A_1096 : i32
      %add3A_1098 = arith.addi %mul3A_1093, %mul3A_1097 : i32
      %add3A_1099 = arith.constant 0 : i32
      %add3A_1100 = arith.addi %add3A_1098, %add3A_1099 : i32
      %get3A_1101 = arith.index_cast %add3A_1100 : i32 to index
      %get3A_1102 = arith.constant 0 : index
      %get3A_1103 = tpu.vector_load %arg12[%get3A_1101, %get3A_1102] {strides = array<i32>} : memref<128x128xf32, #tpu.memory_space<vmem>>, vector<16xf32>,
      %get3A_1104 = arith.index_cast %add3A_1100 : i32 to index
      %get3A_1105 = arith.constant 0 : index
      %get3A_1106 = tpu.vector_load %arg13[%get3A_1104, %get3A_1105] {strides = array<i32>} : memref<128x128xf32, #tpu.memory_space<vmem>>, vector<16xf32>,
      %get3A_1107 = arith.index_cast %add3A_1100 : i32 to index
      %get3A_1108 = arith.constant 0 : index
      %get3A_1109 = tpu.vector_load %arg14[%get3A_1107, %get3A_1108] {strides = array<i32>} : memref<128x128xf32, #tpu.memory_space<vmem>>, vector<16xf32>,
      %mul3A_1110 = arith.mulf %get3A_1103, %get3A_1106 : vector<16xf32>
      %mul3A_1111 = arith.mulf %get3A_1103, %get3A_1109 : vector<16xf32>
      %mul3A_1112 = arith.mulf %get3A_1103, %get3A_1103 : vector<16xf32>
      %add3A_1113 = arith.addf %scan3A_995, %mul3A_1112 : vector<16xf32>
      %mul3A_1114 = arith.mulf %get3A_1106, %get3A_1106 : vector<16xf32>
      %add3A_1115 = arith.addf %add3A_1113, %mul3A_1114 : vector<16xf32>
      %mul3A_1116 = arith.mulf %get3A_1109, %get3A_1109 : vector<16xf32>
      %add3A_1117 = arith.addf %add3A_1115, %mul3A_1116 : vector<16xf32>
      %get3A_1118 = arith.index_cast %add3A_1100 : i32 to index
      %get3A_1119 = arith.constant 16 : index
      %get3A_1120 = tpu.vector_load %arg12[%get3A_1118, %get3A_1119] {strides = array<i32>} : memref<128x128xf32, #tpu.memory_space<vmem>>, vector<16xf32>,
      %get3A_1121 = arith.index_cast %add3A_1100 : i32 to index
      %get3A_1122 = arith.constant 16 : index
      %get3A_1123 = tpu.vector_load %arg13[%get3A_1121, %get3A_1122] {strides = array<i32>} : memref<128x128xf32, #tpu.memory_space<vmem>>, vector<16xf32>,
      %get3A_1124 = arith.index_cast %add3A_1100 : i32 to index
      %get3A_1125 = arith.constant 16 : index
      %get3A_1126 = tpu.vector_load %arg14[%get3A_1124, %get3A_1125] {strides = array<i32>} : memref<128x128xf32, #tpu.memory_space<vmem>>, vector<16xf32>,
      %mul3A_1127 = arith.mulf %get3A_1120, %get3A_1123 : vector<16xf32>
      %add3A_1128 = arith.addf %mul3A_1110, %mul3A_1127 : vector<16xf32>
      %mul3A_1129 = arith.mulf %get3A_1120, %get3A_1126 : vector<16xf32>
      %add3A_1130 = arith.addf %mul3A_1111, %mul3A_1129 : vector<16xf32>
      %mul3A_1131 = arith.mulf %get3A_1120, %get3A_1120 : vector<16xf32>
      %add3A_1132 = arith.addf %add3A_1117, %mul3A_1131 : vector<16xf32>
      %mul3A_1133 = arith.mulf %get3A_1123, %get3A_1123 : vector<16xf32>
      %add3A_1134 = arith.addf %add3A_1132, %mul3A_1133 : vector<16xf32>
      %mul3A_1135 = arith.mulf %get3A_1126, %get3A_1126 : vector<16xf32>
      %add3A_1136 = arith.addf %add3A_1134, %mul3A_1135 : vector<16xf32>
      %get3A_1137 = arith.index_cast %add3A_1100 : i32 to index
      %get3A_1138 = arith.constant 32 : index
      %get3A_1139 = tpu.vector_load %arg12[%get3A_1137, %get3A_1138] {strides = array<i32>} : memref<128x128xf32, #tpu.memory_space<vmem>>, vector<16xf32>,
      %get3A_1140 = arith.index_cast %add3A_1100 : i32 to index
      %get3A_1141 = arith.constant 32 : index
      %get3A_1142 = tpu.vector_load %arg13[%get3A_1140, %get3A_1141] {strides = array<i32>} : memref<128x128xf32, #tpu.memory_space<vmem>>, vector<16xf32>,
      %get3A_1143 = arith.index_cast %add3A_1100 : i32 to index
      %get3A_1144 = arith.constant 32 : index
      %get3A_1145 = tpu.vector_load %arg14[%get3A_1143, %get3A_1144] {strides = array<i32>} : memref<128x128xf32, #tpu.memory_space<vmem>>, vector<16xf32>,
      %mul3A_1146 = arith.mulf %get3A_1139, %get3A_1142 : vector<16xf32>
      %add3A_1147 = arith.addf %add3A_1128, %mul3A_1146 : vector<16xf32>
      %mul3A_1148 = arith.mulf %get3A_1139, %get3A_1145 : vector<16xf32>
      %add3A_1149 = arith.addf %add3A_1130, %mul3A_1148 : vector<16xf32>
      %mul3A_1150 = arith.mulf %get3A_1139, %get3A_1139 : vector<16xf32>
      %add3A_1151 = arith.addf %add3A_1136, %mul3A_1150 : vector<16xf32>
      %mul3A_1152 = arith.mulf %get3A_1142, %get3A_1142 : vector<16xf32>
      %add3A_1153 = arith.addf %add3A_1151, %mul3A_1152 : vector<16xf32>
      %mul3A_1154 = arith.mulf %get3A_1145, %get3A_1145 : vector<16xf32>
      %add3A_1155 = arith.addf %add3A_1153, %mul3A_1154 : vector<16xf32>
      %get3A_1156 = arith.index_cast %add3A_1100 : i32 to index
      %get3A_1157 = arith.constant 48 : index
      %get3A_1158 = tpu.vector_load %arg12[%get3A_1156, %get3A_1157] {strides = array<i32>} : memref<128x128xf32, #tpu.memory_space<vmem>>, vector<16xf32>,
      %get3A_1159 = arith.index_cast %add3A_1100 : i32 to index
      %get3A_1160 = arith.constant 48 : index
      %get3A_1161 = tpu.vector_load %arg13[%get3A_1159, %get3A_1160] {strides = array<i32>} : memref<128x128xf32, #tpu.memory_space<vmem>>, vector<16xf32>,
      %get3A_1162 = arith.index_cast %add3A_1100 : i32 to index
      %get3A_1163 = arith.constant 48 : index
      %get3A_1164 = tpu.vector_load %arg14[%get3A_1162, %get3A_1163] {strides = array<i32>} : memref<128x128xf32, #tpu.memory_space<vmem>>, vector<16xf32>,
      %mul3A_1165 = arith.mulf %get3A_1158, %get3A_1161 : vector<16xf32>
      %add3A_1166 = arith.addf %add3A_1147, %mul3A_1165 : vector<16xf32>
      %mul3A_1167 = arith.mulf %get3A_1158, %get3A_1164 : vector<16xf32>
      %add3A_1168 = arith.addf %add3A_1149, %mul3A_1167 : vector<16xf32>
      %mul3A_1169 = arith.mulf %get3A_1158, %get3A_1158 : vector<16xf32>
      %add3A_1170 = arith.addf %add3A_1155, %mul3A_1169 : vector<16xf32>
      %mul3A_1171 = arith.mulf %get3A_1161, %get3A_1161 : vector<16xf32>
      %add3A_1172 = arith.addf %add3A_1170, %mul3A_1171 : vector<16xf32>
      %mul3A_1173 = arith.mulf %get3A_1164, %get3A_1164 : vector<16xf32>
      %add3A_1174 = arith.addf %add3A_1172, %mul3A_1173 : vector<16xf32>
      %broadcast_in_dim3A_1175 = arith.constant 0 : i32
      %broadcast_in_dim3A_1176 = vector.broadcast %broadcast_in_dim3A_1175 : i32 to vector<16xi32>
      tpu.vector_store_idx %arg16[%iota3A, %broadcast_in_dim3A_1176], %add3A_1166 : memref<16x16xf32, #tpu.memory_space<vmem>>[vector<16xi32>, vector<16xi32>], vector<16xf32>,
      tpu.vector_store_idx %arg17[%iota3A, %broadcast_in_dim3A_1176], %add3A_1168 : memref<16x16xf32, #tpu.memory_space<vmem>>[vector<16xi32>, vector<16xi32>], vector<16xf32>,
      %add3A_1177 = arith.constant 1 : i32
      %add3A_1178 = arith.addi %add3A_1098, %add3A_1177 : i32
      %get3A_1179 = arith.index_cast %add3A_1178 : i32 to index
      %get3A_1180 = arith.constant 0 : index
      %get3A_1181 = tpu.vector_load %arg12[%get3A_1179, %get3A_1180] {strides = array<i32>} : memref<128x128xf32, #tpu.memory_space<vmem>>, vector<16xf32>,
      %get3A_1182 = arith.index_cast %add3A_1178 : i32 to index
      %get3A_1183 = arith.constant 0 : index
      %get3A_1184 = tpu.vector_load %arg13[%get3A_1182, %get3A_1183] {strides = array<i32>} : memref<128x128xf32, #tpu.memory_space<vmem>>, vector<16xf32>,
      %get3A_1185 = arith.index_cast %add3A_1178 : i32 to index
      %get3A_1186 = arith.constant 0 : index
      %get3A_1187 = tpu.vector_load %arg14[%get3A_1185, %get3A_1186] {strides = array<i32>} : memref<128x128xf32, #tpu.memory_space<vmem>>, vector<16xf32>,
      %mul3A_1188 = arith.mulf %get3A_1181, %get3A_1184 : vector<16xf32>
      %mul3A_1189 = arith.mulf %get3A_1181, %get3A_1187 : vector<16xf32>
      %mul3A_1190 = arith.mulf %get3A_1181, %get3A_1181 : vector<16xf32>
      %add3A_1191 = arith.addf %add3A_1174, %mul3A_1190 : vector<16xf32>
      %mul3A_1192 = arith.mulf %get3A_1184, %get3A_1184 : vector<16xf32>
      %add3A_1193 = arith.addf %add3A_1191, %mul3A_1192 : vector<16xf32>
      %mul3A_1194 = arith.mulf %get3A_1187, %get3A_1187 : vector<16xf32>
      %add3A_1195 = arith.addf %add3A_1193, %mul3A_1194 : vector<16xf32>
      %get3A_1196 = arith.index_cast %add3A_1178 : i32 to index
      %get3A_1197 = arith.constant 16 : index
      %get3A_1198 = tpu.vector_load %arg12[%get3A_1196, %get3A_1197] {strides = array<i32>} : memref<128x128xf32, #tpu.memory_space<vmem>>, vector<16xf32>,
      %get3A_1199 = arith.index_cast %add3A_1178 : i32 to index
      %get3A_1200 = arith.constant 16 : index
      %get3A_1201 = tpu.vector_load %arg13[%get3A_1199, %get3A_1200] {strides = array<i32>} : memref<128x128xf32, #tpu.memory_space<vmem>>, vector<16xf32>,
      %get3A_1202 = arith.index_cast %add3A_1178 : i32 to index
      %get3A_1203 = arith.constant 16 : index
      %get3A_1204 = tpu.vector_load %arg14[%get3A_1202, %get3A_1203] {strides = array<i32>} : memref<128x128xf32, #tpu.memory_space<vmem>>, vector<16xf32>,
      %mul3A_1205 = arith.mulf %get3A_1198, %get3A_1201 : vector<16xf32>
      %add3A_1206 = arith.addf %mul3A_1188, %mul3A_1205 : vector<16xf32>
      %mul3A_1207 = arith.mulf %get3A_1198, %get3A_1204 : vector<16xf32>
      %add3A_1208 = arith.addf %mul3A_1189, %mul3A_1207 : vector<16xf32>
      %mul3A_1209 = arith.mulf %get3A_1198, %get3A_1198 : vector<16xf32>
      %add3A_1210 = arith.addf %add3A_1195, %mul3A_1209 : vector<16xf32>
      %mul3A_1211 = arith.mulf %get3A_1201, %get3A_1201 : vector<16xf32>
      %add3A_1212 = arith.addf %add3A_1210, %mul3A_1211 : vector<16xf32>
      %mul3A_1213 = arith.mulf %get3A_1204, %get3A_1204 : vector<16xf32>
      %add3A_1214 = arith.addf %add3A_1212, %mul3A_1213 : vector<16xf32>
      %get3A_1215 = arith.index_cast %add3A_1178 : i32 to index
      %get3A_1216 = arith.constant 32 : index
      %get3A_1217 = tpu.vector_load %arg12[%get3A_1215, %get3A_1216] {strides = array<i32>} : memref<128x128xf32, #tpu.memory_space<vmem>>, vector<16xf32>,
      %get3A_1218 = arith.index_cast %add3A_1178 : i32 to index
      %get3A_1219 = arith.constant 32 : index
      %get3A_1220 = tpu.vector_load %arg13[%get3A_1218, %get3A_1219] {strides = array<i32>} : memref<128x128xf32, #tpu.memory_space<vmem>>, vector<16xf32>,
      %get3A_1221 = arith.index_cast %add3A_1178 : i32 to index
      %get3A_1222 = arith.constant 32 : index
      %get3A_1223 = tpu.vector_load %arg14[%get3A_1221, %get3A_1222] {strides = array<i32>} : memref<128x128xf32, #tpu.memory_space<vmem>>, vector<16xf32>,
      %mul3A_1224 = arith.mulf %get3A_1217, %get3A_1220 : vector<16xf32>
      %add3A_1225 = arith.addf %add3A_1206, %mul3A_1224 : vector<16xf32>
      %mul3A_1226 = arith.mulf %get3A_1217, %get3A_1223 : vector<16xf32>
      %add3A_1227 = arith.addf %add3A_1208, %mul3A_1226 : vector<16xf32>
      %mul3A_1228 = arith.mulf %get3A_1217, %get3A_1217 : vector<16xf32>
      %add3A_1229 = arith.addf %add3A_1214, %mul3A_1228 : vector<16xf32>
      %mul3A_1230 = arith.mulf %get3A_1220, %get3A_1220 : vector<16xf32>
      %add3A_1231 = arith.addf %add3A_1229, %mul3A_1230 : vector<16xf32>
      %mul3A_1232 = arith.mulf %get3A_1223, %get3A_1223 : vector<16xf32>
      %add3A_1233 = arith.addf %add3A_1231, %mul3A_1232 : vector<16xf32>
      %get3A_1234 = arith.index_cast %add3A_1178 : i32 to index
      %get3A_1235 = arith.constant 48 : index
      %get3A_1236 = tpu.vector_load %arg12[%get3A_1234, %get3A_1235] {strides = array<i32>} : memref<128x128xf32, #tpu.memory_space<vmem>>, vector<16xf32>,
      %get3A_1237 = arith.index_cast %add3A_1178 : i32 to index
      %get3A_1238 = arith.constant 48 : index
      %get3A_1239 = tpu.vector_load %arg13[%get3A_1237, %get3A_1238] {strides = array<i32>} : memref<128x128xf32, #tpu.memory_space<vmem>>, vector<16xf32>,
      %get3A_1240 = arith.index_cast %add3A_1178 : i32 to index
      %get3A_1241 = arith.constant 48 : index
      %get3A_1242 = tpu.vector_load %arg14[%get3A_1240, %get3A_1241] {strides = array<i32>} : memref<128x128xf32, #tpu.memory_space<vmem>>, vector<16xf32>,
      %mul3A_1243 = arith.mulf %get3A_1236, %get3A_1239 : vector<16xf32>
      %add3A_1244 = arith.addf %add3A_1225, %mul3A_1243 : vector<16xf32>
      %mul3A_1245 = arith.mulf %get3A_1236, %get3A_1242 : vector<16xf32>
      %add3A_1246 = arith.addf %add3A_1227, %mul3A_1245 : vector<16xf32>
      %mul3A_1247 = arith.mulf %get3A_1236, %get3A_1236 : vector<16xf32>
      %add3A_1248 = arith.addf %add3A_1233, %mul3A_1247 : vector<16xf32>
      %mul3A_1249 = arith.mulf %get3A_1239, %get3A_1239 : vector<16xf32>
      %add3A_1250 = arith.addf %add3A_1248, %mul3A_1249 : vector<16xf32>
      %mul3A_1251 = arith.mulf %get3A_1242, %get3A_1242 : vector<16xf32>
      %add3A_1252 = arith.addf %add3A_1250, %mul3A_1251 : vector<16xf32>
      %broadcast_in_dim3A_1253 = arith.constant 1 : i32
      %broadcast_in_dim3A_1254 = vector.broadcast %broadcast_in_dim3A_1253 : i32 to vector<16xi32>
      tpu.vector_store_idx %arg16[%iota3A, %broadcast_in_dim3A_1254], %add3A_1244 : memref<16x16xf32, #tpu.memory_space<vmem>>[vector<16xi32>, vector<16xi32>], vector<16xf32>,
      tpu.vector_store_idx %arg17[%iota3A, %broadcast_in_dim3A_1254], %add3A_1246 : memref<16x16xf32, #tpu.memory_space<vmem>>[vector<16xi32>, vector<16xi32>], vector<16xf32>,
      %add3A_1255 = arith.constant 2 : i32
      %add3A_1256 = arith.addi %add3A_1098, %add3A_1255 : i32
      %get3A_1257 = arith.index_cast %add3A_1256 : i32 to index
      %get3A_1258 = arith.constant 0 : index
      %get3A_1259 = tpu.vector_load %arg12[%get3A_1257, %get3A_1258] {strides = array<i32>} : memref<128x128xf32, #tpu.memory_space<vmem>>, vector<16xf32>,
      %get3A_1260 = arith.index_cast %add3A_1256 : i32 to index
      %get3A_1261 = arith.constant 0 : index
      %get3A_1262 = tpu.vector_load %arg13[%get3A_1260, %get3A_1261] {strides = array<i32>} : memref<128x128xf32, #tpu.memory_space<vmem>>, vector<16xf32>,
      %get3A_1263 = arith.index_cast %add3A_1256 : i32 to index
      %get3A_1264 = arith.constant 0 : index
      %get3A_1265 = tpu.vector_load %arg14[%get3A_1263, %get3A_1264] {strides = array<i32>} : memref<128x128xf32, #tpu.memory_space<vmem>>, vector<16xf32>,
      %mul3A_1266 = arith.mulf %get3A_1259, %get3A_1262 : vector<16xf32>
      %mul3A_1267 = arith.mulf %get3A_1259, %get3A_1265 : vector<16xf32>
      %mul3A_1268 = arith.mulf %get3A_1259, %get3A_1259 : vector<16xf32>
      %add3A_1269 = arith.addf %add3A_1252, %mul3A_1268 : vector<16xf32>
      %mul3A_1270 = arith.mulf %get3A_1262, %get3A_1262 : vector<16xf32>
      %add3A_1271 = arith.addf %add3A_1269, %mul3A_1270 : vector<16xf32>
      %mul3A_1272 = arith.mulf %get3A_1265, %get3A_1265 : vector<16xf32>
      %add3A_1273 = arith.addf %add3A_1271, %mul3A_1272 : vector<16xf32>
      %get3A_1274 = arith.index_cast %add3A_1256 : i32 to index
      %get3A_1275 = arith.constant 16 : index
      %get3A_1276 = tpu.vector_load %arg12[%get3A_1274, %get3A_1275] {strides = array<i32>} : memref<128x128xf32, #tpu.memory_space<vmem>>, vector<16xf32>,
      %get3A_1277 = arith.index_cast %add3A_1256 : i32 to index
      %get3A_1278 = arith.constant 16 : index
      %get3A_1279 = tpu.vector_load %arg13[%get3A_1277, %get3A_1278] {strides = array<i32>} : memref<128x128xf32, #tpu.memory_space<vmem>>, vector<16xf32>,
      %get3A_1280 = arith.index_cast %add3A_1256 : i32 to index
      %get3A_1281 = arith.constant 16 : index
      %get3A_1282 = tpu.vector_load %arg14[%get3A_1280, %get3A_1281] {strides = array<i32>} : memref<128x128xf32, #tpu.memory_space<vmem>>, vector<16xf32>,
      %mul3A_1283 = arith.mulf %get3A_1276, %get3A_1279 : vector<16xf32>
      %add3A_1284 = arith.addf %mul3A_1266, %mul3A_1283 : vector<16xf32>
      %mul3A_1285 = arith.mulf %get3A_1276, %get3A_1282 : vector<16xf32>
      %add3A_1286 = arith.addf %mul3A_1267, %mul3A_1285 : vector<16xf32>
      %mul3A_1287 = arith.mulf %get3A_1276, %get3A_1276 : vector<16xf32>
      %add3A_1288 = arith.addf %add3A_1273, %mul3A_1287 : vector<16xf32>
      %mul3A_1289 = arith.mulf %get3A_1279, %get3A_1279 : vector<16xf32>
      %add3A_1290 = arith.addf %add3A_1288, %mul3A_1289 : vector<16xf32>
      %mul3A_1291 = arith.mulf %get3A_1282, %get3A_1282 : vector<16xf32>
      %add3A_1292 = arith.addf %add3A_1290, %mul3A_1291 : vector<16xf32>
      %get3A_1293 = arith.index_cast %add3A_1256 : i32 to index
      %get3A_1294 = arith.constant 32 : index
      %get3A_1295 = tpu.vector_load %arg12[%get3A_1293, %get3A_1294] {strides = array<i32>} : memref<128x128xf32, #tpu.memory_space<vmem>>, vector<16xf32>,
      %get3A_1296 = arith.index_cast %add3A_1256 : i32 to index
      %get3A_1297 = arith.constant 32 : index
      %get3A_1298 = tpu.vector_load %arg13[%get3A_1296, %get3A_1297] {strides = array<i32>} : memref<128x128xf32, #tpu.memory_space<vmem>>, vector<16xf32>,
      %get3A_1299 = arith.index_cast %add3A_1256 : i32 to index
      %get3A_1300 = arith.constant 32 : index
      %get3A_1301 = tpu.vector_load %arg14[%get3A_1299, %get3A_1300] {strides = array<i32>} : memref<128x128xf32, #tpu.memory_space<vmem>>, vector<16xf32>,
      %mul3A_1302 = arith.mulf %get3A_1295, %get3A_1298 : vector<16xf32>
      %add3A_1303 = arith.addf %add3A_1284, %mul3A_1302 : vector<16xf32>
      %mul3A_1304 = arith.mulf %get3A_1295, %get3A_1301 : vector<16xf32>
      %add3A_1305 = arith.addf %add3A_1286, %mul3A_1304 : vector<16xf32>
      %mul3A_1306 = arith.mulf %get3A_1295, %get3A_1295 : vector<16xf32>
      %add3A_1307 = arith.addf %add3A_1292, %mul3A_1306 : vector<16xf32>
      %mul3A_1308 = arith.mulf %get3A_1298, %get3A_1298 : vector<16xf32>
      %add3A_1309 = arith.addf %add3A_1307, %mul3A_1308 : vector<16xf32>
      %mul3A_1310 = arith.mulf %get3A_1301, %get3A_1301 : vector<16xf32>
      %add3A_1311 = arith.addf %add3A_1309, %mul3A_1310 : vector<16xf32>
      %get3A_1312 = arith.index_cast %add3A_1256 : i32 to index
      %get3A_1313 = arith.constant 48 : index
      %get3A_1314 = tpu.vector_load %arg12[%get3A_1312, %get3A_1313] {strides = array<i32>} : memref<128x128xf32, #tpu.memory_space<vmem>>, vector<16xf32>,
      %get3A_1315 = arith.index_cast %add3A_1256 : i32 to index
      %get3A_1316 = arith.constant 48 : index
      %get3A_1317 = tpu.vector_load %arg13[%get3A_1315, %get3A_1316] {strides = array<i32>} : memref<128x128xf32, #tpu.memory_space<vmem>>, vector<16xf32>,
      %get3A_1318 = arith.index_cast %add3A_1256 : i32 to index
      %get3A_1319 = arith.constant 48 : index
      %get3A_1320 = tpu.vector_load %arg14[%get3A_1318, %get3A_1319] {strides = array<i32>} : memref<128x128xf32, #tpu.memory_space<vmem>>, vector<16xf32>,
      %mul3A_1321 = arith.mulf %get3A_1314, %get3A_1317 : vector<16xf32>
      %add3A_1322 = arith.addf %add3A_1303, %mul3A_1321 : vector<16xf32>
      %mul3A_1323 = arith.mulf %get3A_1314, %get3A_1320 : vector<16xf32>
      %add3A_1324 = arith.addf %add3A_1305, %mul3A_1323 : vector<16xf32>
      %mul3A_1325 = arith.mulf %get3A_1314, %get3A_1314 : vector<16xf32>
      %add3A_1326 = arith.addf %add3A_1311, %mul3A_1325 : vector<16xf32>
      %mul3A_1327 = arith.mulf %get3A_1317, %get3A_1317 : vector<16xf32>
      %add3A_1328 = arith.addf %add3A_1326, %mul3A_1327 : vector<16xf32>
      %mul3A_1329 = arith.mulf %get3A_1320, %get3A_1320 : vector<16xf32>
      %add3A_1330 = arith.addf %add3A_1328, %mul3A_1329 : vector<16xf32>
      %broadcast_in_dim3A_1331 = arith.constant 2 : i32
      %broadcast_in_dim3A_1332 = vector.broadcast %broadcast_in_dim3A_1331 : i32 to vector<16xi32>
      tpu.vector_store_idx %arg16[%iota3A, %broadcast_in_dim3A_1332], %add3A_1322 : memref<16x16xf32, #tpu.memory_space<vmem>>[vector<16xi32>, vector<16xi32>], vector<16xf32>,
      tpu.vector_store_idx %arg17[%iota3A, %broadcast_in_dim3A_1332], %add3A_1324 : memref<16x16xf32, #tpu.memory_space<vmem>>[vector<16xi32>, vector<16xi32>], vector<16xf32>,
      %add3A_1333 = arith.constant 3 : i32
      %add3A_1334 = arith.addi %add3A_1098, %add3A_1333 : i32
      %get3A_1335 = arith.index_cast %add3A_1334 : i32 to index
      %get3A_1336 = arith.constant 0 : index
      %get3A_1337 = tpu.vector_load %arg12[%get3A_1335, %get3A_1336] {strides = array<i32>} : memref<128x128xf32, #tpu.memory_space<vmem>>, vector<16xf32>,
      %get3A_1338 = arith.index_cast %add3A_1334 : i32 to index
      %get3A_1339 = arith.constant 0 : index
      %get3A_1340 = tpu.vector_load %arg13[%get3A_1338, %get3A_1339] {strides = array<i32>} : memref<128x128xf32, #tpu.memory_space<vmem>>, vector<16xf32>,
      %get3A_1341 = arith.index_cast %add3A_1334 : i32 to index
      %get3A_1342 = arith.constant 0 : index
      %get3A_1343 = tpu.vector_load %arg14[%get3A_1341, %get3A_1342] {strides = array<i32>} : memref<128x128xf32, #tpu.memory_space<vmem>>, vector<16xf32>,
      %mul3A_1344 = arith.mulf %get3A_1337, %get3A_1340 : vector<16xf32>
      %mul3A_1345 = arith.mulf %get3A_1337, %get3A_1343 : vector<16xf32>
      %mul3A_1346 = arith.mulf %get3A_1337, %get3A_1337 : vector<16xf32>
      %add3A_1347 = arith.addf %add3A_1330, %mul3A_1346 : vector<16xf32>
      %mul3A_1348 = arith.mulf %get3A_1340, %get3A_1340 : vector<16xf32>
      %add3A_1349 = arith.addf %add3A_1347, %mul3A_1348 : vector<16xf32>
      %mul3A_1350 = arith.mulf %get3A_1343, %get3A_1343 : vector<16xf32>
      %add3A_1351 = arith.addf %add3A_1349, %mul3A_1350 : vector<16xf32>
      %get3A_1352 = arith.index_cast %add3A_1334 : i32 to index
      %get3A_1353 = arith.constant 16 : index
      %get3A_1354 = tpu.vector_load %arg12[%get3A_1352, %get3A_1353] {strides = array<i32>} : memref<128x128xf32, #tpu.memory_space<vmem>>, vector<16xf32>,
      %get3A_1355 = arith.index_cast %add3A_1334 : i32 to index
      %get3A_1356 = arith.constant 16 : index
      %get3A_1357 = tpu.vector_load %arg13[%get3A_1355, %get3A_1356] {strides = array<i32>} : memref<128x128xf32, #tpu.memory_space<vmem>>, vector<16xf32>,
      %get3A_1358 = arith.index_cast %add3A_1334 : i32 to index
      %get3A_1359 = arith.constant 16 : index
      %get3A_1360 = tpu.vector_load %arg14[%get3A_1358, %get3A_1359] {strides = array<i32>} : memref<128x128xf32, #tpu.memory_space<vmem>>, vector<16xf32>,
      %mul3A_1361 = arith.mulf %get3A_1354, %get3A_1357 : vector<16xf32>
      %add3A_1362 = arith.addf %mul3A_1344, %mul3A_1361 : vector<16xf32>
      %mul3A_1363 = arith.mulf %get3A_1354, %get3A_1360 : vector<16xf32>
      %add3A_1364 = arith.addf %mul3A_1345, %mul3A_1363 : vector<16xf32>
      %mul3A_1365 = arith.mulf %get3A_1354, %get3A_1354 : vector<16xf32>
      %add3A_1366 = arith.addf %add3A_1351, %mul3A_1365 : vector<16xf32>
      %mul3A_1367 = arith.mulf %get3A_1357, %get3A_1357 : vector<16xf32>
      %add3A_1368 = arith.addf %add3A_1366, %mul3A_1367 : vector<16xf32>
      %mul3A_1369 = arith.mulf %get3A_1360, %get3A_1360 : vector<16xf32>
      %add3A_1370 = arith.addf %add3A_1368, %mul3A_1369 : vector<16xf32>
      %get3A_1371 = arith.index_cast %add3A_1334 : i32 to index
      %get3A_1372 = arith.constant 32 : index
      %get3A_1373 = tpu.vector_load %arg12[%get3A_1371, %get3A_1372] {strides = array<i32>} : memref<128x128xf32, #tpu.memory_space<vmem>>, vector<16xf32>,
      %get3A_1374 = arith.index_cast %add3A_1334 : i32 to index
      %get3A_1375 = arith.constant 32 : index
      %get3A_1376 = tpu.vector_load %arg13[%get3A_1374, %get3A_1375] {strides = array<i32>} : memref<128x128xf32, #tpu.memory_space<vmem>>, vector<16xf32>,
      %get3A_1377 = arith.index_cast %add3A_1334 : i32 to index
      %get3A_1378 = arith.constant 32 : index
      %get3A_1379 = tpu.vector_load %arg14[%get3A_1377, %get3A_1378] {strides = array<i32>} : memref<128x128xf32, #tpu.memory_space<vmem>>, vector<16xf32>,
      %mul3A_1380 = arith.mulf %get3A_1373, %get3A_1376 : vector<16xf32>
      %add3A_1381 = arith.addf %add3A_1362, %mul3A_1380 : vector<16xf32>
      %mul3A_1382 = arith.mulf %get3A_1373, %get3A_1379 : vector<16xf32>
      %add3A_1383 = arith.addf %add3A_1364, %mul3A_1382 : vector<16xf32>
      %mul3A_1384 = arith.mulf %get3A_1373, %get3A_1373 : vector<16xf32>
      %add3A_1385 = arith.addf %add3A_1370, %mul3A_1384 : vector<16xf32>
      %mul3A_1386 = arith.mulf %get3A_1376, %get3A_1376 : vector<16xf32>
      %add3A_1387 = arith.addf %add3A_1385, %mul3A_1386 : vector<16xf32>
      %mul3A_1388 = arith.mulf %get3A_1379, %get3A_1379 : vector<16xf32>
      %add3A_1389 = arith.addf %add3A_1387, %mul3A_1388 : vector<16xf32>
      %get3A_1390 = arith.index_cast %add3A_1334 : i32 to index
      %get3A_1391 = arith.constant 48 : index
      %get3A_1392 = tpu.vector_load %arg12[%get3A_1390, %get3A_1391] {strides = array<i32>} : memref<128x128xf32, #tpu.memory_space<vmem>>, vector<16xf32>,
      %get3A_1393 = arith.index_cast %add3A_1334 : i32 to index
      %get3A_1394 = arith.constant 48 : index
      %get3A_1395 = tpu.vector_load %arg13[%get3A_1393, %get3A_1394] {strides = array<i32>} : memref<128x128xf32, #tpu.memory_space<vmem>>, vector<16xf32>,
      %get3A_1396 = arith.index_cast %add3A_1334 : i32 to index
      %get3A_1397 = arith.constant 48 : index
      %get3A_1398 = tpu.vector_load %arg14[%get3A_1396, %get3A_1397] {strides = array<i32>} : memref<128x128xf32, #tpu.memory_space<vmem>>, vector<16xf32>,
      %mul3A_1399 = arith.mulf %get3A_1392, %get3A_1395 : vector<16xf32>
      %add3A_1400 = arith.addf %add3A_1381, %mul3A_1399 : vector<16xf32>
      %mul3A_1401 = arith.mulf %get3A_1392, %get3A_1398 : vector<16xf32>
      %add3A_1402 = arith.addf %add3A_1383, %mul3A_1401 : vector<16xf32>
      %mul3A_1403 = arith.mulf %get3A_1392, %get3A_1392 : vector<16xf32>
      %add3A_1404 = arith.addf %add3A_1389, %mul3A_1403 : vector<16xf32>
      %mul3A_1405 = arith.mulf %get3A_1395, %get3A_1395 : vector<16xf32>
      %add3A_1406 = arith.addf %add3A_1404, %mul3A_1405 : vector<16xf32>
      %mul3A_1407 = arith.mulf %get3A_1398, %get3A_1398 : vector<16xf32>
      %add3A_1408 = arith.addf %add3A_1406, %mul3A_1407 : vector<16xf32>
      %broadcast_in_dim3A_1409 = arith.constant 3 : i32
      %broadcast_in_dim3A_1410 = vector.broadcast %broadcast_in_dim3A_1409 : i32 to vector<16xi32>
      tpu.vector_store_idx %arg16[%iota3A, %broadcast_in_dim3A_1410], %add3A_1400 : memref<16x16xf32, #tpu.memory_space<vmem>>[vector<16xi32>, vector<16xi32>], vector<16xf32>,
      tpu.vector_store_idx %arg17[%iota3A, %broadcast_in_dim3A_1410], %add3A_1402 : memref<16x16xf32, #tpu.memory_space<vmem>>[vector<16xi32>, vector<16xi32>], vector<16xf32>,
      %add3A_1411 = arith.constant 4 : i32
      %add3A_1412 = arith.addi %add3A_1098, %add3A_1411 : i32
      %get3A_1413 = arith.index_cast %add3A_1412 : i32 to index
      %get3A_1414 = arith.constant 0 : index
      %get3A_1415 = tpu.vector_load %arg12[%get3A_1413, %get3A_1414] {strides = array<i32>} : memref<128x128xf32, #tpu.memory_space<vmem>>, vector<16xf32>,
      %get3A_1416 = arith.index_cast %add3A_1412 : i32 to index
      %get3A_1417 = arith.constant 0 : index
      %get3A_1418 = tpu.vector_load %arg13[%get3A_1416, %get3A_1417] {strides = array<i32>} : memref<128x128xf32, #tpu.memory_space<vmem>>, vector<16xf32>,
      %get3A_1419 = arith.index_cast %add3A_1412 : i32 to index
      %get3A_1420 = arith.constant 0 : index
      %get3A_1421 = tpu.vector_load %arg14[%get3A_1419, %get3A_1420] {strides = array<i32>} : memref<128x128xf32, #tpu.memory_space<vmem>>, vector<16xf32>,
      %mul3A_1422 = arith.mulf %get3A_1415, %get3A_1418 : vector<16xf32>
      %mul3A_1423 = arith.mulf %get3A_1415, %get3A_1421 : vector<16xf32>
      %mul3A_1424 = arith.mulf %get3A_1415, %get3A_1415 : vector<16xf32>
      %add3A_1425 = arith.addf %add3A_1408, %mul3A_1424 : vector<16xf32>
      %mul3A_1426 = arith.mulf %get3A_1418, %get3A_1418 : vector<16xf32>
      %add3A_1427 = arith.addf %add3A_1425, %mul3A_1426 : vector<16xf32>
      %mul3A_1428 = arith.mulf %get3A_1421, %get3A_1421 : vector<16xf32>
      %add3A_1429 = arith.addf %add3A_1427, %mul3A_1428 : vector<16xf32>
      %get3A_1430 = arith.index_cast %add3A_1412 : i32 to index
      %get3A_1431 = arith.constant 16 : index
      %get3A_1432 = tpu.vector_load %arg12[%get3A_1430, %get3A_1431] {strides = array<i32>} : memref<128x128xf32, #tpu.memory_space<vmem>>, vector<16xf32>,
      %get3A_1433 = arith.index_cast %add3A_1412 : i32 to index
      %get3A_1434 = arith.constant 16 : index
      %get3A_1435 = tpu.vector_load %arg13[%get3A_1433, %get3A_1434] {strides = array<i32>} : memref<128x128xf32, #tpu.memory_space<vmem>>, vector<16xf32>,
      %get3A_1436 = arith.index_cast %add3A_1412 : i32 to index
      %get3A_1437 = arith.constant 16 : index
      %get3A_1438 = tpu.vector_load %arg14[%get3A_1436, %get3A_1437] {strides = array<i32>} : memref<128x128xf32, #tpu.memory_space<vmem>>, vector<16xf32>,
      %mul3A_1439 = arith.mulf %get3A_1432, %get3A_1435 : vector<16xf32>
      %add3A_1440 = arith.addf %mul3A_1422, %mul3A_1439 : vector<16xf32>
      %mul3A_1441 = arith.mulf %get3A_1432, %get3A_1438 : vector<16xf32>
      %add3A_1442 = arith.addf %mul3A_1423, %mul3A_1441 : vector<16xf32>
      %mul3A_1443 = arith.mulf %get3A_1432, %get3A_1432 : vector<16xf32>
      %add3A_1444 = arith.addf %add3A_1429, %mul3A_1443 : vector<16xf32>
      %mul3A_1445 = arith.mulf %get3A_1435, %get3A_1435 : vector<16xf32>
      %add3A_1446 = arith.addf %add3A_1444, %mul3A_1445 : vector<16xf32>
      %mul3A_1447 = arith.mulf %get3A_1438, %get3A_1438 : vector<16xf32>
      %add3A_1448 = arith.addf %add3A_1446, %mul3A_1447 : vector<16xf32>
      %get3A_1449 = arith.index_cast %add3A_1412 : i32 to index
      %get3A_1450 = arith.constant 32 : index
      %get3A_1451 = tpu.vector_load %arg12[%get3A_1449, %get3A_1450] {strides = array<i32>} : memref<128x128xf32, #tpu.memory_space<vmem>>, vector<16xf32>,
      %get3A_1452 = arith.index_cast %add3A_1412 : i32 to index
      %get3A_1453 = arith.constant 32 : index
      %get3A_1454 = tpu.vector_load %arg13[%get3A_1452, %get3A_1453] {strides = array<i32>} : memref<128x128xf32, #tpu.memory_space<vmem>>, vector<16xf32>,
      %get3A_1455 = arith.index_cast %add3A_1412 : i32 to index
      %get3A_1456 = arith.constant 32 : index
      %get3A_1457 = tpu.vector_load %arg14[%get3A_1455, %get3A_1456] {strides = array<i32>} : memref<128x128xf32, #tpu.memory_space<vmem>>, vector<16xf32>,
      %mul3A_1458 = arith.mulf %get3A_1451, %get3A_1454 : vector<16xf32>
      %add3A_1459 = arith.addf %add3A_1440, %mul3A_1458 : vector<16xf32>
      %mul3A_1460 = arith.mulf %get3A_1451, %get3A_1457 : vector<16xf32>
      %add3A_1461 = arith.addf %add3A_1442, %mul3A_1460 : vector<16xf32>
      %mul3A_1462 = arith.mulf %get3A_1451, %get3A_1451 : vector<16xf32>
      %add3A_1463 = arith.addf %add3A_1448, %mul3A_1462 : vector<16xf32>
      %mul3A_1464 = arith.mulf %get3A_1454, %get3A_1454 : vector<16xf32>
      %add3A_1465 = arith.addf %add3A_1463, %mul3A_1464 : vector<16xf32>
      %mul3A_1466 = arith.mulf %get3A_1457, %get3A_1457 : vector<16xf32>
      %add3A_1467 = arith.addf %add3A_1465, %mul3A_1466 : vector<16xf32>
      %get3A_1468 = arith.index_cast %add3A_1412 : i32 to index
      %get3A_1469 = arith.constant 48 : index
      %get3A_1470 = tpu.vector_load %arg12[%get3A_1468, %get3A_1469] {strides = array<i32>} : memref<128x128xf32, #tpu.memory_space<vmem>>, vector<16xf32>,
      %get3A_1471 = arith.index_cast %add3A_1412 : i32 to index
      %get3A_1472 = arith.constant 48 : index
      %get3A_1473 = tpu.vector_load %arg13[%get3A_1471, %get3A_1472] {strides = array<i32>} : memref<128x128xf32, #tpu.memory_space<vmem>>, vector<16xf32>,
      %get3A_1474 = arith.index_cast %add3A_1412 : i32 to index
      %get3A_1475 = arith.constant 48 : index
      %get3A_1476 = tpu.vector_load %arg14[%get3A_1474, %get3A_1475] {strides = array<i32>} : memref<128x128xf32, #tpu.memory_space<vmem>>, vector<16xf32>,
      %mul3A_1477 = arith.mulf %get3A_1470, %get3A_1473 : vector<16xf32>
      %add3A_1478 = arith.addf %add3A_1459, %mul3A_1477 : vector<16xf32>
      %mul3A_1479 = arith.mulf %get3A_1470, %get3A_1476 : vector<16xf32>
      %add3A_1480 = arith.addf %add3A_1461, %mul3A_1479 : vector<16xf32>
      %mul3A_1481 = arith.mulf %get3A_1470, %get3A_1470 : vector<16xf32>
      %add3A_1482 = arith.addf %add3A_1467, %mul3A_1481 : vector<16xf32>
      %mul3A_1483 = arith.mulf %get3A_1473, %get3A_1473 : vector<16xf32>
      %add3A_1484 = arith.addf %add3A_1482, %mul3A_1483 : vector<16xf32>
      %mul3A_1485 = arith.mulf %get3A_1476, %get3A_1476 : vector<16xf32>
      %add3A_1486 = arith.addf %add3A_1484, %mul3A_1485 : vector<16xf32>
      %broadcast_in_dim3A_1487 = arith.constant 4 : i32
      %broadcast_in_dim3A_1488 = vector.broadcast %broadcast_in_dim3A_1487 : i32 to vector<16xi32>
      tpu.vector_store_idx %arg16[%iota3A, %broadcast_in_dim3A_1488], %add3A_1478 : memref<16x16xf32, #tpu.memory_space<vmem>>[vector<16xi32>, vector<16xi32>], vector<16xf32>,
      tpu.vector_store_idx %arg17[%iota3A, %broadcast_in_dim3A_1488], %add3A_1480 : memref<16x16xf32, #tpu.memory_space<vmem>>[vector<16xi32>, vector<16xi32>], vector<16xf32>,
      %add3A_1489 = arith.constant 5 : i32
      %add3A_1490 = arith.addi %add3A_1098, %add3A_1489 : i32
      %get3A_1491 = arith.index_cast %add3A_1490 : i32 to index
      %get3A_1492 = arith.constant 0 : index
      %get3A_1493 = tpu.vector_load %arg12[%get3A_1491, %get3A_1492] {strides = array<i32>} : memref<128x128xf32, #tpu.memory_space<vmem>>, vector<16xf32>,
      %get3A_1494 = arith.index_cast %add3A_1490 : i32 to index
      %get3A_1495 = arith.constant 0 : index
      %get3A_1496 = tpu.vector_load %arg13[%get3A_1494, %get3A_1495] {strides = array<i32>} : memref<128x128xf32, #tpu.memory_space<vmem>>, vector<16xf32>,
      %get3A_1497 = arith.index_cast %add3A_1490 : i32 to index
      %get3A_1498 = arith.constant 0 : index
      %get3A_1499 = tpu.vector_load %arg14[%get3A_1497, %get3A_1498] {strides = array<i32>} : memref<128x128xf32, #tpu.memory_space<vmem>>, vector<16xf32>,
      %mul3A_1500 = arith.mulf %get3A_1493, %get3A_1496 : vector<16xf32>
      %mul3A_1501 = arith.mulf %get3A_1493, %get3A_1499 : vector<16xf32>
      %mul3A_1502 = arith.mulf %get3A_1493, %get3A_1493 : vector<16xf32>
      %add3A_1503 = arith.addf %add3A_1486, %mul3A_1502 : vector<16xf32>
      %mul3A_1504 = arith.mulf %get3A_1496, %get3A_1496 : vector<16xf32>
      %add3A_1505 = arith.addf %add3A_1503, %mul3A_1504 : vector<16xf32>
      %mul3A_1506 = arith.mulf %get3A_1499, %get3A_1499 : vector<16xf32>
      %add3A_1507 = arith.addf %add3A_1505, %mul3A_1506 : vector<16xf32>
      %get3A_1508 = arith.index_cast %add3A_1490 : i32 to index
      %get3A_1509 = arith.constant 16 : index
      %get3A_1510 = tpu.vector_load %arg12[%get3A_1508, %get3A_1509] {strides = array<i32>} : memref<128x128xf32, #tpu.memory_space<vmem>>, vector<16xf32>,
      %get3A_1511 = arith.index_cast %add3A_1490 : i32 to index
      %get3A_1512 = arith.constant 16 : index
      %get3A_1513 = tpu.vector_load %arg13[%get3A_1511, %get3A_1512] {strides = array<i32>} : memref<128x128xf32, #tpu.memory_space<vmem>>, vector<16xf32>,
      %get3A_1514 = arith.index_cast %add3A_1490 : i32 to index
      %get3A_1515 = arith.constant 16 : index
      %get3A_1516 = tpu.vector_load %arg14[%get3A_1514, %get3A_1515] {strides = array<i32>} : memref<128x128xf32, #tpu.memory_space<vmem>>, vector<16xf32>,
      %mul3A_1517 = arith.mulf %get3A_1510, %get3A_1513 : vector<16xf32>
      %add3A_1518 = arith.addf %mul3A_1500, %mul3A_1517 : vector<16xf32>
      %mul3A_1519 = arith.mulf %get3A_1510, %get3A_1516 : vector<16xf32>
      %add3A_1520 = arith.addf %mul3A_1501, %mul3A_1519 : vector<16xf32>
      %mul3A_1521 = arith.mulf %get3A_1510, %get3A_1510 : vector<16xf32>
      %add3A_1522 = arith.addf %add3A_1507, %mul3A_1521 : vector<16xf32>
      %mul3A_1523 = arith.mulf %get3A_1513, %get3A_1513 : vector<16xf32>
      %add3A_1524 = arith.addf %add3A_1522, %mul3A_1523 : vector<16xf32>
      %mul3A_1525 = arith.mulf %get3A_1516, %get3A_1516 : vector<16xf32>
      %add3A_1526 = arith.addf %add3A_1524, %mul3A_1525 : vector<16xf32>
      %get3A_1527 = arith.index_cast %add3A_1490 : i32 to index
      %get3A_1528 = arith.constant 32 : index
      %get3A_1529 = tpu.vector_load %arg12[%get3A_1527, %get3A_1528] {strides = array<i32>} : memref<128x128xf32, #tpu.memory_space<vmem>>, vector<16xf32>,
      %get3A_1530 = arith.index_cast %add3A_1490 : i32 to index
      %get3A_1531 = arith.constant 32 : index
      %get3A_1532 = tpu.vector_load %arg13[%get3A_1530, %get3A_1531] {strides = array<i32>} : memref<128x128xf32, #tpu.memory_space<vmem>>, vector<16xf32>,
      %get3A_1533 = arith.index_cast %add3A_1490 : i32 to index
      %get3A_1534 = arith.constant 32 : index
      %get3A_1535 = tpu.vector_load %arg14[%get3A_1533, %get3A_1534] {strides = array<i32>} : memref<128x128xf32, #tpu.memory_space<vmem>>, vector<16xf32>,
      %mul3A_1536 = arith.mulf %get3A_1529, %get3A_1532 : vector<16xf32>
      %add3A_1537 = arith.addf %add3A_1518, %mul3A_1536 : vector<16xf32>
      %mul3A_1538 = arith.mulf %get3A_1529, %get3A_1535 : vector<16xf32>
      %add3A_1539 = arith.addf %add3A_1520, %mul3A_1538 : vector<16xf32>
      %mul3A_1540 = arith.mulf %get3A_1529, %get3A_1529 : vector<16xf32>
      %add3A_1541 = arith.addf %add3A_1526, %mul3A_1540 : vector<16xf32>
      %mul3A_1542 = arith.mulf %get3A_1532, %get3A_1532 : vector<16xf32>
      %add3A_1543 = arith.addf %add3A_1541, %mul3A_1542 : vector<16xf32>
      %mul3A_1544 = arith.mulf %get3A_1535, %get3A_1535 : vector<16xf32>
      %add3A_1545 = arith.addf %add3A_1543, %mul3A_1544 : vector<16xf32>
      %get3A_1546 = arith.index_cast %add3A_1490 : i32 to index
      %get3A_1547 = arith.constant 48 : index
      %get3A_1548 = tpu.vector_load %arg12[%get3A_1546, %get3A_1547] {strides = array<i32>} : memref<128x128xf32, #tpu.memory_space<vmem>>, vector<16xf32>,
      %get3A_1549 = arith.index_cast %add3A_1490 : i32 to index
      %get3A_1550 = arith.constant 48 : index
      %get3A_1551 = tpu.vector_load %arg13[%get3A_1549, %get3A_1550] {strides = array<i32>} : memref<128x128xf32, #tpu.memory_space<vmem>>, vector<16xf32>,
      %get3A_1552 = arith.index_cast %add3A_1490 : i32 to index
      %get3A_1553 = arith.constant 48 : index
      %get3A_1554 = tpu.vector_load %arg14[%get3A_1552, %get3A_1553] {strides = array<i32>} : memref<128x128xf32, #tpu.memory_space<vmem>>, vector<16xf32>,
      %mul3A_1555 = arith.mulf %get3A_1548, %get3A_1551 : vector<16xf32>
      %add3A_1556 = arith.addf %add3A_1537, %mul3A_1555 : vector<16xf32>
      %mul3A_1557 = arith.mulf %get3A_1548, %get3A_1554 : vector<16xf32>
      %add3A_1558 = arith.addf %add3A_1539, %mul3A_1557 : vector<16xf32>
      %mul3A_1559 = arith.mulf %get3A_1548, %get3A_1548 : vector<16xf32>
      %add3A_1560 = arith.addf %add3A_1545, %mul3A_1559 : vector<16xf32>
      %mul3A_1561 = arith.mulf %get3A_1551, %get3A_1551 : vector<16xf32>
      %add3A_1562 = arith.addf %add3A_1560, %mul3A_1561 : vector<16xf32>
      %mul3A_1563 = arith.mulf %get3A_1554, %get3A_1554 : vector<16xf32>
      %add3A_1564 = arith.addf %add3A_1562, %mul3A_1563 : vector<16xf32>
      %broadcast_in_dim3A_1565 = arith.constant 5 : i32
      %broadcast_in_dim3A_1566 = vector.broadcast %broadcast_in_dim3A_1565 : i32 to vector<16xi32>
      tpu.vector_store_idx %arg16[%iota3A, %broadcast_in_dim3A_1566], %add3A_1556 : memref<16x16xf32, #tpu.memory_space<vmem>>[vector<16xi32>, vector<16xi32>], vector<16xf32>,
      tpu.vector_store_idx %arg17[%iota3A, %broadcast_in_dim3A_1566], %add3A_1558 : memref<16x16xf32, #tpu.memory_space<vmem>>[vector<16xi32>, vector<16xi32>], vector<16xf32>,
      %add3A_1567 = arith.constant 6 : i32
      %add3A_1568 = arith.addi %add3A_1098, %add3A_1567 : i32
      %get3A_1569 = arith.index_cast %add3A_1568 : i32 to index
      %get3A_1570 = arith.constant 0 : index
      %get3A_1571 = tpu.vector_load %arg12[%get3A_1569, %get3A_1570] {strides = array<i32>} : memref<128x128xf32, #tpu.memory_space<vmem>>, vector<16xf32>,
      %get3A_1572 = arith.index_cast %add3A_1568 : i32 to index
      %get3A_1573 = arith.constant 0 : index
      %get3A_1574 = tpu.vector_load %arg13[%get3A_1572, %get3A_1573] {strides = array<i32>} : memref<128x128xf32, #tpu.memory_space<vmem>>, vector<16xf32>,
      %get3A_1575 = arith.index_cast %add3A_1568 : i32 to index
      %get3A_1576 = arith.constant 0 : index
      %get3A_1577 = tpu.vector_load %arg14[%get3A_1575, %get3A_1576] {strides = array<i32>} : memref<128x128xf32, #tpu.memory_space<vmem>>, vector<16xf32>,
      %mul3A_1578 = arith.mulf %get3A_1571, %get3A_1574 : vector<16xf32>
      %mul3A_1579 = arith.mulf %get3A_1571, %get3A_1577 : vector<16xf32>
      %mul3A_1580 = arith.mulf %get3A_1571, %get3A_1571 : vector<16xf32>
      %add3A_1581 = arith.addf %add3A_1564, %mul3A_1580 : vector<16xf32>
      %mul3A_1582 = arith.mulf %get3A_1574, %get3A_1574 : vector<16xf32>
      %add3A_1583 = arith.addf %add3A_1581, %mul3A_1582 : vector<16xf32>
      %mul3A_1584 = arith.mulf %get3A_1577, %get3A_1577 : vector<16xf32>
      %add3A_1585 = arith.addf %add3A_1583, %mul3A_1584 : vector<16xf32>
      %get3A_1586 = arith.index_cast %add3A_1568 : i32 to index
      %get3A_1587 = arith.constant 16 : index
      %get3A_1588 = tpu.vector_load %arg12[%get3A_1586, %get3A_1587] {strides = array<i32>} : memref<128x128xf32, #tpu.memory_space<vmem>>, vector<16xf32>,
      %get3A_1589 = arith.index_cast %add3A_1568 : i32 to index
      %get3A_1590 = arith.constant 16 : index
      %get3A_1591 = tpu.vector_load %arg13[%get3A_1589, %get3A_1590] {strides = array<i32>} : memref<128x128xf32, #tpu.memory_space<vmem>>, vector<16xf32>,
      %get3A_1592 = arith.index_cast %add3A_1568 : i32 to index
      %get3A_1593 = arith.constant 16 : index
      %get3A_1594 = tpu.vector_load %arg14[%get3A_1592, %get3A_1593] {strides = array<i32>} : memref<128x128xf32, #tpu.memory_space<vmem>>, vector<16xf32>,
      %mul3A_1595 = arith.mulf %get3A_1588, %get3A_1591 : vector<16xf32>
      %add3A_1596 = arith.addf %mul3A_1578, %mul3A_1595 : vector<16xf32>
      %mul3A_1597 = arith.mulf %get3A_1588, %get3A_1594 : vector<16xf32>
      %add3A_1598 = arith.addf %mul3A_1579, %mul3A_1597 : vector<16xf32>
      %mul3A_1599 = arith.mulf %get3A_1588, %get3A_1588 : vector<16xf32>
      %add3A_1600 = arith.addf %add3A_1585, %mul3A_1599 : vector<16xf32>
      %mul3A_1601 = arith.mulf %get3A_1591, %get3A_1591 : vector<16xf32>
      %add3A_1602 = arith.addf %add3A_1600, %mul3A_1601 : vector<16xf32>
      %mul3A_1603 = arith.mulf %get3A_1594, %get3A_1594 : vector<16xf32>
      %add3A_1604 = arith.addf %add3A_1602, %mul3A_1603 : vector<16xf32>
      %get3A_1605 = arith.index_cast %add3A_1568 : i32 to index
      %get3A_1606 = arith.constant 32 : index
      %get3A_1607 = tpu.vector_load %arg12[%get3A_1605, %get3A_1606] {strides = array<i32>} : memref<128x128xf32, #tpu.memory_space<vmem>>, vector<16xf32>,
      %get3A_1608 = arith.index_cast %add3A_1568 : i32 to index
      %get3A_1609 = arith.constant 32 : index
      %get3A_1610 = tpu.vector_load %arg13[%get3A_1608, %get3A_1609] {strides = array<i32>} : memref<128x128xf32, #tpu.memory_space<vmem>>, vector<16xf32>,
      %get3A_1611 = arith.index_cast %add3A_1568 : i32 to index
      %get3A_1612 = arith.constant 32 : index
      %get3A_1613 = tpu.vector_load %arg14[%get3A_1611, %get3A_1612] {strides = array<i32>} : memref<128x128xf32, #tpu.memory_space<vmem>>, vector<16xf32>,
      %mul3A_1614 = arith.mulf %get3A_1607, %get3A_1610 : vector<16xf32>
      %add3A_1615 = arith.addf %add3A_1596, %mul3A_1614 : vector<16xf32>
      %mul3A_1616 = arith.mulf %get3A_1607, %get3A_1613 : vector<16xf32>
      %add3A_1617 = arith.addf %add3A_1598, %mul3A_1616 : vector<16xf32>
      %mul3A_1618 = arith.mulf %get3A_1607, %get3A_1607 : vector<16xf32>
      %add3A_1619 = arith.addf %add3A_1604, %mul3A_1618 : vector<16xf32>
      %mul3A_1620 = arith.mulf %get3A_1610, %get3A_1610 : vector<16xf32>
      %add3A_1621 = arith.addf %add3A_1619, %mul3A_1620 : vector<16xf32>
      %mul3A_1622 = arith.mulf %get3A_1613, %get3A_1613 : vector<16xf32>
      %add3A_1623 = arith.addf %add3A_1621, %mul3A_1622 : vector<16xf32>
      %get3A_1624 = arith.index_cast %add3A_1568 : i32 to index
      %get3A_1625 = arith.constant 48 : index
      %get3A_1626 = tpu.vector_load %arg12[%get3A_1624, %get3A_1625] {strides = array<i32>} : memref<128x128xf32, #tpu.memory_space<vmem>>, vector<16xf32>,
      %get3A_1627 = arith.index_cast %add3A_1568 : i32 to index
      %get3A_1628 = arith.constant 48 : index
      %get3A_1629 = tpu.vector_load %arg13[%get3A_1627, %get3A_1628] {strides = array<i32>} : memref<128x128xf32, #tpu.memory_space<vmem>>, vector<16xf32>,
      %get3A_1630 = arith.index_cast %add3A_1568 : i32 to index
      %get3A_1631 = arith.constant 48 : index
      %get3A_1632 = tpu.vector_load %arg14[%get3A_1630, %get3A_1631] {strides = array<i32>} : memref<128x128xf32, #tpu.memory_space<vmem>>, vector<16xf32>,
      %mul3A_1633 = arith.mulf %get3A_1626, %get3A_1629 : vector<16xf32>
      %add3A_1634 = arith.addf %add3A_1615, %mul3A_1633 : vector<16xf32>
      %mul3A_1635 = arith.mulf %get3A_1626, %get3A_1632 : vector<16xf32>
      %add3A_1636 = arith.addf %add3A_1617, %mul3A_1635 : vector<16xf32>
      %mul3A_1637 = arith.mulf %get3A_1626, %get3A_1626 : vector<16xf32>
      %add3A_1638 = arith.addf %add3A_1623, %mul3A_1637 : vector<16xf32>
      %mul3A_1639 = arith.mulf %get3A_1629, %get3A_1629 : vector<16xf32>
      %add3A_1640 = arith.addf %add3A_1638, %mul3A_1639 : vector<16xf32>
      %mul3A_1641 = arith.mulf %get3A_1632, %get3A_1632 : vector<16xf32>
      %add3A_1642 = arith.addf %add3A_1640, %mul3A_1641 : vector<16xf32>
      %broadcast_in_dim3A_1643 = arith.constant 6 : i32
      %broadcast_in_dim3A_1644 = vector.broadcast %broadcast_in_dim3A_1643 : i32 to vector<16xi32>
      tpu.vector_store_idx %arg16[%iota3A, %broadcast_in_dim3A_1644], %add3A_1634 : memref<16x16xf32, #tpu.memory_space<vmem>>[vector<16xi32>, vector<16xi32>], vector<16xf32>,
      tpu.vector_store_idx %arg17[%iota3A, %broadcast_in_dim3A_1644], %add3A_1636 : memref<16x16xf32, #tpu.memory_space<vmem>>[vector<16xi32>, vector<16xi32>], vector<16xf32>,
      %add3A_1645 = arith.constant 7 : i32
      %add3A_1646 = arith.addi %add3A_1098, %add3A_1645 : i32
      %get3A_1647 = arith.index_cast %add3A_1646 : i32 to index
      %get3A_1648 = arith.constant 0 : index
      %get3A_1649 = tpu.vector_load %arg12[%get3A_1647, %get3A_1648] {strides = array<i32>} : memref<128x128xf32, #tpu.memory_space<vmem>>, vector<16xf32>,
      %get3A_1650 = arith.index_cast %add3A_1646 : i32 to index
      %get3A_1651 = arith.constant 0 : index
      %get3A_1652 = tpu.vector_load %arg13[%get3A_1650, %get3A_1651] {strides = array<i32>} : memref<128x128xf32, #tpu.memory_space<vmem>>, vector<16xf32>,
      %get3A_1653 = arith.index_cast %add3A_1646 : i32 to index
      %get3A_1654 = arith.constant 0 : index
      %get3A_1655 = tpu.vector_load %arg14[%get3A_1653, %get3A_1654] {strides = array<i32>} : memref<128x128xf32, #tpu.memory_space<vmem>>, vector<16xf32>,
      %mul3A_1656 = arith.mulf %get3A_1649, %get3A_1652 : vector<16xf32>
      %mul3A_1657 = arith.mulf %get3A_1649, %get3A_1655 : vector<16xf32>
      %mul3A_1658 = arith.mulf %get3A_1649, %get3A_1649 : vector<16xf32>
      %add3A_1659 = arith.addf %add3A_1642, %mul3A_1658 : vector<16xf32>
      %mul3A_1660 = arith.mulf %get3A_1652, %get3A_1652 : vector<16xf32>
      %add3A_1661 = arith.addf %add3A_1659, %mul3A_1660 : vector<16xf32>
      %mul3A_1662 = arith.mulf %get3A_1655, %get3A_1655 : vector<16xf32>
      %add3A_1663 = arith.addf %add3A_1661, %mul3A_1662 : vector<16xf32>
      %get3A_1664 = arith.index_cast %add3A_1646 : i32 to index
      %get3A_1665 = arith.constant 16 : index
      %get3A_1666 = tpu.vector_load %arg12[%get3A_1664, %get3A_1665] {strides = array<i32>} : memref<128x128xf32, #tpu.memory_space<vmem>>, vector<16xf32>,
      %get3A_1667 = arith.index_cast %add3A_1646 : i32 to index
      %get3A_1668 = arith.constant 16 : index
      %get3A_1669 = tpu.vector_load %arg13[%get3A_1667, %get3A_1668] {strides = array<i32>} : memref<128x128xf32, #tpu.memory_space<vmem>>, vector<16xf32>,
      %get3A_1670 = arith.index_cast %add3A_1646 : i32 to index
      %get3A_1671 = arith.constant 16 : index
      %get3A_1672 = tpu.vector_load %arg14[%get3A_1670, %get3A_1671] {strides = array<i32>} : memref<128x128xf32, #tpu.memory_space<vmem>>, vector<16xf32>,
      %mul3A_1673 = arith.mulf %get3A_1666, %get3A_1669 : vector<16xf32>
      %add3A_1674 = arith.addf %mul3A_1656, %mul3A_1673 : vector<16xf32>
      %mul3A_1675 = arith.mulf %get3A_1666, %get3A_1672 : vector<16xf32>
      %add3A_1676 = arith.addf %mul3A_1657, %mul3A_1675 : vector<16xf32>
      %mul3A_1677 = arith.mulf %get3A_1666, %get3A_1666 : vector<16xf32>
      %add3A_1678 = arith.addf %add3A_1663, %mul3A_1677 : vector<16xf32>
      %mul3A_1679 = arith.mulf %get3A_1669, %get3A_1669 : vector<16xf32>
      %add3A_1680 = arith.addf %add3A_1678, %mul3A_1679 : vector<16xf32>
      %mul3A_1681 = arith.mulf %get3A_1672, %get3A_1672 : vector<16xf32>
      %add3A_1682 = arith.addf %add3A_1680, %mul3A_1681 : vector<16xf32>
      %get3A_1683 = arith.index_cast %add3A_1646 : i32 to index
      %get3A_1684 = arith.constant 32 : index
      %get3A_1685 = tpu.vector_load %arg12[%get3A_1683, %get3A_1684] {strides = array<i32>} : memref<128x128xf32, #tpu.memory_space<vmem>>, vector<16xf32>,
      %get3A_1686 = arith.index_cast %add3A_1646 : i32 to index
      %get3A_1687 = arith.constant 32 : index
      %get3A_1688 = tpu.vector_load %arg13[%get3A_1686, %get3A_1687] {strides = array<i32>} : memref<128x128xf32, #tpu.memory_space<vmem>>, vector<16xf32>,
      %get3A_1689 = arith.index_cast %add3A_1646 : i32 to index
      %get3A_1690 = arith.constant 32 : index
      %get3A_1691 = tpu.vector_load %arg14[%get3A_1689, %get3A_1690] {strides = array<i32>} : memref<128x128xf32, #tpu.memory_space<vmem>>, vector<16xf32>,
      %mul3A_1692 = arith.mulf %get3A_1685, %get3A_1688 : vector<16xf32>
      %add3A_1693 = arith.addf %add3A_1674, %mul3A_1692 : vector<16xf32>
      %mul3A_1694 = arith.mulf %get3A_1685, %get3A_1691 : vector<16xf32>
      %add3A_1695 = arith.addf %add3A_1676, %mul3A_1694 : vector<16xf32>
      %mul3A_1696 = arith.mulf %get3A_1685, %get3A_1685 : vector<16xf32>
      %add3A_1697 = arith.addf %add3A_1682, %mul3A_1696 : vector<16xf32>
      %mul3A_1698 = arith.mulf %get3A_1688, %get3A_1688 : vector<16xf32>
      %add3A_1699 = arith.addf %add3A_1697, %mul3A_1698 : vector<16xf32>
      %mul3A_1700 = arith.mulf %get3A_1691, %get3A_1691 : vector<16xf32>
      %add3A_1701 = arith.addf %add3A_1699, %mul3A_1700 : vector<16xf32>
      %get3A_1702 = arith.index_cast %add3A_1646 : i32 to index
      %get3A_1703 = arith.constant 48 : index
      %get3A_1704 = tpu.vector_load %arg12[%get3A_1702, %get3A_1703] {strides = array<i32>} : memref<128x128xf32, #tpu.memory_space<vmem>>, vector<16xf32>,
      %get3A_1705 = arith.index_cast %add3A_1646 : i32 to index
      %get3A_1706 = arith.constant 48 : index
      %get3A_1707 = tpu.vector_load %arg13[%get3A_1705, %get3A_1706] {strides = array<i32>} : memref<128x128xf32, #tpu.memory_space<vmem>>, vector<16xf32>,
      %get3A_1708 = arith.index_cast %add3A_1646 : i32 to index
      %get3A_1709 = arith.constant 48 : index
      %get3A_1710 = tpu.vector_load %arg14[%get3A_1708, %get3A_1709] {strides = array<i32>} : memref<128x128xf32, #tpu.memory_space<vmem>>, vector<16xf32>,
      %mul3A_1711 = arith.mulf %get3A_1704, %get3A_1707 : vector<16xf32>
      %add3A_1712 = arith.addf %add3A_1693, %mul3A_1711 : vector<16xf32>
      %mul3A_1713 = arith.mulf %get3A_1704, %get3A_1710 : vector<16xf32>
      %add3A_1714 = arith.addf %add3A_1695, %mul3A_1713 : vector<16xf32>
      %mul3A_1715 = arith.mulf %get3A_1704, %get3A_1704 : vector<16xf32>
      %add3A_1716 = arith.addf %add3A_1701, %mul3A_1715 : vector<16xf32>
      %mul3A_1717 = arith.mulf %get3A_1707, %get3A_1707 : vector<16xf32>
      %add3A_1718 = arith.addf %add3A_1716, %mul3A_1717 : vector<16xf32>
      %mul3A_1719 = arith.mulf %get3A_1710, %get3A_1710 : vector<16xf32>
      %add3A_1720 = arith.addf %add3A_1718, %mul3A_1719 : vector<16xf32>
      %broadcast_in_dim3A_1721 = arith.constant 7 : i32
      %broadcast_in_dim3A_1722 = vector.broadcast %broadcast_in_dim3A_1721 : i32 to vector<16xi32>
      tpu.vector_store_idx %arg16[%iota3A, %broadcast_in_dim3A_1722], %add3A_1712 : memref<16x16xf32, #tpu.memory_space<vmem>>[vector<16xi32>, vector<16xi32>], vector<16xf32>,
      tpu.vector_store_idx %arg17[%iota3A, %broadcast_in_dim3A_1722], %add3A_1714 : memref<16x16xf32, #tpu.memory_space<vmem>>[vector<16xi32>, vector<16xi32>], vector<16xf32>,
      %add3A_1723 = arith.constant 8 : i32
      %add3A_1724 = arith.addi %add3A_1098, %add3A_1723 : i32
      %get3A_1725 = arith.index_cast %add3A_1724 : i32 to index
      %get3A_1726 = arith.constant 0 : index
      %get3A_1727 = tpu.vector_load %arg12[%get3A_1725, %get3A_1726] {strides = array<i32>} : memref<128x128xf32, #tpu.memory_space<vmem>>, vector<16xf32>,
      %get3A_1728 = arith.index_cast %add3A_1724 : i32 to index
      %get3A_1729 = arith.constant 0 : index
      %get3A_1730 = tpu.vector_load %arg13[%get3A_1728, %get3A_1729] {strides = array<i32>} : memref<128x128xf32, #tpu.memory_space<vmem>>, vector<16xf32>,
      %get3A_1731 = arith.index_cast %add3A_1724 : i32 to index
      %get3A_1732 = arith.constant 0 : index
      %get3A_1733 = tpu.vector_load %arg14[%get3A_1731, %get3A_1732] {strides = array<i32>} : memref<128x128xf32, #tpu.memory_space<vmem>>, vector<16xf32>,
      %mul3A_1734 = arith.mulf %get3A_1727, %get3A_1730 : vector<16xf32>
      %mul3A_1735 = arith.mulf %get3A_1727, %get3A_1733 : vector<16xf32>
      %mul3A_1736 = arith.mulf %get3A_1727, %get3A_1727 : vector<16xf32>
      %add3A_1737 = arith.addf %add3A_1720, %mul3A_1736 : vector<16xf32>
      %mul3A_1738 = arith.mulf %get3A_1730, %get3A_1730 : vector<16xf32>
      %add3A_1739 = arith.addf %add3A_1737, %mul3A_1738 : vector<16xf32>
      %mul3A_1740 = arith.mulf %get3A_1733, %get3A_1733 : vector<16xf32>
      %add3A_1741 = arith.addf %add3A_1739, %mul3A_1740 : vector<16xf32>
      %get3A_1742 = arith.index_cast %add3A_1724 : i32 to index
      %get3A_1743 = arith.constant 16 : index
      %get3A_1744 = tpu.vector_load %arg12[%get3A_1742, %get3A_1743] {strides = array<i32>} : memref<128x128xf32, #tpu.memory_space<vmem>>, vector<16xf32>,
      %get3A_1745 = arith.index_cast %add3A_1724 : i32 to index
      %get3A_1746 = arith.constant 16 : index
      %get3A_1747 = tpu.vector_load %arg13[%get3A_1745, %get3A_1746] {strides = array<i32>} : memref<128x128xf32, #tpu.memory_space<vmem>>, vector<16xf32>,
      %get3A_1748 = arith.index_cast %add3A_1724 : i32 to index
      %get3A_1749 = arith.constant 16 : index
      %get3A_1750 = tpu.vector_load %arg14[%get3A_1748, %get3A_1749] {strides = array<i32>} : memref<128x128xf32, #tpu.memory_space<vmem>>, vector<16xf32>,
      %mul3A_1751 = arith.mulf %get3A_1744, %get3A_1747 : vector<16xf32>
      %add3A_1752 = arith.addf %mul3A_1734, %mul3A_1751 : vector<16xf32>
      %mul3A_1753 = arith.mulf %get3A_1744, %get3A_1750 : vector<16xf32>
      %add3A_1754 = arith.addf %mul3A_1735, %mul3A_1753 : vector<16xf32>
      %mul3A_1755 = arith.mulf %get3A_1744, %get3A_1744 : vector<16xf32>
      %add3A_1756 = arith.addf %add3A_1741, %mul3A_1755 : vector<16xf32>
      %mul3A_1757 = arith.mulf %get3A_1747, %get3A_1747 : vector<16xf32>
      %add3A_1758 = arith.addf %add3A_1756, %mul3A_1757 : vector<16xf32>
      %mul3A_1759 = arith.mulf %get3A_1750, %get3A_1750 : vector<16xf32>
      %add3A_1760 = arith.addf %add3A_1758, %mul3A_1759 : vector<16xf32>
      %get3A_1761 = arith.index_cast %add3A_1724 : i32 to index
      %get3A_1762 = arith.constant 32 : index
      %get3A_1763 = tpu.vector_load %arg12[%get3A_1761, %get3A_1762] {strides = array<i32>} : memref<128x128xf32, #tpu.memory_space<vmem>>, vector<16xf32>,
      %get3A_1764 = arith.index_cast %add3A_1724 : i32 to index
      %get3A_1765 = arith.constant 32 : index
      %get3A_1766 = tpu.vector_load %arg13[%get3A_1764, %get3A_1765] {strides = array<i32>} : memref<128x128xf32, #tpu.memory_space<vmem>>, vector<16xf32>,
      %get3A_1767 = arith.index_cast %add3A_1724 : i32 to index
      %get3A_1768 = arith.constant 32 : index
      %get3A_1769 = tpu.vector_load %arg14[%get3A_1767, %get3A_1768] {strides = array<i32>} : memref<128x128xf32, #tpu.memory_space<vmem>>, vector<16xf32>,
      %mul3A_1770 = arith.mulf %get3A_1763, %get3A_1766 : vector<16xf32>
      %add3A_1771 = arith.addf %add3A_1752, %mul3A_1770 : vector<16xf32>
      %mul3A_1772 = arith.mulf %get3A_1763, %get3A_1769 : vector<16xf32>
      %add3A_1773 = arith.addf %add3A_1754, %mul3A_1772 : vector<16xf32>
      %mul3A_1774 = arith.mulf %get3A_1763, %get3A_1763 : vector<16xf32>
      %add3A_1775 = arith.addf %add3A_1760, %mul3A_1774 : vector<16xf32>
      %mul3A_1776 = arith.mulf %get3A_1766, %get3A_1766 : vector<16xf32>
      %add3A_1777 = arith.addf %add3A_1775, %mul3A_1776 : vector<16xf32>
      %mul3A_1778 = arith.mulf %get3A_1769, %get3A_1769 : vector<16xf32>
      %add3A_1779 = arith.addf %add3A_1777, %mul3A_1778 : vector<16xf32>
      %get3A_1780 = arith.index_cast %add3A_1724 : i32 to index
      %get3A_1781 = arith.constant 48 : index
      %get3A_1782 = tpu.vector_load %arg12[%get3A_1780, %get3A_1781] {strides = array<i32>} : memref<128x128xf32, #tpu.memory_space<vmem>>, vector<16xf32>,
      %get3A_1783 = arith.index_cast %add3A_1724 : i32 to index
      %get3A_1784 = arith.constant 48 : index
      %get3A_1785 = tpu.vector_load %arg13[%get3A_1783, %get3A_1784] {strides = array<i32>} : memref<128x128xf32, #tpu.memory_space<vmem>>, vector<16xf32>,
      %get3A_1786 = arith.index_cast %add3A_1724 : i32 to index
      %get3A_1787 = arith.constant 48 : index
      %get3A_1788 = tpu.vector_load %arg14[%get3A_1786, %get3A_1787] {strides = array<i32>} : memref<128x128xf32, #tpu.memory_space<vmem>>, vector<16xf32>,
      %mul3A_1789 = arith.mulf %get3A_1782, %get3A_1785 : vector<16xf32>
      %add3A_1790 = arith.addf %add3A_1771, %mul3A_1789 : vector<16xf32>
      %mul3A_1791 = arith.mulf %get3A_1782, %get3A_1788 : vector<16xf32>
      %add3A_1792 = arith.addf %add3A_1773, %mul3A_1791 : vector<16xf32>
      %mul3A_1793 = arith.mulf %get3A_1782, %get3A_1782 : vector<16xf32>
      %add3A_1794 = arith.addf %add3A_1779, %mul3A_1793 : vector<16xf32>
      %mul3A_1795 = arith.mulf %get3A_1785, %get3A_1785 : vector<16xf32>
      %add3A_1796 = arith.addf %add3A_1794, %mul3A_1795 : vector<16xf32>
      %mul3A_1797 = arith.mulf %get3A_1788, %get3A_1788 : vector<16xf32>
      %add3A_1798 = arith.addf %add3A_1796, %mul3A_1797 : vector<16xf32>
      %broadcast_in_dim3A_1799 = arith.constant 8 : i32
      %broadcast_in_dim3A_1800 = vector.broadcast %broadcast_in_dim3A_1799 : i32 to vector<16xi32>
      tpu.vector_store_idx %arg16[%iota3A, %broadcast_in_dim3A_1800], %add3A_1790 : memref<16x16xf32, #tpu.memory_space<vmem>>[vector<16xi32>, vector<16xi32>], vector<16xf32>,
      tpu.vector_store_idx %arg17[%iota3A, %broadcast_in_dim3A_1800], %add3A_1792 : memref<16x16xf32, #tpu.memory_space<vmem>>[vector<16xi32>, vector<16xi32>], vector<16xf32>,
      %add3A_1801 = arith.constant 9 : i32
      %add3A_1802 = arith.addi %add3A_1098, %add3A_1801 : i32
      %get3A_1803 = arith.index_cast %add3A_1802 : i32 to index
      %get3A_1804 = arith.constant 0 : index
      %get3A_1805 = tpu.vector_load %arg12[%get3A_1803, %get3A_1804] {strides = array<i32>} : memref<128x128xf32, #tpu.memory_space<vmem>>, vector<16xf32>,
      %get3A_1806 = arith.index_cast %add3A_1802 : i32 to index
      %get3A_1807 = arith.constant 0 : index
      %get3A_1808 = tpu.vector_load %arg13[%get3A_1806, %get3A_1807] {strides = array<i32>} : memref<128x128xf32, #tpu.memory_space<vmem>>, vector<16xf32>,
      %get3A_1809 = arith.index_cast %add3A_1802 : i32 to index
      %get3A_1810 = arith.constant 0 : index
      %get3A_1811 = tpu.vector_load %arg14[%get3A_1809, %get3A_1810] {strides = array<i32>} : memref<128x128xf32, #tpu.memory_space<vmem>>, vector<16xf32>,
      %mul3A_1812 = arith.mulf %get3A_1805, %get3A_1808 : vector<16xf32>
      %mul3A_1813 = arith.mulf %get3A_1805, %get3A_1811 : vector<16xf32>
      %mul3A_1814 = arith.mulf %get3A_1805, %get3A_1805 : vector<16xf32>
      %add3A_1815 = arith.addf %add3A_1798, %mul3A_1814 : vector<16xf32>
      %mul3A_1816 = arith.mulf %get3A_1808, %get3A_1808 : vector<16xf32>
      %add3A_1817 = arith.addf %add3A_1815, %mul3A_1816 : vector<16xf32>
      %mul3A_1818 = arith.mulf %get3A_1811, %get3A_1811 : vector<16xf32>
      %add3A_1819 = arith.addf %add3A_1817, %mul3A_1818 : vector<16xf32>
      %get3A_1820 = arith.index_cast %add3A_1802 : i32 to index
      %get3A_1821 = arith.constant 16 : index
      %get3A_1822 = tpu.vector_load %arg12[%get3A_1820, %get3A_1821] {strides = array<i32>} : memref<128x128xf32, #tpu.memory_space<vmem>>, vector<16xf32>,
      %get3A_1823 = arith.index_cast %add3A_1802 : i32 to index
      %get3A_1824 = arith.constant 16 : index
      %get3A_1825 = tpu.vector_load %arg13[%get3A_1823, %get3A_1824] {strides = array<i32>} : memref<128x128xf32, #tpu.memory_space<vmem>>, vector<16xf32>,
      %get3A_1826 = arith.index_cast %add3A_1802 : i32 to index
      %get3A_1827 = arith.constant 16 : index
      %get3A_1828 = tpu.vector_load %arg14[%get3A_1826, %get3A_1827] {strides = array<i32>} : memref<128x128xf32, #tpu.memory_space<vmem>>, vector<16xf32>,
      %mul3A_1829 = arith.mulf %get3A_1822, %get3A_1825 : vector<16xf32>
      %add3A_1830 = arith.addf %mul3A_1812, %mul3A_1829 : vector<16xf32>
      %mul3A_1831 = arith.mulf %get3A_1822, %get3A_1828 : vector<16xf32>
      %add3A_1832 = arith.addf %mul3A_1813, %mul3A_1831 : vector<16xf32>
      %mul3A_1833 = arith.mulf %get3A_1822, %get3A_1822 : vector<16xf32>
      %add3A_1834 = arith.addf %add3A_1819, %mul3A_1833 : vector<16xf32>
      %mul3A_1835 = arith.mulf %get3A_1825, %get3A_1825 : vector<16xf32>
      %add3A_1836 = arith.addf %add3A_1834, %mul3A_1835 : vector<16xf32>
      %mul3A_1837 = arith.mulf %get3A_1828, %get3A_1828 : vector<16xf32>
      %add3A_1838 = arith.addf %add3A_1836, %mul3A_1837 : vector<16xf32>
      %get3A_1839 = arith.index_cast %add3A_1802 : i32 to index
      %get3A_1840 = arith.constant 32 : index
      %get3A_1841 = tpu.vector_load %arg12[%get3A_1839, %get3A_1840] {strides = array<i32>} : memref<128x128xf32, #tpu.memory_space<vmem>>, vector<16xf32>,
      %get3A_1842 = arith.index_cast %add3A_1802 : i32 to index
      %get3A_1843 = arith.constant 32 : index
      %get3A_1844 = tpu.vector_load %arg13[%get3A_1842, %get3A_1843] {strides = array<i32>} : memref<128x128xf32, #tpu.memory_space<vmem>>, vector<16xf32>,
      %get3A_1845 = arith.index_cast %add3A_1802 : i32 to index
      %get3A_1846 = arith.constant 32 : index
      %get3A_1847 = tpu.vector_load %arg14[%get3A_1845, %get3A_1846] {strides = array<i32>} : memref<128x128xf32, #tpu.memory_space<vmem>>, vector<16xf32>,
      %mul3A_1848 = arith.mulf %get3A_1841, %get3A_1844 : vector<16xf32>
      %add3A_1849 = arith.addf %add3A_1830, %mul3A_1848 : vector<16xf32>
      %mul3A_1850 = arith.mulf %get3A_1841, %get3A_1847 : vector<16xf32>
      %add3A_1851 = arith.addf %add3A_1832, %mul3A_1850 : vector<16xf32>
      %mul3A_1852 = arith.mulf %get3A_1841, %get3A_1841 : vector<16xf32>
      %add3A_1853 = arith.addf %add3A_1838, %mul3A_1852 : vector<16xf32>
      %mul3A_1854 = arith.mulf %get3A_1844, %get3A_1844 : vector<16xf32>
      %add3A_1855 = arith.addf %add3A_1853, %mul3A_1854 : vector<16xf32>
      %mul3A_1856 = arith.mulf %get3A_1847, %get3A_1847 : vector<16xf32>
      %add3A_1857 = arith.addf %add3A_1855, %mul3A_1856 : vector<16xf32>
      %get3A_1858 = arith.index_cast %add3A_1802 : i32 to index
      %get3A_1859 = arith.constant 48 : index
      %get3A_1860 = tpu.vector_load %arg12[%get3A_1858, %get3A_1859] {strides = array<i32>} : memref<128x128xf32, #tpu.memory_space<vmem>>, vector<16xf32>,
      %get3A_1861 = arith.index_cast %add3A_1802 : i32 to index
      %get3A_1862 = arith.constant 48 : index
      %get3A_1863 = tpu.vector_load %arg13[%get3A_1861, %get3A_1862] {strides = array<i32>} : memref<128x128xf32, #tpu.memory_space<vmem>>, vector<16xf32>,
      %get3A_1864 = arith.index_cast %add3A_1802 : i32 to index
      %get3A_1865 = arith.constant 48 : index
      %get3A_1866 = tpu.vector_load %arg14[%get3A_1864, %get3A_1865] {strides = array<i32>} : memref<128x128xf32, #tpu.memory_space<vmem>>, vector<16xf32>,
      %mul3A_1867 = arith.mulf %get3A_1860, %get3A_1863 : vector<16xf32>
      %add3A_1868 = arith.addf %add3A_1849, %mul3A_1867 : vector<16xf32>
      %mul3A_1869 = arith.mulf %get3A_1860, %get3A_1866 : vector<16xf32>
      %add3A_1870 = arith.addf %add3A_1851, %mul3A_1869 : vector<16xf32>
      %mul3A_1871 = arith.mulf %get3A_1860, %get3A_1860 : vector<16xf32>
      %add3A_1872 = arith.addf %add3A_1857, %mul3A_1871 : vector<16xf32>
      %mul3A_1873 = arith.mulf %get3A_1863, %get3A_1863 : vector<16xf32>
      %add3A_1874 = arith.addf %add3A_1872, %mul3A_1873 : vector<16xf32>
      %mul3A_1875 = arith.mulf %get3A_1866, %get3A_1866 : vector<16xf32>
      %add3A_1876 = arith.addf %add3A_1874, %mul3A_1875 : vector<16xf32>
      %broadcast_in_dim3A_1877 = arith.constant 9 : i32
      %broadcast_in_dim3A_1878 = vector.broadcast %broadcast_in_dim3A_1877 : i32 to vector<16xi32>
      tpu.vector_store_idx %arg16[%iota3A, %broadcast_in_dim3A_1878], %add3A_1868 : memref<16x16xf32, #tpu.memory_space<vmem>>[vector<16xi32>, vector<16xi32>], vector<16xf32>,
      tpu.vector_store_idx %arg17[%iota3A, %broadcast_in_dim3A_1878], %add3A_1870 : memref<16x16xf32, #tpu.memory_space<vmem>>[vector<16xi32>, vector<16xi32>], vector<16xf32>,
      %add3A_1879 = arith.constant 10 : i32
      %add3A_1880 = arith.addi %add3A_1098, %add3A_1879 : i32
      %get3A_1881 = arith.index_cast %add3A_1880 : i32 to index
      %get3A_1882 = arith.constant 0 : index
      %get3A_1883 = tpu.vector_load %arg12[%get3A_1881, %get3A_1882] {strides = array<i32>} : memref<128x128xf32, #tpu.memory_space<vmem>>, vector<16xf32>,
      %get3A_1884 = arith.index_cast %add3A_1880 : i32 to index
      %get3A_1885 = arith.constant 0 : index
      %get3A_1886 = tpu.vector_load %arg13[%get3A_1884, %get3A_1885] {strides = array<i32>} : memref<128x128xf32, #tpu.memory_space<vmem>>, vector<16xf32>,
      %get3A_1887 = arith.index_cast %add3A_1880 : i32 to index
      %get3A_1888 = arith.constant 0 : index
      %get3A_1889 = tpu.vector_load %arg14[%get3A_1887, %get3A_1888] {strides = array<i32>} : memref<128x128xf32, #tpu.memory_space<vmem>>, vector<16xf32>,
      %mul3A_1890 = arith.mulf %get3A_1883, %get3A_1886 : vector<16xf32>
      %mul3A_1891 = arith.mulf %get3A_1883, %get3A_1889 : vector<16xf32>
      %mul3A_1892 = arith.mulf %get3A_1883, %get3A_1883 : vector<16xf32>
      %add3A_1893 = arith.addf %add3A_1876, %mul3A_1892 : vector<16xf32>
      %mul3A_1894 = arith.mulf %get3A_1886, %get3A_1886 : vector<16xf32>
      %add3A_1895 = arith.addf %add3A_1893, %mul3A_1894 : vector<16xf32>
      %mul3A_1896 = arith.mulf %get3A_1889, %get3A_1889 : vector<16xf32>
      %add3A_1897 = arith.addf %add3A_1895, %mul3A_1896 : vector<16xf32>
      %get3A_1898 = arith.index_cast %add3A_1880 : i32 to index
      %get3A_1899 = arith.constant 16 : index
      %get3A_1900 = tpu.vector_load %arg12[%get3A_1898, %get3A_1899] {strides = array<i32>} : memref<128x128xf32, #tpu.memory_space<vmem>>, vector<16xf32>,
      %get3A_1901 = arith.index_cast %add3A_1880 : i32 to index
      %get3A_1902 = arith.constant 16 : index
      %get3A_1903 = tpu.vector_load %arg13[%get3A_1901, %get3A_1902] {strides = array<i32>} : memref<128x128xf32, #tpu.memory_space<vmem>>, vector<16xf32>,
      %get3A_1904 = arith.index_cast %add3A_1880 : i32 to index
      %get3A_1905 = arith.constant 16 : index
      %get3A_1906 = tpu.vector_load %arg14[%get3A_1904, %get3A_1905] {strides = array<i32>} : memref<128x128xf32, #tpu.memory_space<vmem>>, vector<16xf32>,
      %mul3A_1907 = arith.mulf %get3A_1900, %get3A_1903 : vector<16xf32>
      %add3A_1908 = arith.addf %mul3A_1890, %mul3A_1907 : vector<16xf32>
      %mul3A_1909 = arith.mulf %get3A_1900, %get3A_1906 : vector<16xf32>
      %add3A_1910 = arith.addf %mul3A_1891, %mul3A_1909 : vector<16xf32>
      %mul3A_1911 = arith.mulf %get3A_1900, %get3A_1900 : vector<16xf32>
      %add3A_1912 = arith.addf %add3A_1897, %mul3A_1911 : vector<16xf32>
      %mul3A_1913 = arith.mulf %get3A_1903, %get3A_1903 : vector<16xf32>
      %add3A_1914 = arith.addf %add3A_1912, %mul3A_1913 : vector<16xf32>
      %mul3A_1915 = arith.mulf %get3A_1906, %get3A_1906 : vector<16xf32>
      %add3A_1916 = arith.addf %add3A_1914, %mul3A_1915 : vector<16xf32>
      %get3A_1917 = arith.index_cast %add3A_1880 : i32 to index
      %get3A_1918 = arith.constant 32 : index
      %get3A_1919 = tpu.vector_load %arg12[%get3A_1917, %get3A_1918] {strides = array<i32>} : memref<128x128xf32, #tpu.memory_space<vmem>>, vector<16xf32>,
      %get3A_1920 = arith.index_cast %add3A_1880 : i32 to index
      %get3A_1921 = arith.constant 32 : index
      %get3A_1922 = tpu.vector_load %arg13[%get3A_1920, %get3A_1921] {strides = array<i32>} : memref<128x128xf32, #tpu.memory_space<vmem>>, vector<16xf32>,
      %get3A_1923 = arith.index_cast %add3A_1880 : i32 to index
      %get3A_1924 = arith.constant 32 : index
      %get3A_1925 = tpu.vector_load %arg14[%get3A_1923, %get3A_1924] {strides = array<i32>} : memref<128x128xf32, #tpu.memory_space<vmem>>, vector<16xf32>,
      %mul3A_1926 = arith.mulf %get3A_1919, %get3A_1922 : vector<16xf32>
      %add3A_1927 = arith.addf %add3A_1908, %mul3A_1926 : vector<16xf32>
      %mul3A_1928 = arith.mulf %get3A_1919, %get3A_1925 : vector<16xf32>
      %add3A_1929 = arith.addf %add3A_1910, %mul3A_1928 : vector<16xf32>
      %mul3A_1930 = arith.mulf %get3A_1919, %get3A_1919 : vector<16xf32>
      %add3A_1931 = arith.addf %add3A_1916, %mul3A_1930 : vector<16xf32>
      %mul3A_1932 = arith.mulf %get3A_1922, %get3A_1922 : vector<16xf32>
      %add3A_1933 = arith.addf %add3A_1931, %mul3A_1932 : vector<16xf32>
      %mul3A_1934 = arith.mulf %get3A_1925, %get3A_1925 : vector<16xf32>
      %add3A_1935 = arith.addf %add3A_1933, %mul3A_1934 : vector<16xf32>
      %get3A_1936 = arith.index_cast %add3A_1880 : i32 to index
      %get3A_1937 = arith.constant 48 : index
      %get3A_1938 = tpu.vector_load %arg12[%get3A_1936, %get3A_1937] {strides = array<i32>} : memref<128x128xf32, #tpu.memory_space<vmem>>, vector<16xf32>,
      %get3A_1939 = arith.index_cast %add3A_1880 : i32 to index
      %get3A_1940 = arith.constant 48 : index
      %get3A_1941 = tpu.vector_load %arg13[%get3A_1939, %get3A_1940] {strides = array<i32>} : memref<128x128xf32, #tpu.memory_space<vmem>>, vector<16xf32>,
      %get3A_1942 = arith.index_cast %add3A_1880 : i32 to index
      %get3A_1943 = arith.constant 48 : index
      %get3A_1944 = tpu.vector_load %arg14[%get3A_1942, %get3A_1943] {strides = array<i32>} : memref<128x128xf32, #tpu.memory_space<vmem>>, vector<16xf32>,
      %mul3A_1945 = arith.mulf %get3A_1938, %get3A_1941 : vector<16xf32>
      %add3A_1946 = arith.addf %add3A_1927, %mul3A_1945 : vector<16xf32>
      %mul3A_1947 = arith.mulf %get3A_1938, %get3A_1944 : vector<16xf32>
      %add3A_1948 = arith.addf %add3A_1929, %mul3A_1947 : vector<16xf32>
      %mul3A_1949 = arith.mulf %get3A_1938, %get3A_1938 : vector<16xf32>
      %add3A_1950 = arith.addf %add3A_1935, %mul3A_1949 : vector<16xf32>
      %mul3A_1951 = arith.mulf %get3A_1941, %get3A_1941 : vector<16xf32>
      %add3A_1952 = arith.addf %add3A_1950, %mul3A_1951 : vector<16xf32>
      %mul3A_1953 = arith.mulf %get3A_1944, %get3A_1944 : vector<16xf32>
      %add3A_1954 = arith.addf %add3A_1952, %mul3A_1953 : vector<16xf32>
      %broadcast_in_dim3A_1955 = arith.constant 10 : i32
      %broadcast_in_dim3A_1956 = vector.broadcast %broadcast_in_dim3A_1955 : i32 to vector<16xi32>
      tpu.vector_store_idx %arg16[%iota3A, %broadcast_in_dim3A_1956], %add3A_1946 : memref<16x16xf32, #tpu.memory_space<vmem>>[vector<16xi32>, vector<16xi32>], vector<16xf32>,
      tpu.vector_store_idx %arg17[%iota3A, %broadcast_in_dim3A_1956], %add3A_1948 : memref<16x16xf32, #tpu.memory_space<vmem>>[vector<16xi32>, vector<16xi32>], vector<16xf32>,
      %add3A_1957 = arith.constant 11 : i32
      %add3A_1958 = arith.addi %add3A_1098, %add3A_1957 : i32
      %get3A_1959 = arith.index_cast %add3A_1958 : i32 to index
      %get3A_1960 = arith.constant 0 : index
      %get3A_1961 = tpu.vector_load %arg12[%get3A_1959, %get3A_1960] {strides = array<i32>} : memref<128x128xf32, #tpu.memory_space<vmem>>, vector<16xf32>,
      %get3A_1962 = arith.index_cast %add3A_1958 : i32 to index
      %get3A_1963 = arith.constant 0 : index
      %get3A_1964 = tpu.vector_load %arg13[%get3A_1962, %get3A_1963] {strides = array<i32>} : memref<128x128xf32, #tpu.memory_space<vmem>>, vector<16xf32>,
      %get3A_1965 = arith.index_cast %add3A_1958 : i32 to index
      %get3A_1966 = arith.constant 0 : index
      %get3A_1967 = tpu.vector_load %arg14[%get3A_1965, %get3A_1966] {strides = array<i32>} : memref<128x128xf32, #tpu.memory_space<vmem>>, vector<16xf32>,
      %mul3A_1968 = arith.mulf %get3A_1961, %get3A_1964 : vector<16xf32>
      %mul3A_1969 = arith.mulf %get3A_1961, %get3A_1967 : vector<16xf32>
      %mul3A_1970 = arith.mulf %get3A_1961, %get3A_1961 : vector<16xf32>
      %add3A_1971 = arith.addf %add3A_1954, %mul3A_1970 : vector<16xf32>
      %mul3A_1972 = arith.mulf %get3A_1964, %get3A_1964 : vector<16xf32>
      %add3A_1973 = arith.addf %add3A_1971, %mul3A_1972 : vector<16xf32>
      %mul3A_1974 = arith.mulf %get3A_1967, %get3A_1967 : vector<16xf32>
      %add3A_1975 = arith.addf %add3A_1973, %mul3A_1974 : vector<16xf32>
      %get3A_1976 = arith.index_cast %add3A_1958 : i32 to index
      %get3A_1977 = arith.constant 16 : index
      %get3A_1978 = tpu.vector_load %arg12[%get3A_1976, %get3A_1977] {strides = array<i32>} : memref<128x128xf32, #tpu.memory_space<vmem>>, vector<16xf32>,
      %get3A_1979 = arith.index_cast %add3A_1958 : i32 to index
      %get3A_1980 = arith.constant 16 : index
      %get3A_1981 = tpu.vector_load %arg13[%get3A_1979, %get3A_1980] {strides = array<i32>} : memref<128x128xf32, #tpu.memory_space<vmem>>, vector<16xf32>,
      %get3A_1982 = arith.index_cast %add3A_1958 : i32 to index
      %get3A_1983 = arith.constant 16 : index
      %get3A_1984 = tpu.vector_load %arg14[%get3A_1982, %get3A_1983] {strides = array<i32>} : memref<128x128xf32, #tpu.memory_space<vmem>>, vector<16xf32>,
      %mul3A_1985 = arith.mulf %get3A_1978, %get3A_1981 : vector<16xf32>
      %add3A_1986 = arith.addf %mul3A_1968, %mul3A_1985 : vector<16xf32>
      %mul3A_1987 = arith.mulf %get3A_1978, %get3A_1984 : vector<16xf32>
      %add3A_1988 = arith.addf %mul3A_1969, %mul3A_1987 : vector<16xf32>
      %mul3A_1989 = arith.mulf %get3A_1978, %get3A_1978 : vector<16xf32>
      %add3A_1990 = arith.addf %add3A_1975, %mul3A_1989 : vector<16xf32>
      %mul3A_1991 = arith.mulf %get3A_1981, %get3A_1981 : vector<16xf32>
      %add3A_1992 = arith.addf %add3A_1990, %mul3A_1991 : vector<16xf32>
      %mul3A_1993 = arith.mulf %get3A_1984, %get3A_1984 : vector<16xf32>
      %add3A_1994 = arith.addf %add3A_1992, %mul3A_1993 : vector<16xf32>
      %get3A_1995 = arith.index_cast %add3A_1958 : i32 to index
      %get3A_1996 = arith.constant 32 : index
      %get3A_1997 = tpu.vector_load %arg12[%get3A_1995, %get3A_1996] {strides = array<i32>} : memref<128x128xf32, #tpu.memory_space<vmem>>, vector<16xf32>,
      %get3A_1998 = arith.index_cast %add3A_1958 : i32 to index
      %get3A_1999 = arith.constant 32 : index
      %get3A_2000 = tpu.vector_load %arg13[%get3A_1998, %get3A_1999] {strides = array<i32>} : memref<128x128xf32, #tpu.memory_space<vmem>>, vector<16xf32>,
      %get3A_2001 = arith.index_cast %add3A_1958 : i32 to index
      %get3A_2002 = arith.constant 32 : index
      %get3A_2003 = tpu.vector_load %arg14[%get3A_2001, %get3A_2002] {strides = array<i32>} : memref<128x128xf32, #tpu.memory_space<vmem>>, vector<16xf32>,
      %mul3A_2004 = arith.mulf %get3A_1997, %get3A_2000 : vector<16xf32>
      %add3A_2005 = arith.addf %add3A_1986, %mul3A_2004 : vector<16xf32>
      %mul3A_2006 = arith.mulf %get3A_1997, %get3A_2003 : vector<16xf32>
      %add3A_2007 = arith.addf %add3A_1988, %mul3A_2006 : vector<16xf32>
      %mul3A_2008 = arith.mulf %get3A_1997, %get3A_1997 : vector<16xf32>
      %add3A_2009 = arith.addf %add3A_1994, %mul3A_2008 : vector<16xf32>
      %mul3A_2010 = arith.mulf %get3A_2000, %get3A_2000 : vector<16xf32>
      %add3A_2011 = arith.addf %add3A_2009, %mul3A_2010 : vector<16xf32>
      %mul3A_2012 = arith.mulf %get3A_2003, %get3A_2003 : vector<16xf32>
      %add3A_2013 = arith.addf %add3A_2011, %mul3A_2012 : vector<16xf32>
      %get3A_2014 = arith.index_cast %add3A_1958 : i32 to index
      %get3A_2015 = arith.constant 48 : index
      %get3A_2016 = tpu.vector_load %arg12[%get3A_2014, %get3A_2015] {strides = array<i32>} : memref<128x128xf32, #tpu.memory_space<vmem>>, vector<16xf32>,
      %get3A_2017 = arith.index_cast %add3A_1958 : i32 to index
      %get3A_2018 = arith.constant 48 : index
      %get3A_2019 = tpu.vector_load %arg13[%get3A_2017, %get3A_2018] {strides = array<i32>} : memref<128x128xf32, #tpu.memory_space<vmem>>, vector<16xf32>,
      %get3A_2020 = arith.index_cast %add3A_1958 : i32 to index
      %get3A_2021 = arith.constant 48 : index
      %get3A_2022 = tpu.vector_load %arg14[%get3A_2020, %get3A_2021] {strides = array<i32>} : memref<128x128xf32, #tpu.memory_space<vmem>>, vector<16xf32>,
      %mul3A_2023 = arith.mulf %get3A_2016, %get3A_2019 : vector<16xf32>
      %add3A_2024 = arith.addf %add3A_2005, %mul3A_2023 : vector<16xf32>
      %mul3A_2025 = arith.mulf %get3A_2016, %get3A_2022 : vector<16xf32>
      %add3A_2026 = arith.addf %add3A_2007, %mul3A_2025 : vector<16xf32>
      %mul3A_2027 = arith.mulf %get3A_2016, %get3A_2016 : vector<16xf32>
      %add3A_2028 = arith.addf %add3A_2013, %mul3A_2027 : vector<16xf32>
      %mul3A_2029 = arith.mulf %get3A_2019, %get3A_2019 : vector<16xf32>
      %add3A_2030 = arith.addf %add3A_2028, %mul3A_2029 : vector<16xf32>
      %mul3A_2031 = arith.mulf %get3A_2022, %get3A_2022 : vector<16xf32>
      %add3A_2032 = arith.addf %add3A_2030, %mul3A_2031 : vector<16xf32>
      %broadcast_in_dim3A_2033 = arith.constant 11 : i32
      %broadcast_in_dim3A_2034 = vector.broadcast %broadcast_in_dim3A_2033 : i32 to vector<16xi32>
      tpu.vector_store_idx %arg16[%iota3A, %broadcast_in_dim3A_2034], %add3A_2024 : memref<16x16xf32, #tpu.memory_space<vmem>>[vector<16xi32>, vector<16xi32>], vector<16xf32>,
      tpu.vector_store_idx %arg17[%iota3A, %broadcast_in_dim3A_2034], %add3A_2026 : memref<16x16xf32, #tpu.memory_space<vmem>>[vector<16xi32>, vector<16xi32>], vector<16xf32>,
      %add3A_2035 = arith.constant 12 : i32
      %add3A_2036 = arith.addi %add3A_1098, %add3A_2035 : i32
      %get3A_2037 = arith.index_cast %add3A_2036 : i32 to index
      %get3A_2038 = arith.constant 0 : index
      %get3A_2039 = tpu.vector_load %arg12[%get3A_2037, %get3A_2038] {strides = array<i32>} : memref<128x128xf32, #tpu.memory_space<vmem>>, vector<16xf32>,
      %get3A_2040 = arith.index_cast %add3A_2036 : i32 to index
      %get3A_2041 = arith.constant 0 : index
      %get3A_2042 = tpu.vector_load %arg13[%get3A_2040, %get3A_2041] {strides = array<i32>} : memref<128x128xf32, #tpu.memory_space<vmem>>, vector<16xf32>,
      %get3A_2043 = arith.index_cast %add3A_2036 : i32 to index
      %get3A_2044 = arith.constant 0 : index
      %get3A_2045 = tpu.vector_load %arg14[%get3A_2043, %get3A_2044] {strides = array<i32>} : memref<128x128xf32, #tpu.memory_space<vmem>>, vector<16xf32>,
      %mul3A_2046 = arith.mulf %get3A_2039, %get3A_2042 : vector<16xf32>
      %mul3A_2047 = arith.mulf %get3A_2039, %get3A_2045 : vector<16xf32>
      %mul3A_2048 = arith.mulf %get3A_2039, %get3A_2039 : vector<16xf32>
      %add3A_2049 = arith.addf %add3A_2032, %mul3A_2048 : vector<16xf32>
      %mul3A_2050 = arith.mulf %get3A_2042, %get3A_2042 : vector<16xf32>
      %add3A_2051 = arith.addf %add3A_2049, %mul3A_2050 : vector<16xf32>
      %mul3A_2052 = arith.mulf %get3A_2045, %get3A_2045 : vector<16xf32>
      %add3A_2053 = arith.addf %add3A_2051, %mul3A_2052 : vector<16xf32>
      %get3A_2054 = arith.index_cast %add3A_2036 : i32 to index
      %get3A_2055 = arith.constant 16 : index
      %get3A_2056 = tpu.vector_load %arg12[%get3A_2054, %get3A_2055] {strides = array<i32>} : memref<128x128xf32, #tpu.memory_space<vmem>>, vector<16xf32>,
      %get3A_2057 = arith.index_cast %add3A_2036 : i32 to index
      %get3A_2058 = arith.constant 16 : index
      %get3A_2059 = tpu.vector_load %arg13[%get3A_2057, %get3A_2058] {strides = array<i32>} : memref<128x128xf32, #tpu.memory_space<vmem>>, vector<16xf32>,
      %get3A_2060 = arith.index_cast %add3A_2036 : i32 to index
      %get3A_2061 = arith.constant 16 : index
      %get3A_2062 = tpu.vector_load %arg14[%get3A_2060, %get3A_2061] {strides = array<i32>} : memref<128x128xf32, #tpu.memory_space<vmem>>, vector<16xf32>,
      %mul3A_2063 = arith.mulf %get3A_2056, %get3A_2059 : vector<16xf32>
      %add3A_2064 = arith.addf %mul3A_2046, %mul3A_2063 : vector<16xf32>
      %mul3A_2065 = arith.mulf %get3A_2056, %get3A_2062 : vector<16xf32>
      %add3A_2066 = arith.addf %mul3A_2047, %mul3A_2065 : vector<16xf32>
      %mul3A_2067 = arith.mulf %get3A_2056, %get3A_2056 : vector<16xf32>
      %add3A_2068 = arith.addf %add3A_2053, %mul3A_2067 : vector<16xf32>
      %mul3A_2069 = arith.mulf %get3A_2059, %get3A_2059 : vector<16xf32>
      %add3A_2070 = arith.addf %add3A_2068, %mul3A_2069 : vector<16xf32>
      %mul3A_2071 = arith.mulf %get3A_2062, %get3A_2062 : vector<16xf32>
      %add3A_2072 = arith.addf %add3A_2070, %mul3A_2071 : vector<16xf32>
      %get3A_2073 = arith.index_cast %add3A_2036 : i32 to index
      %get3A_2074 = arith.constant 32 : index
      %get3A_2075 = tpu.vector_load %arg12[%get3A_2073, %get3A_2074] {strides = array<i32>} : memref<128x128xf32, #tpu.memory_space<vmem>>, vector<16xf32>,
      %get3A_2076 = arith.index_cast %add3A_2036 : i32 to index
      %get3A_2077 = arith.constant 32 : index
      %get3A_2078 = tpu.vector_load %arg13[%get3A_2076, %get3A_2077] {strides = array<i32>} : memref<128x128xf32, #tpu.memory_space<vmem>>, vector<16xf32>,
      %get3A_2079 = arith.index_cast %add3A_2036 : i32 to index
      %get3A_2080 = arith.constant 32 : index
      %get3A_2081 = tpu.vector_load %arg14[%get3A_2079, %get3A_2080] {strides = array<i32>} : memref<128x128xf32, #tpu.memory_space<vmem>>, vector<16xf32>,
      %mul3A_2082 = arith.mulf %get3A_2075, %get3A_2078 : vector<16xf32>
      %add3A_2083 = arith.addf %add3A_2064, %mul3A_2082 : vector<16xf32>
      %mul3A_2084 = arith.mulf %get3A_2075, %get3A_2081 : vector<16xf32>
      %add3A_2085 = arith.addf %add3A_2066, %mul3A_2084 : vector<16xf32>
      %mul3A_2086 = arith.mulf %get3A_2075, %get3A_2075 : vector<16xf32>
      %add3A_2087 = arith.addf %add3A_2072, %mul3A_2086 : vector<16xf32>
      %mul3A_2088 = arith.mulf %get3A_2078, %get3A_2078 : vector<16xf32>
      %add3A_2089 = arith.addf %add3A_2087, %mul3A_2088 : vector<16xf32>
      %mul3A_2090 = arith.mulf %get3A_2081, %get3A_2081 : vector<16xf32>
      %add3A_2091 = arith.addf %add3A_2089, %mul3A_2090 : vector<16xf32>
      %get3A_2092 = arith.index_cast %add3A_2036 : i32 to index
      %get3A_2093 = arith.constant 48 : index
      %get3A_2094 = tpu.vector_load %arg12[%get3A_2092, %get3A_2093] {strides = array<i32>} : memref<128x128xf32, #tpu.memory_space<vmem>>, vector<16xf32>,
      %get3A_2095 = arith.index_cast %add3A_2036 : i32 to index
      %get3A_2096 = arith.constant 48 : index
      %get3A_2097 = tpu.vector_load %arg13[%get3A_2095, %get3A_2096] {strides = array<i32>} : memref<128x128xf32, #tpu.memory_space<vmem>>, vector<16xf32>,
      %get3A_2098 = arith.index_cast %add3A_2036 : i32 to index
      %get3A_2099 = arith.constant 48 : index
      %get3A_2100 = tpu.vector_load %arg14[%get3A_2098, %get3A_2099] {strides = array<i32>} : memref<128x128xf32, #tpu.memory_space<vmem>>, vector<16xf32>,
      %mul3A_2101 = arith.mulf %get3A_2094, %get3A_2097 : vector<16xf32>
      %add3A_2102 = arith.addf %add3A_2083, %mul3A_2101 : vector<16xf32>
      %mul3A_2103 = arith.mulf %get3A_2094, %get3A_2100 : vector<16xf32>
      %add3A_2104 = arith.addf %add3A_2085, %mul3A_2103 : vector<16xf32>
      %mul3A_2105 = arith.mulf %get3A_2094, %get3A_2094 : vector<16xf32>
      %add3A_2106 = arith.addf %add3A_2091, %mul3A_2105 : vector<16xf32>
      %mul3A_2107 = arith.mulf %get3A_2097, %get3A_2097 : vector<16xf32>
      %add3A_2108 = arith.addf %add3A_2106, %mul3A_2107 : vector<16xf32>
      %mul3A_2109 = arith.mulf %get3A_2100, %get3A_2100 : vector<16xf32>
      %add3A_2110 = arith.addf %add3A_2108, %mul3A_2109 : vector<16xf32>
      %broadcast_in_dim3A_2111 = arith.constant 12 : i32
      %broadcast_in_dim3A_2112 = vector.broadcast %broadcast_in_dim3A_2111 : i32 to vector<16xi32>
      tpu.vector_store_idx %arg16[%iota3A, %broadcast_in_dim3A_2112], %add3A_2102 : memref<16x16xf32, #tpu.memory_space<vmem>>[vector<16xi32>, vector<16xi32>], vector<16xf32>,
      tpu.vector_store_idx %arg17[%iota3A, %broadcast_in_dim3A_2112], %add3A_2104 : memref<16x16xf32, #tpu.memory_space<vmem>>[vector<16xi32>, vector<16xi32>], vector<16xf32>,
      %add3A_2113 = arith.constant 13 : i32
      %add3A_2114 = arith.addi %add3A_1098, %add3A_2113 : i32
      %get3A_2115 = arith.index_cast %add3A_2114 : i32 to index
      %get3A_2116 = arith.constant 0 : index
      %get3A_2117 = tpu.vector_load %arg12[%get3A_2115, %get3A_2116] {strides = array<i32>} : memref<128x128xf32, #tpu.memory_space<vmem>>, vector<16xf32>,
      %get3A_2118 = arith.index_cast %add3A_2114 : i32 to index
      %get3A_2119 = arith.constant 0 : index
      %get3A_2120 = tpu.vector_load %arg13[%get3A_2118, %get3A_2119] {strides = array<i32>} : memref<128x128xf32, #tpu.memory_space<vmem>>, vector<16xf32>,
      %get3A_2121 = arith.index_cast %add3A_2114 : i32 to index
      %get3A_2122 = arith.constant 0 : index
      %get3A_2123 = tpu.vector_load %arg14[%get3A_2121, %get3A_2122] {strides = array<i32>} : memref<128x128xf32, #tpu.memory_space<vmem>>, vector<16xf32>,
      %mul3A_2124 = arith.mulf %get3A_2117, %get3A_2120 : vector<16xf32>
      %mul3A_2125 = arith.mulf %get3A_2117, %get3A_2123 : vector<16xf32>
      %mul3A_2126 = arith.mulf %get3A_2117, %get3A_2117 : vector<16xf32>
      %add3A_2127 = arith.addf %add3A_2110, %mul3A_2126 : vector<16xf32>
      %mul3A_2128 = arith.mulf %get3A_2120, %get3A_2120 : vector<16xf32>
      %add3A_2129 = arith.addf %add3A_2127, %mul3A_2128 : vector<16xf32>
      %mul3A_2130 = arith.mulf %get3A_2123, %get3A_2123 : vector<16xf32>
      %add3A_2131 = arith.addf %add3A_2129, %mul3A_2130 : vector<16xf32>
      %get3A_2132 = arith.index_cast %add3A_2114 : i32 to index
      %get3A_2133 = arith.constant 16 : index
      %get3A_2134 = tpu.vector_load %arg12[%get3A_2132, %get3A_2133] {strides = array<i32>} : memref<128x128xf32, #tpu.memory_space<vmem>>, vector<16xf32>,
      %get3A_2135 = arith.index_cast %add3A_2114 : i32 to index
      %get3A_2136 = arith.constant 16 : index
      %get3A_2137 = tpu.vector_load %arg13[%get3A_2135, %get3A_2136] {strides = array<i32>} : memref<128x128xf32, #tpu.memory_space<vmem>>, vector<16xf32>,
      %get3A_2138 = arith.index_cast %add3A_2114 : i32 to index
      %get3A_2139 = arith.constant 16 : index
      %get3A_2140 = tpu.vector_load %arg14[%get3A_2138, %get3A_2139] {strides = array<i32>} : memref<128x128xf32, #tpu.memory_space<vmem>>, vector<16xf32>,
      %mul3A_2141 = arith.mulf %get3A_2134, %get3A_2137 : vector<16xf32>
      %add3A_2142 = arith.addf %mul3A_2124, %mul3A_2141 : vector<16xf32>
      %mul3A_2143 = arith.mulf %get3A_2134, %get3A_2140 : vector<16xf32>
      %add3A_2144 = arith.addf %mul3A_2125, %mul3A_2143 : vector<16xf32>
      %mul3A_2145 = arith.mulf %get3A_2134, %get3A_2134 : vector<16xf32>
      %add3A_2146 = arith.addf %add3A_2131, %mul3A_2145 : vector<16xf32>
      %mul3A_2147 = arith.mulf %get3A_2137, %get3A_2137 : vector<16xf32>
      %add3A_2148 = arith.addf %add3A_2146, %mul3A_2147 : vector<16xf32>
      %mul3A_2149 = arith.mulf %get3A_2140, %get3A_2140 : vector<16xf32>
      %add3A_2150 = arith.addf %add3A_2148, %mul3A_2149 : vector<16xf32>
      %get3A_2151 = arith.index_cast %add3A_2114 : i32 to index
      %get3A_2152 = arith.constant 32 : index
      %get3A_2153 = tpu.vector_load %arg12[%get3A_2151, %get3A_2152] {strides = array<i32>} : memref<128x128xf32, #tpu.memory_space<vmem>>, vector<16xf32>,
      %get3A_2154 = arith.index_cast %add3A_2114 : i32 to index
      %get3A_2155 = arith.constant 32 : index
      %get3A_2156 = tpu.vector_load %arg13[%get3A_2154, %get3A_2155] {strides = array<i32>} : memref<128x128xf32, #tpu.memory_space<vmem>>, vector<16xf32>,
      %get3A_2157 = arith.index_cast %add3A_2114 : i32 to index
      %get3A_2158 = arith.constant 32 : index
      %get3A_2159 = tpu.vector_load %arg14[%get3A_2157, %get3A_2158] {strides = array<i32>} : memref<128x128xf32, #tpu.memory_space<vmem>>, vector<16xf32>,
      %mul3A_2160 = arith.mulf %get3A_2153, %get3A_2156 : vector<16xf32>
      %add3A_2161 = arith.addf %add3A_2142, %mul3A_2160 : vector<16xf32>
      %mul3A_2162 = arith.mulf %get3A_2153, %get3A_2159 : vector<16xf32>
      %add3A_2163 = arith.addf %add3A_2144, %mul3A_2162 : vector<16xf32>
      %mul3A_2164 = arith.mulf %get3A_2153, %get3A_2153 : vector<16xf32>
      %add3A_2165 = arith.addf %add3A_2150, %mul3A_2164 : vector<16xf32>
      %mul3A_2166 = arith.mulf %get3A_2156, %get3A_2156 : vector<16xf32>
      %add3A_2167 = arith.addf %add3A_2165, %mul3A_2166 : vector<16xf32>
      %mul3A_2168 = arith.mulf %get3A_2159, %get3A_2159 : vector<16xf32>
      %add3A_2169 = arith.addf %add3A_2167, %mul3A_2168 : vector<16xf32>
      %get3A_2170 = arith.index_cast %add3A_2114 : i32 to index
      %get3A_2171 = arith.constant 48 : index
      %get3A_2172 = tpu.vector_load %arg12[%get3A_2170, %get3A_2171] {strides = array<i32>} : memref<128x128xf32, #tpu.memory_space<vmem>>, vector<16xf32>,
      %get3A_2173 = arith.index_cast %add3A_2114 : i32 to index
      %get3A_2174 = arith.constant 48 : index
      %get3A_2175 = tpu.vector_load %arg13[%get3A_2173, %get3A_2174] {strides = array<i32>} : memref<128x128xf32, #tpu.memory_space<vmem>>, vector<16xf32>,
      %get3A_2176 = arith.index_cast %add3A_2114 : i32 to index
      %get3A_2177 = arith.constant 48 : index
      %get3A_2178 = tpu.vector_load %arg14[%get3A_2176, %get3A_2177] {strides = array<i32>} : memref<128x128xf32, #tpu.memory_space<vmem>>, vector<16xf32>,
      %mul3A_2179 = arith.mulf %get3A_2172, %get3A_2175 : vector<16xf32>
      %add3A_2180 = arith.addf %add3A_2161, %mul3A_2179 : vector<16xf32>
      %mul3A_2181 = arith.mulf %get3A_2172, %get3A_2178 : vector<16xf32>
      %add3A_2182 = arith.addf %add3A_2163, %mul3A_2181 : vector<16xf32>
      %mul3A_2183 = arith.mulf %get3A_2172, %get3A_2172 : vector<16xf32>
      %add3A_2184 = arith.addf %add3A_2169, %mul3A_2183 : vector<16xf32>
      %mul3A_2185 = arith.mulf %get3A_2175, %get3A_2175 : vector<16xf32>
      %add3A_2186 = arith.addf %add3A_2184, %mul3A_2185 : vector<16xf32>
      %mul3A_2187 = arith.mulf %get3A_2178, %get3A_2178 : vector<16xf32>
      %add3A_2188 = arith.addf %add3A_2186, %mul3A_2187 : vector<16xf32>
      %broadcast_in_dim3A_2189 = arith.constant 13 : i32
      %broadcast_in_dim3A_2190 = vector.broadcast %broadcast_in_dim3A_2189 : i32 to vector<16xi32>
      tpu.vector_store_idx %arg16[%iota3A, %broadcast_in_dim3A_2190], %add3A_2180 : memref<16x16xf32, #tpu.memory_space<vmem>>[vector<16xi32>, vector<16xi32>], vector<16xf32>,
      tpu.vector_store_idx %arg17[%iota3A, %broadcast_in_dim3A_2190], %add3A_2182 : memref<16x16xf32, #tpu.memory_space<vmem>>[vector<16xi32>, vector<16xi32>], vector<16xf32>,
      %add3A_2191 = arith.constant 14 : i32
      %add3A_2192 = arith.addi %add3A_1098, %add3A_2191 : i32
      %get3A_2193 = arith.index_cast %add3A_2192 : i32 to index
      %get3A_2194 = arith.constant 0 : index
      %get3A_2195 = tpu.vector_load %arg12[%get3A_2193, %get3A_2194] {strides = array<i32>} : memref<128x128xf32, #tpu.memory_space<vmem>>, vector<16xf32>,
      %get3A_2196 = arith.index_cast %add3A_2192 : i32 to index
      %get3A_2197 = arith.constant 0 : index
      %get3A_2198 = tpu.vector_load %arg13[%get3A_2196, %get3A_2197] {strides = array<i32>} : memref<128x128xf32, #tpu.memory_space<vmem>>, vector<16xf32>,
      %get3A_2199 = arith.index_cast %add3A_2192 : i32 to index
      %get3A_2200 = arith.constant 0 : index
      %get3A_2201 = tpu.vector_load %arg14[%get3A_2199, %get3A_2200] {strides = array<i32>} : memref<128x128xf32, #tpu.memory_space<vmem>>, vector<16xf32>,
      %mul3A_2202 = arith.mulf %get3A_2195, %get3A_2198 : vector<16xf32>
      %mul3A_2203 = arith.mulf %get3A_2195, %get3A_2201 : vector<16xf32>
      %mul3A_2204 = arith.mulf %get3A_2195, %get3A_2195 : vector<16xf32>
      %add3A_2205 = arith.addf %add3A_2188, %mul3A_2204 : vector<16xf32>
      %mul3A_2206 = arith.mulf %get3A_2198, %get3A_2198 : vector<16xf32>
      %add3A_2207 = arith.addf %add3A_2205, %mul3A_2206 : vector<16xf32>
      %mul3A_2208 = arith.mulf %get3A_2201, %get3A_2201 : vector<16xf32>
      %add3A_2209 = arith.addf %add3A_2207, %mul3A_2208 : vector<16xf32>
      %get3A_2210 = arith.index_cast %add3A_2192 : i32 to index
      %get3A_2211 = arith.constant 16 : index
      %get3A_2212 = tpu.vector_load %arg12[%get3A_2210, %get3A_2211] {strides = array<i32>} : memref<128x128xf32, #tpu.memory_space<vmem>>, vector<16xf32>,
      %get3A_2213 = arith.index_cast %add3A_2192 : i32 to index
      %get3A_2214 = arith.constant 16 : index
      %get3A_2215 = tpu.vector_load %arg13[%get3A_2213, %get3A_2214] {strides = array<i32>} : memref<128x128xf32, #tpu.memory_space<vmem>>, vector<16xf32>,
      %get3A_2216 = arith.index_cast %add3A_2192 : i32 to index
      %get3A_2217 = arith.constant 16 : index
      %get3A_2218 = tpu.vector_load %arg14[%get3A_2216, %get3A_2217] {strides = array<i32>} : memref<128x128xf32, #tpu.memory_space<vmem>>, vector<16xf32>,
      %mul3A_2219 = arith.mulf %get3A_2212, %get3A_2215 : vector<16xf32>
      %add3A_2220 = arith.addf %mul3A_2202, %mul3A_2219 : vector<16xf32>
      %mul3A_2221 = arith.mulf %get3A_2212, %get3A_2218 : vector<16xf32>
      %add3A_2222 = arith.addf %mul3A_2203, %mul3A_2221 : vector<16xf32>
      %mul3A_2223 = arith.mulf %get3A_2212, %get3A_2212 : vector<16xf32>
      %add3A_2224 = arith.addf %add3A_2209, %mul3A_2223 : vector<16xf32>
      %mul3A_2225 = arith.mulf %get3A_2215, %get3A_2215 : vector<16xf32>
      %add3A_2226 = arith.addf %add3A_2224, %mul3A_2225 : vector<16xf32>
      %mul3A_2227 = arith.mulf %get3A_2218, %get3A_2218 : vector<16xf32>
      %add3A_2228 = arith.addf %add3A_2226, %mul3A_2227 : vector<16xf32>
      %get3A_2229 = arith.index_cast %add3A_2192 : i32 to index
      %get3A_2230 = arith.constant 32 : index
      %get3A_2231 = tpu.vector_load %arg12[%get3A_2229, %get3A_2230] {strides = array<i32>} : memref<128x128xf32, #tpu.memory_space<vmem>>, vector<16xf32>,
      %get3A_2232 = arith.index_cast %add3A_2192 : i32 to index
      %get3A_2233 = arith.constant 32 : index
      %get3A_2234 = tpu.vector_load %arg13[%get3A_2232, %get3A_2233] {strides = array<i32>} : memref<128x128xf32, #tpu.memory_space<vmem>>, vector<16xf32>,
      %get3A_2235 = arith.index_cast %add3A_2192 : i32 to index
      %get3A_2236 = arith.constant 32 : index
      %get3A_2237 = tpu.vector_load %arg14[%get3A_2235, %get3A_2236] {strides = array<i32>} : memref<128x128xf32, #tpu.memory_space<vmem>>, vector<16xf32>,
      %mul3A_2238 = arith.mulf %get3A_2231, %get3A_2234 : vector<16xf32>
      %add3A_2239 = arith.addf %add3A_2220, %mul3A_2238 : vector<16xf32>
      %mul3A_2240 = arith.mulf %get3A_2231, %get3A_2237 : vector<16xf32>
      %add3A_2241 = arith.addf %add3A_2222, %mul3A_2240 : vector<16xf32>
      %mul3A_2242 = arith.mulf %get3A_2231, %get3A_2231 : vector<16xf32>
      %add3A_2243 = arith.addf %add3A_2228, %mul3A_2242 : vector<16xf32>
      %mul3A_2244 = arith.mulf %get3A_2234, %get3A_2234 : vector<16xf32>
      %add3A_2245 = arith.addf %add3A_2243, %mul3A_2244 : vector<16xf32>
      %mul3A_2246 = arith.mulf %get3A_2237, %get3A_2237 : vector<16xf32>
      %add3A_2247 = arith.addf %add3A_2245, %mul3A_2246 : vector<16xf32>
      %get3A_2248 = arith.index_cast %add3A_2192 : i32 to index
      %get3A_2249 = arith.constant 48 : index
      %get3A_2250 = tpu.vector_load %arg12[%get3A_2248, %get3A_2249] {strides = array<i32>} : memref<128x128xf32, #tpu.memory_space<vmem>>, vector<16xf32>,
      %get3A_2251 = arith.index_cast %add3A_2192 : i32 to index
      %get3A_2252 = arith.constant 48 : index
      %get3A_2253 = tpu.vector_load %arg13[%get3A_2251, %get3A_2252] {strides = array<i32>} : memref<128x128xf32, #tpu.memory_space<vmem>>, vector<16xf32>,
      %get3A_2254 = arith.index_cast %add3A_2192 : i32 to index
      %get3A_2255 = arith.constant 48 : index
      %get3A_2256 = tpu.vector_load %arg14[%get3A_2254, %get3A_2255] {strides = array<i32>} : memref<128x128xf32, #tpu.memory_space<vmem>>, vector<16xf32>,
      %mul3A_2257 = arith.mulf %get3A_2250, %get3A_2253 : vector<16xf32>
      %add3A_2258 = arith.addf %add3A_2239, %mul3A_2257 : vector<16xf32>
      %mul3A_2259 = arith.mulf %get3A_2250, %get3A_2256 : vector<16xf32>
      %add3A_2260 = arith.addf %add3A_2241, %mul3A_2259 : vector<16xf32>
      %mul3A_2261 = arith.mulf %get3A_2250, %get3A_2250 : vector<16xf32>
      %add3A_2262 = arith.addf %add3A_2247, %mul3A_2261 : vector<16xf32>
      %mul3A_2263 = arith.mulf %get3A_2253, %get3A_2253 : vector<16xf32>
      %add3A_2264 = arith.addf %add3A_2262, %mul3A_2263 : vector<16xf32>
      %mul3A_2265 = arith.mulf %get3A_2256, %get3A_2256 : vector<16xf32>
      %add3A_2266 = arith.addf %add3A_2264, %mul3A_2265 : vector<16xf32>
      %broadcast_in_dim3A_2267 = arith.constant 14 : i32
      %broadcast_in_dim3A_2268 = vector.broadcast %broadcast_in_dim3A_2267 : i32 to vector<16xi32>
      tpu.vector_store_idx %arg16[%iota3A, %broadcast_in_dim3A_2268], %add3A_2258 : memref<16x16xf32, #tpu.memory_space<vmem>>[vector<16xi32>, vector<16xi32>], vector<16xf32>,
      tpu.vector_store_idx %arg17[%iota3A, %broadcast_in_dim3A_2268], %add3A_2260 : memref<16x16xf32, #tpu.memory_space<vmem>>[vector<16xi32>, vector<16xi32>], vector<16xf32>,
      %add3A_2269 = arith.constant 15 : i32
      %add3A_2270 = arith.addi %add3A_1098, %add3A_2269 : i32
      %get3A_2271 = arith.index_cast %add3A_2270 : i32 to index
      %get3A_2272 = arith.constant 0 : index
      %get3A_2273 = tpu.vector_load %arg12[%get3A_2271, %get3A_2272] {strides = array<i32>} : memref<128x128xf32, #tpu.memory_space<vmem>>, vector<16xf32>,
      %get3A_2274 = arith.index_cast %add3A_2270 : i32 to index
      %get3A_2275 = arith.constant 0 : index
      %get3A_2276 = tpu.vector_load %arg13[%get3A_2274, %get3A_2275] {strides = array<i32>} : memref<128x128xf32, #tpu.memory_space<vmem>>, vector<16xf32>,
      %get3A_2277 = arith.index_cast %add3A_2270 : i32 to index
      %get3A_2278 = arith.constant 0 : index
      %get3A_2279 = tpu.vector_load %arg14[%get3A_2277, %get3A_2278] {strides = array<i32>} : memref<128x128xf32, #tpu.memory_space<vmem>>, vector<16xf32>,
      %mul3A_2280 = arith.mulf %get3A_2273, %get3A_2276 : vector<16xf32>
      %mul3A_2281 = arith.mulf %get3A_2273, %get3A_2279 : vector<16xf32>
      %mul3A_2282 = arith.mulf %get3A_2273, %get3A_2273 : vector<16xf32>
      %add3A_2283 = arith.addf %add3A_2266, %mul3A_2282 : vector<16xf32>
      %mul3A_2284 = arith.mulf %get3A_2276, %get3A_2276 : vector<16xf32>
      %add3A_2285 = arith.addf %add3A_2283, %mul3A_2284 : vector<16xf32>
      %mul3A_2286 = arith.mulf %get3A_2279, %get3A_2279 : vector<16xf32>
      %add3A_2287 = arith.addf %add3A_2285, %mul3A_2286 : vector<16xf32>
      %get3A_2288 = arith.index_cast %add3A_2270 : i32 to index
      %get3A_2289 = arith.constant 16 : index
      %get3A_2290 = tpu.vector_load %arg12[%get3A_2288, %get3A_2289] {strides = array<i32>} : memref<128x128xf32, #tpu.memory_space<vmem>>, vector<16xf32>,
      %get3A_2291 = arith.index_cast %add3A_2270 : i32 to index
      %get3A_2292 = arith.constant 16 : index
      %get3A_2293 = tpu.vector_load %arg13[%get3A_2291, %get3A_2292] {strides = array<i32>} : memref<128x128xf32, #tpu.memory_space<vmem>>, vector<16xf32>,
      %get3A_2294 = arith.index_cast %add3A_2270 : i32 to index
      %get3A_2295 = arith.constant 16 : index
      %get3A_2296 = tpu.vector_load %arg14[%get3A_2294, %get3A_2295] {strides = array<i32>} : memref<128x128xf32, #tpu.memory_space<vmem>>, vector<16xf32>,
      %mul3A_2297 = arith.mulf %get3A_2290, %get3A_2293 : vector<16xf32>
      %add3A_2298 = arith.addf %mul3A_2280, %mul3A_2297 : vector<16xf32>
      %mul3A_2299 = arith.mulf %get3A_2290, %get3A_2296 : vector<16xf32>
      %add3A_2300 = arith.addf %mul3A_2281, %mul3A_2299 : vector<16xf32>
      %mul3A_2301 = arith.mulf %get3A_2290, %get3A_2290 : vector<16xf32>
      %add3A_2302 = arith.addf %add3A_2287, %mul3A_2301 : vector<16xf32>
      %mul3A_2303 = arith.mulf %get3A_2293, %get3A_2293 : vector<16xf32>
      %add3A_2304 = arith.addf %add3A_2302, %mul3A_2303 : vector<16xf32>
      %mul3A_2305 = arith.mulf %get3A_2296, %get3A_2296 : vector<16xf32>
      %add3A_2306 = arith.addf %add3A_2304, %mul3A_2305 : vector<16xf32>
      %get3A_2307 = arith.index_cast %add3A_2270 : i32 to index
      %get3A_2308 = arith.constant 32 : index
      %get3A_2309 = tpu.vector_load %arg12[%get3A_2307, %get3A_2308] {strides = array<i32>} : memref<128x128xf32, #tpu.memory_space<vmem>>, vector<16xf32>,
      %get3A_2310 = arith.index_cast %add3A_2270 : i32 to index
      %get3A_2311 = arith.constant 32 : index
      %get3A_2312 = tpu.vector_load %arg13[%get3A_2310, %get3A_2311] {strides = array<i32>} : memref<128x128xf32, #tpu.memory_space<vmem>>, vector<16xf32>,
      %get3A_2313 = arith.index_cast %add3A_2270 : i32 to index
      %get3A_2314 = arith.constant 32 : index
      %get3A_2315 = tpu.vector_load %arg14[%get3A_2313, %get3A_2314] {strides = array<i32>} : memref<128x128xf32, #tpu.memory_space<vmem>>, vector<16xf32>,
      %mul3A_2316 = arith.mulf %get3A_2309, %get3A_2312 : vector<16xf32>
      %add3A_2317 = arith.addf %add3A_2298, %mul3A_2316 : vector<16xf32>
      %mul3A_2318 = arith.mulf %get3A_2309, %get3A_2315 : vector<16xf32>
      %add3A_2319 = arith.addf %add3A_2300, %mul3A_2318 : vector<16xf32>
      %mul3A_2320 = arith.mulf %get3A_2309, %get3A_2309 : vector<16xf32>
      %add3A_2321 = arith.addf %add3A_2306, %mul3A_2320 : vector<16xf32>
      %mul3A_2322 = arith.mulf %get3A_2312, %get3A_2312 : vector<16xf32>
      %add3A_2323 = arith.addf %add3A_2321, %mul3A_2322 : vector<16xf32>
      %mul3A_2324 = arith.mulf %get3A_2315, %get3A_2315 : vector<16xf32>
      %add3A_2325 = arith.addf %add3A_2323, %mul3A_2324 : vector<16xf32>
      %get3A_2326 = arith.index_cast %add3A_2270 : i32 to index
      %get3A_2327 = arith.constant 48 : index
      %get3A_2328 = tpu.vector_load %arg12[%get3A_2326, %get3A_2327] {strides = array<i32>} : memref<128x128xf32, #tpu.memory_space<vmem>>, vector<16xf32>,
      %get3A_2329 = arith.index_cast %add3A_2270 : i32 to index
      %get3A_2330 = arith.constant 48 : index
      %get3A_2331 = tpu.vector_load %arg13[%get3A_2329, %get3A_2330] {strides = array<i32>} : memref<128x128xf32, #tpu.memory_space<vmem>>, vector<16xf32>,
      %get3A_2332 = arith.index_cast %add3A_2270 : i32 to index
      %get3A_2333 = arith.constant 48 : index
      %get3A_2334 = tpu.vector_load %arg14[%get3A_2332, %get3A_2333] {strides = array<i32>} : memref<128x128xf32, #tpu.memory_space<vmem>>, vector<16xf32>,
      %mul3A_2335 = arith.mulf %get3A_2328, %get3A_2331 : vector<16xf32>
      %add3A_2336 = arith.addf %add3A_2317, %mul3A_2335 : vector<16xf32>
      %mul3A_2337 = arith.mulf %get3A_2328, %get3A_2334 : vector<16xf32>
      %add3A_2338 = arith.addf %add3A_2319, %mul3A_2337 : vector<16xf32>
      %mul3A_2339 = arith.mulf %get3A_2328, %get3A_2328 : vector<16xf32>
      %add3A_2340 = arith.addf %add3A_2325, %mul3A_2339 : vector<16xf32>
      %mul3A_2341 = arith.mulf %get3A_2331, %get3A_2331 : vector<16xf32>
      %add3A_2342 = arith.addf %add3A_2340, %mul3A_2341 : vector<16xf32>
      %mul3A_2343 = arith.mulf %get3A_2334, %get3A_2334 : vector<16xf32>
      %add3A_2344 = arith.addf %add3A_2342, %mul3A_2343 : vector<16xf32>
      %broadcast_in_dim3A_2345 = arith.constant 15 : i32
      %broadcast_in_dim3A_2346 = vector.broadcast %broadcast_in_dim3A_2345 : i32 to vector<16xi32>
      tpu.vector_store_idx %arg16[%iota3A, %broadcast_in_dim3A_2346], %add3A_2336 : memref<16x16xf32, #tpu.memory_space<vmem>>[vector<16xi32>, vector<16xi32>], vector<16xf32>,
      tpu.vector_store_idx %arg17[%iota3A, %broadcast_in_dim3A_2346], %add3A_2338 : memref<16x16xf32, #tpu.memory_space<vmem>>[vector<16xi32>, vector<16xi32>], vector<16xf32>,
      %get3A_2347 = arith.constant 0 : i32
      %get3A_2348 = arith.index_cast %get3A_2347 : i32 to index
      %get3A_2349 = arith.constant 0 : index
      %get3A_2350 = tpu.vector_load %arg16[%get3A_2348, %get3A_2349] {strides = array<i32>} : memref<16x16xf32, #tpu.memory_space<vmem>>, vector<16xf32>,
      %get3A_2351 = arith.constant 1 : i32
      %get3A_2352 = arith.index_cast %get3A_2351 : i32 to index
      %get3A_2353 = arith.constant 0 : index
      %get3A_2354 = tpu.vector_load %arg16[%get3A_2352, %get3A_2353] {strides = array<i32>} : memref<16x16xf32, #tpu.memory_space<vmem>>, vector<16xf32>,
      %get3A_2355 = arith.constant 2 : i32
      %get3A_2356 = arith.index_cast %get3A_2355 : i32 to index
      %get3A_2357 = arith.constant 0 : index
      %get3A_2358 = tpu.vector_load %arg16[%get3A_2356, %get3A_2357] {strides = array<i32>} : memref<16x16xf32, #tpu.memory_space<vmem>>, vector<16xf32>,
      %get3A_2359 = arith.constant 3 : i32
      %get3A_2360 = arith.index_cast %get3A_2359 : i32 to index
      %get3A_2361 = arith.constant 0 : index
      %get3A_2362 = tpu.vector_load %arg16[%get3A_2360, %get3A_2361] {strides = array<i32>} : memref<16x16xf32, #tpu.memory_space<vmem>>, vector<16xf32>,
      %get3A_2363 = arith.constant 4 : i32
      %get3A_2364 = arith.index_cast %get3A_2363 : i32 to index
      %get3A_2365 = arith.constant 0 : index
      %get3A_2366 = tpu.vector_load %arg16[%get3A_2364, %get3A_2365] {strides = array<i32>} : memref<16x16xf32, #tpu.memory_space<vmem>>, vector<16xf32>,
      %get3A_2367 = arith.constant 5 : i32
      %get3A_2368 = arith.index_cast %get3A_2367 : i32 to index
      %get3A_2369 = arith.constant 0 : index
      %get3A_2370 = tpu.vector_load %arg16[%get3A_2368, %get3A_2369] {strides = array<i32>} : memref<16x16xf32, #tpu.memory_space<vmem>>, vector<16xf32>,
      %get3A_2371 = arith.constant 6 : i32
      %get3A_2372 = arith.index_cast %get3A_2371 : i32 to index
      %get3A_2373 = arith.constant 0 : index
      %get3A_2374 = tpu.vector_load %arg16[%get3A_2372, %get3A_2373] {strides = array<i32>} : memref<16x16xf32, #tpu.memory_space<vmem>>, vector<16xf32>,
      %get3A_2375 = arith.constant 7 : i32
      %get3A_2376 = arith.index_cast %get3A_2375 : i32 to index
      %get3A_2377 = arith.constant 0 : index
      %get3A_2378 = tpu.vector_load %arg16[%get3A_2376, %get3A_2377] {strides = array<i32>} : memref<16x16xf32, #tpu.memory_space<vmem>>, vector<16xf32>,
      %get3A_2379 = arith.constant 8 : i32
      %get3A_2380 = arith.index_cast %get3A_2379 : i32 to index
      %get3A_2381 = arith.constant 0 : index
      %get3A_2382 = tpu.vector_load %arg16[%get3A_2380, %get3A_2381] {strides = array<i32>} : memref<16x16xf32, #tpu.memory_space<vmem>>, vector<16xf32>,
      %get3A_2383 = arith.constant 9 : i32
      %get3A_2384 = arith.index_cast %get3A_2383 : i32 to index
      %get3A_2385 = arith.constant 0 : index
      %get3A_2386 = tpu.vector_load %arg16[%get3A_2384, %get3A_2385] {strides = array<i32>} : memref<16x16xf32, #tpu.memory_space<vmem>>, vector<16xf32>,
      %get3A_2387 = arith.constant 10 : i32
      %get3A_2388 = arith.index_cast %get3A_2387 : i32 to index
      %get3A_2389 = arith.constant 0 : index
      %get3A_2390 = tpu.vector_load %arg16[%get3A_2388, %get3A_2389] {strides = array<i32>} : memref<16x16xf32, #tpu.memory_space<vmem>>, vector<16xf32>,
      %get3A_2391 = arith.constant 11 : i32
      %get3A_2392 = arith.index_cast %get3A_2391 : i32 to index
      %get3A_2393 = arith.constant 0 : index
      %get3A_2394 = tpu.vector_load %arg16[%get3A_2392, %get3A_2393] {strides = array<i32>} : memref<16x16xf32, #tpu.memory_space<vmem>>, vector<16xf32>,
      %get3A_2395 = arith.constant 12 : i32
      %get3A_2396 = arith.index_cast %get3A_2395 : i32 to index
      %get3A_2397 = arith.constant 0 : index
      %get3A_2398 = tpu.vector_load %arg16[%get3A_2396, %get3A_2397] {strides = array<i32>} : memref<16x16xf32, #tpu.memory_space<vmem>>, vector<16xf32>,
      %get3A_2399 = arith.constant 13 : i32
      %get3A_2400 = arith.index_cast %get3A_2399 : i32 to index
      %get3A_2401 = arith.constant 0 : index
      %get3A_2402 = tpu.vector_load %arg16[%get3A_2400, %get3A_2401] {strides = array<i32>} : memref<16x16xf32, #tpu.memory_space<vmem>>, vector<16xf32>,
      %get3A_2403 = arith.constant 14 : i32
      %get3A_2404 = arith.index_cast %get3A_2403 : i32 to index
      %get3A_2405 = arith.constant 0 : index
      %get3A_2406 = tpu.vector_load %arg16[%get3A_2404, %get3A_2405] {strides = array<i32>} : memref<16x16xf32, #tpu.memory_space<vmem>>, vector<16xf32>,
      %get3A_2407 = arith.constant 15 : i32
      %get3A_2408 = arith.index_cast %get3A_2407 : i32 to index
      %get3A_2409 = arith.constant 0 : index
      %get3A_2410 = tpu.vector_load %arg16[%get3A_2408, %get3A_2409] {strides = array<i32>} : memref<16x16xf32, #tpu.memory_space<vmem>>, vector<16xf32>,
      %add3A_2411 = arith.addf %get3A_2350, %get3A_2354 : vector<16xf32>
      %add3A_2412 = arith.addf %get3A_2358, %get3A_2362 : vector<16xf32>
      %add3A_2413 = arith.addf %get3A_2366, %get3A_2370 : vector<16xf32>
      %add3A_2414 = arith.addf %get3A_2374, %get3A_2378 : vector<16xf32>
      %add3A_2415 = arith.addf %get3A_2382, %get3A_2386 : vector<16xf32>
      %add3A_2416 = arith.addf %get3A_2390, %get3A_2394 : vector<16xf32>
      %add3A_2417 = arith.addf %get3A_2398, %get3A_2402 : vector<16xf32>
      %add3A_2418 = arith.addf %get3A_2406, %get3A_2410 : vector<16xf32>
      %add3A_2419 = arith.addf %add3A_2411, %add3A_2412 : vector<16xf32>
      %add3A_2420 = arith.addf %add3A_2413, %add3A_2414 : vector<16xf32>
      %add3A_2421 = arith.addf %add3A_2415, %add3A_2416 : vector<16xf32>
      %add3A_2422 = arith.addf %add3A_2417, %add3A_2418 : vector<16xf32>
      %add3A_2423 = arith.addf %add3A_2419, %add3A_2420 : vector<16xf32>
      %add3A_2424 = arith.addf %add3A_2421, %add3A_2422 : vector<16xf32>
      %add3A_2425 = arith.addf %add3A_2423, %add3A_2424 : vector<16xf32>
      %get3A_2426 = arith.constant 0 : i32
      %get3A_2427 = arith.index_cast %get3A_2426 : i32 to index
      %get3A_2428 = arith.constant 0 : index
      %get3A_2429 = tpu.vector_load %arg17[%get3A_2427, %get3A_2428] {strides = array<i32>} : memref<16x16xf32, #tpu.memory_space<vmem>>, vector<16xf32>,
      %get3A_2430 = arith.constant 1 : i32
      %get3A_2431 = arith.index_cast %get3A_2430 : i32 to index
      %get3A_2432 = arith.constant 0 : index
      %get3A_2433 = tpu.vector_load %arg17[%get3A_2431, %get3A_2432] {strides = array<i32>} : memref<16x16xf32, #tpu.memory_space<vmem>>, vector<16xf32>,
      %get3A_2434 = arith.constant 2 : i32
      %get3A_2435 = arith.index_cast %get3A_2434 : i32 to index
      %get3A_2436 = arith.constant 0 : index
      %get3A_2437 = tpu.vector_load %arg17[%get3A_2435, %get3A_2436] {strides = array<i32>} : memref<16x16xf32, #tpu.memory_space<vmem>>, vector<16xf32>,
      %get3A_2438 = arith.constant 3 : i32
      %get3A_2439 = arith.index_cast %get3A_2438 : i32 to index
      %get3A_2440 = arith.constant 0 : index
      %get3A_2441 = tpu.vector_load %arg17[%get3A_2439, %get3A_2440] {strides = array<i32>} : memref<16x16xf32, #tpu.memory_space<vmem>>, vector<16xf32>,
      %get3A_2442 = arith.constant 4 : i32
      %get3A_2443 = arith.index_cast %get3A_2442 : i32 to index
      %get3A_2444 = arith.constant 0 : index
      %get3A_2445 = tpu.vector_load %arg17[%get3A_2443, %get3A_2444] {strides = array<i32>} : memref<16x16xf32, #tpu.memory_space<vmem>>, vector<16xf32>,
      %get3A_2446 = arith.constant 5 : i32
      %get3A_2447 = arith.index_cast %get3A_2446 : i32 to index
      %get3A_2448 = arith.constant 0 : index
      %get3A_2449 = tpu.vector_load %arg17[%get3A_2447, %get3A_2448] {strides = array<i32>} : memref<16x16xf32, #tpu.memory_space<vmem>>, vector<16xf32>,
      %get3A_2450 = arith.constant 6 : i32
      %get3A_2451 = arith.index_cast %get3A_2450 : i32 to index
      %get3A_2452 = arith.constant 0 : index
      %get3A_2453 = tpu.vector_load %arg17[%get3A_2451, %get3A_2452] {strides = array<i32>} : memref<16x16xf32, #tpu.memory_space<vmem>>, vector<16xf32>,
      %get3A_2454 = arith.constant 7 : i32
      %get3A_2455 = arith.index_cast %get3A_2454 : i32 to index
      %get3A_2456 = arith.constant 0 : index
      %get3A_2457 = tpu.vector_load %arg17[%get3A_2455, %get3A_2456] {strides = array<i32>} : memref<16x16xf32, #tpu.memory_space<vmem>>, vector<16xf32>,
      %get3A_2458 = arith.constant 8 : i32
      %get3A_2459 = arith.index_cast %get3A_2458 : i32 to index
      %get3A_2460 = arith.constant 0 : index
      %get3A_2461 = tpu.vector_load %arg17[%get3A_2459, %get3A_2460] {strides = array<i32>} : memref<16x16xf32, #tpu.memory_space<vmem>>, vector<16xf32>,
      %get3A_2462 = arith.constant 9 : i32
      %get3A_2463 = arith.index_cast %get3A_2462 : i32 to index
      %get3A_2464 = arith.constant 0 : index
      %get3A_2465 = tpu.vector_load %arg17[%get3A_2463, %get3A_2464] {strides = array<i32>} : memref<16x16xf32, #tpu.memory_space<vmem>>, vector<16xf32>,
      %get3A_2466 = arith.constant 10 : i32
      %get3A_2467 = arith.index_cast %get3A_2466 : i32 to index
      %get3A_2468 = arith.constant 0 : index
      %get3A_2469 = tpu.vector_load %arg17[%get3A_2467, %get3A_2468] {strides = array<i32>} : memref<16x16xf32, #tpu.memory_space<vmem>>, vector<16xf32>,
      %get3A_2470 = arith.constant 11 : i32
      %get3A_2471 = arith.index_cast %get3A_2470 : i32 to index
      %get3A_2472 = arith.constant 0 : index
      %get3A_2473 = tpu.vector_load %arg17[%get3A_2471, %get3A_2472] {strides = array<i32>} : memref<16x16xf32, #tpu.memory_space<vmem>>, vector<16xf32>,
      %get3A_2474 = arith.constant 12 : i32
      %get3A_2475 = arith.index_cast %get3A_2474 : i32 to index
      %get3A_2476 = arith.constant 0 : index
      %get3A_2477 = tpu.vector_load %arg17[%get3A_2475, %get3A_2476] {strides = array<i32>} : memref<16x16xf32, #tpu.memory_space<vmem>>, vector<16xf32>,
      %get3A_2478 = arith.constant 13 : i32
      %get3A_2479 = arith.index_cast %get3A_2478 : i32 to index
      %get3A_2480 = arith.constant 0 : index
      %get3A_2481 = tpu.vector_load %arg17[%get3A_2479, %get3A_2480] {strides = array<i32>} : memref<16x16xf32, #tpu.memory_space<vmem>>, vector<16xf32>,
      %get3A_2482 = arith.constant 14 : i32
      %get3A_2483 = arith.index_cast %get3A_2482 : i32 to index
      %get3A_2484 = arith.constant 0 : index
      %get3A_2485 = tpu.vector_load %arg17[%get3A_2483, %get3A_2484] {strides = array<i32>} : memref<16x16xf32, #tpu.memory_space<vmem>>, vector<16xf32>,
      %get3A_2486 = arith.constant 15 : i32
      %get3A_2487 = arith.index_cast %get3A_2486 : i32 to index
      %get3A_2488 = arith.constant 0 : index
      %get3A_2489 = tpu.vector_load %arg17[%get3A_2487, %get3A_2488] {strides = array<i32>} : memref<16x16xf32, #tpu.memory_space<vmem>>, vector<16xf32>,
      %add3A_2490 = arith.addf %get3A_2429, %get3A_2433 : vector<16xf32>
      %add3A_2491 = arith.addf %get3A_2437, %get3A_2441 : vector<16xf32>
      %add3A_2492 = arith.addf %get3A_2445, %get3A_2449 : vector<16xf32>
      %add3A_2493 = arith.addf %get3A_2453, %get3A_2457 : vector<16xf32>
      %add3A_2494 = arith.addf %get3A_2461, %get3A_2465 : vector<16xf32>
      %add3A_2495 = arith.addf %get3A_2469, %get3A_2473 : vector<16xf32>
      %add3A_2496 = arith.addf %get3A_2477, %get3A_2481 : vector<16xf32>
      %add3A_2497 = arith.addf %get3A_2485, %get3A_2489 : vector<16xf32>
      %add3A_2498 = arith.addf %add3A_2490, %add3A_2491 : vector<16xf32>
      %add3A_2499 = arith.addf %add3A_2492, %add3A_2493 : vector<16xf32>
      %add3A_2500 = arith.addf %add3A_2494, %add3A_2495 : vector<16xf32>
      %add3A_2501 = arith.addf %add3A_2496, %add3A_2497 : vector<16xf32>
      %add3A_2502 = arith.addf %add3A_2498, %add3A_2499 : vector<16xf32>
      %add3A_2503 = arith.addf %add3A_2500, %add3A_2501 : vector<16xf32>
      %add3A_2504 = arith.addf %add3A_2502, %add3A_2503 : vector<16xf32>
      %neg3A = arith.constant 0.000000e+00 : f32
      %neg3A_2505 = vector.broadcast %neg3A : f32 to vector<16xf32>
      %neg3A_2506 = arith.subf %neg3A_2505, %add3A_2425 : vector<16xf32>
      %exp3A = math.exp %neg3A_2506 : vector<16xf32>
      %add3A_2507 = arith.constant 1.000000e+00 : f32
      %add3A_2508 = vector.broadcast %add3A_2507 : f32 to vector<16xf32>
      %add3A_2509 = arith.addf %add3A_2508, %exp3A : vector<16xf32>
      %div3A = arith.constant 1.000000e+00 : f32
      %div3A_2510 = vector.broadcast %div3A : f32 to vector<16xf32>
      %div3A_2511 = arith.divf %div3A_2510, %add3A_2509 : vector<16xf32>
      %neg3A_2512 = arith.constant 0.000000e+00 : f32
      %neg3A_2513 = vector.broadcast %neg3A_2512 : f32 to vector<16xf32>
      %neg3A_2514 = arith.subf %neg3A_2513, %add3A_2504 : vector<16xf32>
      %exp3A_2515 = math.exp %neg3A_2514 : vector<16xf32>
      %add3A_2516 = arith.constant 1.000000e+00 : f32
      %add3A_2517 = vector.broadcast %add3A_2516 : f32 to vector<16xf32>
      %add3A_2518 = arith.addf %add3A_2517, %exp3A_2515 : vector<16xf32>
      %div3A_2519 = arith.constant 1.000000e+00 : f32
      %div3A_2520 = vector.broadcast %div3A_2519 : f32 to vector<16xf32>
      %div3A_2521 = arith.divf %div3A_2520, %add3A_2518 : vector<16xf32>
      %neg3A_2522 = arith.constant 0.000000e+00 : f32
      %neg3A_2523 = vector.broadcast %neg3A_2522 : f32 to vector<16xf32>
      %neg3A_2524 = arith.subf %neg3A_2523, %gather3A : vector<16xf32>
      %exp3A_2525 = math.exp %neg3A_2524 : vector<16xf32>
      %add3A_2526 = arith.constant 1.000000e+00 : f32
      %add3A_2527 = vector.broadcast %add3A_2526 : f32 to vector<16xf32>
      %add3A_2528 = arith.addf %add3A_2527, %exp3A_2525 : vector<16xf32>
      %div3A_2529 = arith.constant 1.000000e+00 : f32
      %div3A_2530 = vector.broadcast %div3A_2529 : f32 to vector<16xf32>
      %div3A_2531 = arith.divf %div3A_2530, %add3A_2528 : vector<16xf32>
      %neg3A_2532 = arith.constant 0.000000e+00 : f32
      %neg3A_2533 = vector.broadcast %neg3A_2532 : f32 to vector<16xf32>
      %neg3A_2534 = arith.subf %neg3A_2533, %gather3A_1069 : vector<16xf32>
      %exp3A_2535 = math.exp %neg3A_2534 : vector<16xf32>
      %add3A_2536 = arith.constant 1.000000e+00 : f32
      %add3A_2537 = vector.broadcast %add3A_2536 : f32 to vector<16xf32>
      %add3A_2538 = arith.addf %add3A_2537, %exp3A_2535 : vector<16xf32>
      %div3A_2539 = arith.constant 1.000000e+00 : f32
      %div3A_2540 = vector.broadcast %div3A_2539 : f32 to vector<16xf32>
      %div3A_2541 = arith.divf %div3A_2540, %add3A_2538 : vector<16xf32>
      %sub3A = arith.constant 1.000000e+00 : f32
      %sub3A_2542 = vector.broadcast %sub3A : f32 to vector<16xf32>
      %sub3A_2543 = arith.subf %div3A_2511, %sub3A_2542 : vector<16xf32>
      %mul3A_2544 = arith.mulf %sub3A_2543, %sub3A_2543 : vector<16xf32>
      %mul3A_2545 = arith.mulf %div3A_2531, %mul3A_2544 : vector<16xf32>
      %add3A_2546 = arith.addf %scan3A_993, %mul3A_2545 : vector<16xf32>
      %mul3A_2547 = arith.mulf %div3A_2521, %div3A_2521 : vector<16xf32>
      %mul3A_2548 = arith.mulf %div3A_2541, %mul3A_2547 : vector<16xf32>
      %add3A_2549 = arith.addf %add3A_2546, %mul3A_2548 : vector<16xf32>
      %sub3A_2550 = arith.constant 1.000000e+00 : f32
      %sub3A_2551 = vector.broadcast %sub3A_2550 : f32 to vector<16xf32>
      %sub3A_2552 = arith.subf %sub3A_2551, %div3A_2531 : vector<16xf32>
      %mul3A_2553 = vector.broadcast %scan3A : f32 to vector<16xf32>
      %mul3A_2554 = arith.mulf %sub3A_2552, %mul3A_2553 : vector<16xf32>
      %add3A_2555 = arith.addf %scan3A_994, %mul3A_2554 : vector<16xf32>
      %sub3A_2556 = arith.constant 1.000000e+00 : f32
      %sub3A_2557 = vector.broadcast %sub3A_2556 : f32 to vector<16xf32>
      %sub3A_2558 = arith.subf %sub3A_2557, %div3A_2541 : vector<16xf32>
      %mul3A_2559 = vector.broadcast %scan3A_973 : f32 to vector<16xf32>
      %mul3A_2560 = arith.mulf %sub3A_2558, %mul3A_2559 : vector<16xf32>
      %add3A_2561 = arith.addf %add3A_2555, %mul3A_2560 : vector<16xf32>
      scf.yield %add3A_2549, %add3A_2561, %add3A_2344 : vector<16xf32>, vector<16xf32>, vector<16xf32>
    }
    %scan3A_979 = arith.constant 32 : i32
    %mul3A_980 = arith.constant 3.05175781E-5 : f32
    %mul3A_981 = vector.broadcast %mul3A_980 : f32 to vector<16xf32>
    %mul3A_982 = arith.mulf %scan3A_978#0, %mul3A_981 : vector<16xf32>
    %mul3A_983 = arith.constant 3.05175786E-6 : f32
    %mul3A_984 = vector.broadcast %mul3A_983 : f32 to vector<16xf32>
    %mul3A_985 = arith.mulf %scan3A_978#1, %mul3A_984 : vector<16xf32>
    %add3A_986 = arith.addf %mul3A_982, %mul3A_985 : vector<16xf32>
    %mul3A_987 = arith.constant 3.05175774E-7 : f32
    %mul3A_988 = vector.broadcast %mul3A_987 : f32 to vector<16xf32>
    %mul3A_989 = arith.mulf %scan3A_978#2, %mul3A_988 : vector<16xf32>
    %add3A_990 = arith.addf %add3A_986, %mul3A_989 : vector<16xf32>
    %swap3A = arith.constant 0 : index
    %swap3A_991 = tpu.vector_load %arg18[%swap3A] {strides = array<i32>} : memref<16xf32, #tpu.memory_space<vmem>>, vector<16xf32>,
    tpu.vector_store %arg18[%swap3A], %add3A_990 {strides = array<i32>} : memref<16xf32, #tpu.memory_space<vmem>>, vector<16xf32>,
    "tpu.region"() ({
      %run_scoped3A = tpu.sem_alloc : memref<!tpu.dma_semaphore, #tpu.memory_space<semaphore_mem>>
      %dma_start3A_992 = arith.constant 0 : i32
      %dma_start3A_993 = tpu.memref_slice %arg8[%add3A, %dma_start3A_992] : memref<32x16xf32, #tpu.memory_space<hbm>> -> memref<1x16xf32, #tpu.memory_space<hbm>>
      %dma_start3A_994 = tpu.memref_squeeze %dma_start3A_993 : memref<1x16xf32, #tpu.memory_space<hbm>> -> memref<16xf32, #tpu.memory_space<hbm>>
      %dma_start3A_995 = arith.constant 0 : i32
      %dma_start3A_996 = tpu.memref_slice %arg8[%add3A, %dma_start3A_995] : memref<32x16xf32, #tpu.memory_space<hbm>> -> memref<1x16xf32, #tpu.memory_space<hbm>>
      %dma_start3A_997 = tpu.memref_squeeze %dma_start3A_996 : memref<1x16xf32, #tpu.memory_space<hbm>> -> memref<16xf32, #tpu.memory_space<hbm>>
      tpu.enqueue_dma source(%arg18 : memref<16xf32, #tpu.memory_space<vmem>>) target(%dma_start3A_997 : memref<16xf32, #tpu.memory_space<hbm>>) target_semaphore(%run_scoped3A : memref<!tpu.dma_semaphore, #tpu.memory_space<semaphore_mem>>)
      %dma_wait3A = arith.constant 0 : i32
      %dma_wait3A_998 = tpu.memref_slice %arg8[%add3A, %dma_wait3A] : memref<32x16xf32, #tpu.memory_space<hbm>> -> memref<1x16xf32, #tpu.memory_space<hbm>>
      %dma_wait3A_999 = tpu.memref_squeeze %dma_wait3A_998 : memref<1x16xf32, #tpu.memory_space<hbm>> -> memref<16xf32, #tpu.memory_space<hbm>>
      %dma_wait3A_1000 = arith.constant 0 : i32
      %dma_wait3A_1001 = tpu.memref_slice %arg8[%add3A, %dma_wait3A_1000] : memref<32x16xf32, #tpu.memory_space<hbm>> -> memref<1x16xf32, #tpu.memory_space<hbm>>
      %dma_wait3A_1002 = tpu.memref_squeeze %dma_wait3A_1001 : memref<1x16xf32, #tpu.memory_space<hbm>> -> memref<16xf32, #tpu.memory_space<hbm>>
      tpu.wait_dma2 semaphore(%run_scoped3A : memref<!tpu.dma_semaphore, #tpu.memory_space<semaphore_mem>>) src(%arg18 : memref<16xf32, #tpu.memory_space<vmem>>) dst(%dma_wait3A_1002 : memref<16xf32, #tpu.memory_space<hbm>>)
      tpu.yield
    }) : () -> ()
    return
  }
}

</mosaic_0001>

<sc_bundles>
// kernel: _exmf_sc.3.cloned.1.call-start
scs
__scs_entry_jumppad:
0x0: {  	(pc) =	sbr.rel $0x88, $3  }
0x1: {  	(tag) =	ssettag $0x0;
	lr =	simm.s32 $0x1  }
0x2: {  	[smem:$0x3F9B] =	sst lr;
	_ =	strace $0xD0000000  }
0x3: {  	_ = 	snop  }
0x4: {  	_ = 	snop  }
0x5: {  	_ = 	snop  }
0x6: {  	_ = 	snop  }
0x7: {  	_ = 	snop  }
__scs_overlays_trampoline_lowered:
0x8: {  	[smem:$0x3FAA] =	sst s0  }
0x9: {  	[smem:$0x3FAB] =	sst s1  }
0xa: {  	[smem:$0x3FAC] =	sst s2  }
0xb: {  	[smem:$0x3FAD] =	sst s3  }
0xc: {  	[smem:$0x3FAE] =	sst s4  }
0xd: {  	[smem:$0x3FAF] =	sst s5  }
0xe: {  	[smem:$0x3FB0] =	sst s6  }
0xf: {  	[smem:$0x3FB1] =	sst s7  }
0x10: {  	[smem:$0x3FB2] =	sst s8  }
0x11: {  	[smem:$0x3FB3] =	sst s9;
	s0 =	simm.s32 @!p0 $0x0  }
0x12: {  	s1 =	sld [smem:$0x3F99];
	s0 =	simm.s32 @p0 $0x1  }
0x13: {  	[smem:$0x3FB4] =	sst s0;
	s0 =	simm.s32 @!p1 $0x0  }
0x14: {  	s2 =	sld [smem:$0x3F98];
	s0 =	simm.s32 @p1 $0x1  }
0x15: {  	[smem:$0x3FB5] =	sst s0;
	s0 =	simm.s32 @!p2 $0x0  }
0x16: {  	s3 =	sld [smem:$0x3FDB];
	s0 =	simm.s32 @p2 $0x1  }
0x17: {  	s4 =	simm.s32 $0x1BF5;
	[smem:$0x3FB7] =	sst s0  }
0x18: {  	s0 =	sld [smem:$0x3F9A];
	_ =	swait.ge [sflag:s4], $0x0  }
0x19: {  	s7 =	sld [smem:$0x3F9B]  }
0x1a: {  	s8 =	sadd.s32 $0xFFFFE003, lr  }
0x1b: {  	s9 =	sadd.s32 $0xFFFFFEF7, lr;
	s5 =	simm.s32 $0xFFFFFFFF;
	p2 =	slt.u32 s8, $0xFFFFF086  }
0x1c: {  	p1 =	slt.u32 s9, $0xF7A;
	s5 =	simm.s32 @!p2 $0x0  }
0x1d: {  	s5 =	simm.s32 @p1 $0x1;
	p0 =	seq.s32 s7, s2  }
0x1e: {  	s7 =	smul.u32 @!p0 $0xF7A, s2;
	p2 =	seq.s32 @!p0 s5, $0x0  }
0x1f: {  	s9 =	smul.u32 $0xF7A, s1;
	s8 =	simm.s32 @!p0 $0x1BF5;
	p2 =	por !p2, p0  }
0x20: {  	[sflag:s8] =	ssyncset.s32 @!p0 $0xFFFFF086;
	s6 =	sadd.s32 @!p0 s3, s7;
	s7 =	simm.s32 @!p0 $0x108  }
0x21: {  	s3 =	sadd.s32 s3, s9;
	s6 =	sadd.s32 @!p0 $0x88, s6;
	s7 =	simm.s32 @p2 $0x1082  }
0x22: {  	[simem:s7], [sflag:s8] =	dma.local @!p0 [hbm:s6], $0xF7A  }
0x23: {  	s9 =	sor.u32 $0xD0000000, s2;
	s6 =	simm.s32 $0x108;
	_ =	swait.ge @!p0 [sflag:s8], $0x0  }
0x24: {  	s3 =	sadd.s32 $0x88, s3;
	s6 =	simm.s32 @!p1 $0x1082;
	[sflag:s4] =	ssyncset.s32 $0xFFFFF086  }
0x25: {  	[simem:s6], [sflag:s4] =	dma.local [hbm:s3], $0xF7A  }
0x26: {  	[smem:$0x3F9B] =	sst s1;
	(tag) =	ssettag s2;
	_ =	strace s9  }
0x27: {  	s1 =	sld [smem:$0x3FAB]  }
0x28: {  	s2 =	sld [smem:$0x3FAC]  }
0x29: {  	s4 =	sld [smem:$0x3FAE]  }
0x2a: {  	p0 =	seq.s32 s5, $0x0;
	s5 =	sld [smem:$0x3FAF]  }
0x2b: {  	s6 =	sld [smem:$0x3FB0]  }
0x2c: {  	s7 =	sld [smem:$0x3FB1]  }
0x2d: {  	s3 =	simm.s32 $0x108;
	s8 =	sld [smem:$0x3FB2]  }
0x2e: {  	s3 =	simm.s32 @!p0 $0x1082;
	s9 =	sld [smem:$0x3FB3]  }
0x2f: {  	lr =	sadd.s32 s0, s3;
	s0 =	sld [smem:$0x3FAA]  }
0x30: {  	s3 =	sld [smem:$0x3FAD]  }
0x31: {  	[smem:$0x3FB6] =	sst s10  }
0x32: {  	s10 =	sld [smem:$0x3FB4];
	_ =	sdelay $0x3  }
0x33: {  	p0 =	seq.s32 s10, $0x1;
	s10 =	sld [smem:$0x3FB6];
	_ =	sdelay $0x3  }
0x34: {  	[smem:$0x3FB6] =	sst s10  }
0x35: {  	s10 =	sld [smem:$0x3FB5];
	_ =	sdelay $0x3  }
0x36: {  	p1 =	seq.s32 s10, $0x1;
	s10 =	sld [smem:$0x3FB6];
	_ =	sdelay $0x3  }
0x37: {  	[smem:$0x3FB6] =	sst s10  }
0x38: {  	s10 =	sld [smem:$0x3FB7]  }
0x39: {  	_ = 	snop;
	(pc) =	sbr.ind lr, $3  }
0x3a: {  	_ = 	snop  }
0x3b: {  	_ = 	snop  }
0x3c: {  	p2 =	seq.s32 s10, $0x1;
	s10 =	sld [smem:$0x3FB6]  }
0x3d: {  	_ =	shalt  }
0x3e: {  	_ =	shalt  }
0x3f: {  	_ =	shalt  }
0x40: {  	_ =	shalt  }
0x41: {  	_ =	shalt  }
0x42: {  	_ =	shalt  }
0x43: {  	_ =	shalt  }
0x44: {  	_ =	shalt  }
0x45: {  	_ =	shalt  }
0x46: {  	_ =	shalt  }
0x47: {  	_ =	shalt  }
0x48: {  	_ =	shalt  }
0x49: {  	_ =	shalt  }
0x4a: {  	_ =	shalt  }
0x4b: {  	_ =	shalt  }
0x4c: {  	_ =	shalt  }
0x4d: {  	_ =	shalt  }
0x4e: {  	_ =	shalt  }
0x4f: {  	_ =	shalt  }
0x50: {  	_ =	shalt  }
0x51: {  	_ =	shalt  }
0x52: {  	_ =	shalt  }
0x53: {  	_ =	shalt  }
0x54: {  	_ =	shalt  }
0x55: {  	_ =	shalt  }
0x56: {  	_ =	shalt  }
0x57: {  	_ =	shalt  }
0x58: {  	_ =	shalt  }
0x59: {  	_ =	shalt  }
0x5a: {  	_ =	shalt  }
0x5b: {  	_ =	shalt  }
0x5c: {  	_ =	shalt  }
0x5d: {  	_ =	shalt  }
0x5e: {  	_ =	shalt  }
0x5f: {  	_ =	shalt  }
0x60: {  	_ =	shalt  }
0x61: {  	_ =	shalt  }
0x62: {  	_ =	shalt  }
0x63: {  	_ =	shalt  }
0x64: {  	_ =	shalt  }
0x65: {  	_ =	shalt  }
0x66: {  	_ =	shalt  }
0x67: {  	_ =	shalt  }
0x68: {  	_ =	shalt  }
0x69: {  	_ =	shalt  }
0x6a: {  	_ =	shalt  }
0x6b: {  	_ =	shalt  }
0x6c: {  	_ =	shalt  }
0x6d: {  	_ =	shalt  }
0x6e: {  	_ =	shalt  }
0x6f: {  	_ =	shalt  }
0x70: {  	_ =	shalt  }
0x71: {  	_ =	shalt  }
0x72: {  	_ =	shalt  }
0x73: {  	_ =	shalt  }
0x74: {  	_ =	shalt  }
0x75: {  	_ =	shalt  }
0x76: {  	_ =	shalt  }
0x77: {  	_ =	shalt  }
0x78: {  	_ =	shalt  }
0x79: {  	_ =	shalt  }
0x7a: {  	_ =	shalt  }
0x7b: {  	_ =	shalt  }
0x7c: {  	_ =	shalt  }
0x7d: {  	_ =	shalt  }
0x7e: {  	_ =	shalt  }
0x7f: {  	_ =	shalt  }
0x80: {  	_ =	shalt  }
0x81: {  	_ =	shalt  }
0x82: {  	_ =	shalt  }
0x83: {  	_ =	shalt  }
0x84: {  	_ =	shalt  }
0x85: {  	_ =	shalt  }
0x86: {  	_ =	shalt  }
0x87: {  	_ =	shalt  }
.Lfunc_end0:
.L_simem_size_0:
called_computation_lowered:
.L_overlay_start_0:
0x88: {  	s2 =	sld [smem:$0x3FD9]  }
0x89: {  	s3 =	sld [smem:$0x3FFE];
	_ =	sdelay $0x1  }
0x8a: {  	s1 =	srdreg.scid  }
0x8b: {  	s0 =	sand.u32 $0x1, s1  }
0x8c: {  	s17 =	sshll.u32 s0, $0xA;
	s2 =	sadd.s32 s3, s2  }
0x8d: {  	s2 =	sadd.s32 s2, s17  }
0x8e: {  	[smem:$0x3FC2] =	sst s2  }
0x8f: {  	_ = 	snop  }
0x90: {  	s2 =	sld [smem:$0x3FC9]  }
0x91: {  	s18 =	sld [smem:$0x3FC8]  }
0x92: {  	s4 =	sld [smem:$0x3FC7]  }
0x93: {  	s5 =	sld [smem:$0x3FC6]  }
0x94: {  	s6 =	sld [smem:$0x3FC5]  }
0x95: {  	s7 =	sld [smem:$0x3FC4];
	(tm) =	ssettm $0x1  }
0x96: {  	s8 =	sld [smem:$0x3FFB];
	_ =	sdelay $0x3  }
0x97: {  	_ =	strace s8  }
0x98: {  	s8 =	sld [smem:$0x3FFC];
	_ =	sdelay $0x3  }
0x99: {  	_ =	strace s8  }
0x9a: {  	s8 =	sld [smem:$0x3FFD];
	_ =	sdelay $0x3  }
0x9b: {  	_ =	strace s8  }
0x9c: {  	_ =	strace $0x8FFFFFFF  }
0x9d: {  	s19 =	sld [smem:$0x3FDB];
	_ =	sdelay $0x1  }
0x9e: {  	s9 =	simm.s32 $_scs_section_size  }
0x9f: {  	s10 =	simm.s32 $_size__tile_overlayer_lowered;
	s11 =	simm.s32 $_tile_overlayer_lowered  }
0xa0: {  	s22 =	simm.s32 $0x1BFF;
	s21 =	sshll.u32 s11, $0x1;
	s8 =	sadd.s32 s9, s19  }
0xa1: {  	s12 =	simm.s32 $0x0;
	s20 =	sshll.u32 s10, $0x1;
	s10 =	sadd.s32 s21, s8  }
0xa2: {  	[timem:s12], [sflag:s22] =	dma.local [hbm:s10], s20  }
0xa3: {  	_ =	swait.ge [sflag:s22], s20  }
0xa4: {  	s9 =	ssub.s32 $0x0, s20;
	[sflag:s22] =	ssyncset.done $0x0  }
0xa5: {  	[sflag:s22] =	ssyncadd.s32 s9;
	_ =	sdelay $0x1  }
0xa6: {  	s23 =	simm.s32 $0x1B8B  }
0xa7: {  	_ =	swait.ge [sflag:s23], $0x1  }
0xa8: {  	[sflag:s23] =	ssyncset.done $0x0  }
0xa9: {  	s25 =	simm.s32 $0x1B8E;
	s24 =	sld [smem:$0x3FFE];
	[sflag:s23] =	ssyncadd.s32 $0xFFFFFFFF  }
0xaa: {  	s26 =	simm.s32 $execute0_lowered;
	[smem:$0x3FD2] =	sst s25  }
0xab: {  	s10 =	sshll.u32 s26, $0x1;
	_ =	strace $0x80000046;
	[dreg:$0x1] =	wrdreg $0xFFFFFFFF  }
0xac: {  	s28 =	simm.s32 $_size_execute0_lowered;
	s8 =	sadd.s32 s8, s10;
	[dreg:$0x0] =	wrdreg $0x0  }
0xad: {  	s10 =	sshll.u32 s28, $0x1;
	[dreg:$0x2] =	wrdreg s8  }
0xae: {  	[dreg:$0x3] =	wrdreg s10  }
0xaf: {  	[dreg:$0x4] =	wrdreg $0xC0  }
0xb0: {  	_ =	task [dreg:s12], $0x5FFFF  }
0xb1: {  	[dreg:$0x1] =	wrdreg $0xFFFFFFFF  }
0xb2: {  	[dreg:$0x0] =	wrdreg $0x60  }
0xb3: {  	[dreg:$0x2] =	wrdreg s2  }
0xb4: {  	[dreg:$0x3] =	wrdreg s18  }
0xb5: {  	[dreg:$0x4] =	wrdreg s4  }
0xb6: {  	[dreg:$0x5] =	wrdreg s5  }
0xb7: {  	[dreg:$0x6] =	wrdreg s6  }
0xb8: {  	[dreg:$0x7] =	wrdreg s7  }
0xb9: {  	[dreg:$0x8] =	wrdreg s24  }
0xba: {  	[dreg:$0x9] =	wrdreg $0x9  }
0xbb: {  	_ =	task.clear_ibuf [dreg:s12], $0xAFFFF;
	_ =	strace $0x90000046  }
0xbc: {  	s29 =	simm.s32 $0x9;
	_ =	strace $0x80000048  }
0xbd: {  	_ =	swait.ge [sflag:s29], $0x1  }
0xbe: {  	[sflag:s29] =	ssyncadd.s32 $0xFFFFFFFF  }
0xbf: {  	_ =	strace $0x90000048  }
0xc0: {  	_ =	sfence  }
0xc1: {  	s30 =	sld [smem:$0x0];
	_ =	sdelay $0x2  }
0xc2: {  	s31 =	sshll.u32 s1, $0xD;
	s1 =	sshrl.u32 s1, $0x2  }
0xc3: {  	s3 =	sand.u32 $0x4000, s31;
	s1 =	sadd.s32 s1, s30  }
0xc4: {  	s0 =	sor.u32 s3, s0;
	s1 =	sshll.u32 s1, $0x11  }
0xc5: {  	s0 =	sor.u32 s1, s0  }
0xc6: {  	s0 =	sadd.s32 $0x8F2B, s0  }
0xc7: {  	[sflag:s0] =	ssyncadd.remote.s32 $0x1  }
0xc8: {  	_ =	sfence.sel $0xFFFF  }
0xc9: {  	[dreg:$0x0] =	wrdreg $0xFFFFFFFF;
	(pc) =	sbr.abs _section_cstart, $3  }
0xca: {  	[dreg:$0x1] =	wrdreg $0xFFFFFFFF  }
0xcb: {  	_ =	task.clear_ibuf [dreg:s12], $0x2FFFF;
	_ =	strace $0x9FFFFFFF  }
0xcc: {  	(tm) =	ssettm $0x7FFFFFFF  }
0xcd: {  	_ =	shalt  }
tec
execute0_lowered:
.L_overlay_start_1:
0x0: {  	(tag) =	ssettag $0x1  }
0x1: {  	s0 =	rddreg [dreg:$0x0]  }
0x2: {  	s1 =	rddreg [dreg:$0x1]  }
0x3: {  	s4 =	rddreg [dreg:$0x2]  }
0x4: {  	s11 =	rddreg [dreg:$0x3]  }
0x5: {  	s2 =	rddreg [dreg:$0x4]  }
0x6: {  	s3 =	rddreg [dreg:$0x5]  }
0x7: {  	s6 =	rddreg [dreg:$0x6];
	s5 =	simm.s32 $0x0;
	v0 =	vlaneseq.u32  }
0x8: {  	s7 =	srdreg.scid;
	s9 =	stileid.u32;
	s15 =	simm.s32 $0x40;
	v1 =	vshrl.u32 v0, $0x3;
	v2 =	vand.u32 $0x7, v0;
	v0 =	vmul.u32 $0x80, v0  }
0x9: {  	s12 =	simm.s32 $0xC8A0;
	s16 =	simm.s32 $0xC920;
	[smem:$0x7FF] =	sst s5;
	v2 =	vmul.u32 $0x80, v2  }
0xa: {  	s17 =	simm.s32 $0xC9A0;
	s18 =	simm.s32 $0xC630;
	_ =	strace $0x80000047;
	v1 =	vmul.u32 $0x10, v1;
	[tilespmem:$0x1FFF0] =	vst v0  }
0xb: {  	s13 =	simm.s32 $0xC6B0;
	s28 =	simm.s32 $0xC8B0;
	s29 =	simm.s32 $0xC930;
	[tilespmem:$0x1FF10] =	vst v2  }
0xc: {  	s30 =	simm.s32 $0xC9B0;
	s31 =	simm.s32 $0x4;
	s19 =	simm.s32 $0x3;
	v53 =	vor.u32 $0x1, v0;
	[tilespmem:$0x1FF20] =	vst v1  }
0xd: {  	s7 =	sand.u32 $0x1, s7;
	s8 =	sshll.u32 s9, $0x8;
	s9 =	sshrl.u32 s9, $0x2;
	v54 =	vor.u32 $0x2, v0;
	[tilespmem:$0x1FF40] =	vst v53  }
0xe: {  	s10 =	sshll.u32 s7, $0x7;
	s8 =	sand.u32 $0x300, s8;
	s20 =	sshll.u32 s9, $0xA;
	v55 =	vor.u32 $0x3, v0;
	[tilespmem:$0x1FF50] =	vst v54  }
0xf: {  	s9 =	sshll.u32 s9, $0xC;
	s7 =	ssub.s32 $0x2, s7;
	s8 =	sor.u32 s10, s8;
	v56 =	vor.u32 $0x4, v0;
	[tilespmem:$0x1FF60] =	vst v55  }
0x10: {  	s22 =	sshrl.u32 s7, $0x1;
	v57 =	vor.u32 $0x5, v0;
	s10 =	sor.u32 s20, s8;
	s8 =	sor.u32 s9, s8;
	[tilespmem:$0x1FF70] =	vst v56  }
0x11: {  	v58 =	vor.u32 $0x6, v0;
	s7 =	ssub.s32 s7, s22;
	s9 =	simm.s32 $0x5;
	[tilespmem:$0x1FF80] =	vst v57;
	s21 =	sshrl.u32 s10, $0x3  }
0x12: {  	v59 =	vor.u32 $0x7, v0;
	[tilespmem:$0x1FF90] =	vst v58;
	s8 =	sshrl.u32 s8, $0x3;
	s10 =	smov.u32 s11;
	s26 =	smax.u32 s7, $0x1  }
0x13: {  	v60 =	vor.u32 $0x8, v0;
	[tilespmem:$0x1FFA0] =	vst v59;
	s7 =	simm.s32 $0x0;
	s6 =	sadd.s32 s21, s6;
	s0 =	sadd.s32 s0, s8  }
.Ltmp0:
0x14: {  	v61 =	vor.u32 $0x9, v0;
	[tilespmem:$0x1FFB0] =	vst v60;
	s23 =	sadd.s32 s1, s8;
	[dreg:$0xc] =	wrdreg s26;
	(pc) =	sbr.rel .LBB2_1-.Ltmp0, $4  }
0x15: {  	v62 =	vor.u32 $0xA, v0;
	[tilespmem:$0x1FFC0] =	vst v61;
	s24 =	sadd.s32 s4, s8;
	s1 =	simm.s32 $0xC730;
	[dreg:$0x8] =	wrdreg s0  }
0x16: {  	v63 =	vor.u32 $0xB, v0;
	[tilespmem:$0x1FFD0] =	vst v62;
	s26 =	simm.s32 $0xC830;
	s4 =	simm.s32 $0xD600;
	[dreg:$0x9] =	wrdreg s23  }
0x17: {  	v15 =	vor.u32 $0xC, v0;
	v1 =	vor.u32 $0x20, v1;
	[tilespmem:$0x1FFE0] =	vst v63;
	[dreg:$0xa] =	wrdreg s24;
	s25 =	sadd.s32 $0x400, s6;
	s24 =	simm.s32 $0xC600  }
0x18: {  	v16 =	vor.u32 $0xD, v0;
	v17 =	vor.u32 $0xE, v0;
	v18 =	vor.u32 $0xF, v0;
	[tilespmem:$0x1FF30] =	vst v1;
	s0 =	simm.s32 $0xCE00;
	[dreg:$0xb] =	wrdreg s25;
	s25 =	simm.s32 $0xC7B0  }
.LBB2_14:
0x19: {  	v0 =	vmul.f32 $3.051757810e-05, v20;
	v1 =	vmul.f32 $3.051757860e-06, v19;
	_ =	sdelay $0x1  }
0x1a: {  	v63 =	vmul.f32 $3.051757740e-07, v23;
	v0 =	vadd.f32 v1, v0;
	_ =	sdelay $0x1  }
0x1b: {  	v0 =	vadd.f32 v63, v0;
	_ =	sdelay $0x1  }
0x1c: {  	s6 =	rddreg [dreg:$0xb];
	s7 =	simm.s32 $0xDE00;
	s9 =	simm.s32 $0x5;
	[tilespmem:$0xDE00] =	vst v0  }
0x1d: {  	[hbm4b:s6+s5] =	stream.linear.scatter [tilespmem:s7], [sflag:$0x5], $0x80, $0x38;
	[tilespmem:$0xDE80] =	vst v63  }
0x1e: {  	_ =	swait.ge [sflag:s9], $0x80  }
0x1f: {  	s22 =	rddreg [dreg:$0xd]  }
0x20: {  	s23 =	rddreg [dreg:$0xc];
	s7 =	sadd.s32 $0x1, s22  }
0x21: {  	p0 =	sne.s32 s7, s23  }
.Ltmp1:
0x22: {  	_ = 	snop;
	(pc) =	sbr.rel @!p0 .LBB2_15-.Ltmp1, $3  }
0x23: {  	_ =	sdelay $0x1  }
0x24: {  	[sflag:s9] =	ssyncset.done $0x0  }
0x25: {  	[sflag:s9] =	ssyncadd.s32 $0xFFFFFF80  }
.LBB2_1:
0x26: {  	[dreg:$0xd] =	wrdreg s7  }
0x27: {  	s6 =	rddreg [dreg:$0x8];
	s14 =	simm.s32 $0x80;
	s8 =	simm.s32 $0x400  }
0x28: {  	[tilespmem:s5], [sflag:$0x5] =	stream.strided.gather [hbm4b:s6+s14], $0x200, s8, s14, $0x38;
	[tilespmem:$0xDE80] =	vst v63  }
0x29: {  	_ =	swait.ge [sflag:s9], $0x200  }
0x2a: {  	[sflag:s9] =	ssyncset.done $0x0  }
0x2b: {  	s11 =	simm.s32 $0x200;
	s20 =	rddreg [dreg:$0x9];
	[sflag:s9] =	ssyncadd.s32 $0xFFFFFE00  }
0x2c: {  	[tilespmem:s11], [sflag:$0x5] =	stream.strided.gather [hbm4b:s20+s14], $0x200, s8, s14, $0x38;
	[tilespmem:$0xDE80] =	vst v63  }
0x2d: {  	_ =	swait.ge [sflag:s9], $0x200  }
0x2e: {  	[sflag:s9] =	ssyncset.done $0x0  }
0x2f: {  	s21 =	rddreg [dreg:$0xa];
	[sflag:s9] =	ssyncadd.s32 $0xFFFFFE00  }
0x30: {  	[tilespmem:s8], [sflag:$0x5] =	stream.strided.gather [hbm4b:s21+s14], $0x200, s8, s14, $0x38;
	[tilespmem:$0xDE80] =	vst v63  }
0x31: {  	_ =	swait.ge [sflag:s9], $0x200  }
0x32: {  	[sflag:s9] =	ssyncset.done $0x0  }
0x33: {  	s22 =	simm.s32 $0x600;
	[sflag:s9] =	ssyncadd.s32 $0xFFFFFE00  }
0x34: {  	[tilespmem:s22], [sflag:$0x3] =	stream.indirect.gather [hbm4b:s10+s15], $0x80, s5, s15, $0xb8;
	[tilespmem:$0xDE80] =	vst v63  }
0x35: {  	s23 =	simm.s32 $0x4600  }
0x36: {  	[tilespmem:s23], [sflag:$0x3] =	stream.indirect.gather [hbm4b:s2+s15], $0x80, s11, s15, $0xb8;
	[tilespmem:$0xDE80] =	vst v63  }
0x37: {  	s7 =	simm.s32 $0x8600  }
0x38: {  	[tilespmem:s7], [sflag:$0x3] =	stream.indirect.gather [hbm4b:s2+s15], $0x80, s8, s15, $0xb8;
	[tilespmem:$0xDE80] =	vst v63  }
0x39: {  	s8 =	simm.s32 $0x2600  }
0x3a: {  	[tilespmem:s8], [sflag:$0x4] =	stream.indirect.gather [hbm4b:s10+s15], $0x80, s15, s15, $0xb8;
	[tilespmem:$0xDE80] =	vst v63  }
0x3b: {  	s14 =	simm.s32 $0x6600;
	s9 =	simm.s32 $0x240  }
0x3c: {  	[tilespmem:s14], [sflag:$0x4] =	stream.indirect.gather [hbm4b:s2+s15], $0x80, s9, s15, $0xb8;
	[tilespmem:$0xDE80] =	vst v63  }
0x3d: {  	s20 =	simm.s32 $0x440;
	s21 =	simm.s32 $0xA600  }
0x3e: {  	[tilespmem:s21], [sflag:$0x4] =	stream.indirect.gather [hbm4b:s2+s15], $0x80, s20, s15, $0xb8;
	[tilespmem:$0xDE80] =	vst v63  }
0x3f: {  	v0 =	vld [tilespmem:$0x0]  }
0x40: {  	v2 =	vld [tilespmem:$0x200];
	_ =	sdelay $0x3  }
0x41: {  	v0 =	vshrl.u32 v0, $0x3  }
0x42: {  	v2 =	vshll.u32 v2, $0x3;
	v0 =	vmul.u32 $0x13C00, v0  }
0x43: {  	(v2sf) =	vpush v2, $0x0  }
0x44: {  	(v2sf) =	vpush v0, $0x0;
	_ =	sdelay $0x2  }
0x45: {  	(v2sf) =	vpush v2, $0x1;
	_ =	sdelay $0x1  }
0x46: {  	(v2sf) =	vpush v0, $0x1;
	_ =	sdelay $0x2  }
0x47: {  	(v2sf) =	vpush v2, $0x2;
	_ =	sdelay $0x1  }
0x48: {  	(v2sf) =	vpush v0, $0x2;
	_ =	sdelay $0x3  }
0x49: {  	s22 =	spop (v2sf)  }
0x4a: {  	s6 =	sand.u32 $0xFFFFFC00, s22;
	s23 =	spop (v2sf);
	(v2sf) =	vpush v2, $0x3  }
0x4b: {  	s6 =	sadd.s32 s23, s6;
	(v2sf) =	vpush v0, $0x3  }
0x4c: {  	s6 =	sshrl.u32 s6, $0x3  }
0x4d: {  	s7 =	spop (v2sf);
	s6 =	sadd.s32 s3, s6  }
0x4e: {  	(v2sf) =	vpush v2, $0x4;
	[tilespmem:s24], [sflag:$0x1] =	stream.linear.gather [hbm4b:s6+s5], $0x10, $0x38;
	[tilespmem:$0xDE80] =	vst v63  }
0x4f: {  	s8 =	spop (v2sf);
	s6 =	sand.u32 $0xFFFFFC00, s7  }
0x50: {  	(v2sf) =	vpush v0, $0x4;
	s6 =	sadd.s32 s8, s6  }
0x51: {  	s6 =	sshrl.u32 s6, $0x3  }
0x52: {  	s11 =	simm.s32 $0xC680;
	s9 =	spop (v2sf);
	s6 =	sadd.s32 s3, s6  }
0x53: {  	(v2sf) =	vpush v2, $0x5;
	[tilespmem:s11], [sflag:$0x1] =	stream.linear.gather [hbm4b:s6+s5], $0x10, $0x38;
	[tilespmem:$0xDE80] =	vst v63  }
0x54: {  	s14 =	spop (v2sf);
	s6 =	sand.u32 $0xFFFFFC00, s9  }
0x55: {  	(v2sf) =	vpush v0, $0x5;
	s6 =	sadd.s32 s14, s6  }
0x56: {  	s6 =	sshrl.u32 s6, $0x3  }
0x57: {  	s20 =	simm.s32 $0xC700;
	s6 =	sadd.s32 s3, s6  }
0x58: {  	[tilespmem:s20], [sflag:$0x1] =	stream.linear.gather [hbm4b:s6+s5], $0x10, $0x38;
	[tilespmem:$0xDE80] =	vst v63  }
0x59: {  	s21 =	spop (v2sf)  }
0x5a: {  	(v2sf) =	vpush v2, $0x6;
	s6 =	sand.u32 $0xFFFFFC00, s21;
	s22 =	spop (v2sf)  }
0x5b: {  	(v2sf) =	vpush v0, $0x6;
	s6 =	sadd.s32 s22, s6  }
0x5c: {  	s6 =	sshrl.u32 s6, $0x3  }
0x5d: {  	s23 =	simm.s32 $0xC780;
	s7 =	spop (v2sf);
	s6 =	sadd.s32 s3, s6  }
0x5e: {  	(v2sf) =	vpush v2, $0x7;
	[tilespmem:s23], [sflag:$0x1] =	stream.linear.gather [hbm4b:s6+s5], $0x10, $0x38;
	[tilespmem:$0xDE80] =	vst v63  }
0x5f: {  	s8 =	spop (v2sf);
	s6 =	sand.u32 $0xFFFFFC00, s7  }
0x60: {  	(v2sf) =	vpush v0, $0x7;
	s6 =	sadd.s32 s8, s6  }
0x61: {  	s6 =	sshrl.u32 s6, $0x3  }
0x62: {  	s9 =	simm.s32 $0xC800;
	s14 =	spop (v2sf);
	s6 =	sadd.s32 s3, s6  }
0x63: {  	(v2sf) =	vpush v2, $0x8;
	[tilespmem:s9], [sflag:$0x1] =	stream.linear.gather [hbm4b:s6+s5], $0x10, $0x38;
	[tilespmem:$0xDE80] =	vst v63  }
0x64: {  	s20 =	spop (v2sf);
	s6 =	sand.u32 $0xFFFFFC00, s14  }
0x65: {  	(v2sf) =	vpush v0, $0x8;
	s6 =	sadd.s32 s20, s6  }
0x66: {  	s6 =	sshrl.u32 s6, $0x3  }
0x67: {  	s21 =	simm.s32 $0xC880;
	s6 =	sadd.s32 s3, s6  }
0x68: {  	[tilespmem:s21], [sflag:$0x1] =	stream.linear.gather [hbm4b:s6+s5], $0x10, $0x38;
	[tilespmem:$0xDE80] =	vst v63  }
0x69: {  	s22 =	spop (v2sf)  }
0x6a: {  	(v2sf) =	vpush v2, $0x9;
	s6 =	sand.u32 $0xFFFFFC00, s22;
	s23 =	spop (v2sf)  }
0x6b: {  	(v2sf) =	vpush v0, $0x9;
	s6 =	sadd.s32 s23, s6  }
0x6c: {  	s6 =	sshrl.u32 s6, $0x3  }
0x6d: {  	s8 =	simm.s32 $0xC900;
	s9 =	spop (v2sf);
	s6 =	sadd.s32 s3, s6  }
0x6e: {  	(v2sf) =	vpush v2, $0xA;
	[tilespmem:s8], [sflag:$0x1] =	stream.linear.gather [hbm4b:s6+s5], $0x10, $0x38;
	[tilespmem:$0xDE80] =	vst v63  }
0x6f: {  	s14 =	spop (v2sf);
	s6 =	sand.u32 $0xFFFFFC00, s9  }
0x70: {  	(v2sf) =	vpush v0, $0xA;
	s6 =	sadd.s32 s14, s6  }
0x71: {  	s6 =	sshrl.u32 s6, $0x3  }
0x72: {  	s20 =	simm.s32 $0xC980;
	s21 =	spop (v2sf);
	s6 =	sadd.s32 s3, s6  }
0x73: {  	(v2sf) =	vpush v2, $0xB;
	[tilespmem:s20], [sflag:$0x1] =	stream.linear.gather [hbm4b:s6+s5], $0x10, $0x38;
	[tilespmem:$0xDE80] =	vst v63  }
0x74: {  	s22 =	spop (v2sf);
	s6 =	sand.u32 $0xFFFFFC00, s21  }
0x75: {  	(v2sf) =	vpush v0, $0xB;
	s6 =	sadd.s32 s22, s6  }
0x76: {  	s6 =	sshrl.u32 s6, $0x3  }
0x77: {  	s23 =	simm.s32 $0xC610;
	s6 =	sadd.s32 s3, s6  }
0x78: {  	[tilespmem:s23], [sflag:$0x1] =	stream.linear.gather [hbm4b:s6+s5], $0x10, $0x38;
	[tilespmem:$0xDE80] =	vst v63  }
0x79: {  	s7 =	spop (v2sf)  }
0x7a: {  	(v2sf) =	vpush v2, $0xC;
	s6 =	sand.u32 $0xFFFFFC00, s7;
	s8 =	spop (v2sf)  }
0x7b: {  	(v2sf) =	vpush v0, $0xC;
	s6 =	sadd.s32 s8, s6  }
0x7c: {  	s6 =	sshrl.u32 s6, $0x3  }
0x7d: {  	s9 =	simm.s32 $0xC690;
	s14 =	spop (v2sf);
	s6 =	sadd.s32 s3, s6  }
0x7e: {  	(v2sf) =	vpush v2, $0xD;
	[tilespmem:s9], [sflag:$0x1] =	stream.linear.gather [hbm4b:s6+s5], $0x10, $0x38;
	[tilespmem:$0xDE80] =	vst v63  }
0x7f: {  	s20 =	spop (v2sf);
	s6 =	sand.u32 $0xFFFFFC00, s14  }
0x80: {  	(v2sf) =	vpush v0, $0xD;
	s6 =	sadd.s32 s20, s6  }
0x81: {  	s6 =	sshrl.u32 s6, $0x3  }
0x82: {  	s21 =	simm.s32 $0xC710;
	s22 =	spop (v2sf);
	s6 =	sadd.s32 s3, s6  }
0x83: {  	(v2sf) =	vpush v2, $0xE;
	[tilespmem:s21], [sflag:$0x1] =	stream.linear.gather [hbm4b:s6+s5], $0x10, $0x38;
	[tilespmem:$0xDE80] =	vst v63  }
0x84: {  	s23 =	spop (v2sf);
	s6 =	sand.u32 $0xFFFFFC00, s22  }
0x85: {  	(v2sf) =	vpush v0, $0xE;
	s6 =	sadd.s32 s23, s6  }
0x86: {  	s6 =	sshrl.u32 s6, $0x3  }
0x87: {  	s8 =	simm.s32 $0xC790;
	s6 =	sadd.s32 s3, s6  }
0x88: {  	[tilespmem:s8], [sflag:$0x1] =	stream.linear.gather [hbm4b:s6+s5], $0x10, $0x38;
	[tilespmem:$0xDE80] =	vst v63  }
0x89: {  	s9 =	spop (v2sf)  }
0x8a: {  	(v2sf) =	vpush v0, $0xF;
	s6 =	sand.u32 $0xFFFFFC00, s9;
	s14 =	spop (v2sf)  }
0x8b: {  	(v2sf) =	vpush v2, $0xF;
	s6 =	sadd.s32 s14, s6  }
0x8c: {  	s6 =	sshrl.u32 s6, $0x3  }
0x8d: {  	s20 =	simm.s32 $0xC810;
	s21 =	spop (v2sf);
	s6 =	sadd.s32 s3, s6  }
0x8e: {  	[tilespmem:s20], [sflag:$0x1] =	stream.linear.gather [hbm4b:s6+s5], $0x10, $0x38;
	[tilespmem:$0xDE80] =	vst v63  }
0x8f: {  	s22 =	spop (v2sf);
	s6 =	sand.u32 $0xFFFFFC00, s21  }
0x90: {  	s6 =	sadd.s32 s22, s6  }
0x91: {  	s6 =	sshrl.u32 s6, $0x3  }
0x92: {  	s23 =	simm.s32 $0xC890;
	s7 =	spop (v2sf);
	s6 =	sadd.s32 s3, s6  }
0x93: {  	[tilespmem:s23], [sflag:$0x1] =	stream.linear.gather [hbm4b:s6+s5], $0x10, $0x38;
	[tilespmem:$0xDE80] =	vst v63  }
0x94: {  	s8 =	spop (v2sf);
	s6 =	sand.u32 $0xFFFFFC00, s7  }
0x95: {  	s6 =	sadd.s32 s8, s6  }
0x96: {  	s6 =	sshrl.u32 s6, $0x3  }
0x97: {  	s9 =	simm.s32 $0xC910;
	s6 =	sadd.s32 s3, s6  }
0x98: {  	[tilespmem:s9], [sflag:$0x1] =	stream.linear.gather [hbm4b:s6+s5], $0x10, $0x38;
	[tilespmem:$0xDE80] =	vst v63  }
0x99: {  	s14 =	spop (v2sf)  }
0x9a: {  	s20 =	spop (v2sf)  }
0x9b: {  	s7 =	sand.u32 $0xFFFFFC00, s20  }
0x9c: {  	s6 =	sadd.s32 s14, s7  }
0x9d: {  	s6 =	sshrl.u32 s6, $0x3  }
0x9e: {  	s21 =	simm.s32 $0xC990;
	s6 =	sadd.s32 s3, s6  }
0x9f: {  	[tilespmem:s21], [sflag:$0x1] =	stream.linear.gather [hbm4b:s6+s5], $0x10, $0x38;
	[tilespmem:$0xDE80] =	vst v63  }
0xa0: {  	v58 =	vld [tilespmem:$0x0]  }
0xa1: {  	v59 =	vld [tilespmem:$0x400];
	_ =	sdelay $0x3  }
0xa2: {  	v0 =	vshrl.u32 v58, $0x3  }
0xa3: {  	v2 =	vshll.u32 v59, $0x3;
	v0 =	vmul.u32 $0x13C00, v0  }
0xa4: {  	(v2sf) =	vpush v2, $0x0  }
0xa5: {  	(v2sf) =	vpush v0, $0x0;
	_ =	sdelay $0x2  }
0xa6: {  	(v2sf) =	vpush v2, $0x1;
	_ =	sdelay $0x1  }
0xa7: {  	(v2sf) =	vpush v0, $0x1;
	_ =	sdelay $0x2  }
0xa8: {  	(v2sf) =	vpush v2, $0x2;
	_ =	sdelay $0x1  }
0xa9: {  	(v2sf) =	vpush v0, $0x2;
	_ =	sdelay $0x3  }
0xaa: {  	s22 =	spop (v2sf)  }
0xab: {  	(v2sf) =	vpush v2, $0x3;
	s6 =	sand.u32 $0xFFFFFC00, s22;
	s23 =	spop (v2sf)  }
0xac: {  	(v2sf) =	vpush v0, $0x3;
	s6 =	sadd.s32 s23, s6  }
0xad: {  	s6 =	sshrl.u32 s6, $0x3  }
0xae: {  	s8 =	simm.s32 $0xC620;
	s9 =	spop (v2sf);
	s6 =	sadd.s32 s3, s6  }
0xaf: {  	(v2sf) =	vpush v2, $0x4;
	[tilespmem:s8], [sflag:$0x1] =	stream.linear.gather [hbm4b:s6+s5], $0x10, $0x38;
	[tilespmem:$0xDE80] =	vst v63  }
0xb0: {  	s14 =	spop (v2sf);
	s6 =	sand.u32 $0xFFFFFC00, s9  }
0xb1: {  	(v2sf) =	vpush v0, $0x4;
	s6 =	sadd.s32 s14, s6  }
0xb2: {  	s6 =	sshrl.u32 s6, $0x3  }
0xb3: {  	s20 =	simm.s32 $0xC6A0;
	s21 =	spop (v2sf);
	s6 =	sadd.s32 s3, s6  }
0xb4: {  	(v2sf) =	vpush v2, $0x5;
	[tilespmem:s20], [sflag:$0x1] =	stream.linear.gather [hbm4b:s6+s5], $0x10, $0x38;
	[tilespmem:$0xDE80] =	vst v63  }
0xb5: {  	s22 =	spop (v2sf);
	s6 =	sand.u32 $0xFFFFFC00, s21  }
0xb6: {  	(v2sf) =	vpush v0, $0x5;
	s6 =	sadd.s32 s22, s6  }
0xb7: {  	s6 =	sshrl.u32 s6, $0x3  }
0xb8: {  	s23 =	simm.s32 $0xC720;
	s6 =	sadd.s32 s3, s6  }
0xb9: {  	[tilespmem:s23], [sflag:$0x1] =	stream.linear.gather [hbm4b:s6+s5], $0x10, $0x38;
	[tilespmem:$0xDE80] =	vst v63  }
0xba: {  	s7 =	spop (v2sf)  }
0xbb: {  	(v2sf) =	vpush v2, $0x6;
	s6 =	sand.u32 $0xFFFFFC00, s7;
	s8 =	spop (v2sf)  }
0xbc: {  	(v2sf) =	vpush v0, $0x6;
	s6 =	sadd.s32 s8, s6  }
0xbd: {  	s6 =	sshrl.u32 s6, $0x3  }
0xbe: {  	s9 =	simm.s32 $0xC7A0;
	s14 =	spop (v2sf);
	s6 =	sadd.s32 s3, s6  }
0xbf: {  	(v2sf) =	vpush v2, $0x7;
	[tilespmem:s9], [sflag:$0x1] =	stream.linear.gather [hbm4b:s6+s5], $0x10, $0x38;
	[tilespmem:$0xDE80] =	vst v63  }
0xc0: {  	s20 =	spop (v2sf);
	s6 =	sand.u32 $0xFFFFFC00, s14  }
0xc1: {  	(v2sf) =	vpush v0, $0x7;
	s6 =	sadd.s32 s20, s6  }
0xc2: {  	s6 =	sshrl.u32 s6, $0x3  }
0xc3: {  	s21 =	simm.s32 $0xC820;
	s22 =	spop (v2sf);
	s6 =	sadd.s32 s3, s6  }
0xc4: {  	(v2sf) =	vpush v2, $0x8;
	[tilespmem:s21], [sflag:$0x1] =	stream.linear.gather [hbm4b:s6+s5], $0x10, $0x38;
	[tilespmem:$0xDE80] =	vst v63  }
0xc5: {  	s23 =	spop (v2sf);
	s6 =	sand.u32 $0xFFFFFC00, s22  }
0xc6: {  	(v2sf) =	vpush v0, $0x8;
	s6 =	sadd.s32 s23, s6  }
0xc7: {  	s6 =	sshrl.u32 s6, $0x3  }
0xc8: {  	s6 =	sadd.s32 s3, s6  }
0xc9: {  	[tilespmem:s12], [sflag:$0x1] =	stream.linear.gather [hbm4b:s6+s5], $0x10, $0x38;
	[tilespmem:$0xDE80] =	vst v63  }
0xca: {  	s7 =	spop (v2sf)  }
0xcb: {  	(v2sf) =	vpush v2, $0x9;
	s6 =	sand.u32 $0xFFFFFC00, s7;
	s8 =	spop (v2sf)  }
0xcc: {  	(v2sf) =	vpush v0, $0x9;
	s6 =	sadd.s32 s8, s6  }
0xcd: {  	s6 =	sshrl.u32 s6, $0x3  }
0xce: {  	s9 =	spop (v2sf);
	s6 =	sadd.s32 s3, s6  }
0xcf: {  	(v2sf) =	vpush v2, $0xA;
	[tilespmem:s16], [sflag:$0x1] =	stream.linear.gather [hbm4b:s6+s5], $0x10, $0x38;
	[tilespmem:$0xDE80] =	vst v63  }
0xd0: {  	s14 =	spop (v2sf);
	s6 =	sand.u32 $0xFFFFFC00, s9  }
0xd1: {  	(v2sf) =	vpush v0, $0xA;
	s6 =	sadd.s32 s14, s6  }
0xd2: {  	s6 =	sshrl.u32 s6, $0x3  }
0xd3: {  	s20 =	spop (v2sf);
	s6 =	sadd.s32 s3, s6  }
0xd4: {  	(v2sf) =	vpush v2, $0xB;
	[tilespmem:s17], [sflag:$0x1] =	stream.linear.gather [hbm4b:s6+s5], $0x10, $0x38;
	[tilespmem:$0xDE80] =	vst v63  }
0xd5: {  	s21 =	spop (v2sf);
	s6 =	sand.u32 $0xFFFFFC00, s20  }
0xd6: {  	(v2sf) =	vpush v0, $0xB;
	s6 =	sadd.s32 s21, s6  }
0xd7: {  	s6 =	sshrl.u32 s6, $0x3  }
0xd8: {  	s6 =	sadd.s32 s3, s6  }
0xd9: {  	[tilespmem:s18], [sflag:$0x1] =	stream.linear.gather [hbm4b:s6+s5], $0x10, $0x38;
	[tilespmem:$0xDE80] =	vst v63  }
0xda: {  	s22 =	spop (v2sf)  }
0xdb: {  	(v2sf) =	vpush v2, $0xC;
	s6 =	sand.u32 $0xFFFFFC00, s22;
	s23 =	spop (v2sf)  }
0xdc: {  	(v2sf) =	vpush v0, $0xC;
	s6 =	sadd.s32 s23, s6  }
0xdd: {  	s6 =	sshrl.u32 s6, $0x3  }
0xde: {  	s7 =	spop (v2sf);
	s6 =	sadd.s32 s3, s6  }
0xdf: {  	(v2sf) =	vpush v2, $0xD;
	[tilespmem:s13], [sflag:$0x1] =	stream.linear.gather [hbm4b:s6+s5], $0x10, $0x38;
	[tilespmem:$0xDE80] =	vst v63  }
0xe0: {  	s8 =	spop (v2sf);
	s6 =	sand.u32 $0xFFFFFC00, s7  }
0xe1: {  	(v2sf) =	vpush v0, $0xD;
	s6 =	sadd.s32 s8, s6  }
0xe2: {  	s6 =	sshrl.u32 s6, $0x3  }
0xe3: {  	s9 =	spop (v2sf);
	s6 =	sadd.s32 s3, s6  }
0xe4: {  	(v2sf) =	vpush v2, $0xE;
	[tilespmem:s1], [sflag:$0x1] =	stream.linear.gather [hbm4b:s6+s5], $0x10, $0x38;
	[tilespmem:$0xDE80] =	vst v63  }
0xe5: {  	s14 =	spop (v2sf);
	s6 =	sand.u32 $0xFFFFFC00, s9  }
0xe6: {  	(v2sf) =	vpush v0, $0xE;
	s6 =	sadd.s32 s14, s6  }
0xe7: {  	s6 =	sshrl.u32 s6, $0x3  }
0xe8: {  	s6 =	sadd.s32 s3, s6  }
0xe9: {  	[tilespmem:s25], [sflag:$0x1] =	stream.linear.gather [hbm4b:s6+s5], $0x10, $0x38;
	[tilespmem:$0xDE80] =	vst v63  }
0xea: {  	s20 =	spop (v2sf)  }
0xeb: {  	(v2sf) =	vpush v0, $0xF;
	s6 =	sand.u32 $0xFFFFFC00, s20;
	s21 =	spop (v2sf)  }
0xec: {  	(v2sf) =	vpush v2, $0xF;
	s6 =	sadd.s32 s21, s6  }
0xed: {  	s6 =	sshrl.u32 s6, $0x3  }
0xee: {  	s22 =	spop (v2sf);
	s6 =	sadd.s32 s3, s6  }
0xef: {  	[tilespmem:s26], [sflag:$0x1] =	stream.linear.gather [hbm4b:s6+s5], $0x10, $0x38;
	[tilespmem:$0xDE80] =	vst v63  }
0xf0: {  	s23 =	spop (v2sf);
	s6 =	sand.u32 $0xFFFFFC00, s22  }
0xf1: {  	s6 =	sadd.s32 s23, s6  }
0xf2: {  	s6 =	sshrl.u32 s6, $0x3  }
0xf3: {  	s8 =	spop (v2sf);
	s6 =	sadd.s32 s3, s6  }
0xf4: {  	[tilespmem:s28], [sflag:$0x1] =	stream.linear.gather [hbm4b:s6+s5], $0x10, $0x38;
	[tilespmem:$0xDE80] =	vst v63  }
0xf5: {  	s9 =	spop (v2sf);
	s6 =	sand.u32 $0xFFFFFC00, s8  }
0xf6: {  	s6 =	sadd.s32 s9, s6  }
0xf7: {  	s6 =	sshrl.u32 s6, $0x3  }
0xf8: {  	s6 =	sadd.s32 s3, s6  }
0xf9: {  	[tilespmem:s29], [sflag:$0x1] =	stream.linear.gather [hbm4b:s6+s5], $0x10, $0x38;
	[tilespmem:$0xDE80] =	vst v63  }
0xfa: {  	s14 =	spop (v2sf)  }
0xfb: {  	s20 =	spop (v2sf)  }
0xfc: {  	s7 =	sand.u32 $0xFFFFFC00, s20  }
0xfd: {  	s6 =	sadd.s32 s14, s7  }
0xfe: {  	s6 =	sshrl.u32 s6, $0x3  }
0xff: {  	s6 =	sadd.s32 s3, s6  }
0x100: {  	[tilespmem:s30], [sflag:$0x1] =	stream.linear.gather [hbm4b:s6+s5], $0x10, $0x38;
	[tilespmem:$0xDE80] =	vst v63  }
0x101: {  	v60 =	vld [tilespmem:$0x10]  }
0x102: {  	v61 =	vld [tilespmem:$0x210];
	_ =	sdelay $0x3  }
0x103: {  	v0 =	vshrl.u32 v60, $0x3  }
0x104: {  	v2 =	vshll.u32 v61, $0x3;
	v0 =	vmul.u32 $0x13C00, v0  }
0x105: {  	(v2sf) =	vpush v2, $0x0  }
0x106: {  	(v2sf) =	vpush v0, $0x0;
	_ =	sdelay $0x2  }
0x107: {  	(v2sf) =	vpush v2, $0x1;
	_ =	sdelay $0x1  }
0x108: {  	(v2sf) =	vpush v0, $0x1;
	_ =	sdelay $0x2  }
0x109: {  	(v2sf) =	vpush v2, $0x2;
	_ =	sdelay $0x1  }
0x10a: {  	(v2sf) =	vpush v0, $0x2;
	_ =	sdelay $0x3  }
0x10b: {  	s21 =	spop (v2sf)  }
0x10c: {  	(v2sf) =	vpush v2, $0x3;
	s6 =	sand.u32 $0xFFFFFC00, s21;
	s22 =	spop (v2sf)  }
0x10d: {  	(v2sf) =	vpush v0, $0x3;
	s6 =	sadd.s32 s22, s6  }
0x10e: {  	s6 =	sshrl.u32 s6, $0x3  }
0x10f: {  	s23 =	simm.s32 $0xCA00;
	s7 =	spop (v2sf);
	s6 =	sadd.s32 s3, s6  }
0x110: {  	(v2sf) =	vpush v2, $0x4;
	[tilespmem:s23], [sflag:$0x2] =	stream.linear.gather [hbm4b:s6+s5], $0x10, $0x38;
	[tilespmem:$0xDE80] =	vst v63  }
0x111: {  	s8 =	spop (v2sf);
	s6 =	sand.u32 $0xFFFFFC00, s7  }
0x112: {  	(v2sf) =	vpush v0, $0x4;
	s6 =	sadd.s32 s8, s6  }
0x113: {  	s6 =	sshrl.u32 s6, $0x3  }
0x114: {  	s9 =	simm.s32 $0xCA80;
	s14 =	spop (v2sf);
	s6 =	sadd.s32 s3, s6  }
0x115: {  	(v2sf) =	vpush v2, $0x5;
	[tilespmem:s9], [sflag:$0x2] =	stream.linear.gather [hbm4b:s6+s5], $0x10, $0x38;
	[tilespmem:$0xDE80] =	vst v63  }
0x116: {  	s20 =	spop (v2sf);
	s6 =	sand.u32 $0xFFFFFC00, s14  }
0x117: {  	(v2sf) =	vpush v0, $0x5;
	s6 =	sadd.s32 s20, s6  }
0x118: {  	s6 =	sshrl.u32 s6, $0x3  }
0x119: {  	s21 =	simm.s32 $0xCB00;
	s6 =	sadd.s32 s3, s6  }
0x11a: {  	[tilespmem:s21], [sflag:$0x2] =	stream.linear.gather [hbm4b:s6+s5], $0x10, $0x38;
	[tilespmem:$0xDE80] =	vst v63  }
0x11b: {  	s22 =	spop (v2sf)  }
0x11c: {  	(v2sf) =	vpush v2, $0x6;
	s6 =	sand.u32 $0xFFFFFC00, s22;
	s23 =	spop (v2sf)  }
0x11d: {  	(v2sf) =	vpush v0, $0x6;
	s6 =	sadd.s32 s23, s6  }
0x11e: {  	s6 =	sshrl.u32 s6, $0x3  }
0x11f: {  	s8 =	simm.s32 $0xCB80;
	s9 =	spop (v2sf);
	s6 =	sadd.s32 s3, s6  }
0x120: {  	(v2sf) =	vpush v2, $0x7;
	[tilespmem:s8], [sflag:$0x2] =	stream.linear.gather [hbm4b:s6+s5], $0x10, $0x38;
	[tilespmem:$0xDE80] =	vst v63  }
0x121: {  	s14 =	spop (v2sf);
	s6 =	sand.u32 $0xFFFFFC00, s9  }
0x122: {  	(v2sf) =	vpush v0, $0x7;
	s6 =	sadd.s32 s14, s6  }
0x123: {  	s6 =	sshrl.u32 s6, $0x3  }
0x124: {  	s20 =	simm.s32 $0xCC00;
	s21 =	spop (v2sf);
	s6 =	sadd.s32 s3, s6  }
0x125: {  	(v2sf) =	vpush v2, $0x8;
	[tilespmem:s20], [sflag:$0x2] =	stream.linear.gather [hbm4b:s6+s5], $0x10, $0x38;
	[tilespmem:$0xDE80] =	vst v63  }
0x126: {  	s22 =	spop (v2sf);
	s6 =	sand.u32 $0xFFFFFC00, s21  }
0x127: {  	(v2sf) =	vpush v0, $0x8;
	s6 =	sadd.s32 s22, s6  }
0x128: {  	s6 =	sshrl.u32 s6, $0x3  }
0x129: {  	s23 =	simm.s32 $0xCC80;
	s6 =	sadd.s32 s3, s6  }
0x12a: {  	[tilespmem:s23], [sflag:$0x2] =	stream.linear.gather [hbm4b:s6+s5], $0x10, $0x38;
	[tilespmem:$0xDE80] =	vst v63  }
0x12b: {  	s7 =	spop (v2sf)  }
0x12c: {  	(v2sf) =	vpush v2, $0x9;
	s6 =	sand.u32 $0xFFFFFC00, s7;
	s8 =	spop (v2sf)  }
0x12d: {  	(v2sf) =	vpush v0, $0x9;
	s6 =	sadd.s32 s8, s6  }
0x12e: {  	s6 =	sshrl.u32 s6, $0x3  }
0x12f: {  	s9 =	simm.s32 $0xCD00;
	s14 =	spop (v2sf);
	s6 =	sadd.s32 s3, s6  }
0x130: {  	(v2sf) =	vpush v2, $0xA;
	[tilespmem:s9], [sflag:$0x2] =	stream.linear.gather [hbm4b:s6+s5], $0x10, $0x38;
	[tilespmem:$0xDE80] =	vst v63  }
0x131: {  	s20 =	spop (v2sf);
	s6 =	sand.u32 $0xFFFFFC00, s14  }
0x132: {  	(v2sf) =	vpush v0, $0xA;
	s6 =	sadd.s32 s20, s6  }
0x133: {  	s6 =	sshrl.u32 s6, $0x3  }
0x134: {  	s21 =	simm.s32 $0xCD80;
	s22 =	spop (v2sf);
	s6 =	sadd.s32 s3, s6  }
0x135: {  	(v2sf) =	vpush v2, $0xB;
	[tilespmem:s21], [sflag:$0x2] =	stream.linear.gather [hbm4b:s6+s5], $0x10, $0x38;
	[tilespmem:$0xDE80] =	vst v63  }
0x136: {  	s23 =	spop (v2sf);
	s6 =	sand.u32 $0xFFFFFC00, s22  }
0x137: {  	(v2sf) =	vpush v0, $0xB;
	s6 =	sadd.s32 s23, s6  }
0x138: {  	s6 =	sshrl.u32 s6, $0x3  }
0x139: {  	s8 =	simm.s32 $0xCA10;
	s6 =	sadd.s32 s3, s6  }
0x13a: {  	[tilespmem:s8], [sflag:$0x2] =	stream.linear.gather [hbm4b:s6+s5], $0x10, $0x38;
	[tilespmem:$0xDE80] =	vst v63  }
0x13b: {  	s9 =	spop (v2sf)  }
0x13c: {  	(v2sf) =	vpush v2, $0xC;
	s6 =	sand.u32 $0xFFFFFC00, s9;
	s14 =	spop (v2sf)  }
0x13d: {  	(v2sf) =	vpush v0, $0xC;
	s6 =	sadd.s32 s14, s6  }
0x13e: {  	s6 =	sshrl.u32 s6, $0x3  }
0x13f: {  	s20 =	simm.s32 $0xCA90;
	s21 =	spop (v2sf);
	s6 =	sadd.s32 s3, s6  }
0x140: {  	(v2sf) =	vpush v2, $0xD;
	[tilespmem:s20], [sflag:$0x2] =	stream.linear.gather [hbm4b:s6+s5], $0x10, $0x38;
	[tilespmem:$0xDE80] =	vst v63  }
0x141: {  	s22 =	spop (v2sf);
	s6 =	sand.u32 $0xFFFFFC00, s21  }
0x142: {  	(v2sf) =	vpush v0, $0xD;
	s6 =	sadd.s32 s22, s6  }
0x143: {  	s6 =	sshrl.u32 s6, $0x3  }
0x144: {  	s23 =	simm.s32 $0xCB10;
	s7 =	spop (v2sf);
	s6 =	sadd.s32 s3, s6  }
0x145: {  	(v2sf) =	vpush v2, $0xE;
	[tilespmem:s23], [sflag:$0x2] =	stream.linear.gather [hbm4b:s6+s5], $0x10, $0x38;
	[tilespmem:$0xDE80] =	vst v63  }
0x146: {  	s8 =	spop (v2sf);
	s6 =	sand.u32 $0xFFFFFC00, s7  }
0x147: {  	(v2sf) =	vpush v0, $0xE;
	s6 =	sadd.s32 s8, s6  }
0x148: {  	s6 =	sshrl.u32 s6, $0x3  }
0x149: {  	s9 =	simm.s32 $0xCB90;
	s6 =	sadd.s32 s3, s6  }
0x14a: {  	[tilespmem:s9], [sflag:$0x2] =	stream.linear.gather [hbm4b:s6+s5], $0x10, $0x38;
	[tilespmem:$0xDE80] =	vst v63  }
0x14b: {  	s14 =	spop (v2sf)  }
0x14c: {  	(v2sf) =	vpush v0, $0xF;
	s6 =	sand.u32 $0xFFFFFC00, s14;
	s20 =	spop (v2sf)  }
0x14d: {  	(v2sf) =	vpush v2, $0xF;
	s6 =	sadd.s32 s20, s6  }
0x14e: {  	s6 =	sshrl.u32 s6, $0x3  }
0x14f: {  	s21 =	simm.s32 $0xCC10;
	s22 =	spop (v2sf);
	s6 =	sadd.s32 s3, s6  }
0x150: {  	[tilespmem:s21], [sflag:$0x2] =	stream.linear.gather [hbm4b:s6+s5], $0x10, $0x38;
	[tilespmem:$0xDE80] =	vst v63  }
0x151: {  	s23 =	spop (v2sf);
	s6 =	sand.u32 $0xFFFFFC00, s22  }
0x152: {  	s6 =	sadd.s32 s23, s6  }
0x153: {  	s6 =	sshrl.u32 s6, $0x3  }
0x154: {  	s8 =	simm.s32 $0xCC90;
	s9 =	spop (v2sf);
	s6 =	sadd.s32 s3, s6  }
0x155: {  	[tilespmem:s8], [sflag:$0x2] =	stream.linear.gather [hbm4b:s6+s5], $0x10, $0x38;
	[tilespmem:$0xDE80] =	vst v63  }
0x156: {  	s14 =	spop (v2sf);
	s6 =	sand.u32 $0xFFFFFC00, s9  }
0x157: {  	s6 =	sadd.s32 s14, s6  }
0x158: {  	s6 =	sshrl.u32 s6, $0x3  }
0x159: {  	s20 =	simm.s32 $0xCD10;
	s6 =	sadd.s32 s3, s6  }
0x15a: {  	[tilespmem:s20], [sflag:$0x2] =	stream.linear.gather [hbm4b:s6+s5], $0x10, $0x38;
	[tilespmem:$0xDE80] =	vst v63  }
0x15b: {  	s21 =	spop (v2sf)  }
0x15c: {  	s22 =	spop (v2sf)  }
0x15d: {  	s7 =	sand.u32 $0xFFFFFC00, s22  }
0x15e: {  	s6 =	sadd.s32 s21, s7  }
0x15f: {  	s6 =	sshrl.u32 s6, $0x3  }
0x160: {  	s23 =	simm.s32 $0xCD90;
	s6 =	sadd.s32 s3, s6  }
0x161: {  	[tilespmem:s23], [sflag:$0x2] =	stream.linear.gather [hbm4b:s6+s5], $0x10, $0x38;
	[tilespmem:$0xDE80] =	vst v63  }
0x162: {  	v63 =	vld [tilespmem:$0x410];
	_ =	sdelay $0x1  }
0x163: {  	v62 =	vld [tilespmem:$0x10];
	_ =	sdelay $0x2  }
0x164: {  	v2 =	vshll.u32 v63, $0x3  }
0x165: {  	(v2sf) =	vpush v2, $0x0  }
0x166: {  	v0 =	vshrl.u32 v62, $0x3  }
0x167: {  	v0 =	vmul.u32 $0x13C00, v0;
	_ =	sdelay $0x1  }
0x168: {  	(v2sf) =	vpush v0, $0x0  }
0x169: {  	(v2sf) =	vpush v2, $0x1;
	_ =	sdelay $0x2  }
0x16a: {  	(v2sf) =	vpush v0, $0x1  }
0x16b: {  	(v2sf) =	vpush v2, $0x2;
	_ =	sdelay $0x2  }
0x16c: {  	(v2sf) =	vpush v0, $0x2;
	_ =	sdelay $0x1  }
0x16d: {  	(v2sf) =	vpush v2, $0x3  }
0x16e: {  	s7 =	spop (v2sf);
	(v2sf) =	vpush v0, $0x3;
	_ =	sdelay $0x3  }
0x16f: {  	s8 =	spop (v2sf);
	(v2sf) =	vpush v2, $0x4  }
0x170: {  	s9 =	spop (v2sf);
	(v2sf) =	vpush v0, $0x4;
	_ =	sdelay $0x2  }
0x171: {  	s21 =	spop (v2sf);
	(v2sf) =	vpush v2, $0x5  }
0x172: {  	s6 =	sand.u32 $0xFFFFFC00, s7;
	s22 =	spop (v2sf);
	(v2sf) =	vpush v0, $0x5  }
0x173: {  	s6 =	sadd.s32 s8, s6  }
0x174: {  	s6 =	sshrl.u32 s6, $0x3  }
0x175: {  	s14 =	simm.s32 $0xCA20;
	s6 =	sadd.s32 s3, s6;
	s8 =	spop (v2sf);
	(v2sf) =	vpush v2, $0x6  }
0x176: {  	[tilespmem:s14], [sflag:$0x2] =	stream.linear.gather [hbm4b:s6+s5], $0x10, $0x38;
	[tilespmem:$0xDE80] =	vst v63  }
0x177: {  	s20 =	sand.u32 $0xFFFFFC00, s9;
	s9 =	spop (v2sf)  }
0x178: {  	s6 =	sadd.s32 s21, s20;
	s21 =	spop (v2sf);
	(v2sf) =	vpush v0, $0x6  }
0x179: {  	s6 =	sshrl.u32 s6, $0x3  }
0x17a: {  	s23 =	simm.s32 $0xCAA0;
	s7 =	sand.u32 $0xFFFFFC00, s22;
	s6 =	sadd.s32 s3, s6  }
0x17b: {  	[tilespmem:s23], [sflag:$0x2] =	stream.linear.gather [hbm4b:s6+s5], $0x10, $0x38;
	[tilespmem:$0xDE80] =	vst v63  }
0x17c: {  	s6 =	sadd.s32 s8, s7;
	s22 =	spop (v2sf);
	(v2sf) =	vpush v2, $0x7  }
0x17d: {  	s6 =	sshrl.u32 s6, $0x3;
	s8 =	spop (v2sf);
	(v2sf) =	vpush v0, $0x7  }
0x17e: {  	s14 =	simm.s32 $0xCB20;
	s6 =	sadd.s32 s3, s6  }
0x17f: {  	[tilespmem:s14], [sflag:$0x2] =	stream.linear.gather [hbm4b:s6+s5], $0x10, $0x38;
	[tilespmem:$0xDE80] =	vst v63  }
0x180: {  	s20 =	sand.u32 $0xFFFFFC00, s9;
	s9 =	spop (v2sf);
	(v2sf) =	vpush v2, $0x8  }
0x181: {  	s6 =	sadd.s32 s21, s20;
	s21 =	spop (v2sf);
	(v2sf) =	vpush v0, $0x8;
	_ =	sdelay $0x1  }
0x182: {  	s23 =	simm.s32 $0xCBA0;
	s6 =	sshrl.u32 s6, $0x3  }
0x183: {  	s6 =	sadd.s32 s3, s6;
	s7 =	sand.u32 $0xFFFFFC00, s22;
	s22 =	spop (v2sf);
	(v2sf) =	vpush v2, $0x9  }
0x184: {  	[tilespmem:s23], [sflag:$0x2] =	stream.linear.gather [hbm4b:s6+s5], $0x10, $0x38;
	[tilespmem:$0xDE80] =	vst v63  }
0x185: {  	s6 =	sadd.s32 s8, s7  }
0x186: {  	s6 =	sshrl.u32 s6, $0x3;
	s8 =	spop (v2sf);
	(v2sf) =	vpush v0, $0x9  }
0x187: {  	s14 =	simm.s32 $0xCC20;
	s20 =	sand.u32 $0xFFFFFC00, s9;
	s6 =	sadd.s32 s3, s6  }
0x188: {  	[tilespmem:s14], [sflag:$0x2] =	stream.linear.gather [hbm4b:s6+s5], $0x10, $0x38;
	[tilespmem:$0xDE80] =	vst v63  }
0x189: {  	s6 =	sadd.s32 s21, s20  }
0x18a: {  	s23 =	simm.s32 $0xCCA0;
	s6 =	sshrl.u32 s6, $0x3;
	s9 =	spop (v2sf);
	(v2sf) =	vpush v2, $0xA  }
0x18b: {  	s7 =	sand.u32 $0xFFFFFC00, s22;
	s6 =	sadd.s32 s3, s6;
	s21 =	spop (v2sf);
	(v2sf) =	vpush v0, $0xA  }
0x18c: {  	[tilespmem:s23], [sflag:$0x2] =	stream.linear.gather [hbm4b:s6+s5], $0x10, $0x38;
	[tilespmem:$0xDE80] =	vst v63  }
0x18d: {  	s6 =	sadd.s32 s8, s7  }
0x18e: {  	s14 =	simm.s32 $0xCD20;
	s6 =	sshrl.u32 s6, $0x3;
	s22 =	spop (v2sf);
	(v2sf) =	vpush v2, $0xB  }
0x18f: {  	s6 =	sadd.s32 s3, s6;
	s20 =	sand.u32 $0xFFFFFC00, s9;
	s8 =	spop (v2sf);
	(v2sf) =	vpush v0, $0xB  }
0x190: {  	[tilespmem:s14], [sflag:$0x2] =	stream.linear.gather [hbm4b:s6+s5], $0x10, $0x38;
	[tilespmem:$0xDE80] =	vst v63  }
0x191: {  	s6 =	sadd.s32 s21, s20  }
0x192: {  	s6 =	sshrl.u32 s6, $0x3;
	s9 =	spop (v2sf);
	(v2sf) =	vpush v2, $0xC  }
0x193: {  	s23 =	simm.s32 $0xCDA0;
	s7 =	sand.u32 $0xFFFFFC00, s22;
	s6 =	sadd.s32 s3, s6  }
0x194: {  	[tilespmem:s23], [sflag:$0x2] =	stream.linear.gather [hbm4b:s6+s5], $0x10, $0x38;
	[tilespmem:$0xDE80] =	vst v63  }
0x195: {  	s6 =	sadd.s32 s8, s7;
	s21 =	spop (v2sf);
	(v2sf) =	vpush v0, $0xC  }
0x196: {  	s6 =	sshrl.u32 s6, $0x3  }
0x197: {  	s14 =	simm.s32 $0xCA30;
	s20 =	sand.u32 $0xFFFFFC00, s9;
	s6 =	sadd.s32 s3, s6  }
0x198: {  	[tilespmem:s14], [sflag:$0x2] =	stream.linear.gather [hbm4b:s6+s5], $0x10, $0x38;
	[tilespmem:$0xDE80] =	vst v63  }
0x199: {  	s6 =	sadd.s32 s21, s20;
	s22 =	spop (v2sf);
	(v2sf) =	vpush v2, $0xD  }
0x19a: {  	s6 =	sshrl.u32 s6, $0x3;
	s8 =	spop (v2sf);
	(v2sf) =	vpush v0, $0xD  }
0x19b: {  	s23 =	simm.s32 $0xCAB0;
	s6 =	sadd.s32 s3, s6  }
0x19c: {  	[tilespmem:s23], [sflag:$0x2] =	stream.linear.gather [hbm4b:s6+s5], $0x10, $0x38;
	[tilespmem:$0xDE80] =	vst v63  }
0x19d: {  	s9 =	spop (v2sf);
	(v2sf) =	vpush v2, $0xE  }
0x19e: {  	s7 =	sand.u32 $0xFFFFFC00, s22;
	s21 =	spop (v2sf);
	(v2sf) =	vpush v0, $0xE  }
0x19f: {  	s6 =	sadd.s32 s8, s7  }
0x1a0: {  	s14 =	simm.s32 $0xCB30;
	s6 =	sshrl.u32 s6, $0x3  }
0x1a1: {  	s20 =	sand.u32 $0xFFFFFC00, s9;
	s6 =	sadd.s32 s3, s6;
	s22 =	spop (v2sf)  }
0x1a2: {  	(v2sf) =	vpush v0, $0xF;
	[tilespmem:s14], [sflag:$0x2] =	stream.linear.gather [hbm4b:s6+s5], $0x10, $0x38;
	[tilespmem:$0xDE80] =	vst v63  }
0x1a3: {  	s6 =	sadd.s32 s21, s20  }
0x1a4: {  	s6 =	sshrl.u32 s6, $0x3;
	s14 =	spop (v2sf);
	(v2sf) =	vpush v2, $0xF  }
0x1a5: {  	s23 =	simm.s32 $0xCBB0;
	s9 =	sand.u32 $0xFFFFFC00, s22;
	s6 =	sadd.s32 s3, s6  }
0x1a6: {  	[tilespmem:s23], [sflag:$0x2] =	stream.linear.gather [hbm4b:s6+s5], $0x10, $0x38;
	[tilespmem:$0xDE80] =	vst v63  }
0x1a7: {  	s6 =	sadd.s32 s14, s9  }
0x1a8: {  	s21 =	simm.s32 $0xCC30;
	s6 =	sshrl.u32 s6, $0x3;
	s20 =	spop (v2sf)  }
0x1a9: {  	s6 =	sadd.s32 s3, s6;
	s22 =	spop (v2sf);
	s7 =	sand.u32 $0xFFFFFC00, s20  }
0x1aa: {  	[tilespmem:s21], [sflag:$0x2] =	stream.linear.gather [hbm4b:s6+s5], $0x10, $0x38;
	[tilespmem:$0xDE80] =	vst v63  }
0x1ab: {  	s6 =	sadd.s32 s22, s7  }
0x1ac: {  	s9 =	simm.s32 $0xCCB0;
	s23 =	spop (v2sf);
	s6 =	sshrl.u32 s6, $0x3  }
0x1ad: {  	s14 =	spop (v2sf);
	s7 =	sand.u32 $0xFFFFFC00, s23;
	s6 =	sadd.s32 s3, s6  }
0x1ae: {  	[tilespmem:s9], [sflag:$0x2] =	stream.linear.gather [hbm4b:s6+s5], $0x10, $0x38;
	[tilespmem:$0xDE80] =	vst v63  }
0x1af: {  	s6 =	sadd.s32 s14, s7  }
0x1b0: {  	s6 =	sshrl.u32 s6, $0x3  }
0x1b1: {  	s21 =	simm.s32 $0xCD30;
	s20 =	spop (v2sf);
	s6 =	sadd.s32 s3, s6  }
0x1b2: {  	[tilespmem:s21], [sflag:$0x2] =	stream.linear.gather [hbm4b:s6+s5], $0x10, $0x38;
	[tilespmem:$0xDE80] =	vst v63  }
0x1b3: {  	s22 =	spop (v2sf)  }
0x1b4: {  	s6 =	sand.u32 $0xFFFFFC00, s22  }
.Ltmp2:
0x1b5: {  	s6 =	sadd.s32 s20, s6;
	(pc) =	sbr.rel .LBB2_2-.Ltmp2, $4  }
0x1b6: {  	s23 =	simm.s32 $0xCDB0;
	s6 =	sshrl.u32 s6, $0x3  }
0x1b7: {  	s14 =	simm.s32 $0x0;
	s21 =	simm.s32 $0x420;
	s6 =	sadd.s32 s3, s6  }
0x1b8: {  	[tilespmem:s23], [sflag:$0x2] =	stream.linear.gather [hbm4b:s6+s5], $0x10, $0x38;
	[tilespmem:$0xDE80] =	vst v63  }
0x1b9: {  	v23 =	vimm.f32 $0.0e+00;
	v19 =	vimm.f32 $0.0e+00;
	v20 =	vimm.f32 $0.0e+00;
	s22 =	simm.s32 $0x220;
	s20 =	simm.s32 $0x20;
	s23 =	simm.s32 $0x0  }
.LBB2_13:
0x1ba: {  	s6 =	sshll.u32 s6, $0x6  }
0x1bb: {  	s7 =	sand.u32 $0x30, s23;
	s6 =	sand.u32 $0x40, s6  }
0x1bc: {  	s6 =	sor.u32 s7, s6  }
0x1bd: {  	v1 =	vld [tilespmem:$0x1FFF0];
	s6 =	sshll.u32 s6, $0x7  }
0x1be: {  	v0 =	vld [tilespmem:s6+$0x600]  }
0x1bf: {  	v2 =	vld [tilespmem:s6+$0x4600]  }
0x1c0: {  	v3 =	vld [tilespmem:s6+$0x8600]  }
0x1c1: {  	v4 =	vld [tilespmem:s6+$0x610]  }
0x1c2: {  	v5 =	vld [tilespmem:s6+$0x4610]  }
0x1c3: {  	v6 =	vld [tilespmem:s6+$0x8610]  }
0x1c4: {  	v7 =	vld [tilespmem:s6+$0x620]  }
0x1c5: {  	v24 =	vld [tilespmem:s6+$0x4620]  }
0x1c6: {  	v25 =	vld [tilespmem:s6+$0x8620]  }
0x1c7: {  	v26 =	vld [tilespmem:s6+$0x630]  }
0x1c8: {  	v27 =	vld [tilespmem:s6+$0x4630]  }
0x1c9: {  	v30 =	vld [tilespmem:s6+$0x8630];
	v28 =	vmul.f32 v2, v0;
	v29 =	vmul.f32 v5, v4  }
0x1ca: {  	v31 =	vmul.f32 v3, v0;
	v32 =	vmul.f32 v6, v4  }
0x1cb: {  	v48 =	vmul.f32 v24, v7;
	v28 =	vadd.f32 v29, v28  }
0x1cc: {  	v49 =	vmul.f32 v25, v7;
	v31 =	vadd.f32 v32, v31  }
0x1cd: {  	v50 =	vmul.f32 v27, v26;
	v28 =	vadd.f32 v48, v28  }
0x1ce: {  	v51 =	vmul.f32 v30, v26;
	v31 =	vadd.f32 v49, v31  }
0x1cf: {  	v28 =	vadd.f32 v50, v28  }
0x1d0: {  	v52 =	vadd.f32 v51, v31  }
0x1d1: {  	[tilespmem:v1+s0+$0x0] =	vst.idx.msk $0xffff, v28  }
0x1d2: {  	v9 =	vld [tilespmem:$0x1FF40];
	[tilespmem:v1+s4+$0x0] =	vst.idx.msk $0xffff, v52  }
0x1d3: {  	v28 =	vld [tilespmem:s6+$0x680]  }
0x1d4: {  	v29 =	vld [tilespmem:s6+$0x4680]  }
0x1d5: {  	v53 =	vld [tilespmem:s6+$0x8680]  }
0x1d6: {  	v32 =	vld [tilespmem:s6+$0x690]  }
0x1d7: {  	v0 =	vmul.f32 v0, v0;
	v33 =	vld [tilespmem:s6+$0x4690]  }
0x1d8: {  	v34 =	vld [tilespmem:s6+$0x8690]  }
0x1d9: {  	v0 =	vadd.f32 v0, v23;
	v23 =	vld [tilespmem:s6+$0x6A0]  }
0x1da: {  	v35 =	vld [tilespmem:s6+$0x46A0]  }
0x1db: {  	v54 =	vmul.f32 v3, v3;
	v3 =	vld [tilespmem:s6+$0x86A0]  }
0x1dc: {  	v2 =	vmul.f32 v2, v2;
	v36 =	vld [tilespmem:s6+$0x6B0]  }
0x1dd: {  	v55 =	vmul.f32 v4, v4;
	v56 =	vmul.f32 v5, v5;
	v5 =	vld [tilespmem:s6+$0x46B0]  }
0x1de: {  	v0 =	vadd.f32 v2, v0;
	v39 =	vld [tilespmem:s6+$0x86B0];
	v37 =	vmul.f32 v29, v28;
	v38 =	vmul.f32 v33, v32  }
0x1df: {  	v57 =	vmul.f32 v53, v28;
	v40 =	vmul.f32 v34, v32  }
0x1e0: {  	v0 =	vadd.f32 v54, v0;
	v58 =	vmul.f32 v35, v23;
	v37 =	vadd.f32 v38, v37  }
0x1e1: {  	v59 =	vmul.f32 v3, v23;
	v2 =	vadd.f32 v40, v57  }
0x1e2: {  	v0 =	vadd.f32 v55, v0;
	v60 =	vmul.f32 v5, v36;
	v37 =	vadd.f32 v58, v37  }
0x1e3: {  	v61 =	vmul.f32 v39, v36;
	v2 =	vadd.f32 v59, v2  }
0x1e4: {  	v6 =	vmul.f32 v6, v6;
	v0 =	vadd.f32 v56, v0;
	v63 =	vadd.f32 v60, v37  }
0x1e5: {  	v2 =	vadd.f32 v61, v2  }
0x1e6: {  	v62 =	vmul.f32 v7, v7;
	v0 =	vadd.f32 v6, v0;
	[tilespmem:v9+s0+$0x0] =	vst.idx.msk $0xffff, v63  }
0x1e7: {  	v60 =	vld [tilespmem:$0x1FF50];
	[tilespmem:v9+s4+$0x0] =	vst.idx.msk $0xffff, v2  }
0x1e8: {  	v8 =	vmul.f32 v24, v24;
	v0 =	vadd.f32 v62, v0;
	v11 =	vld [tilespmem:s6+$0x700]  }
0x1e9: {  	v6 =	vld [tilespmem:s6+$0x4700]  }
0x1ea: {  	v10 =	vmul.f32 v25, v25;
	v0 =	vadd.f32 v8, v0;
	v7 =	vld [tilespmem:s6+$0x8700]  }
0x1eb: {  	v24 =	vld [tilespmem:s6+$0x710]  }
0x1ec: {  	v44 =	vmul.f32 v26, v26;
	v0 =	vadd.f32 v10, v0;
	v25 =	vld [tilespmem:s6+$0x4710]  }
0x1ed: {  	v26 =	vld [tilespmem:s6+$0x8710]  }
0x1ee: {  	v45 =	vmul.f32 v27, v27;
	v0 =	vadd.f32 v44, v0;
	v27 =	vld [tilespmem:s6+$0x720]  }
0x1ef: {  	v46 =	vmul.f32 v30, v30;
	v30 =	vld [tilespmem:s6+$0x4720]  }
0x1f0: {  	v47 =	vmul.f32 v28, v28;
	v0 =	vadd.f32 v45, v0;
	v28 =	vld [tilespmem:s6+$0x8720]  }
0x1f1: {  	v37 =	vld [tilespmem:s6+$0x730]  }
0x1f2: {  	v48 =	vmul.f32 v29, v29;
	v0 =	vadd.f32 v46, v0;
	v31 =	vld [tilespmem:s6+$0x4730]  }
0x1f3: {  	v41 =	vld [tilespmem:s6+$0x8730];
	v50 =	vmul.f32 v6, v11;
	v51 =	vmul.f32 v25, v24  }
0x1f4: {  	v0 =	vadd.f32 v47, v0;
	v52 =	vmul.f32 v7, v11;
	v42 =	vmul.f32 v26, v24  }
0x1f5: {  	v49 =	vmul.f32 v53, v53;
	v53 =	vmul.f32 v30, v27;
	v38 =	vadd.f32 v51, v50  }
0x1f6: {  	v0 =	vadd.f32 v48, v0;
	v54 =	vmul.f32 v28, v27;
	v2 =	vadd.f32 v42, v52  }
0x1f7: {  	v32 =	vmul.f32 v32, v32;
	v55 =	vmul.f32 v31, v37;
	v38 =	vadd.f32 v53, v38  }
0x1f8: {  	v0 =	vadd.f32 v49, v0;
	v56 =	vmul.f32 v41, v37;
	v2 =	vadd.f32 v54, v2  }
0x1f9: {  	v58 =	vadd.f32 v55, v38  }
0x1fa: {  	v57 =	vmul.f32 v33, v33;
	v0 =	vadd.f32 v32, v0;
	v2 =	vadd.f32 v56, v2  }
0x1fb: {  	[tilespmem:v60+s0+$0x0] =	vst.idx.msk $0xffff, v58  }
0x1fc: {  	v0 =	vadd.f32 v57, v0;
	v57 =	vld [tilespmem:$0x1FF60];
	[tilespmem:v60+s4+$0x0] =	vst.idx.msk $0xffff, v2  }
0x1fd: {  	v59 =	vmul.f32 v34, v34;
	v61 =	vmul.f32 v23, v23;
	v23 =	vld [tilespmem:s6+$0x780]  }
0x1fe: {  	v29 =	vld [tilespmem:s6+$0x4780]  }
0x1ff: {  	v0 =	vadd.f32 v59, v0;
	v32 =	vld [tilespmem:s6+$0x8780]  }
0x200: {  	v33 =	vld [tilespmem:s6+$0x790]  }
0x201: {  	v62 =	vmul.f32 v35, v35;
	v63 =	vmul.f32 v3, v3;
	v0 =	vadd.f32 v61, v0;
	v3 =	vld [tilespmem:s6+$0x4790]  }
0x202: {  	v34 =	vld [tilespmem:s6+$0x8790]  }
0x203: {  	v0 =	vadd.f32 v62, v0;
	v35 =	vld [tilespmem:s6+$0x7A0]  }
0x204: {  	v8 =	vmul.f32 v36, v36;
	v36 =	vld [tilespmem:s6+$0x47A0]  }
0x205: {  	v9 =	vmul.f32 v5, v5;
	v5 =	vld [tilespmem:s6+$0x87A0];
	v0 =	vadd.f32 v63, v0  }
0x206: {  	v38 =	vld [tilespmem:s6+$0x7B0]  }
0x207: {  	v10 =	vmul.f32 v39, v39;
	v4 =	vmul.f32 v11, v11;
	v39 =	vld [tilespmem:s6+$0x47B0];
	v0 =	vadd.f32 v8, v0  }
0x208: {  	v43 =	vld [tilespmem:s6+$0x87B0];
	v11 =	vmul.f32 v29, v23;
	v48 =	vmul.f32 v3, v33  }
0x209: {  	v49 =	vmul.f32 v32, v23;
	v44 =	vmul.f32 v34, v33;
	v0 =	vadd.f32 v9, v0  }
0x20a: {  	v50 =	vmul.f32 v36, v35;
	v40 =	vadd.f32 v48, v11  }
0x20b: {  	v51 =	vmul.f32 v5, v35;
	v2 =	vadd.f32 v44, v49;
	v0 =	vadd.f32 v10, v0  }
0x20c: {  	v6 =	vmul.f32 v6, v6;
	v52 =	vmul.f32 v39, v38;
	v40 =	vadd.f32 v50, v40  }
0x20d: {  	v53 =	vmul.f32 v43, v38;
	v2 =	vadd.f32 v51, v2;
	v0 =	vadd.f32 v4, v0  }
0x20e: {  	v55 =	vadd.f32 v52, v40  }
0x20f: {  	v54 =	vmul.f32 v7, v7;
	v2 =	vadd.f32 v53, v2;
	v0 =	vadd.f32 v6, v0  }
0x210: {  	[tilespmem:v57+s0+$0x0] =	vst.idx.msk $0xffff, v55  }
0x211: {  	v56 =	vmul.f32 v24, v24;
	v52 =	vld [tilespmem:$0x1FF70];
	v0 =	vadd.f32 v54, v0;
	[tilespmem:v57+s4+$0x0] =	vst.idx.msk $0xffff, v2  }
0x212: {  	v4 =	vld [tilespmem:s6+$0x800]  }
0x213: {  	v58 =	vmul.f32 v25, v25;
	v6 =	vld [tilespmem:s6+$0x4800];
	v0 =	vadd.f32 v56, v0  }
0x214: {  	v7 =	vld [tilespmem:s6+$0x8800]  }
0x215: {  	v59 =	vmul.f32 v26, v26;
	v24 =	vld [tilespmem:s6+$0x810];
	v0 =	vadd.f32 v58, v0  }
0x216: {  	v25 =	vld [tilespmem:s6+$0x4810]  }
0x217: {  	v60 =	vmul.f32 v27, v27;
	v27 =	vld [tilespmem:s6+$0x8810];
	v0 =	vadd.f32 v59, v0  }
0x218: {  	v61 =	vmul.f32 v30, v30;
	v30 =	vld [tilespmem:s6+$0x820]  }
0x219: {  	v40 =	vld [tilespmem:s6+$0x4820];
	v0 =	vadd.f32 v60, v0  }
0x21a: {  	v42 =	vld [tilespmem:s6+$0x8820]  }
0x21b: {  	v62 =	vmul.f32 v28, v28;
	v44 =	vld [tilespmem:s6+$0x830];
	v0 =	vadd.f32 v61, v0  }
0x21c: {  	v63 =	vmul.f32 v37, v37;
	v8 =	vmul.f32 v31, v31;
	v31 =	vld [tilespmem:s6+$0x4830]  }
0x21d: {  	v45 =	vld [tilespmem:s6+$0x8830];
	v9 =	vmul.f32 v6, v4;
	v10 =	vmul.f32 v25, v24;
	v0 =	vadd.f32 v62, v0  }
0x21e: {  	v11 =	vmul.f32 v7, v4;
	v46 =	vmul.f32 v27, v24  }
0x21f: {  	v48 =	vmul.f32 v40, v30;
	v28 =	vadd.f32 v10, v9;
	v0 =	vadd.f32 v63, v0  }
0x220: {  	v41 =	vmul.f32 v41, v41;
	v49 =	vmul.f32 v42, v30;
	v2 =	vadd.f32 v46, v11  }
0x221: {  	v50 =	vmul.f32 v31, v44;
	v28 =	vadd.f32 v48, v28;
	v0 =	vadd.f32 v8, v0  }
0x222: {  	v51 =	vmul.f32 v45, v44;
	v2 =	vadd.f32 v49, v2  }
0x223: {  	v23 =	vmul.f32 v23, v23;
	v28 =	vadd.f32 v50, v28;
	v0 =	vadd.f32 v41, v0  }
0x224: {  	v2 =	vadd.f32 v51, v2  }
0x225: {  	[tilespmem:v52+s0+$0x0] =	vst.idx.msk $0xffff, v28;
	v0 =	vadd.f32 v23, v0;
	v23 =	vmul.f32 v29, v29  }
0x226: {  	v56 =	vmul.f32 v34, v34;
	v34 =	vld [tilespmem:$0x1FF80];
	[tilespmem:v52+s4+$0x0] =	vst.idx.msk $0xffff, v2  }
0x227: {  	v53 =	vmul.f32 v32, v32;
	v32 =	vld [tilespmem:s6+$0x880];
	v0 =	vadd.f32 v23, v0  }
0x228: {  	v46 =	vld [tilespmem:s6+$0x8880]  }
0x229: {  	v54 =	vmul.f32 v33, v33;
	v47 =	vld [tilespmem:s6+$0x890];
	v0 =	vadd.f32 v53, v0  }
0x22a: {  	v48 =	vld [tilespmem:s6+$0x4890]  }
0x22b: {  	v55 =	vmul.f32 v3, v3;
	v49 =	vld [tilespmem:s6+$0x8890];
	v0 =	vadd.f32 v54, v0  }
0x22c: {  	v50 =	vld [tilespmem:s6+$0x8A0]  }
0x22d: {  	v41 =	vld [tilespmem:s6+$0x4880];
	v0 =	vadd.f32 v55, v0  }
0x22e: {  	v51 =	vld [tilespmem:s6+$0x48A0]  }
0x22f: {  	v57 =	vmul.f32 v35, v35;
	v52 =	vld [tilespmem:s6+$0x88A0];
	v0 =	vadd.f32 v56, v0  }
0x230: {  	v2 =	vld [tilespmem:s6+$0x8B0]  }
0x231: {  	v5 =	vmul.f32 v5, v5;
	v58 =	vmul.f32 v36, v36;
	v3 =	vld [tilespmem:s6+$0x48B0];
	v23 =	vadd.f32 v57, v0  }
0x232: {  	v60 =	vmul.f32 v48, v47;
	v59 =	vmul.f32 v41, v32;
	v0 =	vld [tilespmem:s6+$0x88B0]  }
0x233: {  	v61 =	vmul.f32 v46, v32;
	v62 =	vmul.f32 v49, v47;
	v23 =	vadd.f32 v58, v23  }
0x234: {  	v63 =	vmul.f32 v51, v50;
	v28 =	vadd.f32 v60, v59  }
0x235: {  	v1 =	vmul.f32 v52, v50;
	v5 =	vadd.f32 v5, v23;
	v23 =	vadd.f32 v62, v61  }
0x236: {  	v9 =	vmul.f32 v3, v2;
	v28 =	vadd.f32 v63, v28  }
0x237: {  	v10 =	vmul.f32 v0, v2;
	v23 =	vadd.f32 v1, v23  }
0x238: {  	v28 =	vadd.f32 v9, v28  }
0x239: {  	v23 =	vadd.f32 v10, v23  }
0x23a: {  	v8 =	vmul.f32 v38, v38;
	[tilespmem:v34+s0+$0x0] =	vst.idx.msk $0xffff, v28  }
0x23b: {  	[tilespmem:v34+s4+$0x0] =	vst.idx.msk $0xffff, v23  }
0x23c: {  	v11 =	vmul.f32 v39, v39;
	v5 =	vadd.f32 v8, v5;
	v38 =	vld [tilespmem:s6+$0x900]  }
0x23d: {  	v39 =	vld [tilespmem:s6+$0x4900]  }
0x23e: {  	v33 =	vmul.f32 v43, v43;
	v5 =	vadd.f32 v11, v5;
	v43 =	vld [tilespmem:s6+$0x8900]  }
0x23f: {  	v53 =	vld [tilespmem:s6+$0x910]  }
0x240: {  	v4 =	vmul.f32 v4, v4;
	v5 =	vadd.f32 v33, v5;
	v54 =	vld [tilespmem:s6+$0x4910]  }
0x241: {  	v29 =	vld [tilespmem:s6+$0x8910]  }
0x242: {  	v35 =	vmul.f32 v6, v6;
	v28 =	vld [tilespmem:s6+$0x920];
	v4 =	vadd.f32 v4, v5  }
0x243: {  	v26 =	vld [tilespmem:s6+$0x4920]  }
0x244: {  	v36 =	vmul.f32 v7, v7;
	v55 =	vmul.f32 v25, v25;
	v25 =	vld [tilespmem:s6+$0x8920];
	v4 =	vadd.f32 v35, v4  }
0x245: {  	v6 =	vld [tilespmem:s6+$0x930]  }
0x246: {  	v37 =	vmul.f32 v24, v24;
	v24 =	vld [tilespmem:s6+$0x4930];
	v4 =	vadd.f32 v36, v4  }
0x247: {  	v56 =	vmul.f32 v27, v27;
	v23 =	vld [tilespmem:s6+$0x8930]  }
0x248: {  	v58 =	vmul.f32 v39, v38;
	v59 =	vmul.f32 v54, v53;
	v36 =	vld [tilespmem:$0x1FF90];
	v4 =	vadd.f32 v37, v4  }
0x249: {  	v60 =	vmul.f32 v43, v38;
	v61 =	vmul.f32 v29, v53  }
0x24a: {  	v62 =	vmul.f32 v26, v28;
	v27 =	vadd.f32 v59, v58;
	v4 =	vadd.f32 v55, v4  }
0x24b: {  	v57 =	vmul.f32 v30, v30;
	v63 =	vmul.f32 v25, v28;
	v5 =	vadd.f32 v61, v60  }
0x24c: {  	v9 =	vmul.f32 v24, v6;
	v27 =	vadd.f32 v62, v27;
	v4 =	vadd.f32 v56, v4  }
0x24d: {  	v10 =	vmul.f32 v23, v6;
	v5 =	vadd.f32 v63, v5  }
0x24e: {  	v1 =	vmul.f32 v40, v40;
	v27 =	vadd.f32 v9, v27;
	v4 =	vadd.f32 v57, v4  }
0x24f: {  	v5 =	vadd.f32 v10, v5  }
0x250: {  	v11 =	vmul.f32 v42, v42;
	[tilespmem:v36+s0+$0x0] =	vst.idx.msk $0xffff, v27;
	v4 =	vadd.f32 v1, v4  }
0x251: {  	[tilespmem:v36+s4+$0x0] =	vst.idx.msk $0xffff, v5  }
0x252: {  	v35 =	vmul.f32 v44, v44;
	v42 =	vld [tilespmem:s6+$0x980];
	v4 =	vadd.f32 v11, v4  }
0x253: {  	v56 =	vld [tilespmem:s6+$0x4980]  }
0x254: {  	v37 =	vmul.f32 v31, v31;
	v36 =	vld [tilespmem:s6+$0x990];
	v4 =	vadd.f32 v35, v4  }
0x255: {  	v27 =	vld [tilespmem:s6+$0x8990]  }
0x256: {  	v55 =	vmul.f32 v45, v45;
	v34 =	vld [tilespmem:s6+$0x9A0];
	v4 =	vadd.f32 v37, v4  }
0x257: {  	v33 =	vld [tilespmem:s6+$0x49A0]  }
0x258: {  	v57 =	vmul.f32 v32, v32;
	v31 =	vld [tilespmem:s6+$0x89A0];
	v4 =	vadd.f32 v55, v4  }
0x259: {  	v35 =	vld [tilespmem:s6+$0x4990]  }
0x25a: {  	v58 =	vmul.f32 v41, v41;
	v37 =	vld [tilespmem:s6+$0x8980];
	v4 =	vadd.f32 v57, v4  }
0x25b: {  	v30 =	vld [tilespmem:s6+$0x9B0]  }
0x25c: {  	v59 =	vmul.f32 v46, v46;
	v32 =	vld [tilespmem:s6+$0x49B0];
	v4 =	vadd.f32 v58, v4  }
0x25d: {  	v60 =	vmul.f32 v47, v47;
	v58 =	vld [tilespmem:$0x1FFA0]  }
0x25e: {  	v62 =	vmul.f32 v56, v42;
	v63 =	vmul.f32 v35, v36;
	v5 =	vadd.f32 v59, v4;
	v4 =	vld [tilespmem:s6+$0x89B0]  }
0x25f: {  	v8 =	vmul.f32 v27, v36;
	v1 =	vmul.f32 v37, v42  }
0x260: {  	v61 =	vmul.f32 v48, v48;
	v9 =	vmul.f32 v33, v34;
	v41 =	vadd.f32 v63, v62  }
0x261: {  	v10 =	vmul.f32 v31, v34;
	v7 =	vadd.f32 v8, v1;
	v5 =	vadd.f32 v60, v5  }
0x262: {  	v11 =	vmul.f32 v49, v49;
	v48 =	vmul.f32 v32, v30;
	v41 =	vadd.f32 v9, v41  }
0x263: {  	v7 =	vadd.f32 v10, v7;
	v5 =	vadd.f32 v61, v5;
	v49 =	vmul.f32 v4, v30  }
0x264: {  	v41 =	vadd.f32 v48, v41  }
0x265: {  	v55 =	vmul.f32 v50, v50;
	v5 =	vadd.f32 v11, v5;
	v7 =	vadd.f32 v49, v7  }
0x266: {  	[tilespmem:v58+s0+$0x0] =	vst.idx.msk $0xffff, v41  }
0x267: {  	v57 =	vmul.f32 v51, v51;
	v5 =	vadd.f32 v55, v5;
	[tilespmem:v58+s4+$0x0] =	vst.idx.msk $0xffff, v7  }
0x268: {  	v50 =	vld [tilespmem:s6+$0xA00]  }
0x269: {  	v59 =	vmul.f32 v52, v52;
	v5 =	vadd.f32 v57, v5;
	v49 =	vld [tilespmem:s6+$0x4A00]  }
0x26a: {  	v48 =	vld [tilespmem:s6+$0x8A00]  }
0x26b: {  	v2 =	vmul.f32 v2, v2;
	v47 =	vld [tilespmem:s6+$0xA10];
	v5 =	vadd.f32 v59, v5  }
0x26c: {  	v46 =	vld [tilespmem:s6+$0x4A10]  }
0x26d: {  	v3 =	vmul.f32 v3, v3;
	v44 =	vld [tilespmem:s6+$0x8A10];
	v2 =	vadd.f32 v2, v5  }
0x26e: {  	v40 =	vld [tilespmem:s6+$0xA20]  }
0x26f: {  	v0 =	vmul.f32 v0, v0;
	v7 =	vld [tilespmem:s6+$0x8A20];
	v2 =	vadd.f32 v3, v2  }
0x270: {  	v5 =	vld [tilespmem:s6+$0x4A20]  }
0x271: {  	v60 =	vmul.f32 v38, v38;
	v3 =	vld [tilespmem:s6+$0xA30];
	v0 =	vadd.f32 v0, v2  }
0x272: {  	v2 =	vld [tilespmem:s6+$0x4A30]  }
0x273: {  	v39 =	vmul.f32 v39, v39;
	v61 =	vmul.f32 v43, v43;
	v38 =	vadd.f32 v60, v0;
	v0 =	vld [tilespmem:s6+$0x8A30]  }
0x274: {  	v62 =	vmul.f32 v49, v50;
	v63 =	vmul.f32 v46, v47;
	v60 =	vld [tilespmem:$0x1FFB0]  }
0x275: {  	v8 =	vmul.f32 v48, v50;
	v9 =	vmul.f32 v44, v47;
	v38 =	vadd.f32 v39, v38  }
0x276: {  	v55 =	vmul.f32 v53, v53;
	v43 =	vadd.f32 v63, v62;
	v10 =	vmul.f32 v5, v40  }
0x277: {  	v11 =	vmul.f32 v7, v40;
	v39 =	vadd.f32 v9, v8;
	v38 =	vadd.f32 v61, v38  }
0x278: {  	v59 =	vmul.f32 v54, v54;
	v43 =	vadd.f32 v10, v43;
	v57 =	vmul.f32 v2, v3  }
0x279: {  	v39 =	vadd.f32 v11, v39;
	v58 =	vmul.f32 v0, v3;
	v38 =	vadd.f32 v55, v38  }
0x27a: {  	v43 =	vadd.f32 v57, v43  }
0x27b: {  	v29 =	vmul.f32 v29, v29;
	v39 =	vadd.f32 v58, v39;
	v38 =	vadd.f32 v59, v38  }
0x27c: {  	[tilespmem:v60+s0+$0x0] =	vst.idx.msk $0xffff, v43  }
0x27d: {  	v28 =	vmul.f32 v28, v28;
	[tilespmem:v60+s4+$0x0] =	vst.idx.msk $0xffff, v39;
	v60 =	vld [tilespmem:$0x1FFC0];
	v29 =	vadd.f32 v29, v38  }
0x27e: {  	v55 =	vld [tilespmem:s6+$0xA80]  }
0x27f: {  	v26 =	vmul.f32 v26, v26;
	v51 =	vld [tilespmem:s6+$0x4A80];
	v28 =	vadd.f32 v28, v29  }
0x280: {  	v45 =	vld [tilespmem:s6+$0x8A80]  }
0x281: {  	v25 =	vmul.f32 v25, v25;
	v43 =	vld [tilespmem:s6+$0xA90];
	v26 =	vadd.f32 v26, v28  }
0x282: {  	v41 =	vld [tilespmem:s6+$0x4A90]  }
0x283: {  	v6 =	vmul.f32 v6, v6;
	v29 =	vld [tilespmem:s6+$0xAA0];
	v25 =	vadd.f32 v25, v26  }
0x284: {  	v28 =	vld [tilespmem:s6+$0x8A90]  }
0x285: {  	v24 =	vmul.f32 v24, v24;
	v26 =	vld [tilespmem:s6+$0x4AA0];
	v61 =	vadd.f32 v6, v25  }
0x286: {  	v25 =	vld [tilespmem:s6+$0x8AA0]  }
0x287: {  	v62 =	vmul.f32 v23, v23;
	v6 =	vld [tilespmem:s6+$0xAB0];
	v38 =	vadd.f32 v24, v61  }
0x288: {  	v42 =	vmul.f32 v42, v42;
	v57 =	vmul.f32 v56, v56;
	v24 =	vld [tilespmem:s6+$0x4AB0]  }
0x289: {  	v23 =	vld [tilespmem:s6+$0x8AB0];
	v63 =	vmul.f32 v51, v55;
	v1 =	vmul.f32 v41, v43;
	v38 =	vadd.f32 v62, v38  }
0x28a: {  	v8 =	vmul.f32 v45, v55;
	v9 =	vmul.f32 v28, v43  }
0x28b: {  	v52 =	vadd.f32 v1, v63;
	v10 =	vmul.f32 v26, v29;
	v38 =	vadd.f32 v42, v38  }
0x28c: {  	v37 =	vmul.f32 v37, v37;
	v39 =	vadd.f32 v9, v8;
	v11 =	vmul.f32 v25, v29  }
0x28d: {  	v52 =	vadd.f32 v10, v52;
	v58 =	vmul.f32 v24, v6;
	v38 =	vadd.f32 v57, v38  }
0x28e: {  	v59 =	vmul.f32 v23, v6;
	v39 =	vadd.f32 v11, v39  }
0x28f: {  	v36 =	vmul.f32 v36, v36;
	v52 =	vadd.f32 v58, v52;
	v37 =	vadd.f32 v37, v38  }
0x290: {  	v39 =	vadd.f32 v59, v39  }
0x291: {  	v35 =	vmul.f32 v35, v35;
	[tilespmem:v60+s0+$0x0] =	vst.idx.msk $0xffff, v52;
	v36 =	vadd.f32 v36, v37  }
0x292: {  	[tilespmem:v60+s4+$0x0] =	vst.idx.msk $0xffff, v39  }
0x293: {  	v61 =	vmul.f32 v27, v27;
	v42 =	vld [tilespmem:s6+$0xB00];
	v35 =	vadd.f32 v35, v36  }
0x294: {  	v39 =	vld [tilespmem:s6+$0x4B00]  }
0x295: {  	v34 =	vmul.f32 v34, v34;
	v27 =	vld [tilespmem:s6+$0x8B00];
	v35 =	vadd.f32 v61, v35  }
0x296: {  	v37 =	vld [tilespmem:s6+$0xB10]  }
0x297: {  	v33 =	vmul.f32 v33, v33;
	v38 =	vld [tilespmem:s6+$0x4B10];
	v62 =	vadd.f32 v34, v35  }
0x298: {  	v63 =	vmul.f32 v31, v31;
	v31 =	vld [tilespmem:s6+$0xB30]  }
0x299: {  	v8 =	vmul.f32 v32, v32;
	v32 =	vld [tilespmem:s6+$0x4B30];
	v52 =	vadd.f32 v33, v62  }
0x29a: {  	v36 =	vld [tilespmem:s6+$0x8B10]  }
0x29b: {  	v1 =	vmul.f32 v30, v30;
	v35 =	vld [tilespmem:s6+$0xB20];
	v52 =	vadd.f32 v63, v52  }
0x29c: {  	v34 =	vld [tilespmem:s6+$0x4B20]  }
0x29d: {  	v33 =	vld [tilespmem:s6+$0x8B20];
	v52 =	vadd.f32 v1, v52  }
0x29e: {  	v30 =	vld [tilespmem:s6+$0x8B30]  }
0x29f: {  	v9 =	vmul.f32 v39, v42;
	v57 =	vmul.f32 v38, v37;
	v52 =	vadd.f32 v8, v52;
	v8 =	vld [tilespmem:$0x1FFD0]  }
0x2a0: {  	v10 =	vmul.f32 v27, v42;
	v58 =	vmul.f32 v36, v37  }
0x2a1: {  	v56 =	vadd.f32 v57, v9;
	v11 =	vmul.f32 v34, v35  }
0x2a2: {  	v53 =	vadd.f32 v58, v10;
	v60 =	vmul.f32 v33, v35  }
0x2a3: {  	v61 =	vmul.f32 v32, v31;
	v56 =	vadd.f32 v11, v56  }
0x2a4: {  	v4 =	vmul.f32 v4, v4;
	v62 =	vmul.f32 v30, v31;
	v53 =	vadd.f32 v60, v53  }
0x2a5: {  	v63 =	vadd.f32 v61, v56  }
0x2a6: {  	v50 =	vmul.f32 v50, v50;
	v4 =	vadd.f32 v4, v52;
	v53 =	vadd.f32 v62, v53  }
0x2a7: {  	[tilespmem:v8+s0+$0x0] =	vst.idx.msk $0xffff, v63  }
0x2a8: {  	v49 =	vmul.f32 v49, v49;
	v4 =	vadd.f32 v50, v4;
	[tilespmem:v8+s4+$0x0] =	vst.idx.msk $0xffff, v53;
	v8 =	vld [tilespmem:$0x1FFE0]  }
0x2a9: {  	v57 =	vld [tilespmem:s6+$0xB80]  }
0x2aa: {  	v48 =	vmul.f32 v48, v48;
	v4 =	vadd.f32 v49, v4;
	v54 =	vld [tilespmem:s6+$0x4B80]  }
0x2ab: {  	v56 =	vld [tilespmem:s6+$0x8B80]  }
0x2ac: {  	v47 =	vmul.f32 v47, v47;
	v4 =	vadd.f32 v48, v4;
	v53 =	vld [tilespmem:s6+$0xB90]  }
0x2ad: {  	v52 =	vld [tilespmem:s6+$0x4B90]  }
0x2ae: {  	v46 =	vmul.f32 v46, v46;
	v4 =	vadd.f32 v47, v4;
	v50 =	vld [tilespmem:s6+$0x8B90]  }
0x2af: {  	v49 =	vld [tilespmem:s6+$0xBA0]  }
0x2b0: {  	v44 =	vmul.f32 v44, v44;
	v48 =	vld [tilespmem:s6+$0x4BA0];
	v4 =	vadd.f32 v46, v4  }
0x2b1: {  	v47 =	vld [tilespmem:s6+$0x8BA0]  }
0x2b2: {  	v40 =	vmul.f32 v40, v40;
	v46 =	vld [tilespmem:s6+$0x4BB0];
	v4 =	vadd.f32 v44, v4  }
0x2b3: {  	v5 =	vmul.f32 v5, v5;
	v44 =	vld [tilespmem:s6+$0xBB0]  }
0x2b4: {  	v9 =	vmul.f32 v54, v57;
	v59 =	vmul.f32 v52, v53;
	v4 =	vadd.f32 v40, v4;
	v40 =	vld [tilespmem:s6+$0x8BB0]  }
0x2b5: {  	v10 =	vmul.f32 v56, v57;
	v60 =	vmul.f32 v50, v53  }
0x2b6: {  	v7 =	vmul.f32 v7, v7;
	v11 =	vmul.f32 v48, v49;
	v58 =	vadd.f32 v59, v9  }
0x2b7: {  	v4 =	vadd.f32 v5, v4;
	v5 =	vadd.f32 v60, v10;
	v60 =	vmul.f32 v47, v49  }
0x2b8: {  	v3 =	vmul.f32 v3, v3;
	v58 =	vadd.f32 v11, v58;
	v61 =	vmul.f32 v46, v44  }
0x2b9: {  	v4 =	vadd.f32 v7, v4;
	v5 =	vadd.f32 v60, v5;
	v62 =	vmul.f32 v40, v44  }
0x2ba: {  	v63 =	vadd.f32 v61, v58  }
0x2bb: {  	v2 =	vmul.f32 v2, v2;
	v3 =	vadd.f32 v3, v4;
	v5 =	vadd.f32 v62, v5  }
0x2bc: {  	[tilespmem:v8+s0+$0x0] =	vst.idx.msk $0xffff, v63  }
0x2bd: {  	v0 =	vmul.f32 v0, v0;
	v2 =	vadd.f32 v2, v3;
	[tilespmem:v8+s4+$0x0] =	vst.idx.msk $0xffff, v5  }
0x2be: {  	v7 =	vld [tilespmem:s6+$0xC00]  }
0x2bf: {  	v9 =	vmul.f32 v55, v55;
	v0 =	vadd.f32 v0, v2;
	v5 =	vld [tilespmem:s6+$0x4C00]  }
0x2c0: {  	v4 =	vld [tilespmem:s6+$0x8C00]  }
0x2c1: {  	v10 =	vmul.f32 v51, v51;
	v3 =	vld [tilespmem:s6+$0xC10];
	v0 =	vadd.f32 v9, v0  }
0x2c2: {  	v2 =	vld [tilespmem:s6+$0x4C10]  }
0x2c3: {  	v45 =	vmul.f32 v45, v45;
	v63 =	vld [tilespmem:s6+$0xC20];
	v51 =	vadd.f32 v10, v0  }
0x2c4: {  	v62 =	vld [tilespmem:s6+$0x4C20]  }
0x2c5: {  	v43 =	vmul.f32 v43, v43;
	v0 =	vld [tilespmem:s6+$0x8C10];
	v45 =	vadd.f32 v45, v51  }
0x2c6: {  	v61 =	vld [tilespmem:s6+$0x8C20]  }
0x2c7: {  	v41 =	vmul.f32 v41, v41;
	v58 =	vld [tilespmem:s6+$0xC30];
	v43 =	vadd.f32 v43, v45  }
0x2c8: {  	v28 =	vmul.f32 v28, v28;
	v29 =	vmul.f32 v29, v29;
	v59 =	vld [tilespmem:s6+$0x4C30]  }
0x2c9: {  	v55 =	vld [tilespmem:s6+$0x8C30];
	v11 =	vmul.f32 v5, v7;
	v60 =	vmul.f32 v2, v3;
	v41 =	vadd.f32 v41, v43  }
0x2ca: {  	v1 =	vmul.f32 v4, v7;
	v8 =	vmul.f32 v0, v3  }
0x2cb: {  	v9 =	vmul.f32 v62, v63;
	v43 =	vadd.f32 v60, v11;
	v28 =	vadd.f32 v28, v41  }
0x2cc: {  	v26 =	vmul.f32 v26, v26;
	v11 =	vmul.f32 v61, v63;
	v10 =	vadd.f32 v8, v1  }
0x2cd: {  	v51 =	vmul.f32 v59, v58;
	v43 =	vadd.f32 v9, v43;
	v28 =	vadd.f32 v29, v28  }
0x2ce: {  	v60 =	vmul.f32 v55, v58;
	v29 =	vadd.f32 v11, v10  }
0x2cf: {  	v25 =	vmul.f32 v25, v25;
	v1 =	vadd.f32 v51, v43;
	v26 =	vadd.f32 v26, v28  }
0x2d0: {  	v29 =	vadd.f32 v60, v29  }
0x2d1: {  	v6 =	vmul.f32 v6, v6;
	[tilespmem:v15+s0+$0x0] =	vst.idx.msk $0xffff, v1;
	v25 =	vadd.f32 v25, v26  }
0x2d2: {  	[tilespmem:v15+s4+$0x0] =	vst.idx.msk $0xffff, v29  }
0x2d3: {  	v24 =	vmul.f32 v24, v24;
	v60 =	vld [tilespmem:s6+$0x4C80];
	v25 =	vadd.f32 v6, v25  }
0x2d4: {  	v51 =	vld [tilespmem:s6+$0x8C80]  }
0x2d5: {  	v23 =	vmul.f32 v23, v23;
	v45 =	vld [tilespmem:s6+$0xC90];
	v24 =	vadd.f32 v24, v25  }
0x2d6: {  	v43 =	vld [tilespmem:s6+$0x4C90]  }
0x2d7: {  	v8 =	vmul.f32 v42, v42;
	v29 =	vld [tilespmem:s6+$0x8C90];
	v23 =	vadd.f32 v23, v24  }
0x2d8: {  	v28 =	vld [tilespmem:s6+$0xCA0]  }
0x2d9: {  	v9 =	vmul.f32 v39, v39;
	v6 =	vld [tilespmem:s6+$0xC80];
	v23 =	vadd.f32 v8, v23  }
0x2da: {  	v26 =	vld [tilespmem:s6+$0x4CA0]  }
0x2db: {  	v10 =	vmul.f32 v27, v27;
	v27 =	vld [tilespmem:s6+$0x8CA0];
	v23 =	vadd.f32 v9, v23  }
0x2dc: {  	v25 =	vld [tilespmem:s6+$0xCB0]  }
0x2dd: {  	v38 =	vmul.f32 v38, v38;
	v37 =	vmul.f32 v37, v37;
	v11 =	vadd.f32 v10, v23;
	v23 =	vld [tilespmem:s6+$0x4CB0]  }
0x2de: {  	v1 =	vmul.f32 v43, v45;
	v24 =	vld [tilespmem:s6+$0x8CB0];
	v41 =	vmul.f32 v60, v6  }
0x2df: {  	v39 =	vmul.f32 v51, v6;
	v8 =	vmul.f32 v29, v45  }
0x2e0: {  	v41 =	vadd.f32 v1, v41;
	v1 =	vmul.f32 v26, v28;
	v37 =	vadd.f32 v37, v11  }
0x2e1: {  	v36 =	vmul.f32 v36, v36;
	v8 =	vadd.f32 v8, v39;
	v11 =	vmul.f32 v27, v28  }
0x2e2: {  	v39 =	vadd.f32 v1, v41;
	v37 =	vadd.f32 v38, v37;
	v1 =	vmul.f32 v23, v25  }
0x2e3: {  	v8 =	vadd.f32 v11, v8;
	v11 =	vmul.f32 v24, v25  }
0x2e4: {  	v35 =	vmul.f32 v35, v35;
	v36 =	vadd.f32 v36, v37;
	v42 =	vadd.f32 v1, v39  }
0x2e5: {  	v8 =	vadd.f32 v11, v8  }
0x2e6: {  	v34 =	vmul.f32 v34, v34;
	v35 =	vadd.f32 v35, v36;
	[tilespmem:v16+s0+$0x0] =	vst.idx.msk $0xffff, v42  }
0x2e7: {  	[tilespmem:v16+s4+$0x0] =	vst.idx.msk $0xffff, v8  }
0x2e8: {  	v33 =	vmul.f32 v33, v33;
	v1 =	vadd.f32 v34, v35;
	v41 =	vld [tilespmem:s6+$0xD00]  }
0x2e9: {  	v39 =	vld [tilespmem:s6+$0x4D00]  }
0x2ea: {  	v31 =	vmul.f32 v31, v31;
	v42 =	vld [tilespmem:s6+$0x8D00];
	v8 =	vadd.f32 v33, v1  }
0x2eb: {  	v38 =	vld [tilespmem:s6+$0xD10]  }
0x2ec: {  	v10 =	vmul.f32 v32, v32;
	v37 =	vld [tilespmem:s6+$0x4D10];
	v8 =	vadd.f32 v31, v8  }
0x2ed: {  	v32 =	vld [tilespmem:s6+$0x8D10]  }
0x2ee: {  	v30 =	vmul.f32 v30, v30;
	v35 =	vld [tilespmem:s6+$0xD20];
	v8 =	vadd.f32 v10, v8  }
0x2ef: {  	v36 =	vld [tilespmem:s6+$0x8D20]  }
0x2f0: {  	v11 =	vmul.f32 v57, v57;
	v33 =	vld [tilespmem:s6+$0x4D20];
	v8 =	vadd.f32 v30, v8  }
0x2f1: {  	v34 =	vld [tilespmem:s6+$0xD30]  }
0x2f2: {  	v54 =	vmul.f32 v54, v54;
	v31 =	vld [tilespmem:s6+$0x4D30];
	v8 =	vadd.f32 v11, v8  }
0x2f3: {  	v57 =	vmul.f32 v39, v41;
	v9 =	vmul.f32 v37, v38;
	v30 =	vld [tilespmem:s6+$0x8D30]  }
0x2f4: {  	v1 =	vmul.f32 v32, v38;
	v8 =	vadd.f32 v54, v8;
	v54 =	vmul.f32 v42, v41  }
0x2f5: {  	v56 =	vmul.f32 v56, v56;
	v9 =	vadd.f32 v9, v57;
	v57 =	vmul.f32 v33, v35  }
0x2f6: {  	v53 =	vmul.f32 v53, v53;
	v1 =	vadd.f32 v1, v54;
	v54 =	vmul.f32 v36, v35  }
0x2f7: {  	v9 =	vadd.f32 v57, v9;
	v8 =	vadd.f32 v56, v8;
	v56 =	vmul.f32 v31, v34  }
0x2f8: {  	v57 =	vmul.f32 v30, v34;
	v1 =	vadd.f32 v54, v1  }
0x2f9: {  	v52 =	vmul.f32 v52, v52;
	v8 =	vadd.f32 v53, v8;
	v9 =	vadd.f32 v56, v9  }
0x2fa: {  	v1 =	vadd.f32 v57, v1  }
0x2fb: {  	v50 =	vmul.f32 v50, v50;
	v8 =	vadd.f32 v52, v8;
	[tilespmem:v17+s0+$0x0] =	vst.idx.msk $0xffff, v9  }
0x2fc: {  	[tilespmem:v17+s4+$0x0] =	vst.idx.msk $0xffff, v1  }
0x2fd: {  	v49 =	vmul.f32 v49, v49;
	v50 =	vadd.f32 v50, v8;
	v56 =	vld [tilespmem:s6+$0xD80]  }
0x2fe: {  	v52 =	vld [tilespmem:s6+$0x4D80]  }
0x2ff: {  	v57 =	vld [tilespmem:s6+$0x8D80];
	v1 =	vadd.f32 v49, v50;
	v50 =	vmul.f32 v48, v48  }
0x300: {  	v53 =	vld [tilespmem:s6+$0xD90]  }
0x301: {  	v47 =	vmul.f32 v47, v47;
	v54 =	vld [tilespmem:s6+$0x4D90];
	v1 =	vadd.f32 v50, v1  }
0x302: {  	v8 =	vmul.f32 v44, v44;
	v44 =	vld [tilespmem:s6+$0x4DB0]  }
0x303: {  	v48 =	vld [tilespmem:s6+$0x8D90];
	v1 =	vadd.f32 v47, v1  }
0x304: {  	v49 =	vld [tilespmem:s6+$0xDA0]  }
0x305: {  	v47 =	vld [tilespmem:s6+$0x4DA0];
	v1 =	vadd.f32 v8, v1;
	v8 =	vmul.f32 v46, v46  }
0x306: {  	v50 =	vld [tilespmem:s6+$0x8DA0]  }
0x307: {  	v46 =	vld [tilespmem:s6+$0xDB0];
	v1 =	vadd.f32 v8, v1;
	v8 =	vmul.f32 v40, v40  }
0x308: {  	v9 =	vmul.f32 v52, v56;
	v10 =	vmul.f32 v54, v53;
	v40 =	vld [tilespmem:s6+$0x8DB0]  }
0x309: {  	v11 =	vmul.f32 v48, v53;
	v1 =	vadd.f32 v8, v1;
	v8 =	vmul.f32 v57, v56  }
0x30a: {  	v7 =	vmul.f32 v7, v7;
	v9 =	vadd.f32 v10, v9;
	v10 =	vmul.f32 v47, v49  }
0x30b: {  	v8 =	vadd.f32 v11, v8;
	v11 =	vmul.f32 v50, v49  }
0x30c: {  	v1 =	vadd.f32 v7, v1;
	v7 =	vadd.f32 v10, v9;
	v9 =	vmul.f32 v44, v46  }
0x30d: {  	v5 =	vmul.f32 v5, v5;
	v10 =	vmul.f32 v40, v46;
	v8 =	vadd.f32 v11, v8  }
0x30e: {  	v7 =	vadd.f32 v9, v7  }
0x30f: {  	v4 =	vmul.f32 v4, v4;
	v1 =	vadd.f32 v5, v1;
	v11 =	vadd.f32 v10, v8  }
0x310: {  	[tilespmem:v18+s0+$0x0] =	vst.idx.msk $0xffff, v7  }
0x311: {  	v3 =	vmul.f32 v3, v3;
	v1 =	vadd.f32 v4, v1;
	[tilespmem:v18+s4+$0x0] =	vst.idx.msk $0xffff, v11  }
0x312: {  	v4 =	vld [tilespmem:$0xCE00]  }
0x313: {  	v1 =	vadd.f32 v3, v1;
	v3 =	vld [tilespmem:$0xCE80]  }
0x314: {  	v5 =	vld [tilespmem:$0xCF00]  }
0x315: {  	v7 =	vld [tilespmem:$0xD000]  }
0x316: {  	v2 =	vmul.f32 v2, v2;
	v8 =	vld [tilespmem:$0xD080]  }
0x317: {  	v9 =	vld [tilespmem:$0xD100]  }
0x318: {  	v0 =	vmul.f32 v0, v0;
	v10 =	vld [tilespmem:$0xD180];
	v1 =	vadd.f32 v2, v1  }
0x319: {  	v11 =	vld [tilespmem:$0xD200]  }
0x31a: {  	v63 =	vmul.f32 v63, v63;
	v12 =	vld [tilespmem:$0xD500];
	v0 =	vadd.f32 v0, v1  }
0x31b: {  	v13 =	vld [tilespmem:$0xD600]  }
0x31c: {  	v14 =	vld [tilespmem:$0xD700];
	v0 =	vadd.f32 v63, v0;
	v63 =	vmul.f32 v62, v62  }
0x31d: {  	v2 =	vld [tilespmem:$0xCF80]  }
0x31e: {  	v1 =	vmul.f32 v61, v61;
	v61 =	vld [tilespmem:$0xD280];
	v0 =	vadd.f32 v63, v0  }
0x31f: {  	v62 =	vld [tilespmem:$0xD300]  }
0x320: {  	v3 =	vadd.f32 v3, v4;
	v4 =	vld [tilespmem:$0xD800];
	v0 =	vadd.f32 v1, v0;
	v1 =	vmul.f32 v58, v58  }
0x321: {  	v63 =	vld [tilespmem:$0xD400]  }
0x322: {  	v58 =	vld [tilespmem:$0xD380];
	v0 =	vadd.f32 v1, v0;
	v1 =	vmul.f32 v59, v59  }
0x323: {  	v2 =	vadd.f32 v2, v5;
	v5 =	vadd.f32 v8, v7;
	v59 =	vld [tilespmem:$0xD480]  }
0x324: {  	v7 =	vadd.f32 v10, v9;
	v0 =	vadd.f32 v1, v0;
	v1 =	vmul.f32 v55, v55;
	v55 =	vld [tilespmem:$0xD580]  }
0x325: {  	v8 =	vld [tilespmem:$0xD880]  }
0x326: {  	v10 =	vld [tilespmem:$0xDC00];
	v2 =	vadd.f32 v2, v3;
	v5 =	vadd.f32 v7, v5  }
0x327: {  	v61 =	vadd.f32 v61, v11;
	v11 =	vld [tilespmem:$0xD900]  }
0x328: {  	v7 =	vld [tilespmem:$0xDA00];
	v2 =	vadd.f32 v5, v2;
	v62 =	vadd.f32 v58, v62  }
0x329: {  	v5 =	vld [tilespmem:$0xDC80];
	v63 =	vadd.f32 v59, v63;
	v12 =	vadd.f32 v55, v12  }
0x32a: {  	v0 =	vadd.f32 v1, v0;
	v1 =	vmul.f32 v6, v6;
	v6 =	vld [tilespmem:$0xD680];
	v59 =	vmul.f32 v60, v60  }
0x32b: {  	v9 =	vadd.f32 v62, v61;
	v61 =	vmul.f32 v51, v51;
	v51 =	vld [tilespmem:$0xDB00];
	v60 =	vadd.f32 v12, v63  }
0x32c: {  	v0 =	vadd.f32 v1, v0;
	v1 =	vld [tilespmem:$0xD780]  }
0x32d: {  	v55 =	vld [tilespmem:$0xD980];
	v62 =	vadd.f32 v60, v9  }
0x32e: {  	v0 =	vadd.f32 v59, v0;
	v59 =	vld [tilespmem:$0xDD00]  }
0x32f: {  	v12 =	vld [tilespmem:$0xDA80];
	v2 =	vadd.f32 v62, v2  }
0x330: {  	v63 =	vld [tilespmem:$0xDB80]  }
0x331: {  	v60 =	vld [tilespmem:$0xDD80];
	v2 =	vsub.f32 $0.0e+00, v2  }
0x332: {  	v45 =	vmul.f32 v45, v45;
	v4 =	vadd.f32 v8, v4;
	v0 =	vadd.f32 v61, v0  }
0x333: {  	v61 =	vadd.f32 v6, v13;
	v1 =	vadd.f32 v1, v14;
	v2 =	vmul.f32 $1.442695020e+00, v2  }
0x334: {  	v0 =	vadd.f32 v45, v0;
	v62 =	vadd.f32 v55, v11  }
0x335: {  	v11 =	vadd.f32 v5, v10;
	v7 =	vadd.f32 v12, v7;
	(erf) = vpow2.f32 v2  }
0x336: {  	v63 =	vadd.f32 v63, v51;
	v51 =	vadd.f32 v60, v59  }
0x337: {  	v58 =	vmul.f32 v43, v43;
	v1 =	vadd.f32 v1, v61;
	v55 =	vadd.f32 v62, v4  }
0x338: {  	v59 =	vadd.f32 v63, v7;
	v2 =	vadd.f32 v51, v11  }
0x339: {  	v0 =	vadd.f32 v58, v0;
	v58 =	vmul.f32 v29, v29  }
0x33a: {  	v1 =	vadd.f32 v55, v1;
	v2 =	vadd.f32 v2, v59  }
0x33b: {  	v0 =	vadd.f32 v58, v0;
	v60 =	vmul.f32 v28, v28  }
0x33c: {  	v1 =	vadd.f32 v2, v1  }
0x33d: {  	v61 =	vmul.f32 v26, v26;
	v0 =	vadd.f32 v60, v0  }
0x33e: {  	v1 =	vsub.f32 $0.0e+00, v1;
	v63 =	vpop (erf)  }
0x33f: {  	v62 =	vmul.f32 v27, v27;
	v0 =	vadd.f32 v61, v0;
	v3 =	vadd.f32 $1.000000000e+00, v63  }
0x340: {  	v1 =	vmul.f32 $1.442695020e+00, v1  }
0x341: {  	v6 =	vmul.f32 v25, v25;
	v0 =	vadd.f32 v62, v0;
	(erf) = vrcp.f32 v3  }
0x342: {  	(erf) = vpow2.f32 v1  }
0x343: {  	v7 =	vmul.f32 v23, v23;
	v0 =	vadd.f32 v6, v0;
	_ =	sdelay $0x1  }
0x344: {  	v8 =	vmul.f32 v24, v24;
	v0 =	vadd.f32 v7, v0;
	_ =	sdelay $0x1  }
0x345: {  	v9 =	vmul.f32 v41, v41;
	v0 =	vadd.f32 v8, v0;
	_ =	sdelay $0x1  }
0x346: {  	v10 =	vmul.f32 v39, v39;
	v0 =	vadd.f32 v9, v0  }
0x347: {  	v24 =	vpop (erf)  }
0x348: {  	v27 =	vsub.f32 $0.0e+00, v22;
	v11 =	vmul.f32 v42, v42;
	v0 =	vadd.f32 v10, v0;
	v26 =	vpop (erf)  }
0x349: {  	v3 =	vadd.f32 $1.000000000e+00, v26  }
0x34a: {  	v25 =	vmul.f32 v38, v38;
	v4 =	vmul.f32 $1.442695020e+00, v27;
	v0 =	vadd.f32 v11, v0  }
0x34b: {  	(erf) = vrcp.f32 v3  }
0x34c: {  	v28 =	vmul.f32 v37, v37;
	v0 =	vadd.f32 v25, v0;
	(erf) = vpow2.f32 v4;
	_ =	sdelay $0x1  }
0x34d: {  	v29 =	vmul.f32 v32, v32;
	v0 =	vadd.f32 v28, v0;
	_ =	sdelay $0x1  }
0x34e: {  	v32 =	vmul.f32 v35, v35;
	v0 =	vadd.f32 v29, v0;
	_ =	sdelay $0x1  }
0x34f: {  	v35 =	vmul.f32 v33, v33;
	v0 =	vadd.f32 v32, v0;
	_ =	sdelay $0x1  }
0x350: {  	v36 =	vmul.f32 v36, v36;
	v0 =	vadd.f32 v35, v0;
	v3 =	vpop (erf)  }
0x351: {  	v38 =	vsub.f32 $0.0e+00, v21;
	v4 =	vpop (erf)  }
0x352: {  	v37 =	vmul.f32 v34, v34;
	v0 =	vadd.f32 v36, v0;
	v4 =	vadd.f32 $1.000000000e+00, v4  }
0x353: {  	v5 =	vmul.f32 $1.442695020e+00, v38  }
0x354: {  	v39 =	vmul.f32 v31, v31;
	v0 =	vadd.f32 v37, v0;
	(erf) = vrcp.f32 v4  }
0x355: {  	(erf) = vpow2.f32 v5  }
0x356: {  	v41 =	vmul.f32 v30, v30;
	v0 =	vadd.f32 v39, v0;
	_ =	sdelay $0x1  }
0x357: {  	v42 =	vmul.f32 v56, v56;
	v0 =	vadd.f32 v41, v0;
	_ =	sdelay $0x1  }
0x358: {  	v43 =	vmul.f32 v52, v52;
	v0 =	vadd.f32 v42, v0;
	_ =	sdelay $0x1  }
0x359: {  	v45 =	vmul.f32 v57, v57;
	v0 =	vadd.f32 v43, v0  }
0x35a: {  	v4 =	vpop (erf)  }
0x35b: {  	v51 =	vmul.f32 v53, v53;
	v0 =	vadd.f32 v45, v0;
	v5 =	vpop (erf)  }
0x35c: {  	v5 =	vadd.f32 $1.000000000e+00, v5  }
0x35d: {  	v52 =	vmul.f32 v54, v54;
	v0 =	vadd.f32 v51, v0  }
0x35e: {  	(erf) = vrcp.f32 v5  }
0x35f: {  	v53 =	vmul.f32 v48, v48;
	v0 =	vadd.f32 v52, v0;
	_ =	sdelay $0x1  }
0x360: {  	v54 =	vmul.f32 v49, v49;
	v0 =	vadd.f32 v53, v0;
	_ =	sdelay $0x1  }
0x361: {  	v55 =	vmul.f32 v47, v47;
	v2 =	vadd.f32 $-1.000000000e+00, v24;
	v0 =	vadd.f32 v54, v0;
	_ =	sdelay $0x1  }
0x362: {  	v56 =	vmul.f32 v50, v50;
	v2 =	vmul.f32 v2, v2;
	v0 =	vadd.f32 v55, v0  }
0x363: {  	v58 =	vsub.f32 $1.000000000e+00, v4  }
0x364: {  	s14 =	sadd.s32 $0x1, s14;
	v57 =	vmul.f32 v46, v46;
	v2 =	vmul.f32 v2, v4;
	v0 =	vadd.f32 v56, v0;
	v60 =	vpop (erf)  }
0x365: {  	p0 =	sne.s32 s14, $0x20;
	v3 =	vmul.f32 v3, v3;
	v61 =	vmul.f32 $9.999799720e-01, v58;
	v62 =	vsub.f32 $1.000000000e+00, v60  }
.Ltmp3:
0x366: {  	v59 =	vmul.f32 v44, v44;
	v2 =	vadd.f32 v2, v20;
	v0 =	vadd.f32 v57, v0;
	(pc) =	sbr.rel @!p0 .LBB2_14-.Ltmp3, $4  }
0x367: {  	v4 =	vadd.f32 v61, v19;
	v3 =	vmul.f32 v3, v60;
	v5 =	vmul.f32 $1.000000010e-10, v62  }
0x368: {  	v63 =	vmul.f32 v40, v40;
	v0 =	vadd.f32 v59, v0  }
0x369: {  	s20 =	sadd.s32 $0x10, s20;
	v20 =	vadd.f32 v3, v2;
	v19 =	vadd.f32 v5, v4  }
0x36a: {  	s21 =	sadd.s32 $0x10, s21;
	s23 =	sadd.s32 $0x10, s23;
	s22 =	sadd.s32 $0x10, s22;
	v23 =	vadd.f32 v63, v0  }
.LBB2_2:
0x36b: {  	s7 =	sand.u32 $0x7, s14  }
0x36c: {  	p0 =	seq.s32 s7, $0x4  }
.Ltmp4:
0x36d: {  	_ = 	snop;
	(pc) =	sbr.rel @p0 .LBB2_5-.Ltmp4, $2  }
0x36e: {  	_ =	sdelay $0x2  }
0x36f: {  	s6 =	sshrl.u32 s14, $0x2  }
0x370: {  	p0 =	sne.s32 s7, $0x0  }
.Ltmp5:
0x371: {  	_ = 	snop;
	(pc) =	sbr.rel @p0 .LBB2_6-.Ltmp5, $1  }
0x372: {  	_ =	sdelay $0x3  }
0x373: {  	_ =	swait.ge [sflag:s19], $0x2000  }
0x374: {  	[sflag:s19] =	ssyncset.done $0x0  }
0x375: {  	[sflag:s19] =	ssyncadd.s32 $0xFFFFE000  }
0x376: {  	_ =	swait.ge [sflag:s19], $0x2000  }
.Ltmp6:
0x377: {  	[sflag:s19] =	ssyncset.done $0x0;
	(pc) =	sbr.rel .LBB2_9-.Ltmp6, $4  }
0x378: {  	[sflag:s19] =	ssyncadd.s32 $0xFFFFE000  }
0x379: {  	_ =	swait.ge [sflag:s19], $0x2000  }
0x37a: {  	[sflag:s19] =	ssyncset.done $0x0  }
0x37b: {  	[sflag:s19] =	ssyncadd.s32 $0xFFFFE000  }
.LBB2_5:
0x37c: {  	_ =	swait.ge [sflag:s31], $0x2000  }
0x37d: {  	[sflag:s31] =	ssyncset.done $0x0  }
0x37e: {  	[sflag:s31] =	ssyncadd.s32 $0xFFFFE000  }
0x37f: {  	_ =	swait.ge [sflag:s31], $0x2000  }
.Ltmp7:
0x380: {  	[sflag:s31] =	ssyncset.done $0x0;
	(pc) =	sbr.rel .LBB2_9-.Ltmp7, $4  }
0x381: {  	[sflag:s31] =	ssyncadd.s32 $0xFFFFE000  }
0x382: {  	_ =	swait.ge [sflag:s31], $0x2000  }
0x383: {  	[sflag:s31] =	ssyncset.done $0x0  }
0x384: {  	[sflag:s31] =	ssyncadd.s32 $0xFFFFE000  }
.LBB2_6:
0x385: {  	p0 =	sgt.u32 s14, $0x17  }
0x386: {  	p1 =	sne.s32 @!p0 s7, $0x3  }
0x387: {  	p1 =	por p0, p1  }
.Ltmp8:
0x388: {  	_ = 	snop;
	(pc) =	sbr.rel @p1 .LBB2_8-.Ltmp8, $2  }
0x389: {  	_ =	sdelay $0x2  }
0x38a: {  	s8 =	sadd.s32 $0x2, s6  }
0x38b: {  	s7 =	sshll.u32 s8, $0x6;
	s9 =	simm.s32 $0x600  }
0x38c: {  	[tilespmem:s9], [sflag:$0x3] =	stream.indirect.gather [hbm4b:s10+s15], $0x80, s7, s15, $0xb8;
	[tilespmem:$0xDE80] =	vst v63  }
.Ltmp9:
0x38d: {  	_ = 	snop;
	(pc) =	sbr.rel .LBB2_9-.Ltmp9, $4  }
0x38e: {  	s8 =	sadd.s32 $0x200, s7;
	s9 =	simm.s32 $0x4600  }
0x38f: {  	[tilespmem:s9], [sflag:$0x3] =	stream.indirect.gather [hbm4b:s2+s15], $0x80, s8, s15, $0xb8;
	[tilespmem:$0xDE80] =	vst v63  }
0x390: {  	s7 =	sadd.s32 $0x400, s7;
	s9 =	simm.s32 $0x8600  }
0x391: {  	[tilespmem:s9], [sflag:$0x3] =	stream.indirect.gather [hbm4b:s2+s15], $0x80, s7, s15, $0xb8;
	[tilespmem:$0xDE80] =	vst v63  }
.LBB2_8:
0x392: {  	p1 =	sne.s32 @!p0 s7, $0x7  }
0x393: {  	s11 =	smov.u32 s10;
	p0 =	por p1, p0  }
0x394: {  	s7 =	sshll.u32 @!p0 s8, $0x6;
	s8 =	simm.s32 @!p0 $0x40;
	s9 =	simm.s32 @!p0 $0x2600  }
0x395: {  	[tilespmem:s9], [sflag:$0x4] =	stream.indirect.gather @!p0 [hbm4b:s10+s8], $0x80, s7, s8, $0xb8;
	[tilespmem:$0xDE80] =	vst v63  }
0x396: {  	s9 =	sadd.s32 @!p0 $0x200, s7;
	s10 =	simm.s32 @!p0 $0x6600;
	s7 =	sadd.s32 @!p0 $0x400, s7  }
0x397: {  	[tilespmem:s10], [sflag:$0x4] =	stream.indirect.gather @!p0 [hbm4b:s2+s8], $0x80, s9, s8, $0xb8;
	[tilespmem:$0xDE80] =	vst v63  }
0x398: {  	s10 =	smov.u32 s11;
	s11 =	simm.s32 $0xC680;
	s9 =	simm.s32 @!p0 $0xA600  }
0x399: {  	[tilespmem:s9], [sflag:$0x4] =	stream.indirect.gather @!p0 [hbm4b:s2+s8], $0x80, s7, s8, $0xb8;
	[tilespmem:$0xDE80] =	vst v63  }
.LBB2_9:
0x39a: {  	s7 =	sand.u32 $0x1, s14  }
0x39b: {  	p0 =	seq.s32 s7, $0x1  }
0x39c: {  	s8 =	simm.s32 @!p0 $0x1  }
0x39d: {  	_ =	swait.ge @!p0 [sflag:s8], $0x200  }
0x39e: {  	p1 =	seq.s32 s7, $0x0;
	[sflag:s8] =	ssyncset.done @!p0 $0x0  }
0x39f: {  	[sflag:s8] =	ssyncadd.s32 @!p0 $0xFFFFFE00;
	s8 =	simm.s32 @!p1 $0x2  }
0x3a0: {  	_ =	swait.ge @!p1 [sflag:s8], $0x200  }
0x3a1: {  	[sflag:s8] =	ssyncset.done @!p1 $0x0  }
0x3a2: {  	v1 =	vld [tilespmem:$0x1FF10];
	[sflag:s8] =	ssyncadd.s32 @!p1 $0xFFFFFE00  }
0x3a3: {  	v0 =	vld [tilespmem:s22+$0xFFFFFFE0]  }
0x3a4: {  	v2 =	vld [tilespmem:s21+$0xFFFFFFE0]  }
0x3a5: {  	s9 =	sshll.u32 s7, $0x3;
	v62 =	vld [tilespmem:$0x1FF20]  }
0x3a6: {  	v3 =	vmov s9;
	v63 =	vld [tilespmem:$0x1FF30]  }
0x3a7: {  	v3 =	vshll.u32 v3, $0x7  }
0x3a8: {  	v3 =	vor.u32 v1, v3;
	v0 =	vand.u32 $0xF, v0  }
0x3a9: {  	p1 =	sgt.u32 s14, $0x1D;
	v2 =	vand.u32 $0xF, v2;
	v0 =	vor.u32 v0, v3  }
0x3aa: {  	p2 =	sne.s32 @!p1 s7, $0x0;
	v2 =	vor.u32 v2, v3;
	v0 =	vor.u32 v62, v0  }
0x3ab: {  	p2 =	por p1, p2;
	v2 =	vor.u32 v63, v2  }
.Ltmp10:
0x3ac: {  	_ = 	snop;
	(pc) =	sbr.rel @p2 .LBB2_11-.Ltmp10, $3  }
0x3ad: {  	_ =	sdelay $0x1  }
0x3ae: {  	v22 =	vld.idx.msk [tilespmem:v0+s24+$0x0], $0xffff  }
0x3af: {  	v21 =	vld.idx.msk [tilespmem:v2+s24+$0x0], $0xffff  }
0x3b0: {  	v0 =	vld [tilespmem:s20+$0x0]  }
0x3b1: {  	v2 =	vld [tilespmem:s22+$0x0];
	_ =	sdelay $0x3  }
0x3b2: {  	v0 =	vshrl.u32 v0, $0x3  }
0x3b3: {  	v2 =	vshll.u32 v2, $0x3;
	v0 =	vmul.u32 $0x13C00, v0  }
0x3b4: {  	(v2sf) =	vpush v2, $0x0  }
0x3b5: {  	(v2sf) =	vpush v0, $0x0;
	_ =	sdelay $0x2  }
0x3b6: {  	(v2sf) =	vpush v2, $0x1;
	_ =	sdelay $0x1  }
0x3b7: {  	(v2sf) =	vpush v0, $0x1;
	_ =	sdelay $0x2  }
0x3b8: {  	(v2sf) =	vpush v2, $0x2;
	_ =	sdelay $0x1  }
0x3b9: {  	(v2sf) =	vpush v0, $0x2;
	_ =	sdelay $0x3  }
0x3ba: {  	s7 =	spop (v2sf)  }
0x3bb: {  	s7 =	sand.u32 $0xFFFFFC00, s7;
	s8 =	spop (v2sf);
	(v2sf) =	vpush v2, $0x3  }
0x3bc: {  	s7 =	sadd.s32 s8, s7;
	(v2sf) =	vpush v0, $0x3  }
0x3bd: {  	s7 =	sshrl.u32 s7, $0x3  }
0x3be: {  	s8 =	spop (v2sf);
	s7 =	sadd.s32 s3, s7  }
0x3bf: {  	(v2sf) =	vpush v2, $0x4;
	[tilespmem:s24], [sflag:$0x1] =	stream.linear.gather [hbm4b:s7+s5], $0x10, $0x38;
	[tilespmem:$0xDE80] =	vst v63  }
0x3c0: {  	s9 =	spop (v2sf);
	s7 =	sand.u32 $0xFFFFFC00, s8  }
0x3c1: {  	(v2sf) =	vpush v0, $0x4;
	s7 =	sadd.s32 s9, s7  }
0x3c2: {  	s7 =	sshrl.u32 s7, $0x3  }
0x3c3: {  	s8 =	spop (v2sf);
	s7 =	sadd.s32 s3, s7  }
0x3c4: {  	(v2sf) =	vpush v2, $0x5;
	[tilespmem:s11], [sflag:$0x1] =	stream.linear.gather [hbm4b:s7+s5], $0x10, $0x38;
	[tilespmem:$0xDE80] =	vst v63  }
0x3c5: {  	s9 =	spop (v2sf);
	s7 =	sand.u32 $0xFFFFFC00, s8  }
0x3c6: {  	(v2sf) =	vpush v0, $0x5;
	s7 =	sadd.s32 s9, s7  }
0x3c7: {  	s7 =	sshrl.u32 s7, $0x3  }
0x3c8: {  	s9 =	simm.s32 $0xC700;
	s7 =	sadd.s32 s3, s7  }
0x3c9: {  	[tilespmem:s9], [sflag:$0x1] =	stream.linear.gather [hbm4b:s7+s5], $0x10, $0x38;
	[tilespmem:$0xDE80] =	vst v63  }
0x3ca: {  	s8 =	spop (v2sf)  }
0x3cb: {  	(v2sf) =	vpush v2, $0x6;
	s7 =	sand.u32 $0xFFFFFC00, s8;
	s9 =	spop (v2sf)  }
0x3cc: {  	(v2sf) =	vpush v0, $0x6;
	s7 =	sadd.s32 s9, s7  }
0x3cd: {  	s7 =	sshrl.u32 s7, $0x3  }
0x3ce: {  	s9 =	simm.s32 $0xC780;
	s8 =	spop (v2sf);
	s7 =	sadd.s32 s3, s7  }
0x3cf: {  	(v2sf) =	vpush v2, $0x7;
	[tilespmem:s9], [sflag:$0x1] =	stream.linear.gather [hbm4b:s7+s5], $0x10, $0x38;
	[tilespmem:$0xDE80] =	vst v63  }
0x3d0: {  	s7 =	sand.u32 $0xFFFFFC00, s8;
	s9 =	spop (v2sf)  }
0x3d1: {  	(v2sf) =	vpush v0, $0x7;
	s7 =	sadd.s32 s9, s7  }
0x3d2: {  	s7 =	sshrl.u32 s7, $0x3  }
0x3d3: {  	s9 =	simm.s32 $0xC800;
	s8 =	spop (v2sf);
	s7 =	sadd.s32 s3, s7  }
0x3d4: {  	(v2sf) =	vpush v2, $0x8;
	[tilespmem:s9], [sflag:$0x1] =	stream.linear.gather [hbm4b:s7+s5], $0x10, $0x38;
	[tilespmem:$0xDE80] =	vst v63  }
0x3d5: {  	s7 =	sand.u32 $0xFFFFFC00, s8;
	s9 =	spop (v2sf)  }
0x3d6: {  	(v2sf) =	vpush v0, $0x8;
	s7 =	sadd.s32 s9, s7  }
0x3d7: {  	s7 =	sshrl.u32 s7, $0x3  }
0x3d8: {  	s9 =	simm.s32 $0xC880;
	s7 =	sadd.s32 s3, s7  }
0x3d9: {  	[tilespmem:s9], [sflag:$0x1] =	stream.linear.gather [hbm4b:s7+s5], $0x10, $0x38;
	[tilespmem:$0xDE80] =	vst v63  }
0x3da: {  	s8 =	spop (v2sf)  }
0x3db: {  	(v2sf) =	vpush v2, $0x9;
	s7 =	sand.u32 $0xFFFFFC00, s8;
	s9 =	spop (v2sf)  }
0x3dc: {  	(v2sf) =	vpush v0, $0x9;
	s7 =	sadd.s32 s9, s7  }
0x3dd: {  	s7 =	sshrl.u32 s7, $0x3  }
0x3de: {  	s9 =	simm.s32 $0xC900;
	s8 =	spop (v2sf);
	s7 =	sadd.s32 s3, s7  }
0x3df: {  	(v2sf) =	vpush v2, $0xA;
	[tilespmem:s9], [sflag:$0x1] =	stream.linear.gather [hbm4b:s7+s5], $0x10, $0x38;
	[tilespmem:$0xDE80] =	vst v63  }
0x3e0: {  	s7 =	sand.u32 $0xFFFFFC00, s8;
	s9 =	spop (v2sf)  }
0x3e1: {  	(v2sf) =	vpush v0, $0xA;
	s7 =	sadd.s32 s9, s7  }
0x3e2: {  	s7 =	sshrl.u32 s7, $0x3  }
0x3e3: {  	s9 =	simm.s32 $0xC980;
	s8 =	spop (v2sf);
	s7 =	sadd.s32 s3, s7  }
0x3e4: {  	(v2sf) =	vpush v2, $0xB;
	[tilespmem:s9], [sflag:$0x1] =	stream.linear.gather [hbm4b:s7+s5], $0x10, $0x38;
	[tilespmem:$0xDE80] =	vst v63  }
0x3e5: {  	s7 =	sand.u32 $0xFFFFFC00, s8;
	s9 =	spop (v2sf)  }
0x3e6: {  	(v2sf) =	vpush v0, $0xB;
	s7 =	sadd.s32 s9, s7  }
0x3e7: {  	s7 =	sshrl.u32 s7, $0x3  }
0x3e8: {  	s9 =	simm.s32 $0xC610;
	s7 =	sadd.s32 s3, s7  }
0x3e9: {  	[tilespmem:s9], [sflag:$0x1] =	stream.linear.gather [hbm4b:s7+s5], $0x10, $0x38;
	[tilespmem:$0xDE80] =	vst v63  }
0x3ea: {  	s8 =	spop (v2sf)  }
0x3eb: {  	(v2sf) =	vpush v2, $0xC;
	s7 =	sand.u32 $0xFFFFFC00, s8;
	s9 =	spop (v2sf)  }
0x3ec: {  	(v2sf) =	vpush v0, $0xC;
	s7 =	sadd.s32 s9, s7  }
0x3ed: {  	s7 =	sshrl.u32 s7, $0x3  }
0x3ee: {  	s9 =	simm.s32 $0xC690;
	s8 =	spop (v2sf);
	s7 =	sadd.s32 s3, s7  }
0x3ef: {  	(v2sf) =	vpush v2, $0xD;
	[tilespmem:s9], [sflag:$0x1] =	stream.linear.gather [hbm4b:s7+s5], $0x10, $0x38;
	[tilespmem:$0xDE80] =	vst v63  }
0x3f0: {  	s7 =	sand.u32 $0xFFFFFC00, s8;
	s9 =	spop (v2sf)  }
0x3f1: {  	(v2sf) =	vpush v0, $0xD;
	s7 =	sadd.s32 s9, s7  }
0x3f2: {  	s7 =	sshrl.u32 s7, $0x3  }
0x3f3: {  	s9 =	simm.s32 $0xC710;
	s8 =	spop (v2sf);
	s7 =	sadd.s32 s3, s7  }
0x3f4: {  	(v2sf) =	vpush v2, $0xE;
	[tilespmem:s9], [sflag:$0x1] =	stream.linear.gather [hbm4b:s7+s5], $0x10, $0x38;
	[tilespmem:$0xDE80] =	vst v63  }
0x3f5: {  	s7 =	sand.u32 $0xFFFFFC00, s8;
	s9 =	spop (v2sf)  }
0x3f6: {  	(v2sf) =	vpush v0, $0xE;
	s7 =	sadd.s32 s9, s7  }
0x3f7: {  	s7 =	sshrl.u32 s7, $0x3  }
0x3f8: {  	s9 =	simm.s32 $0xC790;
	s7 =	sadd.s32 s3, s7  }
0x3f9: {  	[tilespmem:s9], [sflag:$0x1] =	stream.linear.gather [hbm4b:s7+s5], $0x10, $0x38;
	[tilespmem:$0xDE80] =	vst v63  }
0x3fa: {  	s8 =	spop (v2sf)  }
0x3fb: {  	(v2sf) =	vpush v0, $0xF;
	s7 =	sand.u32 $0xFFFFFC00, s8;
	s9 =	spop (v2sf)  }
0x3fc: {  	(v2sf) =	vpush v2, $0xF;
	s7 =	sadd.s32 s9, s7  }
0x3fd: {  	s7 =	sshrl.u32 s7, $0x3  }
0x3fe: {  	s9 =	simm.s32 $0xC810;
	s8 =	spop (v2sf);
	s7 =	sadd.s32 s3, s7  }
0x3ff: {  	[tilespmem:s9], [sflag:$0x1] =	stream.linear.gather [hbm4b:s7+s5], $0x10, $0x38;
	[tilespmem:$0xDE80] =	vst v63  }
0x400: {  	s7 =	sand.u32 $0xFFFFFC00, s8;
	s9 =	spop (v2sf)  }
0x401: {  	s7 =	sadd.s32 s9, s7  }
0x402: {  	s7 =	sshrl.u32 s7, $0x3  }
0x403: {  	s9 =	simm.s32 $0xC890;
	s8 =	spop (v2sf);
	s7 =	sadd.s32 s3, s7  }
0x404: {  	[tilespmem:s9], [sflag:$0x1] =	stream.linear.gather [hbm4b:s7+s5], $0x10, $0x38;
	[tilespmem:$0xDE80] =	vst v63  }
0x405: {  	s7 =	sand.u32 $0xFFFFFC00, s8;
	s9 =	spop (v2sf)  }
0x406: {  	s7 =	sadd.s32 s9, s7  }
0x407: {  	s7 =	sshrl.u32 s7, $0x3  }
0x408: {  	s9 =	simm.s32 $0xC910;
	s7 =	sadd.s32 s3, s7  }
0x409: {  	[tilespmem:s9], [sflag:$0x1] =	stream.linear.gather [hbm4b:s7+s5], $0x10, $0x38;
	[tilespmem:$0xDE80] =	vst v63  }
0x40a: {  	s7 =	spop (v2sf)  }
0x40b: {  	s9 =	spop (v2sf)  }
0x40c: {  	s8 =	sand.u32 $0xFFFFFC00, s9  }
0x40d: {  	s7 =	sadd.s32 s7, s8  }
0x40e: {  	s7 =	sshrl.u32 s7, $0x3  }
0x40f: {  	s9 =	simm.s32 $0xC990;
	s7 =	sadd.s32 s3, s7  }
0x410: {  	[tilespmem:s9], [sflag:$0x1] =	stream.linear.gather [hbm4b:s7+s5], $0x10, $0x38;
	[tilespmem:$0xDE80] =	vst v63  }
0x411: {  	v62 =	vld [tilespmem:s20+$0x0]  }
0x412: {  	v63 =	vld [tilespmem:s21+$0x0];
	_ =	sdelay $0x3  }
0x413: {  	v0 =	vshrl.u32 v62, $0x3  }
0x414: {  	v2 =	vshll.u32 v63, $0x3;
	v0 =	vmul.u32 $0x13C00, v0  }
0x415: {  	(v2sf) =	vpush v2, $0x0  }
0x416: {  	(v2sf) =	vpush v0, $0x0;
	_ =	sdelay $0x2  }
0x417: {  	(v2sf) =	vpush v2, $0x1;
	_ =	sdelay $0x1  }
0x418: {  	(v2sf) =	vpush v0, $0x1;
	_ =	sdelay $0x2  }
0x419: {  	(v2sf) =	vpush v2, $0x2;
	_ =	sdelay $0x1  }
0x41a: {  	(v2sf) =	vpush v0, $0x2;
	_ =	sdelay $0x2  }
0x41b: {  	(v2sf) =	vpush v2, $0x3  }
0x41c: {  	s8 =	spop (v2sf)  }
0x41d: {  	(v2sf) =	vpush v0, $0x3;
	s7 =	sand.u32 $0xFFFFFC00, s8;
	s9 =	spop (v2sf)  }
0x41e: {  	s7 =	sadd.s32 s9, s7  }
0x41f: {  	s7 =	sshrl.u32 s7, $0x3  }
0x420: {  	(v2sf) =	vpush v2, $0x4;
	s8 =	spop (v2sf);
	s9 =	simm.s32 $0xC620;
	s7 =	sadd.s32 s3, s7  }
0x421: {  	[tilespmem:s9], [sflag:$0x1] =	stream.linear.gather [hbm4b:s7+s5], $0x10, $0x38;
	[tilespmem:$0xDE80] =	vst v63  }
0x422: {  	(v2sf) =	vpush v0, $0x4;
	s8 =	sand.u32 $0xFFFFFC00, s8;
	s9 =	spop (v2sf)  }
0x423: {  	s7 =	sadd.s32 s9, s8  }
0x424: {  	s7 =	sshrl.u32 s7, $0x3  }
0x425: {  	(v2sf) =	vpush v2, $0x5;
	s8 =	spop (v2sf);
	s9 =	simm.s32 $0xC6A0;
	s7 =	sadd.s32 s3, s7  }
0x426: {  	[tilespmem:s9], [sflag:$0x1] =	stream.linear.gather [hbm4b:s7+s5], $0x10, $0x38;
	[tilespmem:$0xDE80] =	vst v63  }
0x427: {  	(v2sf) =	vpush v0, $0x5;
	s8 =	sand.u32 $0xFFFFFC00, s8;
	s9 =	spop (v2sf)  }
0x428: {  	s7 =	sadd.s32 s9, s8  }
0x429: {  	s7 =	sshrl.u32 s7, $0x3  }
0x42a: {  	(v2sf) =	vpush v2, $0x6;
	s8 =	spop (v2sf);
	s9 =	simm.s32 $0xC720;
	s7 =	sadd.s32 s3, s7  }
0x42b: {  	[tilespmem:s9], [sflag:$0x1] =	stream.linear.gather [hbm4b:s7+s5], $0x10, $0x38;
	[tilespmem:$0xDE80] =	vst v63  }
0x42c: {  	s8 =	sand.u32 $0xFFFFFC00, s8;
	s9 =	spop (v2sf);
	(v2sf) =	vpush v0, $0x6  }
0x42d: {  	s7 =	sadd.s32 s9, s8  }
0x42e: {  	s7 =	sshrl.u32 s7, $0x3  }
0x42f: {  	s9 =	simm.s32 $0xC7A0;
	s8 =	spop (v2sf);
	(v2sf) =	vpush v2, $0x7;
	s7 =	sadd.s32 s3, s7  }
0x430: {  	[tilespmem:s9], [sflag:$0x1] =	stream.linear.gather [hbm4b:s7+s5], $0x10, $0x38;
	[tilespmem:$0xDE80] =	vst v63  }
0x431: {  	s8 =	sand.u32 $0xFFFFFC00, s8;
	s9 =	spop (v2sf);
	(v2sf) =	vpush v0, $0x7  }
0x432: {  	s7 =	sadd.s32 s9, s8  }
0x433: {  	s7 =	sshrl.u32 s7, $0x3  }
0x434: {  	s9 =	simm.s32 $0xC820;
	s8 =	spop (v2sf);
	(v2sf) =	vpush v2, $0x8;
	s7 =	sadd.s32 s3, s7  }
0x435: {  	[tilespmem:s9], [sflag:$0x1] =	stream.linear.gather [hbm4b:s7+s5], $0x10, $0x38;
	[tilespmem:$0xDE80] =	vst v63  }
0x436: {  	s8 =	sand.u32 $0xFFFFFC00, s8;
	s9 =	spop (v2sf);
	(v2sf) =	vpush v0, $0x8  }
0x437: {  	s7 =	sadd.s32 s9, s8  }
0x438: {  	s7 =	sshrl.u32 s7, $0x3  }
0x439: {  	s9 =	spop (v2sf);
	(v2sf) =	vpush v2, $0x9;
	s7 =	sadd.s32 s3, s7  }
0x43a: {  	[tilespmem:s12], [sflag:$0x1] =	stream.linear.gather [hbm4b:s7+s5], $0x10, $0x38;
	[tilespmem:$0xDE80] =	vst v63  }
0x43b: {  	s8 =	sand.u32 $0xFFFFFC00, s9;
	s9 =	spop (v2sf);
	(v2sf) =	vpush v0, $0x9  }
0x43c: {  	s7 =	sadd.s32 s9, s8  }
0x43d: {  	s7 =	sshrl.u32 s7, $0x3  }
0x43e: {  	s9 =	spop (v2sf);
	(v2sf) =	vpush v2, $0xA;
	s7 =	sadd.s32 s3, s7  }
0x43f: {  	[tilespmem:s16], [sflag:$0x1] =	stream.linear.gather [hbm4b:s7+s5], $0x10, $0x38;
	[tilespmem:$0xDE80] =	vst v63  }
0x440: {  	s8 =	sand.u32 $0xFFFFFC00, s9;
	s9 =	spop (v2sf);
	(v2sf) =	vpush v0, $0xA  }
0x441: {  	s7 =	sadd.s32 s9, s8  }
0x442: {  	s7 =	sshrl.u32 s7, $0x3  }
0x443: {  	s9 =	spop (v2sf);
	(v2sf) =	vpush v2, $0xB;
	s7 =	sadd.s32 s3, s7  }
0x444: {  	[tilespmem:s17], [sflag:$0x1] =	stream.linear.gather [hbm4b:s7+s5], $0x10, $0x38;
	[tilespmem:$0xDE80] =	vst v63  }
0x445: {  	s8 =	sand.u32 $0xFFFFFC00, s9;
	s9 =	spop (v2sf);
	(v2sf) =	vpush v0, $0xB  }
0x446: {  	s7 =	sadd.s32 s9, s8  }
0x447: {  	s7 =	sshrl.u32 s7, $0x3  }
0x448: {  	s9 =	spop (v2sf);
	(v2sf) =	vpush v2, $0xC;
	s7 =	sadd.s32 s3, s7  }
0x449: {  	[tilespmem:s18], [sflag:$0x1] =	stream.linear.gather [hbm4b:s7+s5], $0x10, $0x38;
	[tilespmem:$0xDE80] =	vst v63  }
0x44a: {  	s8 =	sand.u32 $0xFFFFFC00, s9;
	s9 =	spop (v2sf);
	(v2sf) =	vpush v0, $0xC  }
0x44b: {  	s7 =	sadd.s32 s9, s8  }
0x44c: {  	s7 =	sshrl.u32 s7, $0x3  }
0x44d: {  	s9 =	spop (v2sf);
	(v2sf) =	vpush v2, $0xD;
	s7 =	sadd.s32 s3, s7  }
0x44e: {  	[tilespmem:s13], [sflag:$0x1] =	stream.linear.gather [hbm4b:s7+s5], $0x10, $0x38;
	[tilespmem:$0xDE80] =	vst v63  }
0x44f: {  	s8 =	sand.u32 $0xFFFFFC00, s9;
	s9 =	spop (v2sf);
	(v2sf) =	vpush v0, $0xD  }
0x450: {  	s7 =	sadd.s32 s9, s8  }
0x451: {  	s7 =	sshrl.u32 s7, $0x3  }
0x452: {  	s9 =	spop (v2sf);
	(v2sf) =	vpush v2, $0xE;
	s7 =	sadd.s32 s3, s7  }
0x453: {  	[tilespmem:s1], [sflag:$0x1] =	stream.linear.gather [hbm4b:s7+s5], $0x10, $0x38;
	[tilespmem:$0xDE80] =	vst v63  }
0x454: {  	s8 =	sand.u32 $0xFFFFFC00, s9;
	s9 =	spop (v2sf);
	(v2sf) =	vpush v0, $0xE  }
0x455: {  	s7 =	sadd.s32 s9, s8  }
0x456: {  	s7 =	sshrl.u32 s7, $0x3  }
0x457: {  	s9 =	spop (v2sf);
	(v2sf) =	vpush v0, $0xF;
	s7 =	sadd.s32 s3, s7  }
0x458: {  	[tilespmem:s25], [sflag:$0x1] =	stream.linear.gather [hbm4b:s7+s5], $0x10, $0x38;
	[tilespmem:$0xDE80] =	vst v63  }
0x459: {  	s8 =	sand.u32 $0xFFFFFC00, s9;
	s9 =	spop (v2sf);
	(v2sf) =	vpush v2, $0xF  }
0x45a: {  	s7 =	sadd.s32 s9, s8  }
0x45b: {  	s7 =	sshrl.u32 s7, $0x3  }
0x45c: {  	s8 =	spop (v2sf);
	s7 =	sadd.s32 s3, s7  }
0x45d: {  	[tilespmem:s26], [sflag:$0x1] =	stream.linear.gather [hbm4b:s7+s5], $0x10, $0x38;
	[tilespmem:$0xDE80] =	vst v63  }
0x45e: {  	s8 =	sand.u32 $0xFFFFFC00, s8;
	s9 =	spop (v2sf)  }
0x45f: {  	s7 =	sadd.s32 s9, s8  }
0x460: {  	s7 =	sshrl.u32 s7, $0x3  }
0x461: {  	s8 =	spop (v2sf);
	s7 =	sadd.s32 s3, s7  }
0x462: {  	[tilespmem:s28], [sflag:$0x1] =	stream.linear.gather [hbm4b:s7+s5], $0x10, $0x38;
	[tilespmem:$0xDE80] =	vst v63  }
0x463: {  	s8 =	sand.u32 $0xFFFFFC00, s8;
	s9 =	spop (v2sf)  }
0x464: {  	s7 =	sadd.s32 s9, s8  }
0x465: {  	s7 =	sshrl.u32 s7, $0x3  }
0x466: {  	s8 =	spop (v2sf);
	s7 =	sadd.s32 s3, s7  }
0x467: {  	[tilespmem:s29], [sflag:$0x1] =	stream.linear.gather [hbm4b:s7+s5], $0x10, $0x38;
	[tilespmem:$0xDE80] =	vst v63  }
0x468: {  	s9 =	spop (v2sf)  }
0x469: {  	s7 =	sand.u32 $0xFFFFFC00, s9  }
0x46a: {  	s7 =	sadd.s32 s8, s7  }
0x46b: {  	s7 =	sshrl.u32 s7, $0x3  }
0x46c: {  	s7 =	sadd.s32 s3, s7  }
0x46d: {  	[tilespmem:s30], [sflag:$0x1] =	stream.linear.gather [hbm4b:s7+s5], $0x10, $0x38;
	[tilespmem:$0xDE80] =	vst v63  }
.LBB2_11:
0x46e: {  	p0 =	por !p0, !p0  }
0x46f: {  	p0 =	por p1, p0  }
.Ltmp11:
0x470: {  	_ = 	snop;
	(pc) =	sbr.rel @p0 .LBB2_13-.Ltmp11, $1  }
0x471: {  	_ =	sdelay $0x3  }
0x472: {  	v0 =	vld [tilespmem:s20+$0x0]  }
0x473: {  	v2 =	vld [tilespmem:s22+$0x0];
	_ =	sdelay $0x3  }
0x474: {  	v0 =	vshrl.u32 v0, $0x3  }
0x475: {  	v2 =	vshll.u32 v2, $0x3;
	v0 =	vmul.u32 $0x13C00, v0  }
0x476: {  	(v2sf) =	vpush v2, $0x0  }
0x477: {  	(v2sf) =	vpush v0, $0x0;
	_ =	sdelay $0x2  }
0x478: {  	(v2sf) =	vpush v2, $0x1;
	_ =	sdelay $0x1  }
0x479: {  	(v2sf) =	vpush v0, $0x1;
	_ =	sdelay $0x2  }
0x47a: {  	(v2sf) =	vpush v2, $0x2;
	_ =	sdelay $0x1  }
0x47b: {  	(v2sf) =	vpush v0, $0x2;
	_ =	sdelay $0x3  }
0x47c: {  	s7 =	spop (v2sf)  }
0x47d: {  	s7 =	sand.u32 $0xFFFFFC00, s7;
	s8 =	spop (v2sf);
	(v2sf) =	vpush v2, $0x3  }
0x47e: {  	s7 =	sadd.s32 s8, s7;
	(v2sf) =	vpush v0, $0x3  }
0x47f: {  	s7 =	sshrl.u32 s7, $0x3  }
0x480: {  	s9 =	simm.s32 $0xCA00;
	s8 =	spop (v2sf);
	s7 =	sadd.s32 s3, s7  }
0x481: {  	(v2sf) =	vpush v2, $0x4;
	[tilespmem:s9], [sflag:$0x2] =	stream.linear.gather [hbm4b:s7+s5], $0x10, $0x38;
	[tilespmem:$0xDE80] =	vst v63  }
0x482: {  	s7 =	sand.u32 $0xFFFFFC00, s8;
	s9 =	spop (v2sf)  }
0x483: {  	(v2sf) =	vpush v0, $0x4;
	s7 =	sadd.s32 s9, s7  }
0x484: {  	s7 =	sshrl.u32 s7, $0x3  }
0x485: {  	s9 =	simm.s32 $0xCA80;
	s8 =	spop (v2sf);
	s7 =	sadd.s32 s3, s7  }
0x486: {  	(v2sf) =	vpush v2, $0x5;
	[tilespmem:s9], [sflag:$0x2] =	stream.linear.gather [hbm4b:s7+s5], $0x10, $0x38;
	[tilespmem:$0xDE80] =	vst v63  }
0x487: {  	s7 =	sand.u32 $0xFFFFFC00, s8;
	s9 =	spop (v2sf)  }
0x488: {  	(v2sf) =	vpush v0, $0x5;
	s7 =	sadd.s32 s9, s7  }
0x489: {  	s7 =	sshrl.u32 s7, $0x3  }
0x48a: {  	s9 =	simm.s32 $0xCB00;
	s7 =	sadd.s32 s3, s7  }
0x48b: {  	[tilespmem:s9], [sflag:$0x2] =	stream.linear.gather [hbm4b:s7+s5], $0x10, $0x38;
	[tilespmem:$0xDE80] =	vst v63  }
0x48c: {  	s8 =	spop (v2sf)  }
0x48d: {  	(v2sf) =	vpush v2, $0x6;
	s7 =	sand.u32 $0xFFFFFC00, s8;
	s9 =	spop (v2sf)  }
0x48e: {  	(v2sf) =	vpush v0, $0x6;
	s7 =	sadd.s32 s9, s7  }
0x48f: {  	s7 =	sshrl.u32 s7, $0x3  }
0x490: {  	s9 =	simm.s32 $0xCB80;
	s8 =	spop (v2sf);
	s7 =	sadd.s32 s3, s7  }
0x491: {  	(v2sf) =	vpush v2, $0x7;
	[tilespmem:s9], [sflag:$0x2] =	stream.linear.gather [hbm4b:s7+s5], $0x10, $0x38;
	[tilespmem:$0xDE80] =	vst v63  }
0x492: {  	s7 =	sand.u32 $0xFFFFFC00, s8;
	s9 =	spop (v2sf)  }
0x493: {  	(v2sf) =	vpush v0, $0x7;
	s7 =	sadd.s32 s9, s7  }
0x494: {  	s7 =	sshrl.u32 s7, $0x3  }
0x495: {  	s9 =	simm.s32 $0xCC00;
	s8 =	spop (v2sf);
	s7 =	sadd.s32 s3, s7  }
0x496: {  	(v2sf) =	vpush v2, $0x8;
	[tilespmem:s9], [sflag:$0x2] =	stream.linear.gather [hbm4b:s7+s5], $0x10, $0x38;
	[tilespmem:$0xDE80] =	vst v63  }
0x497: {  	s7 =	sand.u32 $0xFFFFFC00, s8;
	s9 =	spop (v2sf)  }
0x498: {  	(v2sf) =	vpush v0, $0x8;
	s7 =	sadd.s32 s9, s7  }
0x499: {  	s7 =	sshrl.u32 s7, $0x3  }
0x49a: {  	s9 =	simm.s32 $0xCC80;
	s7 =	sadd.s32 s3, s7  }
0x49b: {  	[tilespmem:s9], [sflag:$0x2] =	stream.linear.gather [hbm4b:s7+s5], $0x10, $0x38;
	[tilespmem:$0xDE80] =	vst v63  }
0x49c: {  	s8 =	spop (v2sf)  }
0x49d: {  	(v2sf) =	vpush v2, $0x9;
	s7 =	sand.u32 $0xFFFFFC00, s8;
	s9 =	spop (v2sf)  }
0x49e: {  	(v2sf) =	vpush v0, $0x9;
	s7 =	sadd.s32 s9, s7  }
0x49f: {  	s7 =	sshrl.u32 s7, $0x3  }
0x4a0: {  	s9 =	simm.s32 $0xCD00;
	s8 =	spop (v2sf);
	s7 =	sadd.s32 s3, s7  }
0x4a1: {  	(v2sf) =	vpush v2, $0xA;
	[tilespmem:s9], [sflag:$0x2] =	stream.linear.gather [hbm4b:s7+s5], $0x10, $0x38;
	[tilespmem:$0xDE80] =	vst v63  }
0x4a2: {  	s7 =	sand.u32 $0xFFFFFC00, s8;
	s9 =	spop (v2sf)  }
0x4a3: {  	(v2sf) =	vpush v0, $0xA;
	s7 =	sadd.s32 s9, s7  }
0x4a4: {  	s7 =	sshrl.u32 s7, $0x3  }
0x4a5: {  	s9 =	simm.s32 $0xCD80;
	s8 =	spop (v2sf);
	s7 =	sadd.s32 s3, s7  }
0x4a6: {  	(v2sf) =	vpush v2, $0xB;
	[tilespmem:s9], [sflag:$0x2] =	stream.linear.gather [hbm4b:s7+s5], $0x10, $0x38;
	[tilespmem:$0xDE80] =	vst v63  }
0x4a7: {  	s7 =	sand.u32 $0xFFFFFC00, s8;
	s9 =	spop (v2sf)  }
0x4a8: {  	(v2sf) =	vpush v0, $0xB;
	s7 =	sadd.s32 s9, s7  }
0x4a9: {  	s7 =	sshrl.u32 s7, $0x3  }
0x4aa: {  	s9 =	simm.s32 $0xCA10;
	s7 =	sadd.s32 s3, s7  }
0x4ab: {  	[tilespmem:s9], [sflag:$0x2] =	stream.linear.gather [hbm4b:s7+s5], $0x10, $0x38;
	[tilespmem:$0xDE80] =	vst v63  }
0x4ac: {  	s8 =	spop (v2sf)  }
0x4ad: {  	(v2sf) =	vpush v2, $0xC;
	s7 =	sand.u32 $0xFFFFFC00, s8;
	s9 =	spop (v2sf)  }
0x4ae: {  	(v2sf) =	vpush v0, $0xC;
	s7 =	sadd.s32 s9, s7  }
0x4af: {  	s7 =	sshrl.u32 s7, $0x3  }
0x4b0: {  	s9 =	simm.s32 $0xCA90;
	s8 =	spop (v2sf);
	s7 =	sadd.s32 s3, s7  }
0x4b1: {  	(v2sf) =	vpush v2, $0xD;
	[tilespmem:s9], [sflag:$0x2] =	stream.linear.gather [hbm4b:s7+s5], $0x10, $0x38;
	[tilespmem:$0xDE80] =	vst v63  }
0x4b2: {  	s7 =	sand.u32 $0xFFFFFC00, s8;
	s9 =	spop (v2sf)  }
0x4b3: {  	(v2sf) =	vpush v0, $0xD;
	s7 =	sadd.s32 s9, s7  }
0x4b4: {  	s7 =	sshrl.u32 s7, $0x3  }
0x4b5: {  	s9 =	simm.s32 $0xCB10;
	s8 =	spop (v2sf);
	s7 =	sadd.s32 s3, s7  }
0x4b6: {  	(v2sf) =	vpush v2, $0xE;
	[tilespmem:s9], [sflag:$0x2] =	stream.linear.gather [hbm4b:s7+s5], $0x10, $0x38;
	[tilespmem:$0xDE80] =	vst v63  }
0x4b7: {  	s7 =	sand.u32 $0xFFFFFC00, s8;
	s9 =	spop (v2sf)  }
0x4b8: {  	(v2sf) =	vpush v0, $0xE;
	s7 =	sadd.s32 s9, s7  }
0x4b9: {  	s7 =	sshrl.u32 s7, $0x3  }
0x4ba: {  	s9 =	simm.s32 $0xCB90;
	s7 =	sadd.s32 s3, s7  }
0x4bb: {  	[tilespmem:s9], [sflag:$0x2] =	stream.linear.gather [hbm4b:s7+s5], $0x10, $0x38;
	[tilespmem:$0xDE80] =	vst v63  }
0x4bc: {  	s8 =	spop (v2sf)  }
0x4bd: {  	(v2sf) =	vpush v0, $0xF;
	s7 =	sand.u32 $0xFFFFFC00, s8;
	s9 =	spop (v2sf)  }
0x4be: {  	(v2sf) =	vpush v2, $0xF;
	s7 =	sadd.s32 s9, s7  }
0x4bf: {  	s7 =	sshrl.u32 s7, $0x3  }
0x4c0: {  	s9 =	simm.s32 $0xCC10;
	s8 =	spop (v2sf);
	s7 =	sadd.s32 s3, s7  }
0x4c1: {  	[tilespmem:s9], [sflag:$0x2] =	stream.linear.gather [hbm4b:s7+s5], $0x10, $0x38;
	[tilespmem:$0xDE80] =	vst v63  }
0x4c2: {  	s7 =	sand.u32 $0xFFFFFC00, s8;
	s9 =	spop (v2sf)  }
0x4c3: {  	s7 =	sadd.s32 s9, s7  }
0x4c4: {  	s7 =	sshrl.u32 s7, $0x3  }
0x4c5: {  	s9 =	simm.s32 $0xCC90;
	s8 =	spop (v2sf);
	s7 =	sadd.s32 s3, s7  }
0x4c6: {  	[tilespmem:s9], [sflag:$0x2] =	stream.linear.gather [hbm4b:s7+s5], $0x10, $0x38;
	[tilespmem:$0xDE80] =	vst v63  }
0x4c7: {  	s7 =	sand.u32 $0xFFFFFC00, s8;
	s9 =	spop (v2sf)  }
0x4c8: {  	s7 =	sadd.s32 s9, s7  }
0x4c9: {  	s7 =	sshrl.u32 s7, $0x3  }
0x4ca: {  	s9 =	simm.s32 $0xCD10;
	s7 =	sadd.s32 s3, s7  }
0x4cb: {  	[tilespmem:s9], [sflag:$0x2] =	stream.linear.gather [hbm4b:s7+s5], $0x10, $0x38;
	[tilespmem:$0xDE80] =	vst v63  }
0x4cc: {  	s7 =	spop (v2sf)  }
0x4cd: {  	s9 =	spop (v2sf)  }
0x4ce: {  	s8 =	sand.u32 $0xFFFFFC00, s9  }
0x4cf: {  	s7 =	sadd.s32 s7, s8  }
0x4d0: {  	s7 =	sshrl.u32 s7, $0x3  }
0x4d1: {  	s9 =	simm.s32 $0xCD90;
	s7 =	sadd.s32 s3, s7  }
0x4d2: {  	[tilespmem:s9], [sflag:$0x2] =	stream.linear.gather [hbm4b:s7+s5], $0x10, $0x38;
	[tilespmem:$0xDE80] =	vst v63  }
0x4d3: {  	v62 =	vld [tilespmem:s20+$0x0]  }
0x4d4: {  	v63 =	vld [tilespmem:s21+$0x0];
	_ =	sdelay $0x3  }
0x4d5: {  	v0 =	vshrl.u32 v62, $0x3  }
0x4d6: {  	v2 =	vshll.u32 v63, $0x3;
	v0 =	vmul.u32 $0x13C00, v0  }
0x4d7: {  	(v2sf) =	vpush v2, $0x0  }
0x4d8: {  	(v2sf) =	vpush v0, $0x0;
	_ =	sdelay $0x2  }
0x4d9: {  	(v2sf) =	vpush v2, $0x1;
	_ =	sdelay $0x1  }
0x4da: {  	(v2sf) =	vpush v0, $0x1;
	_ =	sdelay $0x2  }
0x4db: {  	(v2sf) =	vpush v2, $0x2;
	_ =	sdelay $0x1  }
0x4dc: {  	(v2sf) =	vpush v0, $0x2;
	_ =	sdelay $0x2  }
0x4dd: {  	(v2sf) =	vpush v2, $0x3  }
0x4de: {  	s8 =	spop (v2sf)  }
0x4df: {  	(v2sf) =	vpush v0, $0x3;
	s7 =	sand.u32 $0xFFFFFC00, s8;
	s9 =	spop (v2sf)  }
0x4e0: {  	s7 =	sadd.s32 s9, s7  }
0x4e1: {  	s7 =	sshrl.u32 s7, $0x3  }
0x4e2: {  	(v2sf) =	vpush v2, $0x4;
	s8 =	spop (v2sf);
	s9 =	simm.s32 $0xCA20;
	s7 =	sadd.s32 s3, s7  }
0x4e3: {  	[tilespmem:s9], [sflag:$0x2] =	stream.linear.gather [hbm4b:s7+s5], $0x10, $0x38;
	[tilespmem:$0xDE80] =	vst v63  }
0x4e4: {  	(v2sf) =	vpush v0, $0x4;
	s8 =	sand.u32 $0xFFFFFC00, s8;
	s9 =	spop (v2sf)  }
0x4e5: {  	s7 =	sadd.s32 s9, s8  }
0x4e6: {  	s7 =	sshrl.u32 s7, $0x3  }
0x4e7: {  	(v2sf) =	vpush v2, $0x5;
	s8 =	spop (v2sf);
	s9 =	simm.s32 $0xCAA0;
	s7 =	sadd.s32 s3, s7  }
0x4e8: {  	[tilespmem:s9], [sflag:$0x2] =	stream.linear.gather [hbm4b:s7+s5], $0x10, $0x38;
	[tilespmem:$0xDE80] =	vst v63  }
0x4e9: {  	(v2sf) =	vpush v0, $0x5;
	s8 =	sand.u32 $0xFFFFFC00, s8;
	s9 =	spop (v2sf)  }
0x4ea: {  	s7 =	sadd.s32 s9, s8  }
0x4eb: {  	s7 =	sshrl.u32 s7, $0x3  }
0x4ec: {  	(v2sf) =	vpush v2, $0x6;
	s8 =	spop (v2sf);
	s9 =	simm.s32 $0xCB20;
	s7 =	sadd.s32 s3, s7  }
0x4ed: {  	[tilespmem:s9], [sflag:$0x2] =	stream.linear.gather [hbm4b:s7+s5], $0x10, $0x38;
	[tilespmem:$0xDE80] =	vst v63  }
0x4ee: {  	s8 =	sand.u32 $0xFFFFFC00, s8;
	s9 =	spop (v2sf);
	(v2sf) =	vpush v0, $0x6  }
0x4ef: {  	s7 =	sadd.s32 s9, s8  }
0x4f0: {  	s7 =	sshrl.u32 s7, $0x3  }
0x4f1: {  	s9 =	simm.s32 $0xCBA0;
	s8 =	spop (v2sf);
	(v2sf) =	vpush v2, $0x7;
	s7 =	sadd.s32 s3, s7  }
0x4f2: {  	[tilespmem:s9], [sflag:$0x2] =	stream.linear.gather [hbm4b:s7+s5], $0x10, $0x38;
	[tilespmem:$0xDE80] =	vst v63  }
0x4f3: {  	s8 =	sand.u32 $0xFFFFFC00, s8;
	s9 =	spop (v2sf);
	(v2sf) =	vpush v0, $0x7  }
0x4f4: {  	s7 =	sadd.s32 s9, s8  }
0x4f5: {  	s7 =	sshrl.u32 s7, $0x3  }
0x4f6: {  	s9 =	simm.s32 $0xCC20;
	s8 =	spop (v2sf);
	(v2sf) =	vpush v2, $0x8;
	s7 =	sadd.s32 s3, s7  }
0x4f7: {  	[tilespmem:s9], [sflag:$0x2] =	stream.linear.gather [hbm4b:s7+s5], $0x10, $0x38;
	[tilespmem:$0xDE80] =	vst v63  }
0x4f8: {  	s8 =	sand.u32 $0xFFFFFC00, s8;
	s9 =	spop (v2sf);
	(v2sf) =	vpush v0, $0x8  }
0x4f9: {  	s7 =	sadd.s32 s9, s8  }
0x4fa: {  	s7 =	sshrl.u32 s7, $0x3  }
0x4fb: {  	s9 =	simm.s32 $0xCCA0;
	s8 =	spop (v2sf);
	(v2sf) =	vpush v2, $0x9;
	s7 =	sadd.s32 s3, s7  }
0x4fc: {  	[tilespmem:s9], [sflag:$0x2] =	stream.linear.gather [hbm4b:s7+s5], $0x10, $0x38;
	[tilespmem:$0xDE80] =	vst v63  }
0x4fd: {  	s8 =	sand.u32 $0xFFFFFC00, s8;
	s9 =	spop (v2sf);
	(v2sf) =	vpush v0, $0x9  }
0x4fe: {  	s7 =	sadd.s32 s9, s8  }
0x4ff: {  	s7 =	sshrl.u32 s7, $0x3  }
0x500: {  	s9 =	simm.s32 $0xCD20;
	s8 =	spop (v2sf);
	(v2sf) =	vpush v2, $0xA;
	s7 =	sadd.s32 s3, s7  }
0x501: {  	[tilespmem:s9], [sflag:$0x2] =	stream.linear.gather [hbm4b:s7+s5], $0x10, $0x38;
	[tilespmem:$0xDE80] =	vst v63  }
0x502: {  	s8 =	sand.u32 $0xFFFFFC00, s8;
	s9 =	spop (v2sf);
	(v2sf) =	vpush v0, $0xA  }
0x503: {  	s7 =	sadd.s32 s9, s8  }
0x504: {  	s7 =	sshrl.u32 s7, $0x3  }
0x505: {  	s9 =	simm.s32 $0xCDA0;
	s8 =	spop (v2sf);
	(v2sf) =	vpush v2, $0xB;
	s7 =	sadd.s32 s3, s7  }
0x506: {  	[tilespmem:s9], [sflag:$0x2] =	stream.linear.gather [hbm4b:s7+s5], $0x10, $0x38;
	[tilespmem:$0xDE80] =	vst v63  }
0x507: {  	s8 =	sand.u32 $0xFFFFFC00, s8;
	s9 =	spop (v2sf);
	(v2sf) =	vpush v0, $0xB  }
0x508: {  	s7 =	sadd.s32 s9, s8  }
0x509: {  	s7 =	sshrl.u32 s7, $0x3  }
0x50a: {  	s9 =	simm.s32 $0xCA30;
	s8 =	spop (v2sf);
	(v2sf) =	vpush v2, $0xC;
	s7 =	sadd.s32 s3, s7  }
0x50b: {  	[tilespmem:s9], [sflag:$0x2] =	stream.linear.gather [hbm4b:s7+s5], $0x10, $0x38;
	[tilespmem:$0xDE80] =	vst v63  }
0x50c: {  	s8 =	sand.u32 $0xFFFFFC00, s8;
	s9 =	spop (v2sf);
	(v2sf) =	vpush v0, $0xC  }
0x50d: {  	s7 =	sadd.s32 s9, s8  }
0x50e: {  	s7 =	sshrl.u32 s7, $0x3  }
0x50f: {  	s9 =	simm.s32 $0xCAB0;
	s8 =	spop (v2sf);
	(v2sf) =	vpush v2, $0xD;
	s7 =	sadd.s32 s3, s7  }
0x510: {  	[tilespmem:s9], [sflag:$0x2] =	stream.linear.gather [hbm4b:s7+s5], $0x10, $0x38;
	[tilespmem:$0xDE80] =	vst v63  }
0x511: {  	s8 =	sand.u32 $0xFFFFFC00, s8;
	s9 =	spop (v2sf);
	(v2sf) =	vpush v0, $0xD  }
0x512: {  	s7 =	sadd.s32 s9, s8  }
0x513: {  	s7 =	sshrl.u32 s7, $0x3  }
0x514: {  	s9 =	simm.s32 $0xCB30;
	s8 =	spop (v2sf);
	(v2sf) =	vpush v2, $0xE;
	s7 =	sadd.s32 s3, s7  }
0x515: {  	[tilespmem:s9], [sflag:$0x2] =	stream.linear.gather [hbm4b:s7+s5], $0x10, $0x38;
	[tilespmem:$0xDE80] =	vst v63  }
0x516: {  	s8 =	sand.u32 $0xFFFFFC00, s8;
	s9 =	spop (v2sf);
	(v2sf) =	vpush v0, $0xE  }
0x517: {  	s7 =	sadd.s32 s9, s8  }
0x518: {  	s7 =	sshrl.u32 s7, $0x3  }
0x519: {  	s9 =	simm.s32 $0xCBB0;
	s8 =	spop (v2sf);
	(v2sf) =	vpush v0, $0xF;
	s7 =	sadd.s32 s3, s7  }
0x51a: {  	[tilespmem:s9], [sflag:$0x2] =	stream.linear.gather [hbm4b:s7+s5], $0x10, $0x38;
	[tilespmem:$0xDE80] =	vst v63  }
0x51b: {  	s8 =	sand.u32 $0xFFFFFC00, s8;
	s9 =	spop (v2sf);
	(v2sf) =	vpush v2, $0xF  }
0x51c: {  	s7 =	sadd.s32 s9, s8  }
0x51d: {  	s7 =	sshrl.u32 s7, $0x3  }
0x51e: {  	s9 =	simm.s32 $0xCC30;
	s8 =	spop (v2sf);
	s7 =	sadd.s32 s3, s7  }
0x51f: {  	[tilespmem:s9], [sflag:$0x2] =	stream.linear.gather [hbm4b:s7+s5], $0x10, $0x38;
	[tilespmem:$0xDE80] =	vst v63  }
0x520: {  	s8 =	sand.u32 $0xFFFFFC00, s8;
	s9 =	spop (v2sf)  }
0x521: {  	s7 =	sadd.s32 s9, s8  }
0x522: {  	s7 =	sshrl.u32 s7, $0x3  }
0x523: {  	s9 =	simm.s32 $0xCCB0;
	s8 =	spop (v2sf);
	s7 =	sadd.s32 s3, s7  }
0x524: {  	[tilespmem:s9], [sflag:$0x2] =	stream.linear.gather [hbm4b:s7+s5], $0x10, $0x38;
	[tilespmem:$0xDE80] =	vst v63  }
0x525: {  	s8 =	sand.u32 $0xFFFFFC00, s8;
	s9 =	spop (v2sf)  }
0x526: {  	s7 =	sadd.s32 s9, s8  }
0x527: {  	s7 =	sshrl.u32 s7, $0x3  }
0x528: {  	s9 =	simm.s32 $0xCD30;
	s8 =	spop (v2sf);
	s7 =	sadd.s32 s3, s7  }
0x529: {  	[tilespmem:s9], [sflag:$0x2] =	stream.linear.gather [hbm4b:s7+s5], $0x10, $0x38;
	[tilespmem:$0xDE80] =	vst v63  }
0x52a: {  	s9 =	spop (v2sf)  }
.Ltmp12:
0x52b: {  	s7 =	sand.u32 $0xFFFFFC00, s9;
	(pc) =	sbr.rel .LBB2_13-.Ltmp12, $4  }
0x52c: {  	s7 =	sadd.s32 s8, s7  }
0x52d: {  	s7 =	sshrl.u32 s7, $0x3  }
0x52e: {  	s9 =	simm.s32 $0xCDB0;
	s7 =	sadd.s32 s3, s7  }
0x52f: {  	[tilespmem:s9], [sflag:$0x2] =	stream.linear.gather [hbm4b:s7+s5], $0x10, $0x38;
	[tilespmem:$0xDE80] =	vst v63  }
.LBB2_15:
0x530: {  	_ =	sfence.sel $0x180000  }
0x531: {  	[bflag:$0x0] =	sbarrier.arrive $0xFFFF  }
0x532: {  	_ =	strace $0x90000047  }
0x533: {  	s0 =	stileid.u32;
	[bflag:$0x2] =	sbarrier.arrive $0xFFFF  }
0x534: {  	p0 =	sne.s32 s0, $0x0;
	s0 =	rddreg [dreg:$0x7]  }
0x535: {  	s0 =	sadd.s32 @!p0 $0x100000, s0  }
0x536: {  	[sflag:s0] =	ssyncadd.tile.s32 @!p0 $0x1;
	_ =	shalt  }
.Lfunc_end2:
_tile_overlayer_lowered:
.L_overlay_start_2:
0x537: {  	(tag) =	ssettag $0x2  }
0x538: {  	s0 =	rddreg [dreg:$0x0];
	s2 =	stileid.u32  }
0x539: {  	s1 =	rddreg [dreg:$0x1];
	p0 =	sne.s32 s2, $0x0  }
0x53a: {  	s3 =	rddreg [dreg:$0x2];
	[bflag:$0x3] =	sbarrier.arrive $0xFFFF;
	s2 =	simm.s32 @!p0 $0x1C05  }
0x53b: {  	[timem:s3], [sflag:s2] =	dma.local @!p0 [hbm:s0], s1  }
0x53c: {  	s0 =	simm.s32 @!p0 $0x5  }
0x53d: {  	_ =	swait.ge @!p0 [sflag:s0], s1  }
0x53e: {  	s1 =	ssub.s32 @!p0 $0x0, s1;
	[sflag:s0] =	ssyncset.done @!p0 $0x0  }
0x53f: {  	[sflag:s0] =	ssyncadd.s32 @!p0 s1  }
0x540: {  	[bflag:$0x3] =	sbarrier.arrive $0xFFFF  }
0x541: {  	_ =	shalt  }

</sc_bundles>
